<compile_context>
chip_gen: v7x
topology: tpu7x:2x2x1
jax: 0.10.2.dev20260603
libtpu: 0.0.44.dev20260713+nightly
codegen_flags: <defaults>
</compile_context>

<pallas_src>
import functools

import jax
import jax.numpy as jnp
from jax import lax
from jax.experimental import pallas as pl
from jax.experimental.pallas import tpu as pltpu
from jax.experimental.pallas import tpu_sc as plsc

N = 10000
E = 320000
D = 128
D_OUT = 64

NC = 2
NS = 16
NW = NC * NS
NPAD = 10240
ROWS_PER_SUB = NPAD // NS
CHUNK = 128
NCHUNK = 80
EPT_PAD = CHUNK * NCHUNK
E_PAD = EPT_PAD * NW
DEGW = 128

BR = 1024


def _sc_mesh():
    return plsc.VectorSubcoreMesh(core_axis_name="c", subcore_axis_name="s")


def _sc_degree(dst3, ones, zdeg):
    @functools.partial(
        pl.kernel,
        out_type=jax.ShapeDtypeStruct((NC, NPAD, DEGW), jnp.float32),
        mesh=_sc_mesh(),
        scratch_types=[
            pltpu.VMEM((NCHUNK, CHUNK), jnp.int32),
            pltpu.VMEM((CHUNK, DEGW), jnp.float32),
            pltpu.VMEM_SHARED((NPAD, DEGW), jnp.float32),
            pltpu.SemaphoreType.DMA,
            pltpu.SemaphoreType.DMA,
        ],
    )
    def k(dst_hbm, ones_hbm, zdeg_hbm, out_hbm, dst_v, ones_v, deg_sh,
          sem0, sem1):
        sems = (sem0, sem1)
        c = lax.axis_index("c")
        s = lax.axis_index("s")
        w = c * NS + s
        slab = pl.ds(s * ROWS_PER_SUB, ROWS_PER_SUB)
        pltpu.sync_copy(zdeg_hbm.at[slab], deg_sh.at[slab])
        pltpu.sync_copy(ones_hbm, ones_v)
        pltpu.sync_copy(dst_hbm.at[w], dst_v)
        plsc.subcore_barrier()

        for b in range(2):
            pltpu.async_copy(ones_v, deg_sh.at[dst_v.at[b]], sems[b], add=True)

        @pl.loop(1, NCHUNK // 2)
        def _(i):
            for b in range(2):
                j = 2 * i + b
                pltpu.make_async_copy(
                    ones_v, deg_sh.at[dst_v.at[j - 2]], sems[b]
                ).wait()
                pltpu.async_copy(ones_v, deg_sh.at[dst_v.at[j]], sems[b],
                                 add=True)

        for b in range(2):
            pltpu.make_async_copy(
                ones_v, deg_sh.at[dst_v.at[NCHUNK - 2 + b]], sems[b]
            ).wait()
        plsc.subcore_barrier()
        pltpu.sync_copy(deg_sh.at[slab], out_hbm.at[c, slab])

    return k(dst3, ones, zdeg)


NBUF = 2
DRING = 4
_NSTEP = NCHUNK // DRING


def _sc_scatter(table, src3, dst3, zmain):
    @functools.partial(
        pl.kernel,
        out_type=jax.ShapeDtypeStruct((NC, NPAD, D), jnp.float32),
        mesh=_sc_mesh(),
        scratch_types=[
            pltpu.VMEM((NCHUNK, CHUNK), jnp.int32),
            [pltpu.VMEM((CHUNK,), jnp.int32) for _ in range(DRING)],
            pltpu.VMEM((NBUF, CHUNK, D), jnp.float32),
            pltpu.VMEM_SHARED((NPAD, D), jnp.float32),
            [pltpu.SemaphoreType.DMA for _ in range(NBUF)],
            [pltpu.SemaphoreType.DMA for _ in range(NBUF)],
            [pltpu.SemaphoreType.DMA for _ in range(DRING)],
        ],
    )
    def k(table_hbm, src_hbm, dst_hbm, z_hbm, out_hbm,
          src_v, dbuf, rows_v, acc_sh, gsem, ssem, dsem):
        c = lax.axis_index("c")
        s = lax.axis_index("s")
        w = c * NS + s
        slab = pl.ds(s * ROWS_PER_SUB, ROWS_PER_SUB)
        pltpu.sync_copy(z_hbm.at[slab], acc_sh.at[slab])
        pltpu.sync_copy(src_hbm.at[w], src_v)
        plsc.subcore_barrier()

        def gather(j, b):
            pltpu.async_copy(table_hbm.at[src_v.at[j]], rows_v.at[b], gsem[b])

        def dload(j, db):
            pltpu.async_copy(dst_hbm.at[w, j], dbuf[db], dsem[db])

        gather(0, 0)
        dload(0, 0)
        dload(1, 1)

        @pl.loop(0, _NSTEP)
        def _(i):
            for q in range(DRING):
                j = i * DRING + q
                b = q % NBUF
                b2 = (b + 1) % NBUF

                def wait_prev_scatter():
                    pltpu.make_async_copy(
                        rows_v.at[b2], acc_sh.at[dbuf[(q + 3) % DRING]],
                        ssem[b2],
                    ).wait()

                if q == 0:
                    pl.when(i >= 1)(wait_prev_scatter)
                else:
                    wait_prev_scatter()
                pl.when(j + 1 < NCHUNK)(lambda: gather(j + 1, b2))
                pl.when(j + 2 < NCHUNK)(
                    lambda: dload(j + 2, (q + 2) % DRING))
                pltpu.make_async_copy(
                    table_hbm.at[src_v.at[j]], rows_v.at[b], gsem[b]
                ).wait()
                pltpu.make_async_copy(
                    dst_hbm.at[w, j], dbuf[q], dsem[q]
                ).wait()
                pltpu.async_copy(rows_v.at[b], acc_sh.at[dbuf[q]],
                                 ssem[b], add=True)

        pltpu.make_async_copy(
            rows_v.at[(NCHUNK - 1) % NBUF],
            acc_sh.at[dbuf[(NCHUNK - 1) % DRING]],
            ssem[(NCHUNK - 1) % NBUF],
        ).wait()
        plsc.subcore_barrier()
        pltpu.sync_copy(acc_sh.at[slab], out_hbm.at[c, slab])

    return k(table, src3, dst3, zmain)


def _dinv_from_deg(dg_ref, i):
    deg = dg_ref[0][:, 0:1] + dg_ref[1][:, 0:1] + 1.0
    rows = i * BR + lax.broadcasted_iota(jnp.int32, (BR, 1), 0)
    return jnp.where(rows < N, lax.rsqrt(deg), 0.0)


def _leaky(x):
    return jnp.where(x > 0, x, 0.01 * x)


_row_spec = pl.BlockSpec((BR, D), lambda i: (i, 0))
_degacc_spec = pl.BlockSpec((NC, BR, DEGW), lambda i: (0, i, 0))
_dinv_spec = pl.BlockSpec((BR, 1), lambda i: (i, 0))
_s_spec = pl.BlockSpec((NC, BR, D), lambda i: (0, i, 0))
_w_spec = pl.BlockSpec((D, D), lambda i: (0, 0))
_b_spec = pl.BlockSpec((1, D), lambda i: (0, 0))


def _tc_first(x, w, lw, lb, degacc):
    def body(x_ref, w_ref, lw_ref, lb_ref, dg_ref, xws_ref, lin_ref, dinv_ref):
        i = pl.program_id(0)
        dinv = _dinv_from_deg(dg_ref, i)
        dinv_ref[...] = dinv
        xv = x_ref[...]
        xw = jnp.dot(xv, w_ref[...], preferred_element_type=jnp.float32)
        xws_ref[...] = xw * dinv
        lin_ref[...] = (
            jnp.dot(xv, lw_ref[...], preferred_element_type=jnp.float32)
            + lb_ref[...]
        )

    return pl.pallas_call(
        body,
        grid=(NPAD // BR,),
        in_specs=[_row_spec, _w_spec, _w_spec, _b_spec, _degacc_spec],
        out_specs=[_row_spec, _row_spec, _dinv_spec],
        out_shape=[
            jax.ShapeDtypeStruct((NPAD, D), jnp.float32),
            jax.ShapeDtypeStruct((NPAD, D), jnp.float32),
            jax.ShapeDtypeStruct((NPAD, 1), jnp.float32),
        ],
    )(x, w, lw, lb, degacc)


def _tc_mid(s2, xws, lin, b, degacc, w, lw, lb):
    def body(s_ref, xws_ref, lin_ref, b_ref, dg_ref, w_ref, lw_ref, lb_ref,
             xws_o, lin_o):
        dinv = dg_ref[...]
        h = (s_ref[0] + s_ref[1] + xws_ref[...]) * dinv + b_ref[...] + lin_ref[...]
        h = _leaky(h)
        xws_o[...] = jnp.dot(h, w_ref[...], preferred_element_type=jnp.float32) * dinv
        lin_o[...] = (
            jnp.dot(h, lw_ref[...], preferred_element_type=jnp.float32)
            + lb_ref[...]
        )

    return pl.pallas_call(
        body,
        grid=(NPAD // BR,),
        in_specs=[_s_spec, _row_spec, _row_spec, _b_spec, _dinv_spec,
                  _w_spec, _w_spec, _b_spec],
        out_specs=[_row_spec, _row_spec],
        out_shape=[
            jax.ShapeDtypeStruct((NPAD, D), jnp.float32),
            jax.ShapeDtypeStruct((NPAD, D), jnp.float32),
        ],
    )(s2, xws, lin, b, degacc, w, lw, lb)


def _tc_final(s2, xws, lin, b, degacc, fcw, fcb):
    def body(s_ref, xws_ref, lin_ref, b_ref, dg_ref, fcw_ref, fcb_ref,
             h_o, y_o):
        dinv = dg_ref[...]
        h = (s_ref[0] + s_ref[1] + xws_ref[...]) * dinv + b_ref[...] + lin_ref[...]
        h = _leaky(h)
        h_o[...] = h
        y_o[...] = (
            jnp.dot(h, fcw_ref[...], preferred_element_type=jnp.float32)
            + fcb_ref[...]
        )

    return pl.pallas_call(
        body,
        grid=(NPAD // BR,),
        in_specs=[_s_spec, _row_spec, _row_spec, _b_spec, _dinv_spec,
                  pl.BlockSpec((D, D_OUT), lambda i: (0, 0)),
                  pl.BlockSpec((1, D_OUT), lambda i: (0, 0))],
        out_specs=[_row_spec, pl.BlockSpec((BR, D_OUT), lambda i: (i, 0))],
        out_shape=[
            jax.ShapeDtypeStruct((NPAD, D), jnp.float32),
            jax.ShapeDtypeStruct((NPAD, D_OUT), jnp.float32),
        ],
    )(s2, xws, lin, b, degacc, fcw, fcb)


def kernel(X, edge_index, unused, W1, b1, L1W, L1b, W2, b2, L2W, L2b,
           W3, b3, L3W, L3b, FCW, FCb):
    pad_e = E_PAD - E
    pad_idx = N + jnp.arange(pad_e, dtype=jnp.int32) % (NPAD - N)
    src3 = jnp.concatenate([edge_index[0], pad_idx]).reshape(NW, NCHUNK, CHUNK)
    dst3 = jnp.concatenate([edge_index[1], pad_idx]).reshape(NW, NCHUNK, CHUNK)
    x_pad = jnp.concatenate(
        [X, jnp.zeros((NPAD - N, D), jnp.float32)], axis=0
    )

    zmain = jnp.zeros((NPAD, D), jnp.float32)
    b1r, b2r, b3r = b1.reshape(1, D), b2.reshape(1, D), b3.reshape(1, D)
    l1br, l2br, l3br = L1b.reshape(1, D), L2b.reshape(1, D), L3b.reshape(1, D)
    fcbr = FCb.reshape(1, D_OUT)

    ones = jnp.ones((CHUNK, DEGW), jnp.float32)
    zdeg = jnp.zeros((NPAD, DEGW), jnp.float32)
    degacc = _sc_degree(dst3, ones, zdeg)

    xws1, lin1, dinv = _tc_first(x_pad, W1, L1W, l1br, degacc)
    s1 = _sc_scatter(xws1, src3, dst3, zmain)

    xws2, lin2 = _tc_mid(s1, xws1, lin1, b1r, dinv, W2, L2W, l2br)
    s2 = _sc_scatter(xws2, src3, dst3, zmain)

    xws3, lin3 = _tc_mid(s2, xws2, lin2, b2r, dinv, W3, L3W, l3br)
    s3 = _sc_scatter(xws3, src3, dst3, zmain)

    h_pad, y_pad = _tc_final(s3, xws3, lin3, b3r, dinv, FCW, fcbr)
    return (h_pad[:N], y_pad[:N])

# --- scband reference (transcript-rebuilt; emitter-appended) ---
"""Pipeline reference for scband-model-79147657330979 (READ-ONLY COPY).

The authoritative reference and input builder live on the scoring server;
editing this copy changes nothing except your own understanding.
"""

import jax, jax.numpy as jnp
import numpy as np

N = 10000
E = 320000
D_IN = 128
D_H = 128
D_OUT = 64


def setup_inputs(seed: int = 0) -> dict:
    key = jax.random.key(seed)
    ks = jax.random.split(key, 18)
    X = jax.random.normal(ks[0], (N, D_IN), dtype=jnp.float32)
    edge_index = jax.random.randint(ks[1], (2, E), 0, N, dtype=jnp.int32)
    s = 0.05
    params = {
        'W1': jax.random.normal(ks[2], (D_IN, D_H), dtype=jnp.float32) * s,
        'b1': jax.random.normal(ks[3], (D_H,), dtype=jnp.float32) * s,
        'L1W': jax.random.normal(ks[4], (D_IN, D_H), dtype=jnp.float32) * s,
        'L1b': jax.random.normal(ks[5], (D_H,), dtype=jnp.float32) * s,
        'W2': jax.random.normal(ks[6], (D_H, D_H), dtype=jnp.float32) * s,
        'b2': jax.random.normal(ks[7], (D_H,), dtype=jnp.float32) * s,
        'L2W': jax.random.normal(ks[8], (D_H, D_H), dtype=jnp.float32) * s,
        'L2b': jax.random.normal(ks[9], (D_H,), dtype=jnp.float32) * s,
        'W3': jax.random.normal(ks[10], (D_H, D_H), dtype=jnp.float32) * s,
        'b3': jax.random.normal(ks[11], (D_H,), dtype=jnp.float32) * s,
        'L3W': jax.random.normal(ks[12], (D_H, D_H), dtype=jnp.float32) * s,
        'L3b': jax.random.normal(ks[13], (D_H,), dtype=jnp.float32) * s,
        'FCW': jax.random.normal(ks[14], (D_H, D_OUT), dtype=jnp.float32) * s,
        'FCb': jax.random.normal(ks[15], (D_OUT,), dtype=jnp.float32) * s,
    }
    inp = {'X': X, 'edge_index': edge_index, 'unused': 0}
    inp.update(params)
    return inp


def gcn_conv(X, edge_index, W, b):
    # torch_geometric GCNConv defaults: add_self_loops=True, normalize=True, bias=True
    n = X.shape[0]
    XW = X @ W
    loop = jnp.arange(n, dtype=edge_index.dtype)
    src = jnp.concatenate([edge_index[0], loop])
    dst = jnp.concatenate([edge_index[1], loop])
    deg = jax.ops.segment_sum(jnp.ones(src.shape[0], dtype=X.dtype), dst, num_segments=n)
    dinv = jnp.where(deg > 0, jax.lax.rsqrt(jnp.maximum(deg, 1e-12)), 0.0)
    norm = dinv[src] * dinv[dst]
    msg = jnp.take(XW, src, axis=0) * norm[:, None]
    return jax.ops.segment_sum(msg, dst, num_segments=n) + b


def reference(X, edge_index, unused, W1, b1, L1W, L1b, W2, b2, L2W, L2b, W3, b3, L3W, L3b, FCW, FCb):
    # dropout calls in the original forward discard their result -> no-op
    h = gcn_conv(X, edge_index, W1, b1) + (X @ L1W + L1b)
    h = jax.nn.leaky_relu(h, negative_slope=0.01)
    h = gcn_conv(h, edge_index, W2, b2) + (h @ L2W + L2b)
    h = jax.nn.leaky_relu(h, negative_slope=0.01)
    h = gcn_conv(h, edge_index, W3, b3) + (h @ L3W + L3b)
    h = jax.nn.leaky_relu(h, negative_slope=0.01)
    y = h @ FCW + FCb
    return (h, y)

if __name__ == "__main__":
    import jax
    _d = setup_inputs()
    print(jax.jit(kernel)(*tuple(_d.values())))

</pallas_src>

<mosaic_0001>
#map = affine_map<(d0, d1) -> (0, 0)>
#map1 = affine_map<(d0, d1) -> (0, 0, 0)>
module attributes {stable_mosaic.version = 14 : i64} {
  func.func @k(%arg0: i32, %arg1: i32, %arg2: memref<10240x128xf32, #tpu.memory_space<hbm>>, %arg3: memref<32x80x128xi32, #tpu.memory_space<hbm>>, %arg4: memref<32x80x128xi32, #tpu.memory_space<hbm>>, %arg5: memref<10240x128xf32, #tpu.memory_space<hbm>>, %arg6: memref<2x10240x128xf32, #tpu.memory_space<hbm>>, %arg7: memref<80x128xi32, #tpu.memory_space<vmem>>, %arg8: memref<128xi32, #tpu.memory_space<vmem>>, %arg9: memref<128xi32, #tpu.memory_space<vmem>>, %arg10: memref<128xi32, #tpu.memory_space<vmem>>, %arg11: memref<128xi32, #tpu.memory_space<vmem>>, %arg12: memref<2x128x128xf32, #tpu.memory_space<vmem>>, %arg13: memref<10240x128xf32, #tpu.memory_space<vmem_shared>>, %arg14: memref<!tpu.dma_semaphore, #tpu.memory_space<semaphore_mem>>, %arg15: memref<!tpu.dma_semaphore, #tpu.memory_space<semaphore_mem>>, %arg16: memref<!tpu.dma_semaphore, #tpu.memory_space<semaphore_mem>>, %arg17: memref<!tpu.dma_semaphore, #tpu.memory_space<semaphore_mem>>, %arg18: memref<!tpu.dma_semaphore, #tpu.memory_space<semaphore_mem>>, %arg19: memref<!tpu.dma_semaphore, #tpu.memory_space<semaphore_mem>>, %arg20: memref<!tpu.dma_semaphore, #tpu.memory_space<semaphore_mem>>, %arg21: memref<!tpu.dma_semaphore, #tpu.memory_space<semaphore_mem>>) attributes {dimension_semantics = [#tpu.dimension_semantics<core_parallel>, #tpu.dimension_semantics<subcore_parallel>], iteration_bounds = array<i64: 2, 16>, scalar_prefetch = 0 : i64, scratch_operands = 15 : i64, tpu.core_type = #tpu.core_type<sc_vector_subcore>, window_params = [{transform_indices = #map}, {transform_indices = #map1}, {transform_indices = #map1}, {transform_indices = #map}, {transform_indices = #map1}]} {
    %mul3A = arith.constant 16 : i32
    %mul3A_0 = arith.muli %arg0, %mul3A : i32
    %add3A = arith.addi %mul3A_0, %arg1 : i32
    %mul3A_1 = arith.constant 640 : i32
    %mul3A_2 = arith.muli %arg1, %mul3A_1 : i32
    "tpu.region"() ({
      %run_scoped3A = tpu.sem_alloc : memref<!tpu.dma_semaphore, #tpu.memory_space<semaphore_mem>>
      %dma_start3A_40 = arith.constant 0 : i32
      %dma_start3A_41 = tpu.memref_slice %arg13[%mul3A_2, %dma_start3A_40] : memref<10240x128xf32, #tpu.memory_space<vmem_shared>> -> memref<640x128xf32, #tpu.memory_space<vmem_shared>>
      %dma_start3A_42 = arith.constant 0 : i32
      %dma_start3A_43 = tpu.memref_slice %arg5[%mul3A_2, %dma_start3A_42] : memref<10240x128xf32, #tpu.memory_space<hbm>> -> memref<640x128xf32, #tpu.memory_space<hbm>>
      tpu.enqueue_dma source(%dma_start3A_43 : memref<640x128xf32, #tpu.memory_space<hbm>>) target(%dma_start3A_41 : memref<640x128xf32, #tpu.memory_space<vmem_shared>>) target_semaphore(%run_scoped3A : memref<!tpu.dma_semaphore, #tpu.memory_space<semaphore_mem>>)
      %dma_wait3A_44 = arith.constant 0 : i32
      %dma_wait3A_45 = tpu.memref_slice %arg13[%mul3A_2, %dma_wait3A_44] : memref<10240x128xf32, #tpu.memory_space<vmem_shared>> -> memref<640x128xf32, #tpu.memory_space<vmem_shared>>
      %dma_wait3A_46 = arith.constant 0 : i32
      %dma_wait3A_47 = tpu.memref_slice %arg5[%mul3A_2, %dma_wait3A_46] : memref<10240x128xf32, #tpu.memory_space<hbm>> -> memref<640x128xf32, #tpu.memory_space<hbm>>
      tpu.wait_dma2 semaphore(%run_scoped3A : memref<!tpu.dma_semaphore, #tpu.memory_space<semaphore_mem>>) src(%dma_wait3A_47 : memref<640x128xf32, #tpu.memory_space<hbm>>) dst(%dma_wait3A_45 : memref<640x128xf32, #tpu.memory_space<vmem_shared>>)
      tpu.yield
    }) : () -> ()
    "tpu.region"() ({
      %run_scoped3A = tpu.sem_alloc : memref<!tpu.dma_semaphore, #tpu.memory_space<semaphore_mem>>
      %dma_start3A_40 = arith.constant 0 : i32
      %dma_start3A_41 = arith.constant 0 : i32
      %dma_start3A_42 = tpu.memref_slice %arg3[%add3A, %dma_start3A_40, %dma_start3A_41] : memref<32x80x128xi32, #tpu.memory_space<hbm>> -> memref<1x80x128xi32, #tpu.memory_space<hbm>>
      %dma_start3A_43 = tpu.memref_squeeze %dma_start3A_42 : memref<1x80x128xi32, #tpu.memory_space<hbm>> -> memref<80x128xi32, #tpu.memory_space<hbm>>
      %dma_start3A_44 = arith.constant 0 : i32
      %dma_start3A_45 = arith.constant 0 : i32
      %dma_start3A_46 = tpu.memref_slice %arg3[%add3A, %dma_start3A_44, %dma_start3A_45] : memref<32x80x128xi32, #tpu.memory_space<hbm>> -> memref<1x80x128xi32, #tpu.memory_space<hbm>>
      %dma_start3A_47 = tpu.memref_squeeze %dma_start3A_46 : memref<1x80x128xi32, #tpu.memory_space<hbm>> -> memref<80x128xi32, #tpu.memory_space<hbm>>
      tpu.enqueue_dma source(%dma_start3A_47 : memref<80x128xi32, #tpu.memory_space<hbm>>) target(%arg7 : memref<80x128xi32, #tpu.memory_space<vmem>>) target_semaphore(%run_scoped3A : memref<!tpu.dma_semaphore, #tpu.memory_space<semaphore_mem>>)
      %dma_wait3A_48 = arith.constant 0 : i32
      %dma_wait3A_49 = arith.constant 0 : i32
      %dma_wait3A_50 = tpu.memref_slice %arg3[%add3A, %dma_wait3A_48, %dma_wait3A_49] : memref<32x80x128xi32, #tpu.memory_space<hbm>> -> memref<1x80x128xi32, #tpu.memory_space<hbm>>
      %dma_wait3A_51 = tpu.memref_squeeze %dma_wait3A_50 : memref<1x80x128xi32, #tpu.memory_space<hbm>> -> memref<80x128xi32, #tpu.memory_space<hbm>>
      %dma_wait3A_52 = arith.constant 0 : i32
      %dma_wait3A_53 = arith.constant 0 : i32
      %dma_wait3A_54 = tpu.memref_slice %arg3[%add3A, %dma_wait3A_52, %dma_wait3A_53] : memref<32x80x128xi32, #tpu.memory_space<hbm>> -> memref<1x80x128xi32, #tpu.memory_space<hbm>>
      %dma_wait3A_55 = tpu.memref_squeeze %dma_wait3A_54 : memref<1x80x128xi32, #tpu.memory_space<hbm>> -> memref<80x128xi32, #tpu.memory_space<hbm>>
      tpu.wait_dma2 semaphore(%run_scoped3A : memref<!tpu.dma_semaphore, #tpu.memory_space<semaphore_mem>>) src(%dma_wait3A_55 : memref<80x128xi32, #tpu.memory_space<hbm>>) dst(%arg7 : memref<80x128xi32, #tpu.memory_space<vmem>>)
      tpu.yield
    }) : () -> ()
    %barrier3A = arith.constant 0 : index
    tpu.barrier barrier_id(%barrier3A)
    %dma_start3A = arith.constant 0 : i32
    %dma_start3A_3 = arith.constant 0 : i32
    %dma_start3A_4 = arith.constant 0 : i32
    %dma_start3A_5 = arith.constant 0 : i32
    %dma_start3A_6 = tpu.memref_slice %arg12[%dma_start3A_3, %dma_start3A_4, %dma_start3A_5] : memref<2x128x128xf32, #tpu.memory_space<vmem>> -> memref<1x128x128xf32, #tpu.memory_space<vmem>>
    %dma_start3A_7 = tpu.memref_squeeze %dma_start3A_6 : memref<1x128x128xf32, #tpu.memory_space<vmem>> -> memref<128x128xf32, #tpu.memory_space<vmem>>
    %dma_start3A_8 = arith.constant 0 : i32
    %dma_start3A_9 = tpu.memref_slice %arg7[%dma_start3A, %dma_start3A_8] : memref<80x128xi32, #tpu.memory_space<vmem>> -> memref<1x128xi32, #tpu.memory_space<vmem>>
    %dma_start3A_10 = tpu.memref_squeeze %dma_start3A_9 : memref<1x128xi32, #tpu.memory_space<vmem>> -> memref<128xi32, #tpu.memory_space<vmem>>
    %dma_start3A_11 = arith.constant 0 : i32
    %dma_start3A_12 = arith.constant 0 : i32
    %dma_start3A_13 = tpu.memref_slice %arg2[%dma_start3A_11, %dma_start3A_12] : memref<10240x128xf32, #tpu.memory_space<hbm>> -> memref<10240x128xf32, #tpu.memory_space<hbm>>
    tpu.enqueue_indirect_dma source(%dma_start3A_13 : memref<10240x128xf32, #tpu.memory_space<hbm>>) target(%dma_start3A_7 : memref<128x128xf32, #tpu.memory_space<vmem>>) offsets(%dma_start3A_10 : memref<128xi32, #tpu.memory_space<vmem>>) semaphore(%arg14 : memref<!tpu.dma_semaphore, #tpu.memory_space<semaphore_mem>>)
    %dma_start3A_14 = arith.constant 0 : i32
    %dma_start3A_15 = arith.constant 0 : i32
    %dma_start3A_16 = tpu.memref_slice %arg4[%add3A, %dma_start3A_14, %dma_start3A_15] : memref<32x80x128xi32, #tpu.memory_space<hbm>> -> memref<1x1x128xi32, #tpu.memory_space<hbm>>
    %dma_start3A_17 = tpu.memref_squeeze %dma_start3A_16 : memref<1x1x128xi32, #tpu.memory_space<hbm>> -> memref<128xi32, #tpu.memory_space<hbm>>
    %dma_start3A_18 = arith.constant 0 : i32
    %dma_start3A_19 = tpu.memref_slice %arg4[%add3A, %dma_start3A_14, %dma_start3A_18] : memref<32x80x128xi32, #tpu.memory_space<hbm>> -> memref<1x1x128xi32, #tpu.memory_space<hbm>>
    %dma_start3A_20 = tpu.memref_squeeze %dma_start3A_19 : memref<1x1x128xi32, #tpu.memory_space<hbm>> -> memref<128xi32, #tpu.memory_space<hbm>>
    tpu.enqueue_dma source(%dma_start3A_20 : memref<128xi32, #tpu.memory_space<hbm>>) target(%arg8 : memref<128xi32, #tpu.memory_space<vmem>>) target_semaphore(%arg18 : memref<!tpu.dma_semaphore, #tpu.memory_space<semaphore_mem>>)
    %dma_start3A_21 = arith.constant 1 : i32
    %dma_start3A_22 = arith.constant 0 : i32
    %dma_start3A_23 = tpu.memref_slice %arg4[%add3A, %dma_start3A_21, %dma_start3A_22] : memref<32x80x128xi32, #tpu.memory_space<hbm>> -> memref<1x1x128xi32, #tpu.memory_space<hbm>>
    %dma_start3A_24 = tpu.memref_squeeze %dma_start3A_23 : memref<1x1x128xi32, #tpu.memory_space<hbm>> -> memref<128xi32, #tpu.memory_space<hbm>>
    %dma_start3A_25 = arith.constant 0 : i32
    %dma_start3A_26 = tpu.memref_slice %arg4[%add3A, %dma_start3A_21, %dma_start3A_25] : memref<32x80x128xi32, #tpu.memory_space<hbm>> -> memref<1x1x128xi32, #tpu.memory_space<hbm>>
    %dma_start3A_27 = tpu.memref_squeeze %dma_start3A_26 : memref<1x1x128xi32, #tpu.memory_space<hbm>> -> memref<128xi32, #tpu.memory_space<hbm>>
    tpu.enqueue_dma source(%dma_start3A_27 : memref<128xi32, #tpu.memory_space<hbm>>) target(%arg9 : memref<128xi32, #tpu.memory_space<vmem>>) target_semaphore(%arg19 : memref<!tpu.dma_semaphore, #tpu.memory_space<semaphore_mem>>)
    %scan3A = arith.constant 0 : i32
    %scan3A_28 = arith.constant 20 : i32
    %scan3A_29 = arith.addi %scan3A, %scan3A_28 : i32
    %scan3A_30 = arith.constant 1 : i32
    scf.for %scan3A_40 = %scan3A to %scan3A_29 step %scan3A_30  : i32 {
      %mul3A_41 = arith.constant 1 : i32
      %mul3A_42 = arith.muli %scan3A_40, %mul3A_41 : i32
      %add3A_43 = arith.constant 0 : i32
      %add3A_44 = arith.addi %add3A_43, %mul3A_42 : i32
      %mul3A_45 = arith.constant 4 : i32
      %mul3A_46 = arith.muli %add3A_44, %mul3A_45 : i32
      %add3A_47 = arith.constant 0 : i32
      %add3A_48 = arith.addi %mul3A_46, %add3A_47 : i32
      %ge3A = arith.constant 1 : i32
      %ge3A_49 = arith.cmpi sge, %add3A_44, %ge3A : i32
      %convert_element_type3A = arith.extui %ge3A_49 : i1 to i32
      %cond3A = arith.constant 0 : i32
      %cond3A_50 = arith.cmpi ne, %convert_element_type3A, %cond3A : i32
      scf.if %cond3A_50 {
        %dma_wait3A_242 = arith.constant 1 : i32
        %dma_wait3A_243 = arith.constant 0 : i32
        %dma_wait3A_244 = arith.constant 0 : i32
        %dma_wait3A_245 = tpu.memref_slice %arg12[%dma_wait3A_242, %dma_wait3A_243, %dma_wait3A_244] : memref<2x128x128xf32, #tpu.memory_space<vmem>> -> memref<1x128x128xf32, #tpu.memory_space<vmem>>
        %dma_wait3A_246 = tpu.memref_squeeze %dma_wait3A_245 : memref<1x128x128xf32, #tpu.memory_space<vmem>> -> memref<128x128xf32, #tpu.memory_space<vmem>>
        %dma_wait3A_247 = arith.constant 0 : i32
        %dma_wait3A_248 = arith.constant 0 : i32
        %dma_wait3A_249 = tpu.memref_slice %arg13[%dma_wait3A_247, %dma_wait3A_248] : memref<10240x128xf32, #tpu.memory_space<vmem_shared>> -> memref<10240x128xf32, #tpu.memory_space<vmem_shared>>
        tpu.wait_indirect_dma semaphore(%arg17 : memref<!tpu.dma_semaphore, #tpu.memory_space<semaphore_mem>>) src(%dma_wait3A_246 : memref<128x128xf32, #tpu.memory_space<vmem>>) dst(%dma_wait3A_249 : memref<10240x128xf32, #tpu.memory_space<vmem_shared>>)
      } else {
      }
      %add3A_51 = arith.constant 1 : i32
      %add3A_52 = arith.addi %add3A_48, %add3A_51 : i32
      %lt3A = arith.constant 80 : i32
      %lt3A_53 = arith.cmpi slt, %add3A_52, %lt3A : i32
      %convert_element_type3A_54 = arith.extui %lt3A_53 : i1 to i32
      %cond3A_55 = arith.constant 0 : i32
      %cond3A_56 = arith.cmpi ne, %convert_element_type3A_54, %cond3A_55 : i32
      scf.if %cond3A_56 {
        %add3A_242 = arith.constant 1 : i32
        %add3A_243 = arith.addi %add3A_48, %add3A_242 : i32
        %dma_start3A_244 = arith.constant 1 : i32
        %dma_start3A_245 = arith.constant 0 : i32
        %dma_start3A_246 = arith.constant 0 : i32
        %dma_start3A_247 = tpu.memref_slice %arg12[%dma_start3A_244, %dma_start3A_245, %dma_start3A_246] : memref<2x128x128xf32, #tpu.memory_space<vmem>> -> memref<1x128x128xf32, #tpu.memory_space<vmem>>
        %dma_start3A_248 = tpu.memref_squeeze %dma_start3A_247 : memref<1x128x128xf32, #tpu.memory_space<vmem>> -> memref<128x128xf32, #tpu.memory_space<vmem>>
        %dma_start3A_249 = arith.constant 0 : i32
        %dma_start3A_250 = tpu.memref_slice %arg7[%add3A_243, %dma_start3A_249] : memref<80x128xi32, #tpu.memory_space<vmem>> -> memref<1x128xi32, #tpu.memory_space<vmem>>
        %dma_start3A_251 = tpu.memref_squeeze %dma_start3A_250 : memref<1x128xi32, #tpu.memory_space<vmem>> -> memref<128xi32, #tpu.memory_space<vmem>>
        %dma_start3A_252 = arith.constant 0 : i32
        %dma_start3A_253 = arith.constant 0 : i32
        %dma_start3A_254 = tpu.memref_slice %arg2[%dma_start3A_252, %dma_start3A_253] : memref<10240x128xf32, #tpu.memory_space<hbm>> -> memref<10240x128xf32, #tpu.memory_space<hbm>>
        tpu.enqueue_indirect_dma source(%dma_start3A_254 : memref<10240x128xf32, #tpu.memory_space<hbm>>) target(%dma_start3A_248 : memref<128x128xf32, #tpu.memory_space<vmem>>) offsets(%dma_start3A_251 : memref<128xi32, #tpu.memory_space<vmem>>) semaphore(%arg15 : memref<!tpu.dma_semaphore, #tpu.memory_space<semaphore_mem>>)
      } else {
      }
      %add3A_57 = arith.constant 2 : i32
      %add3A_58 = arith.addi %add3A_48, %add3A_57 : i32
      %lt3A_59 = arith.constant 80 : i32
      %lt3A_60 = arith.cmpi slt, %add3A_58, %lt3A_59 : i32
      %convert_element_type3A_61 = arith.extui %lt3A_60 : i1 to i32
      %cond3A_62 = arith.constant 0 : i32
      %cond3A_63 = arith.cmpi ne, %convert_element_type3A_61, %cond3A_62 : i32
      scf.if %cond3A_63 {
        %add3A_242 = arith.constant 2 : i32
        %add3A_243 = arith.addi %add3A_48, %add3A_242 : i32
        %dma_start3A_244 = arith.constant 0 : i32
        %dma_start3A_245 = tpu.memref_slice %arg4[%add3A, %add3A_243, %dma_start3A_244] : memref<32x80x128xi32, #tpu.memory_space<hbm>> -> memref<1x1x128xi32, #tpu.memory_space<hbm>>
        %dma_start3A_246 = tpu.memref_squeeze %dma_start3A_245 : memref<1x1x128xi32, #tpu.memory_space<hbm>> -> memref<128xi32, #tpu.memory_space<hbm>>
        %dma_start3A_247 = arith.constant 0 : i32
        %dma_start3A_248 = tpu.memref_slice %arg4[%add3A, %add3A_243, %dma_start3A_247] : memref<32x80x128xi32, #tpu.memory_space<hbm>> -> memref<1x1x128xi32, #tpu.memory_space<hbm>>
        %dma_start3A_249 = tpu.memref_squeeze %dma_start3A_248 : memref<1x1x128xi32, #tpu.memory_space<hbm>> -> memref<128xi32, #tpu.memory_space<hbm>>
        tpu.enqueue_dma source(%dma_start3A_249 : memref<128xi32, #tpu.memory_space<hbm>>) target(%arg10 : memref<128xi32, #tpu.memory_space<vmem>>) target_semaphore(%arg20 : memref<!tpu.dma_semaphore, #tpu.memory_space<semaphore_mem>>)
      } else {
      }
      %dma_wait3A_64 = arith.constant 0 : i32
      %dma_wait3A_65 = arith.constant 0 : i32
      %dma_wait3A_66 = arith.constant 0 : i32
      %dma_wait3A_67 = tpu.memref_slice %arg12[%dma_wait3A_64, %dma_wait3A_65, %dma_wait3A_66] : memref<2x128x128xf32, #tpu.memory_space<vmem>> -> memref<1x128x128xf32, #tpu.memory_space<vmem>>
      %dma_wait3A_68 = tpu.memref_squeeze %dma_wait3A_67 : memref<1x128x128xf32, #tpu.memory_space<vmem>> -> memref<128x128xf32, #tpu.memory_space<vmem>>
      %dma_wait3A_69 = arith.constant 0 : i32
      %dma_wait3A_70 = tpu.memref_slice %arg7[%add3A_48, %dma_wait3A_69] : memref<80x128xi32, #tpu.memory_space<vmem>> -> memref<1x128xi32, #tpu.memory_space<vmem>>
      %dma_wait3A_71 = tpu.memref_squeeze %dma_wait3A_70 : memref<1x128xi32, #tpu.memory_space<vmem>> -> memref<128xi32, #tpu.memory_space<vmem>>
      %dma_wait3A_72 = arith.constant 0 : i32
      %dma_wait3A_73 = arith.constant 0 : i32
      %dma_wait3A_74 = tpu.memref_slice %arg2[%dma_wait3A_72, %dma_wait3A_73] : memref<10240x128xf32, #tpu.memory_space<hbm>> -> memref<10240x128xf32, #tpu.memory_space<hbm>>
      tpu.wait_indirect_dma semaphore(%arg14 : memref<!tpu.dma_semaphore, #tpu.memory_space<semaphore_mem>>) src(%dma_wait3A_74 : memref<10240x128xf32, #tpu.memory_space<hbm>>) dst(%dma_wait3A_68 : memref<128x128xf32, #tpu.memory_space<vmem>>)
      %dma_wait3A_75 = arith.constant 0 : i32
      %dma_wait3A_76 = tpu.memref_slice %arg4[%add3A, %add3A_48, %dma_wait3A_75] : memref<32x80x128xi32, #tpu.memory_space<hbm>> -> memref<1x1x128xi32, #tpu.memory_space<hbm>>
      %dma_wait3A_77 = tpu.memref_squeeze %dma_wait3A_76 : memref<1x1x128xi32, #tpu.memory_space<hbm>> -> memref<128xi32, #tpu.memory_space<hbm>>
      %dma_wait3A_78 = arith.constant 0 : i32
      %dma_wait3A_79 = tpu.memref_slice %arg4[%add3A, %add3A_48, %dma_wait3A_78] : memref<32x80x128xi32, #tpu.memory_space<hbm>> -> memref<1x1x128xi32, #tpu.memory_space<hbm>>
      %dma_wait3A_80 = tpu.memref_squeeze %dma_wait3A_79 : memref<1x1x128xi32, #tpu.memory_space<hbm>> -> memref<128xi32, #tpu.memory_space<hbm>>
      tpu.wait_dma2 semaphore(%arg18 : memref<!tpu.dma_semaphore, #tpu.memory_space<semaphore_mem>>) src(%dma_wait3A_80 : memref<128xi32, #tpu.memory_space<hbm>>) dst(%arg8 : memref<128xi32, #tpu.memory_space<vmem>>)
      %dma_start3A_81 = arith.constant 0 : i32
      %dma_start3A_82 = arith.constant 0 : i32
      %dma_start3A_83 = arith.constant 0 : i32
      %dma_start3A_84 = tpu.memref_slice %arg12[%dma_start3A_81, %dma_start3A_82, %dma_start3A_83] : memref<2x128x128xf32, #tpu.memory_space<vmem>> -> memref<1x128x128xf32, #tpu.memory_space<vmem>>
      %dma_start3A_85 = tpu.memref_squeeze %dma_start3A_84 : memref<1x128x128xf32, #tpu.memory_space<vmem>> -> memref<128x128xf32, #tpu.memory_space<vmem>>
      %dma_start3A_86 = arith.constant 0 : i32
      %dma_start3A_87 = arith.constant 0 : i32
      %dma_start3A_88 = tpu.memref_slice %arg13[%dma_start3A_86, %dma_start3A_87] : memref<10240x128xf32, #tpu.memory_space<vmem_shared>> -> memref<10240x128xf32, #tpu.memory_space<vmem_shared>>
      tpu.enqueue_indirect_dma source(%dma_start3A_85 : memref<128x128xf32, #tpu.memory_space<vmem>>) target(%dma_start3A_88 : memref<10240x128xf32, #tpu.memory_space<vmem_shared>>) offsets(%arg8 : memref<128xi32, #tpu.memory_space<vmem>>) semaphore(%arg16 : memref<!tpu.dma_semaphore, #tpu.memory_space<semaphore_mem>>) {add = true}
      %mul3A_89 = arith.constant 4 : i32
      %mul3A_90 = arith.muli %add3A_44, %mul3A_89 : i32
      %add3A_91 = arith.constant 1 : i32
      %add3A_92 = arith.addi %mul3A_90, %add3A_91 : i32
      %dma_wait3A_93 = arith.constant 0 : i32
      %dma_wait3A_94 = arith.constant 0 : i32
      %dma_wait3A_95 = arith.constant 0 : i32
      %dma_wait3A_96 = tpu.memref_slice %arg12[%dma_wait3A_93, %dma_wait3A_94, %dma_wait3A_95] : memref<2x128x128xf32, #tpu.memory_space<vmem>> -> memref<1x128x128xf32, #tpu.memory_space<vmem>>
      %dma_wait3A_97 = tpu.memref_squeeze %dma_wait3A_96 : memref<1x128x128xf32, #tpu.memory_space<vmem>> -> memref<128x128xf32, #tpu.memory_space<vmem>>
      %dma_wait3A_98 = arith.constant 0 : i32
      %dma_wait3A_99 = arith.constant 0 : i32
      %dma_wait3A_100 = tpu.memref_slice %arg13[%dma_wait3A_98, %dma_wait3A_99] : memref<10240x128xf32, #tpu.memory_space<vmem_shared>> -> memref<10240x128xf32, #tpu.memory_space<vmem_shared>>
      tpu.wait_indirect_dma semaphore(%arg16 : memref<!tpu.dma_semaphore, #tpu.memory_space<semaphore_mem>>) src(%dma_wait3A_97 : memref<128x128xf32, #tpu.memory_space<vmem>>) dst(%dma_wait3A_100 : memref<10240x128xf32, #tpu.memory_space<vmem_shared>>)
      %add3A_101 = arith.constant 1 : i32
      %add3A_102 = arith.addi %add3A_92, %add3A_101 : i32
      %lt3A_103 = arith.constant 80 : i32
      %lt3A_104 = arith.cmpi slt, %add3A_102, %lt3A_103 : i32
      %convert_element_type3A_105 = arith.extui %lt3A_104 : i1 to i32
      %cond3A_106 = arith.constant 0 : i32
      %cond3A_107 = arith.cmpi ne, %convert_element_type3A_105, %cond3A_106 : i32
      scf.if %cond3A_107 {
        %add3A_242 = arith.constant 1 : i32
        %add3A_243 = arith.addi %add3A_92, %add3A_242 : i32
        %dma_start3A_244 = arith.constant 0 : i32
        %dma_start3A_245 = arith.constant 0 : i32
        %dma_start3A_246 = arith.constant 0 : i32
        %dma_start3A_247 = tpu.memref_slice %arg12[%dma_start3A_244, %dma_start3A_245, %dma_start3A_246] : memref<2x128x128xf32, #tpu.memory_space<vmem>> -> memref<1x128x128xf32, #tpu.memory_space<vmem>>
        %dma_start3A_248 = tpu.memref_squeeze %dma_start3A_247 : memref<1x128x128xf32, #tpu.memory_space<vmem>> -> memref<128x128xf32, #tpu.memory_space<vmem>>
        %dma_start3A_249 = arith.constant 0 : i32
        %dma_start3A_250 = tpu.memref_slice %arg7[%add3A_243, %dma_start3A_249] : memref<80x128xi32, #tpu.memory_space<vmem>> -> memref<1x128xi32, #tpu.memory_space<vmem>>
        %dma_start3A_251 = tpu.memref_squeeze %dma_start3A_250 : memref<1x128xi32, #tpu.memory_space<vmem>> -> memref<128xi32, #tpu.memory_space<vmem>>
        %dma_start3A_252 = arith.constant 0 : i32
        %dma_start3A_253 = arith.constant 0 : i32
        %dma_start3A_254 = tpu.memref_slice %arg2[%dma_start3A_252, %dma_start3A_253] : memref<10240x128xf32, #tpu.memory_space<hbm>> -> memref<10240x128xf32, #tpu.memory_space<hbm>>
        tpu.enqueue_indirect_dma source(%dma_start3A_254 : memref<10240x128xf32, #tpu.memory_space<hbm>>) target(%dma_start3A_248 : memref<128x128xf32, #tpu.memory_space<vmem>>) offsets(%dma_start3A_251 : memref<128xi32, #tpu.memory_space<vmem>>) semaphore(%arg14 : memref<!tpu.dma_semaphore, #tpu.memory_space<semaphore_mem>>)
      } else {
      }
      %add3A_108 = arith.constant 2 : i32
      %add3A_109 = arith.addi %add3A_92, %add3A_108 : i32
      %lt3A_110 = arith.constant 80 : i32
      %lt3A_111 = arith.cmpi slt, %add3A_109, %lt3A_110 : i32
      %convert_element_type3A_112 = arith.extui %lt3A_111 : i1 to i32
      %cond3A_113 = arith.constant 0 : i32
      %cond3A_114 = arith.cmpi ne, %convert_element_type3A_112, %cond3A_113 : i32
      scf.if %cond3A_114 {
        %add3A_242 = arith.constant 2 : i32
        %add3A_243 = arith.addi %add3A_92, %add3A_242 : i32
        %dma_start3A_244 = arith.constant 0 : i32
        %dma_start3A_245 = tpu.memref_slice %arg4[%add3A, %add3A_243, %dma_start3A_244] : memref<32x80x128xi32, #tpu.memory_space<hbm>> -> memref<1x1x128xi32, #tpu.memory_space<hbm>>
        %dma_start3A_246 = tpu.memref_squeeze %dma_start3A_245 : memref<1x1x128xi32, #tpu.memory_space<hbm>> -> memref<128xi32, #tpu.memory_space<hbm>>
        %dma_start3A_247 = arith.constant 0 : i32
        %dma_start3A_248 = tpu.memref_slice %arg4[%add3A, %add3A_243, %dma_start3A_247] : memref<32x80x128xi32, #tpu.memory_space<hbm>> -> memref<1x1x128xi32, #tpu.memory_space<hbm>>
        %dma_start3A_249 = tpu.memref_squeeze %dma_start3A_248 : memref<1x1x128xi32, #tpu.memory_space<hbm>> -> memref<128xi32, #tpu.memory_space<hbm>>
        tpu.enqueue_dma source(%dma_start3A_249 : memref<128xi32, #tpu.memory_space<hbm>>) target(%arg11 : memref<128xi32, #tpu.memory_space<vmem>>) target_semaphore(%arg21 : memref<!tpu.dma_semaphore, #tpu.memory_space<semaphore_mem>>)
      } else {
      }
      %dma_wait3A_115 = arith.constant 1 : i32
      %dma_wait3A_116 = arith.constant 0 : i32
      %dma_wait3A_117 = arith.constant 0 : i32
      %dma_wait3A_118 = tpu.memref_slice %arg12[%dma_wait3A_115, %dma_wait3A_116, %dma_wait3A_117] : memref<2x128x128xf32, #tpu.memory_space<vmem>> -> memref<1x128x128xf32, #tpu.memory_space<vmem>>
      %dma_wait3A_119 = tpu.memref_squeeze %dma_wait3A_118 : memref<1x128x128xf32, #tpu.memory_space<vmem>> -> memref<128x128xf32, #tpu.memory_space<vmem>>
      %dma_wait3A_120 = arith.constant 0 : i32
      %dma_wait3A_121 = tpu.memref_slice %arg7[%add3A_92, %dma_wait3A_120] : memref<80x128xi32, #tpu.memory_space<vmem>> -> memref<1x128xi32, #tpu.memory_space<vmem>>
      %dma_wait3A_122 = tpu.memref_squeeze %dma_wait3A_121 : memref<1x128xi32, #tpu.memory_space<vmem>> -> memref<128xi32, #tpu.memory_space<vmem>>
      %dma_wait3A_123 = arith.constant 0 : i32
      %dma_wait3A_124 = arith.constant 0 : i32
      %dma_wait3A_125 = tpu.memref_slice %arg2[%dma_wait3A_123, %dma_wait3A_124] : memref<10240x128xf32, #tpu.memory_space<hbm>> -> memref<10240x128xf32, #tpu.memory_space<hbm>>
      tpu.wait_indirect_dma semaphore(%arg15 : memref<!tpu.dma_semaphore, #tpu.memory_space<semaphore_mem>>) src(%dma_wait3A_125 : memref<10240x128xf32, #tpu.memory_space<hbm>>) dst(%dma_wait3A_119 : memref<128x128xf32, #tpu.memory_space<vmem>>)
      %dma_wait3A_126 = arith.constant 0 : i32
      %dma_wait3A_127 = tpu.memref_slice %arg4[%add3A, %add3A_92, %dma_wait3A_126] : memref<32x80x128xi32, #tpu.memory_space<hbm>> -> memref<1x1x128xi32, #tpu.memory_space<hbm>>
      %dma_wait3A_128 = tpu.memref_squeeze %dma_wait3A_127 : memref<1x1x128xi32, #tpu.memory_space<hbm>> -> memref<128xi32, #tpu.memory_space<hbm>>
      %dma_wait3A_129 = arith.constant 0 : i32
      %dma_wait3A_130 = tpu.memref_slice %arg4[%add3A, %add3A_92, %dma_wait3A_129] : memref<32x80x128xi32, #tpu.memory_space<hbm>> -> memref<1x1x128xi32, #tpu.memory_space<hbm>>
      %dma_wait3A_131 = tpu.memref_squeeze %dma_wait3A_130 : memref<1x1x128xi32, #tpu.memory_space<hbm>> -> memref<128xi32, #tpu.memory_space<hbm>>
      tpu.wait_dma2 semaphore(%arg19 : memref<!tpu.dma_semaphore, #tpu.memory_space<semaphore_mem>>) src(%dma_wait3A_131 : memref<128xi32, #tpu.memory_space<hbm>>) dst(%arg9 : memref<128xi32, #tpu.memory_space<vmem>>)
      %dma_start3A_132 = arith.constant 1 : i32
      %dma_start3A_133 = arith.constant 0 : i32
      %dma_start3A_134 = arith.constant 0 : i32
      %dma_start3A_135 = tpu.memref_slice %arg12[%dma_start3A_132, %dma_start3A_133, %dma_start3A_134] : memref<2x128x128xf32, #tpu.memory_space<vmem>> -> memref<1x128x128xf32, #tpu.memory_space<vmem>>
      %dma_start3A_136 = tpu.memref_squeeze %dma_start3A_135 : memref<1x128x128xf32, #tpu.memory_space<vmem>> -> memref<128x128xf32, #tpu.memory_space<vmem>>
      %dma_start3A_137 = arith.constant 0 : i32
      %dma_start3A_138 = arith.constant 0 : i32
      %dma_start3A_139 = tpu.memref_slice %arg13[%dma_start3A_137, %dma_start3A_138] : memref<10240x128xf32, #tpu.memory_space<vmem_shared>> -> memref<10240x128xf32, #tpu.memory_space<vmem_shared>>
      tpu.enqueue_indirect_dma source(%dma_start3A_136 : memref<128x128xf32, #tpu.memory_space<vmem>>) target(%dma_start3A_139 : memref<10240x128xf32, #tpu.memory_space<vmem_shared>>) offsets(%arg9 : memref<128xi32, #tpu.memory_space<vmem>>) semaphore(%arg17 : memref<!tpu.dma_semaphore, #tpu.memory_space<semaphore_mem>>) {add = true}
      %mul3A_140 = arith.constant 4 : i32
      %mul3A_141 = arith.muli %add3A_44, %mul3A_140 : i32
      %add3A_142 = arith.constant 2 : i32
      %add3A_143 = arith.addi %mul3A_141, %add3A_142 : i32
      %dma_wait3A_144 = arith.constant 1 : i32
      %dma_wait3A_145 = arith.constant 0 : i32
      %dma_wait3A_146 = arith.constant 0 : i32
      %dma_wait3A_147 = tpu.memref_slice %arg12[%dma_wait3A_144, %dma_wait3A_145, %dma_wait3A_146] : memref<2x128x128xf32, #tpu.memory_space<vmem>> -> memref<1x128x128xf32, #tpu.memory_space<vmem>>
      %dma_wait3A_148 = tpu.memref_squeeze %dma_wait3A_147 : memref<1x128x128xf32, #tpu.memory_space<vmem>> -> memref<128x128xf32, #tpu.memory_space<vmem>>
      %dma_wait3A_149 = arith.constant 0 : i32
      %dma_wait3A_150 = arith.constant 0 : i32
      %dma_wait3A_151 = tpu.memref_slice %arg13[%dma_wait3A_149, %dma_wait3A_150] : memref<10240x128xf32, #tpu.memory_space<vmem_shared>> -> memref<10240x128xf32, #tpu.memory_space<vmem_shared>>
      tpu.wait_indirect_dma semaphore(%arg17 : memref<!tpu.dma_semaphore, #tpu.memory_space<semaphore_mem>>) src(%dma_wait3A_148 : memref<128x128xf32, #tpu.memory_space<vmem>>) dst(%dma_wait3A_151 : memref<10240x128xf32, #tpu.memory_space<vmem_shared>>)
      %add3A_152 = arith.constant 1 : i32
      %add3A_153 = arith.addi %add3A_143, %add3A_152 : i32
      %lt3A_154 = arith.constant 80 : i32
      %lt3A_155 = arith.cmpi slt, %add3A_153, %lt3A_154 : i32
      %convert_element_type3A_156 = arith.extui %lt3A_155 : i1 to i32
      %cond3A_157 = arith.constant 0 : i32
      %cond3A_158 = arith.cmpi ne, %convert_element_type3A_156, %cond3A_157 : i32
      scf.if %cond3A_158 {
        %add3A_242 = arith.constant 1 : i32
        %add3A_243 = arith.addi %add3A_143, %add3A_242 : i32
        %dma_start3A_244 = arith.constant 1 : i32
        %dma_start3A_245 = arith.constant 0 : i32
        %dma_start3A_246 = arith.constant 0 : i32
        %dma_start3A_247 = tpu.memref_slice %arg12[%dma_start3A_244, %dma_start3A_245, %dma_start3A_246] : memref<2x128x128xf32, #tpu.memory_space<vmem>> -> memref<1x128x128xf32, #tpu.memory_space<vmem>>
        %dma_start3A_248 = tpu.memref_squeeze %dma_start3A_247 : memref<1x128x128xf32, #tpu.memory_space<vmem>> -> memref<128x128xf32, #tpu.memory_space<vmem>>
        %dma_start3A_249 = arith.constant 0 : i32
        %dma_start3A_250 = tpu.memref_slice %arg7[%add3A_243, %dma_start3A_249] : memref<80x128xi32, #tpu.memory_space<vmem>> -> memref<1x128xi32, #tpu.memory_space<vmem>>
        %dma_start3A_251 = tpu.memref_squeeze %dma_start3A_250 : memref<1x128xi32, #tpu.memory_space<vmem>> -> memref<128xi32, #tpu.memory_space<vmem>>
        %dma_start3A_252 = arith.constant 0 : i32
        %dma_start3A_253 = arith.constant 0 : i32
        %dma_start3A_254 = tpu.memref_slice %arg2[%dma_start3A_252, %dma_start3A_253] : memref<10240x128xf32, #tpu.memory_space<hbm>> -> memref<10240x128xf32, #tpu.memory_space<hbm>>
        tpu.enqueue_indirect_dma source(%dma_start3A_254 : memref<10240x128xf32, #tpu.memory_space<hbm>>) target(%dma_start3A_248 : memref<128x128xf32, #tpu.memory_space<vmem>>) offsets(%dma_start3A_251 : memref<128xi32, #tpu.memory_space<vmem>>) semaphore(%arg15 : memref<!tpu.dma_semaphore, #tpu.memory_space<semaphore_mem>>)
      } else {
      }
      %add3A_159 = arith.constant 2 : i32
      %add3A_160 = arith.addi %add3A_143, %add3A_159 : i32
      %lt3A_161 = arith.constant 80 : i32
      %lt3A_162 = arith.cmpi slt, %add3A_160, %lt3A_161 : i32
      %convert_element_type3A_163 = arith.extui %lt3A_162 : i1 to i32
      %cond3A_164 = arith.constant 0 : i32
      %cond3A_165 = arith.cmpi ne, %convert_element_type3A_163, %cond3A_164 : i32
      scf.if %cond3A_165 {
        %add3A_242 = arith.constant 2 : i32
        %add3A_243 = arith.addi %add3A_143, %add3A_242 : i32
        %dma_start3A_244 = arith.constant 0 : i32
        %dma_start3A_245 = tpu.memref_slice %arg4[%add3A, %add3A_243, %dma_start3A_244] : memref<32x80x128xi32, #tpu.memory_space<hbm>> -> memref<1x1x128xi32, #tpu.memory_space<hbm>>
        %dma_start3A_246 = tpu.memref_squeeze %dma_start3A_245 : memref<1x1x128xi32, #tpu.memory_space<hbm>> -> memref<128xi32, #tpu.memory_space<hbm>>
        %dma_start3A_247 = arith.constant 0 : i32
        %dma_start3A_248 = tpu.memref_slice %arg4[%add3A, %add3A_243, %dma_start3A_247] : memref<32x80x128xi32, #tpu.memory_space<hbm>> -> memref<1x1x128xi32, #tpu.memory_space<hbm>>
        %dma_start3A_249 = tpu.memref_squeeze %dma_start3A_248 : memref<1x1x128xi32, #tpu.memory_space<hbm>> -> memref<128xi32, #tpu.memory_space<hbm>>
        tpu.enqueue_dma source(%dma_start3A_249 : memref<128xi32, #tpu.memory_space<hbm>>) target(%arg8 : memref<128xi32, #tpu.memory_space<vmem>>) target_semaphore(%arg18 : memref<!tpu.dma_semaphore, #tpu.memory_space<semaphore_mem>>)
      } else {
      }
      %dma_wait3A_166 = arith.constant 0 : i32
      %dma_wait3A_167 = arith.constant 0 : i32
      %dma_wait3A_168 = arith.constant 0 : i32
      %dma_wait3A_169 = tpu.memref_slice %arg12[%dma_wait3A_166, %dma_wait3A_167, %dma_wait3A_168] : memref<2x128x128xf32, #tpu.memory_space<vmem>> -> memref<1x128x128xf32, #tpu.memory_space<vmem>>
      %dma_wait3A_170 = tpu.memref_squeeze %dma_wait3A_169 : memref<1x128x128xf32, #tpu.memory_space<vmem>> -> memref<128x128xf32, #tpu.memory_space<vmem>>
      %dma_wait3A_171 = arith.constant 0 : i32
      %dma_wait3A_172 = tpu.memref_slice %arg7[%add3A_143, %dma_wait3A_171] : memref<80x128xi32, #tpu.memory_space<vmem>> -> memref<1x128xi32, #tpu.memory_space<vmem>>
      %dma_wait3A_173 = tpu.memref_squeeze %dma_wait3A_172 : memref<1x128xi32, #tpu.memory_space<vmem>> -> memref<128xi32, #tpu.memory_space<vmem>>
      %dma_wait3A_174 = arith.constant 0 : i32
      %dma_wait3A_175 = arith.constant 0 : i32
      %dma_wait3A_176 = tpu.memref_slice %arg2[%dma_wait3A_174, %dma_wait3A_175] : memref<10240x128xf32, #tpu.memory_space<hbm>> -> memref<10240x128xf32, #tpu.memory_space<hbm>>
      tpu.wait_indirect_dma semaphore(%arg14 : memref<!tpu.dma_semaphore, #tpu.memory_space<semaphore_mem>>) src(%dma_wait3A_176 : memref<10240x128xf32, #tpu.memory_space<hbm>>) dst(%dma_wait3A_170 : memref<128x128xf32, #tpu.memory_space<vmem>>)
      %dma_wait3A_177 = arith.constant 0 : i32
      %dma_wait3A_178 = tpu.memref_slice %arg4[%add3A, %add3A_143, %dma_wait3A_177] : memref<32x80x128xi32, #tpu.memory_space<hbm>> -> memref<1x1x128xi32, #tpu.memory_space<hbm>>
      %dma_wait3A_179 = tpu.memref_squeeze %dma_wait3A_178 : memref<1x1x128xi32, #tpu.memory_space<hbm>> -> memref<128xi32, #tpu.memory_space<hbm>>
      %dma_wait3A_180 = arith.constant 0 : i32
      %dma_wait3A_181 = tpu.memref_slice %arg4[%add3A, %add3A_143, %dma_wait3A_180] : memref<32x80x128xi32, #tpu.memory_space<hbm>> -> memref<1x1x128xi32, #tpu.memory_space<hbm>>
      %dma_wait3A_182 = tpu.memref_squeeze %dma_wait3A_181 : memref<1x1x128xi32, #tpu.memory_space<hbm>> -> memref<128xi32, #tpu.memory_space<hbm>>
      tpu.wait_dma2 semaphore(%arg20 : memref<!tpu.dma_semaphore, #tpu.memory_space<semaphore_mem>>) src(%dma_wait3A_182 : memref<128xi32, #tpu.memory_space<hbm>>) dst(%arg10 : memref<128xi32, #tpu.memory_space<vmem>>)
      %dma_start3A_183 = arith.constant 0 : i32
      %dma_start3A_184 = arith.constant 0 : i32
      %dma_start3A_185 = arith.constant 0 : i32
      %dma_start3A_186 = tpu.memref_slice %arg12[%dma_start3A_183, %dma_start3A_184, %dma_start3A_185] : memref<2x128x128xf32, #tpu.memory_space<vmem>> -> memref<1x128x128xf32, #tpu.memory_space<vmem>>
      %dma_start3A_187 = tpu.memref_squeeze %dma_start3A_186 : memref<1x128x128xf32, #tpu.memory_space<vmem>> -> memref<128x128xf32, #tpu.memory_space<vmem>>
      %dma_start3A_188 = arith.constant 0 : i32
      %dma_start3A_189 = arith.constant 0 : i32
      %dma_start3A_190 = tpu.memref_slice %arg13[%dma_start3A_188, %dma_start3A_189] : memref<10240x128xf32, #tpu.memory_space<vmem_shared>> -> memref<10240x128xf32, #tpu.memory_space<vmem_shared>>
      tpu.enqueue_indirect_dma source(%dma_start3A_187 : memref<128x128xf32, #tpu.memory_space<vmem>>) target(%dma_start3A_190 : memref<10240x128xf32, #tpu.memory_space<vmem_shared>>) offsets(%arg10 : memref<128xi32, #tpu.memory_space<vmem>>) semaphore(%arg16 : memref<!tpu.dma_semaphore, #tpu.memory_space<semaphore_mem>>) {add = true}
      %mul3A_191 = arith.constant 4 : i32
      %mul3A_192 = arith.muli %add3A_44, %mul3A_191 : i32
      %add3A_193 = arith.constant 3 : i32
      %add3A_194 = arith.addi %mul3A_192, %add3A_193 : i32
      %dma_wait3A_195 = arith.constant 0 : i32
      %dma_wait3A_196 = arith.constant 0 : i32
      %dma_wait3A_197 = arith.constant 0 : i32
      %dma_wait3A_198 = tpu.memref_slice %arg12[%dma_wait3A_195, %dma_wait3A_196, %dma_wait3A_197] : memref<2x128x128xf32, #tpu.memory_space<vmem>> -> memref<1x128x128xf32, #tpu.memory_space<vmem>>
      %dma_wait3A_199 = tpu.memref_squeeze %dma_wait3A_198 : memref<1x128x128xf32, #tpu.memory_space<vmem>> -> memref<128x128xf32, #tpu.memory_space<vmem>>
      %dma_wait3A_200 = arith.constant 0 : i32
      %dma_wait3A_201 = arith.constant 0 : i32
      %dma_wait3A_202 = tpu.memref_slice %arg13[%dma_wait3A_200, %dma_wait3A_201] : memref<10240x128xf32, #tpu.memory_space<vmem_shared>> -> memref<10240x128xf32, #tpu.memory_space<vmem_shared>>
      tpu.wait_indirect_dma semaphore(%arg16 : memref<!tpu.dma_semaphore, #tpu.memory_space<semaphore_mem>>) src(%dma_wait3A_199 : memref<128x128xf32, #tpu.memory_space<vmem>>) dst(%dma_wait3A_202 : memref<10240x128xf32, #tpu.memory_space<vmem_shared>>)
      %add3A_203 = arith.constant 1 : i32
      %add3A_204 = arith.addi %add3A_194, %add3A_203 : i32
      %lt3A_205 = arith.constant 80 : i32
      %lt3A_206 = arith.cmpi slt, %add3A_204, %lt3A_205 : i32
      %convert_element_type3A_207 = arith.extui %lt3A_206 : i1 to i32
      %cond3A_208 = arith.constant 0 : i32
      %cond3A_209 = arith.cmpi ne, %convert_element_type3A_207, %cond3A_208 : i32
      scf.if %cond3A_209 {
        %add3A_242 = arith.constant 1 : i32
        %add3A_243 = arith.addi %add3A_194, %add3A_242 : i32
        %dma_start3A_244 = arith.constant 0 : i32
        %dma_start3A_245 = arith.constant 0 : i32
        %dma_start3A_246 = arith.constant 0 : i32
        %dma_start3A_247 = tpu.memref_slice %arg12[%dma_start3A_244, %dma_start3A_245, %dma_start3A_246] : memref<2x128x128xf32, #tpu.memory_space<vmem>> -> memref<1x128x128xf32, #tpu.memory_space<vmem>>
        %dma_start3A_248 = tpu.memref_squeeze %dma_start3A_247 : memref<1x128x128xf32, #tpu.memory_space<vmem>> -> memref<128x128xf32, #tpu.memory_space<vmem>>
        %dma_start3A_249 = arith.constant 0 : i32
        %dma_start3A_250 = tpu.memref_slice %arg7[%add3A_243, %dma_start3A_249] : memref<80x128xi32, #tpu.memory_space<vmem>> -> memref<1x128xi32, #tpu.memory_space<vmem>>
        %dma_start3A_251 = tpu.memref_squeeze %dma_start3A_250 : memref<1x128xi32, #tpu.memory_space<vmem>> -> memref<128xi32, #tpu.memory_space<vmem>>
        %dma_start3A_252 = arith.constant 0 : i32
        %dma_start3A_253 = arith.constant 0 : i32
        %dma_start3A_254 = tpu.memref_slice %arg2[%dma_start3A_252, %dma_start3A_253] : memref<10240x128xf32, #tpu.memory_space<hbm>> -> memref<10240x128xf32, #tpu.memory_space<hbm>>
        tpu.enqueue_indirect_dma source(%dma_start3A_254 : memref<10240x128xf32, #tpu.memory_space<hbm>>) target(%dma_start3A_248 : memref<128x128xf32, #tpu.memory_space<vmem>>) offsets(%dma_start3A_251 : memref<128xi32, #tpu.memory_space<vmem>>) semaphore(%arg14 : memref<!tpu.dma_semaphore, #tpu.memory_space<semaphore_mem>>)
      } else {
      }
      %add3A_210 = arith.constant 2 : i32
      %add3A_211 = arith.addi %add3A_194, %add3A_210 : i32
      %lt3A_212 = arith.constant 80 : i32
      %lt3A_213 = arith.cmpi slt, %add3A_211, %lt3A_212 : i32
      %convert_element_type3A_214 = arith.extui %lt3A_213 : i1 to i32
      %cond3A_215 = arith.constant 0 : i32
      %cond3A_216 = arith.cmpi ne, %convert_element_type3A_214, %cond3A_215 : i32
      scf.if %cond3A_216 {
        %add3A_242 = arith.constant 2 : i32
        %add3A_243 = arith.addi %add3A_194, %add3A_242 : i32
        %dma_start3A_244 = arith.constant 0 : i32
        %dma_start3A_245 = tpu.memref_slice %arg4[%add3A, %add3A_243, %dma_start3A_244] : memref<32x80x128xi32, #tpu.memory_space<hbm>> -> memref<1x1x128xi32, #tpu.memory_space<hbm>>
        %dma_start3A_246 = tpu.memref_squeeze %dma_start3A_245 : memref<1x1x128xi32, #tpu.memory_space<hbm>> -> memref<128xi32, #tpu.memory_space<hbm>>
        %dma_start3A_247 = arith.constant 0 : i32
        %dma_start3A_248 = tpu.memref_slice %arg4[%add3A, %add3A_243, %dma_start3A_247] : memref<32x80x128xi32, #tpu.memory_space<hbm>> -> memref<1x1x128xi32, #tpu.memory_space<hbm>>
        %dma_start3A_249 = tpu.memref_squeeze %dma_start3A_248 : memref<1x1x128xi32, #tpu.memory_space<hbm>> -> memref<128xi32, #tpu.memory_space<hbm>>
        tpu.enqueue_dma source(%dma_start3A_249 : memref<128xi32, #tpu.memory_space<hbm>>) target(%arg9 : memref<128xi32, #tpu.memory_space<vmem>>) target_semaphore(%arg19 : memref<!tpu.dma_semaphore, #tpu.memory_space<semaphore_mem>>)
      } else {
      }
      %dma_wait3A_217 = arith.constant 1 : i32
      %dma_wait3A_218 = arith.constant 0 : i32
      %dma_wait3A_219 = arith.constant 0 : i32
      %dma_wait3A_220 = tpu.memref_slice %arg12[%dma_wait3A_217, %dma_wait3A_218, %dma_wait3A_219] : memref<2x128x128xf32, #tpu.memory_space<vmem>> -> memref<1x128x128xf32, #tpu.memory_space<vmem>>
      %dma_wait3A_221 = tpu.memref_squeeze %dma_wait3A_220 : memref<1x128x128xf32, #tpu.memory_space<vmem>> -> memref<128x128xf32, #tpu.memory_space<vmem>>
      %dma_wait3A_222 = arith.constant 0 : i32
      %dma_wait3A_223 = tpu.memref_slice %arg7[%add3A_194, %dma_wait3A_222] : memref<80x128xi32, #tpu.memory_space<vmem>> -> memref<1x128xi32, #tpu.memory_space<vmem>>
      %dma_wait3A_224 = tpu.memref_squeeze %dma_wait3A_223 : memref<1x128xi32, #tpu.memory_space<vmem>> -> memref<128xi32, #tpu.memory_space<vmem>>
      %dma_wait3A_225 = arith.constant 0 : i32
      %dma_wait3A_226 = arith.constant 0 : i32
      %dma_wait3A_227 = tpu.memref_slice %arg2[%dma_wait3A_225, %dma_wait3A_226] : memref<10240x128xf32, #tpu.memory_space<hbm>> -> memref<10240x128xf32, #tpu.memory_space<hbm>>
      tpu.wait_indirect_dma semaphore(%arg15 : memref<!tpu.dma_semaphore, #tpu.memory_space<semaphore_mem>>) src(%dma_wait3A_227 : memref<10240x128xf32, #tpu.memory_space<hbm>>) dst(%dma_wait3A_221 : memref<128x128xf32, #tpu.memory_space<vmem>>)
      %dma_wait3A_228 = arith.constant 0 : i32
      %dma_wait3A_229 = tpu.memref_slice %arg4[%add3A, %add3A_194, %dma_wait3A_228] : memref<32x80x128xi32, #tpu.memory_space<hbm>> -> memref<1x1x128xi32, #tpu.memory_space<hbm>>
      %dma_wait3A_230 = tpu.memref_squeeze %dma_wait3A_229 : memref<1x1x128xi32, #tpu.memory_space<hbm>> -> memref<128xi32, #tpu.memory_space<hbm>>
      %dma_wait3A_231 = arith.constant 0 : i32
      %dma_wait3A_232 = tpu.memref_slice %arg4[%add3A, %add3A_194, %dma_wait3A_231] : memref<32x80x128xi32, #tpu.memory_space<hbm>> -> memref<1x1x128xi32, #tpu.memory_space<hbm>>
      %dma_wait3A_233 = tpu.memref_squeeze %dma_wait3A_232 : memref<1x1x128xi32, #tpu.memory_space<hbm>> -> memref<128xi32, #tpu.memory_space<hbm>>
      tpu.wait_dma2 semaphore(%arg21 : memref<!tpu.dma_semaphore, #tpu.memory_space<semaphore_mem>>) src(%dma_wait3A_233 : memref<128xi32, #tpu.memory_space<hbm>>) dst(%arg11 : memref<128xi32, #tpu.memory_space<vmem>>)
      %dma_start3A_234 = arith.constant 1 : i32
      %dma_start3A_235 = arith.constant 0 : i32
      %dma_start3A_236 = arith.constant 0 : i32
      %dma_start3A_237 = tpu.memref_slice %arg12[%dma_start3A_234, %dma_start3A_235, %dma_start3A_236] : memref<2x128x128xf32, #tpu.memory_space<vmem>> -> memref<1x128x128xf32, #tpu.memory_space<vmem>>
      %dma_start3A_238 = tpu.memref_squeeze %dma_start3A_237 : memref<1x128x128xf32, #tpu.memory_space<vmem>> -> memref<128x128xf32, #tpu.memory_space<vmem>>
      %dma_start3A_239 = arith.constant 0 : i32
      %dma_start3A_240 = arith.constant 0 : i32
      %dma_start3A_241 = tpu.memref_slice %arg13[%dma_start3A_239, %dma_start3A_240] : memref<10240x128xf32, #tpu.memory_space<vmem_shared>> -> memref<10240x128xf32, #tpu.memory_space<vmem_shared>>
      tpu.enqueue_indirect_dma source(%dma_start3A_238 : memref<128x128xf32, #tpu.memory_space<vmem>>) target(%dma_start3A_241 : memref<10240x128xf32, #tpu.memory_space<vmem_shared>>) offsets(%arg11 : memref<128xi32, #tpu.memory_space<vmem>>) semaphore(%arg17 : memref<!tpu.dma_semaphore, #tpu.memory_space<semaphore_mem>>) {add = true}
    }
    %scan3A_31 = arith.constant 20 : i32
    %dma_wait3A = arith.constant 1 : i32
    %dma_wait3A_32 = arith.constant 0 : i32
    %dma_wait3A_33 = arith.constant 0 : i32
    %dma_wait3A_34 = tpu.memref_slice %arg12[%dma_wait3A, %dma_wait3A_32, %dma_wait3A_33] : memref<2x128x128xf32, #tpu.memory_space<vmem>> -> memref<1x128x128xf32, #tpu.memory_space<vmem>>
    %dma_wait3A_35 = tpu.memref_squeeze %dma_wait3A_34 : memref<1x128x128xf32, #tpu.memory_space<vmem>> -> memref<128x128xf32, #tpu.memory_space<vmem>>
    %dma_wait3A_36 = arith.constant 0 : i32
    %dma_wait3A_37 = arith.constant 0 : i32
    %dma_wait3A_38 = tpu.memref_slice %arg13[%dma_wait3A_36, %dma_wait3A_37] : memref<10240x128xf32, #tpu.memory_space<vmem_shared>> -> memref<10240x128xf32, #tpu.memory_space<vmem_shared>>
    tpu.wait_indirect_dma semaphore(%arg17 : memref<!tpu.dma_semaphore, #tpu.memory_space<semaphore_mem>>) src(%dma_wait3A_35 : memref<128x128xf32, #tpu.memory_space<vmem>>) dst(%dma_wait3A_38 : memref<10240x128xf32, #tpu.memory_space<vmem_shared>>)
    %barrier3A_39 = arith.constant 0 : index
    tpu.barrier barrier_id(%barrier3A_39)
    "tpu.region"() ({
      %run_scoped3A = tpu.sem_alloc : memref<!tpu.dma_semaphore, #tpu.memory_space<semaphore_mem>>
      %dma_start3A_40 = arith.constant 0 : i32
      %dma_start3A_41 = tpu.memref_slice %arg6[%arg0, %mul3A_2, %dma_start3A_40] : memref<2x10240x128xf32, #tpu.memory_space<hbm>> -> memref<1x640x128xf32, #tpu.memory_space<hbm>>
      %dma_start3A_42 = tpu.memref_squeeze %dma_start3A_41 : memref<1x640x128xf32, #tpu.memory_space<hbm>> -> memref<640x128xf32, #tpu.memory_space<hbm>>
      %dma_start3A_43 = arith.constant 0 : i32
      %dma_start3A_44 = tpu.memref_slice %arg13[%mul3A_2, %dma_start3A_43] : memref<10240x128xf32, #tpu.memory_space<vmem_shared>> -> memref<640x128xf32, #tpu.memory_space<vmem_shared>>
      tpu.enqueue_dma source(%dma_start3A_44 : memref<640x128xf32, #tpu.memory_space<vmem_shared>>) target(%dma_start3A_42 : memref<640x128xf32, #tpu.memory_space<hbm>>) target_semaphore(%run_scoped3A : memref<!tpu.dma_semaphore, #tpu.memory_space<semaphore_mem>>)
      %dma_wait3A_45 = arith.constant 0 : i32
      %dma_wait3A_46 = tpu.memref_slice %arg6[%arg0, %mul3A_2, %dma_wait3A_45] : memref<2x10240x128xf32, #tpu.memory_space<hbm>> -> memref<1x640x128xf32, #tpu.memory_space<hbm>>
      %dma_wait3A_47 = tpu.memref_squeeze %dma_wait3A_46 : memref<1x640x128xf32, #tpu.memory_space<hbm>> -> memref<640x128xf32, #tpu.memory_space<hbm>>
      %dma_wait3A_48 = arith.constant 0 : i32
      %dma_wait3A_49 = tpu.memref_slice %arg13[%mul3A_2, %dma_wait3A_48] : memref<10240x128xf32, #tpu.memory_space<vmem_shared>> -> memref<640x128xf32, #tpu.memory_space<vmem_shared>>
      tpu.wait_dma2 semaphore(%run_scoped3A : memref<!tpu.dma_semaphore, #tpu.memory_space<semaphore_mem>>) src(%dma_wait3A_49 : memref<640x128xf32, #tpu.memory_space<vmem_shared>>) dst(%dma_wait3A_47 : memref<640x128xf32, #tpu.memory_space<hbm>>)
      tpu.yield
    }) : () -> ()
    return
  }
}

#map = affine_map<(d0, d1) -> (0, 0)>
#map1 = affine_map<(d0, d1) -> (0, 0, 0)>
module attributes {stable_mosaic.version = 14 : i64} {
  func.func @k(%arg0: i32, %arg1: i32, %arg2: memref<10240x128xf32, #tpu.memory_space<hbm>>, %arg3: memref<32x80x128xi32, #tpu.memory_space<hbm>>, %arg4: memref<32x80x128xi32, #tpu.memory_space<hbm>>, %arg5: memref<10240x128xf32, #tpu.memory_space<hbm>>, %arg6: memref<2x10240x128xf32, #tpu.memory_space<hbm>>, %arg7: memref<80x128xi32, #tpu.memory_space<vmem>>, %arg8: memref<128xi32, #tpu.memory_space<vmem>>, %arg9: memref<128xi32, #tpu.memory_space<vmem>>, %arg10: memref<128xi32, #tpu.memory_space<vmem>>, %arg11: memref<128xi32, #tpu.memory_space<vmem>>, %arg12: memref<2x128x128xf32, #tpu.memory_space<vmem>>, %arg13: memref<10240x128xf32, #tpu.memory_space<vmem_shared>>, %arg14: memref<!tpu.dma_semaphore, #tpu.memory_space<semaphore_mem>>, %arg15: memref<!tpu.dma_semaphore, #tpu.memory_space<semaphore_mem>>, %arg16: memref<!tpu.dma_semaphore, #tpu.memory_space<semaphore_mem>>, %arg17: memref<!tpu.dma_semaphore, #tpu.memory_space<semaphore_mem>>, %arg18: memref<!tpu.dma_semaphore, #tpu.memory_space<semaphore_mem>>, %arg19: memref<!tpu.dma_semaphore, #tpu.memory_space<semaphore_mem>>, %arg20: memref<!tpu.dma_semaphore, #tpu.memory_space<semaphore_mem>>, %arg21: memref<!tpu.dma_semaphore, #tpu.memory_space<semaphore_mem>>) attributes {dimension_semantics = [#tpu.dimension_semantics<core_parallel>, #tpu.dimension_semantics<subcore_parallel>], iteration_bounds = array<i64: 2, 16>, scalar_prefetch = 0 : i64, scratch_operands = 15 : i64, tpu.core_type = #tpu.core_type<sc_vector_subcore>, window_params = [{transform_indices = #map}, {transform_indices = #map1}, {transform_indices = #map1}, {transform_indices = #map}, {transform_indices = #map1}]} {
    %mul3A = arith.constant 16 : i32
    %mul3A_0 = arith.muli %arg0, %mul3A : i32
    %add3A = arith.addi %mul3A_0, %arg1 : i32
    %mul3A_1 = arith.constant 640 : i32
    %mul3A_2 = arith.muli %arg1, %mul3A_1 : i32
    "tpu.region"() ({
      %run_scoped3A = tpu.sem_alloc : memref<!tpu.dma_semaphore, #tpu.memory_space<semaphore_mem>>
      %dma_start3A_40 = arith.constant 0 : i32
      %dma_start3A_41 = tpu.memref_slice %arg13[%mul3A_2, %dma_start3A_40] : memref<10240x128xf32, #tpu.memory_space<vmem_shared>> -> memref<640x128xf32, #tpu.memory_space<vmem_shared>>
      %dma_start3A_42 = arith.constant 0 : i32
      %dma_start3A_43 = tpu.memref_slice %arg5[%mul3A_2, %dma_start3A_42] : memref<10240x128xf32, #tpu.memory_space<hbm>> -> memref<640x128xf32, #tpu.memory_space<hbm>>
      tpu.enqueue_dma source(%dma_start3A_43 : memref<640x128xf32, #tpu.memory_space<hbm>>) target(%dma_start3A_41 : memref<640x128xf32, #tpu.memory_space<vmem_shared>>) target_semaphore(%run_scoped3A : memref<!tpu.dma_semaphore, #tpu.memory_space<semaphore_mem>>)
      %dma_wait3A_44 = arith.constant 0 : i32
      %dma_wait3A_45 = tpu.memref_slice %arg13[%mul3A_2, %dma_wait3A_44] : memref<10240x128xf32, #tpu.memory_space<vmem_shared>> -> memref<640x128xf32, #tpu.memory_space<vmem_shared>>
      %dma_wait3A_46 = arith.constant 0 : i32
      %dma_wait3A_47 = tpu.memref_slice %arg5[%mul3A_2, %dma_wait3A_46] : memref<10240x128xf32, #tpu.memory_space<hbm>> -> memref<640x128xf32, #tpu.memory_space<hbm>>
      tpu.wait_dma2 semaphore(%run_scoped3A : memref<!tpu.dma_semaphore, #tpu.memory_space<semaphore_mem>>) src(%dma_wait3A_47 : memref<640x128xf32, #tpu.memory_space<hbm>>) dst(%dma_wait3A_45 : memref<640x128xf32, #tpu.memory_space<vmem_shared>>)
      tpu.yield
    }) : () -> ()
    "tpu.region"() ({
      %run_scoped3A = tpu.sem_alloc : memref<!tpu.dma_semaphore, #tpu.memory_space<semaphore_mem>>
      %dma_start3A_40 = arith.constant 0 : i32
      %dma_start3A_41 = arith.constant 0 : i32
      %dma_start3A_42 = tpu.memref_slice %arg3[%add3A, %dma_start3A_40, %dma_start3A_41] : memref<32x80x128xi32, #tpu.memory_space<hbm>> -> memref<1x80x128xi32, #tpu.memory_space<hbm>>
      %dma_start3A_43 = tpu.memref_squeeze %dma_start3A_42 : memref<1x80x128xi32, #tpu.memory_space<hbm>> -> memref<80x128xi32, #tpu.memory_space<hbm>>
      %dma_start3A_44 = arith.constant 0 : i32
      %dma_start3A_45 = arith.constant 0 : i32
      %dma_start3A_46 = tpu.memref_slice %arg3[%add3A, %dma_start3A_44, %dma_start3A_45] : memref<32x80x128xi32, #tpu.memory_space<hbm>> -> memref<1x80x128xi32, #tpu.memory_space<hbm>>
      %dma_start3A_47 = tpu.memref_squeeze %dma_start3A_46 : memref<1x80x128xi32, #tpu.memory_space<hbm>> -> memref<80x128xi32, #tpu.memory_space<hbm>>
      tpu.enqueue_dma source(%dma_start3A_47 : memref<80x128xi32, #tpu.memory_space<hbm>>) target(%arg7 : memref<80x128xi32, #tpu.memory_space<vmem>>) target_semaphore(%run_scoped3A : memref<!tpu.dma_semaphore, #tpu.memory_space<semaphore_mem>>)
      %dma_wait3A_48 = arith.constant 0 : i32
      %dma_wait3A_49 = arith.constant 0 : i32
      %dma_wait3A_50 = tpu.memref_slice %arg3[%add3A, %dma_wait3A_48, %dma_wait3A_49] : memref<32x80x128xi32, #tpu.memory_space<hbm>> -> memref<1x80x128xi32, #tpu.memory_space<hbm>>
      %dma_wait3A_51 = tpu.memref_squeeze %dma_wait3A_50 : memref<1x80x128xi32, #tpu.memory_space<hbm>> -> memref<80x128xi32, #tpu.memory_space<hbm>>
      %dma_wait3A_52 = arith.constant 0 : i32
      %dma_wait3A_53 = arith.constant 0 : i32
      %dma_wait3A_54 = tpu.memref_slice %arg3[%add3A, %dma_wait3A_52, %dma_wait3A_53] : memref<32x80x128xi32, #tpu.memory_space<hbm>> -> memref<1x80x128xi32, #tpu.memory_space<hbm>>
      %dma_wait3A_55 = tpu.memref_squeeze %dma_wait3A_54 : memref<1x80x128xi32, #tpu.memory_space<hbm>> -> memref<80x128xi32, #tpu.memory_space<hbm>>
      tpu.wait_dma2 semaphore(%run_scoped3A : memref<!tpu.dma_semaphore, #tpu.memory_space<semaphore_mem>>) src(%dma_wait3A_55 : memref<80x128xi32, #tpu.memory_space<hbm>>) dst(%arg7 : memref<80x128xi32, #tpu.memory_space<vmem>>)
      tpu.yield
    }) : () -> ()
    %barrier3A = arith.constant 0 : index
    tpu.barrier barrier_id(%barrier3A)
    %dma_start3A = arith.constant 0 : i32
    %dma_start3A_3 = arith.constant 0 : i32
    %dma_start3A_4 = arith.constant 0 : i32
    %dma_start3A_5 = arith.constant 0 : i32
    %dma_start3A_6 = tpu.memref_slice %arg12[%dma_start3A_3, %dma_start3A_4, %dma_start3A_5] : memref<2x128x128xf32, #tpu.memory_space<vmem>> -> memref<1x128x128xf32, #tpu.memory_space<vmem>>
    %dma_start3A_7 = tpu.memref_squeeze %dma_start3A_6 : memref<1x128x128xf32, #tpu.memory_space<vmem>> -> memref<128x128xf32, #tpu.memory_space<vmem>>
    %dma_start3A_8 = arith.constant 0 : i32
    %dma_start3A_9 = tpu.memref_slice %arg7[%dma_start3A, %dma_start3A_8] : memref<80x128xi32, #tpu.memory_space<vmem>> -> memref<1x128xi32, #tpu.memory_space<vmem>>
    %dma_start3A_10 = tpu.memref_squeeze %dma_start3A_9 : memref<1x128xi32, #tpu.memory_space<vmem>> -> memref<128xi32, #tpu.memory_space<vmem>>
    %dma_start3A_11 = arith.constant 0 : i32
    %dma_start3A_12 = arith.constant 0 : i32
    %dma_start3A_13 = tpu.memref_slice %arg2[%dma_start3A_11, %dma_start3A_12] : memref<10240x128xf32, #tpu.memory_space<hbm>> -> memref<10240x128xf32, #tpu.memory_space<hbm>>
    tpu.enqueue_indirect_dma source(%dma_start3A_13 : memref<10240x128xf32, #tpu.memory_space<hbm>>) target(%dma_start3A_7 : memref<128x128xf32, #tpu.memory_space<vmem>>) offsets(%dma_start3A_10 : memref<128xi32, #tpu.memory_space<vmem>>) semaphore(%arg14 : memref<!tpu.dma_semaphore, #tpu.memory_space<semaphore_mem>>)
    %dma_start3A_14 = arith.constant 0 : i32
    %dma_start3A_15 = arith.constant 0 : i32
    %dma_start3A_16 = tpu.memref_slice %arg4[%add3A, %dma_start3A_14, %dma_start3A_15] : memref<32x80x128xi32, #tpu.memory_space<hbm>> -> memref<1x1x128xi32, #tpu.memory_space<hbm>>
    %dma_start3A_17 = tpu.memref_squeeze %dma_start3A_16 : memref<1x1x128xi32, #tpu.memory_space<hbm>> -> memref<128xi32, #tpu.memory_space<hbm>>
    %dma_start3A_18 = arith.constant 0 : i32
    %dma_start3A_19 = tpu.memref_slice %arg4[%add3A, %dma_start3A_14, %dma_start3A_18] : memref<32x80x128xi32, #tpu.memory_space<hbm>> -> memref<1x1x128xi32, #tpu.memory_space<hbm>>
    %dma_start3A_20 = tpu.memref_squeeze %dma_start3A_19 : memref<1x1x128xi32, #tpu.memory_space<hbm>> -> memref<128xi32, #tpu.memory_space<hbm>>
    tpu.enqueue_dma source(%dma_start3A_20 : memref<128xi32, #tpu.memory_space<hbm>>) target(%arg8 : memref<128xi32, #tpu.memory_space<vmem>>) target_semaphore(%arg18 : memref<!tpu.dma_semaphore, #tpu.memory_space<semaphore_mem>>)
    %dma_start3A_21 = arith.constant 1 : i32
    %dma_start3A_22 = arith.constant 0 : i32
    %dma_start3A_23 = tpu.memref_slice %arg4[%add3A, %dma_start3A_21, %dma_start3A_22] : memref<32x80x128xi32, #tpu.memory_space<hbm>> -> memref<1x1x128xi32, #tpu.memory_space<hbm>>
    %dma_start3A_24 = tpu.memref_squeeze %dma_start3A_23 : memref<1x1x128xi32, #tpu.memory_space<hbm>> -> memref<128xi32, #tpu.memory_space<hbm>>
    %dma_start3A_25 = arith.constant 0 : i32
    %dma_start3A_26 = tpu.memref_slice %arg4[%add3A, %dma_start3A_21, %dma_start3A_25] : memref<32x80x128xi32, #tpu.memory_space<hbm>> -> memref<1x1x128xi32, #tpu.memory_space<hbm>>
    %dma_start3A_27 = tpu.memref_squeeze %dma_start3A_26 : memref<1x1x128xi32, #tpu.memory_space<hbm>> -> memref<128xi32, #tpu.memory_space<hbm>>
    tpu.enqueue_dma source(%dma_start3A_27 : memref<128xi32, #tpu.memory_space<hbm>>) target(%arg9 : memref<128xi32, #tpu.memory_space<vmem>>) target_semaphore(%arg19 : memref<!tpu.dma_semaphore, #tpu.memory_space<semaphore_mem>>)
    %scan3A = arith.constant 0 : i32
    %scan3A_28 = arith.constant 20 : i32
    %scan3A_29 = arith.addi %scan3A, %scan3A_28 : i32
    %scan3A_30 = arith.constant 1 : i32
    scf.for %scan3A_40 = %scan3A to %scan3A_29 step %scan3A_30  : i32 {
      %mul3A_41 = arith.constant 1 : i32
      %mul3A_42 = arith.muli %scan3A_40, %mul3A_41 : i32
      %add3A_43 = arith.constant 0 : i32
      %add3A_44 = arith.addi %add3A_43, %mul3A_42 : i32
      %mul3A_45 = arith.constant 4 : i32
      %mul3A_46 = arith.muli %add3A_44, %mul3A_45 : i32
      %add3A_47 = arith.constant 0 : i32
      %add3A_48 = arith.addi %mul3A_46, %add3A_47 : i32
      %ge3A = arith.constant 1 : i32
      %ge3A_49 = arith.cmpi sge, %add3A_44, %ge3A : i32
      %convert_element_type3A = arith.extui %ge3A_49 : i1 to i32
      %cond3A = arith.constant 0 : i32
      %cond3A_50 = arith.cmpi ne, %convert_element_type3A, %cond3A : i32
      scf.if %cond3A_50 {
        %dma_wait3A_242 = arith.constant 1 : i32
        %dma_wait3A_243 = arith.constant 0 : i32
        %dma_wait3A_244 = arith.constant 0 : i32
        %dma_wait3A_245 = tpu.memref_slice %arg12[%dma_wait3A_242, %dma_wait3A_243, %dma_wait3A_244] : memref<2x128x128xf32, #tpu.memory_space<vmem>> -> memref<1x128x128xf32, #tpu.memory_space<vmem>>
        %dma_wait3A_246 = tpu.memref_squeeze %dma_wait3A_245 : memref<1x128x128xf32, #tpu.memory_space<vmem>> -> memref<128x128xf32, #tpu.memory_space<vmem>>
        %dma_wait3A_247 = arith.constant 0 : i32
        %dma_wait3A_248 = arith.constant 0 : i32
        %dma_wait3A_249 = tpu.memref_slice %arg13[%dma_wait3A_247, %dma_wait3A_248] : memref<10240x128xf32, #tpu.memory_space<vmem_shared>> -> memref<10240x128xf32, #tpu.memory_space<vmem_shared>>
        tpu.wait_indirect_dma semaphore(%arg17 : memref<!tpu.dma_semaphore, #tpu.memory_space<semaphore_mem>>) src(%dma_wait3A_246 : memref<128x128xf32, #tpu.memory_space<vmem>>) dst(%dma_wait3A_249 : memref<10240x128xf32, #tpu.memory_space<vmem_shared>>)
      } else {
      }
      %add3A_51 = arith.constant 1 : i32
      %add3A_52 = arith.addi %add3A_48, %add3A_51 : i32
      %lt3A = arith.constant 80 : i32
      %lt3A_53 = arith.cmpi slt, %add3A_52, %lt3A : i32
      %convert_element_type3A_54 = arith.extui %lt3A_53 : i1 to i32
      %cond3A_55 = arith.constant 0 : i32
      %cond3A_56 = arith.cmpi ne, %convert_element_type3A_54, %cond3A_55 : i32
      scf.if %cond3A_56 {
        %add3A_242 = arith.constant 1 : i32
        %add3A_243 = arith.addi %add3A_48, %add3A_242 : i32
        %dma_start3A_244 = arith.constant 1 : i32
        %dma_start3A_245 = arith.constant 0 : i32
        %dma_start3A_246 = arith.constant 0 : i32
        %dma_start3A_247 = tpu.memref_slice %arg12[%dma_start3A_244, %dma_start3A_245, %dma_start3A_246] : memref<2x128x128xf32, #tpu.memory_space<vmem>> -> memref<1x128x128xf32, #tpu.memory_space<vmem>>
        %dma_start3A_248 = tpu.memref_squeeze %dma_start3A_247 : memref<1x128x128xf32, #tpu.memory_space<vmem>> -> memref<128x128xf32, #tpu.memory_space<vmem>>
        %dma_start3A_249 = arith.constant 0 : i32
        %dma_start3A_250 = tpu.memref_slice %arg7[%add3A_243, %dma_start3A_249] : memref<80x128xi32, #tpu.memory_space<vmem>> -> memref<1x128xi32, #tpu.memory_space<vmem>>
        %dma_start3A_251 = tpu.memref_squeeze %dma_start3A_250 : memref<1x128xi32, #tpu.memory_space<vmem>> -> memref<128xi32, #tpu.memory_space<vmem>>
        %dma_start3A_252 = arith.constant 0 : i32
        %dma_start3A_253 = arith.constant 0 : i32
        %dma_start3A_254 = tpu.memref_slice %arg2[%dma_start3A_252, %dma_start3A_253] : memref<10240x128xf32, #tpu.memory_space<hbm>> -> memref<10240x128xf32, #tpu.memory_space<hbm>>
        tpu.enqueue_indirect_dma source(%dma_start3A_254 : memref<10240x128xf32, #tpu.memory_space<hbm>>) target(%dma_start3A_248 : memref<128x128xf32, #tpu.memory_space<vmem>>) offsets(%dma_start3A_251 : memref<128xi32, #tpu.memory_space<vmem>>) semaphore(%arg15 : memref<!tpu.dma_semaphore, #tpu.memory_space<semaphore_mem>>)
      } else {
      }
      %add3A_57 = arith.constant 2 : i32
      %add3A_58 = arith.addi %add3A_48, %add3A_57 : i32
      %lt3A_59 = arith.constant 80 : i32
      %lt3A_60 = arith.cmpi slt, %add3A_58, %lt3A_59 : i32
      %convert_element_type3A_61 = arith.extui %lt3A_60 : i1 to i32
      %cond3A_62 = arith.constant 0 : i32
      %cond3A_63 = arith.cmpi ne, %convert_element_type3A_61, %cond3A_62 : i32
      scf.if %cond3A_63 {
        %add3A_242 = arith.constant 2 : i32
        %add3A_243 = arith.addi %add3A_48, %add3A_242 : i32
        %dma_start3A_244 = arith.constant 0 : i32
        %dma_start3A_245 = tpu.memref_slice %arg4[%add3A, %add3A_243, %dma_start3A_244] : memref<32x80x128xi32, #tpu.memory_space<hbm>> -> memref<1x1x128xi32, #tpu.memory_space<hbm>>
        %dma_start3A_246 = tpu.memref_squeeze %dma_start3A_245 : memref<1x1x128xi32, #tpu.memory_space<hbm>> -> memref<128xi32, #tpu.memory_space<hbm>>
        %dma_start3A_247 = arith.constant 0 : i32
        %dma_start3A_248 = tpu.memref_slice %arg4[%add3A, %add3A_243, %dma_start3A_247] : memref<32x80x128xi32, #tpu.memory_space<hbm>> -> memref<1x1x128xi32, #tpu.memory_space<hbm>>
        %dma_start3A_249 = tpu.memref_squeeze %dma_start3A_248 : memref<1x1x128xi32, #tpu.memory_space<hbm>> -> memref<128xi32, #tpu.memory_space<hbm>>
        tpu.enqueue_dma source(%dma_start3A_249 : memref<128xi32, #tpu.memory_space<hbm>>) target(%arg10 : memref<128xi32, #tpu.memory_space<vmem>>) target_semaphore(%arg20 : memref<!tpu.dma_semaphore, #tpu.memory_space<semaphore_mem>>)
      } else {
      }
      %dma_wait3A_64 = arith.constant 0 : i32
      %dma_wait3A_65 = arith.constant 0 : i32
      %dma_wait3A_66 = arith.constant 0 : i32
      %dma_wait3A_67 = tpu.memref_slice %arg12[%dma_wait3A_64, %dma_wait3A_65, %dma_wait3A_66] : memref<2x128x128xf32, #tpu.memory_space<vmem>> -> memref<1x128x128xf32, #tpu.memory_space<vmem>>
      %dma_wait3A_68 = tpu.memref_squeeze %dma_wait3A_67 : memref<1x128x128xf32, #tpu.memory_space<vmem>> -> memref<128x128xf32, #tpu.memory_space<vmem>>
      %dma_wait3A_69 = arith.constant 0 : i32
      %dma_wait3A_70 = tpu.memref_slice %arg7[%add3A_48, %dma_wait3A_69] : memref<80x128xi32, #tpu.memory_space<vmem>> -> memref<1x128xi32, #tpu.memory_space<vmem>>
      %dma_wait3A_71 = tpu.memref_squeeze %dma_wait3A_70 : memref<1x128xi32, #tpu.memory_space<vmem>> -> memref<128xi32, #tpu.memory_space<vmem>>
      %dma_wait3A_72 = arith.constant 0 : i32
      %dma_wait3A_73 = arith.constant 0 : i32
      %dma_wait3A_74 = tpu.memref_slice %arg2[%dma_wait3A_72, %dma_wait3A_73] : memref<10240x128xf32, #tpu.memory_space<hbm>> -> memref<10240x128xf32, #tpu.memory_space<hbm>>
      tpu.wait_indirect_dma semaphore(%arg14 : memref<!tpu.dma_semaphore, #tpu.memory_space<semaphore_mem>>) src(%dma_wait3A_74 : memref<10240x128xf32, #tpu.memory_space<hbm>>) dst(%dma_wait3A_68 : memref<128x128xf32, #tpu.memory_space<vmem>>)
      %dma_wait3A_75 = arith.constant 0 : i32
      %dma_wait3A_76 = tpu.memref_slice %arg4[%add3A, %add3A_48, %dma_wait3A_75] : memref<32x80x128xi32, #tpu.memory_space<hbm>> -> memref<1x1x128xi32, #tpu.memory_space<hbm>>
      %dma_wait3A_77 = tpu.memref_squeeze %dma_wait3A_76 : memref<1x1x128xi32, #tpu.memory_space<hbm>> -> memref<128xi32, #tpu.memory_space<hbm>>
      %dma_wait3A_78 = arith.constant 0 : i32
      %dma_wait3A_79 = tpu.memref_slice %arg4[%add3A, %add3A_48, %dma_wait3A_78] : memref<32x80x128xi32, #tpu.memory_space<hbm>> -> memref<1x1x128xi32, #tpu.memory_space<hbm>>
      %dma_wait3A_80 = tpu.memref_squeeze %dma_wait3A_79 : memref<1x1x128xi32, #tpu.memory_space<hbm>> -> memref<128xi32, #tpu.memory_space<hbm>>
      tpu.wait_dma2 semaphore(%arg18 : memref<!tpu.dma_semaphore, #tpu.memory_space<semaphore_mem>>) src(%dma_wait3A_80 : memref<128xi32, #tpu.memory_space<hbm>>) dst(%arg8 : memref<128xi32, #tpu.memory_space<vmem>>)
      %dma_start3A_81 = arith.constant 0 : i32
      %dma_start3A_82 = arith.constant 0 : i32
      %dma_start3A_83 = arith.constant 0 : i32
      %dma_start3A_84 = tpu.memref_slice %arg12[%dma_start3A_81, %dma_start3A_82, %dma_start3A_83] : memref<2x128x128xf32, #tpu.memory_space<vmem>> -> memref<1x128x128xf32, #tpu.memory_space<vmem>>
      %dma_start3A_85 = tpu.memref_squeeze %dma_start3A_84 : memref<1x128x128xf32, #tpu.memory_space<vmem>> -> memref<128x128xf32, #tpu.memory_space<vmem>>
      %dma_start3A_86 = arith.constant 0 : i32
      %dma_start3A_87 = arith.constant 0 : i32
      %dma_start3A_88 = tpu.memref_slice %arg13[%dma_start3A_86, %dma_start3A_87] : memref<10240x128xf32, #tpu.memory_space<vmem_shared>> -> memref<10240x128xf32, #tpu.memory_space<vmem_shared>>
      tpu.enqueue_indirect_dma source(%dma_start3A_85 : memref<128x128xf32, #tpu.memory_space<vmem>>) target(%dma_start3A_88 : memref<10240x128xf32, #tpu.memory_space<vmem_shared>>) offsets(%arg8 : memref<128xi32, #tpu.memory_space<vmem>>) semaphore(%arg16 : memref<!tpu.dma_semaphore, #tpu.memory_space<semaphore_mem>>) {add = true}
      %mul3A_89 = arith.constant 4 : i32
      %mul3A_90 = arith.muli %add3A_44, %mul3A_89 : i32
      %add3A_91 = arith.constant 1 : i32
      %add3A_92 = arith.addi %mul3A_90, %add3A_91 : i32
      %dma_wait3A_93 = arith.constant 0 : i32
      %dma_wait3A_94 = arith.constant 0 : i32
      %dma_wait3A_95 = arith.constant 0 : i32
      %dma_wait3A_96 = tpu.memref_slice %arg12[%dma_wait3A_93, %dma_wait3A_94, %dma_wait3A_95] : memref<2x128x128xf32, #tpu.memory_space<vmem>> -> memref<1x128x128xf32, #tpu.memory_space<vmem>>
      %dma_wait3A_97 = tpu.memref_squeeze %dma_wait3A_96 : memref<1x128x128xf32, #tpu.memory_space<vmem>> -> memref<128x128xf32, #tpu.memory_space<vmem>>
      %dma_wait3A_98 = arith.constant 0 : i32
      %dma_wait3A_99 = arith.constant 0 : i32
      %dma_wait3A_100 = tpu.memref_slice %arg13[%dma_wait3A_98, %dma_wait3A_99] : memref<10240x128xf32, #tpu.memory_space<vmem_shared>> -> memref<10240x128xf32, #tpu.memory_space<vmem_shared>>
      tpu.wait_indirect_dma semaphore(%arg16 : memref<!tpu.dma_semaphore, #tpu.memory_space<semaphore_mem>>) src(%dma_wait3A_97 : memref<128x128xf32, #tpu.memory_space<vmem>>) dst(%dma_wait3A_100 : memref<10240x128xf32, #tpu.memory_space<vmem_shared>>)
      %add3A_101 = arith.constant 1 : i32
      %add3A_102 = arith.addi %add3A_92, %add3A_101 : i32
      %lt3A_103 = arith.constant 80 : i32
      %lt3A_104 = arith.cmpi slt, %add3A_102, %lt3A_103 : i32
      %convert_element_type3A_105 = arith.extui %lt3A_104 : i1 to i32
      %cond3A_106 = arith.constant 0 : i32
      %cond3A_107 = arith.cmpi ne, %convert_element_type3A_105, %cond3A_106 : i32
      scf.if %cond3A_107 {
        %add3A_242 = arith.constant 1 : i32
        %add3A_243 = arith.addi %add3A_92, %add3A_242 : i32
        %dma_start3A_244 = arith.constant 0 : i32
        %dma_start3A_245 = arith.constant 0 : i32
        %dma_start3A_246 = arith.constant 0 : i32
        %dma_start3A_247 = tpu.memref_slice %arg12[%dma_start3A_244, %dma_start3A_245, %dma_start3A_246] : memref<2x128x128xf32, #tpu.memory_space<vmem>> -> memref<1x128x128xf32, #tpu.memory_space<vmem>>
        %dma_start3A_248 = tpu.memref_squeeze %dma_start3A_247 : memref<1x128x128xf32, #tpu.memory_space<vmem>> -> memref<128x128xf32, #tpu.memory_space<vmem>>
        %dma_start3A_249 = arith.constant 0 : i32
        %dma_start3A_250 = tpu.memref_slice %arg7[%add3A_243, %dma_start3A_249] : memref<80x128xi32, #tpu.memory_space<vmem>> -> memref<1x128xi32, #tpu.memory_space<vmem>>
        %dma_start3A_251 = tpu.memref_squeeze %dma_start3A_250 : memref<1x128xi32, #tpu.memory_space<vmem>> -> memref<128xi32, #tpu.memory_space<vmem>>
        %dma_start3A_252 = arith.constant 0 : i32
        %dma_start3A_253 = arith.constant 0 : i32
        %dma_start3A_254 = tpu.memref_slice %arg2[%dma_start3A_252, %dma_start3A_253] : memref<10240x128xf32, #tpu.memory_space<hbm>> -> memref<10240x128xf32, #tpu.memory_space<hbm>>
        tpu.enqueue_indirect_dma source(%dma_start3A_254 : memref<10240x128xf32, #tpu.memory_space<hbm>>) target(%dma_start3A_248 : memref<128x128xf32, #tpu.memory_space<vmem>>) offsets(%dma_start3A_251 : memref<128xi32, #tpu.memory_space<vmem>>) semaphore(%arg14 : memref<!tpu.dma_semaphore, #tpu.memory_space<semaphore_mem>>)
      } else {
      }
      %add3A_108 = arith.constant 2 : i32
      %add3A_109 = arith.addi %add3A_92, %add3A_108 : i32
      %lt3A_110 = arith.constant 80 : i32
      %lt3A_111 = arith.cmpi slt, %add3A_109, %lt3A_110 : i32
      %convert_element_type3A_112 = arith.extui %lt3A_111 : i1 to i32
      %cond3A_113 = arith.constant 0 : i32
      %cond3A_114 = arith.cmpi ne, %convert_element_type3A_112, %cond3A_113 : i32
      scf.if %cond3A_114 {
        %add3A_242 = arith.constant 2 : i32
        %add3A_243 = arith.addi %add3A_92, %add3A_242 : i32
        %dma_start3A_244 = arith.constant 0 : i32
        %dma_start3A_245 = tpu.memref_slice %arg4[%add3A, %add3A_243, %dma_start3A_244] : memref<32x80x128xi32, #tpu.memory_space<hbm>> -> memref<1x1x128xi32, #tpu.memory_space<hbm>>
        %dma_start3A_246 = tpu.memref_squeeze %dma_start3A_245 : memref<1x1x128xi32, #tpu.memory_space<hbm>> -> memref<128xi32, #tpu.memory_space<hbm>>
        %dma_start3A_247 = arith.constant 0 : i32
        %dma_start3A_248 = tpu.memref_slice %arg4[%add3A, %add3A_243, %dma_start3A_247] : memref<32x80x128xi32, #tpu.memory_space<hbm>> -> memref<1x1x128xi32, #tpu.memory_space<hbm>>
        %dma_start3A_249 = tpu.memref_squeeze %dma_start3A_248 : memref<1x1x128xi32, #tpu.memory_space<hbm>> -> memref<128xi32, #tpu.memory_space<hbm>>
        tpu.enqueue_dma source(%dma_start3A_249 : memref<128xi32, #tpu.memory_space<hbm>>) target(%arg11 : memref<128xi32, #tpu.memory_space<vmem>>) target_semaphore(%arg21 : memref<!tpu.dma_semaphore, #tpu.memory_space<semaphore_mem>>)
      } else {
      }
      %dma_wait3A_115 = arith.constant 1 : i32
      %dma_wait3A_116 = arith.constant 0 : i32
      %dma_wait3A_117 = arith.constant 0 : i32
      %dma_wait3A_118 = tpu.memref_slice %arg12[%dma_wait3A_115, %dma_wait3A_116, %dma_wait3A_117] : memref<2x128x128xf32, #tpu.memory_space<vmem>> -> memref<1x128x128xf32, #tpu.memory_space<vmem>>
      %dma_wait3A_119 = tpu.memref_squeeze %dma_wait3A_118 : memref<1x128x128xf32, #tpu.memory_space<vmem>> -> memref<128x128xf32, #tpu.memory_space<vmem>>
      %dma_wait3A_120 = arith.constant 0 : i32
      %dma_wait3A_121 = tpu.memref_slice %arg7[%add3A_92, %dma_wait3A_120] : memref<80x128xi32, #tpu.memory_space<vmem>> -> memref<1x128xi32, #tpu.memory_space<vmem>>
      %dma_wait3A_122 = tpu.memref_squeeze %dma_wait3A_121 : memref<1x128xi32, #tpu.memory_space<vmem>> -> memref<128xi32, #tpu.memory_space<vmem>>
      %dma_wait3A_123 = arith.constant 0 : i32
      %dma_wait3A_124 = arith.constant 0 : i32
      %dma_wait3A_125 = tpu.memref_slice %arg2[%dma_wait3A_123, %dma_wait3A_124] : memref<10240x128xf32, #tpu.memory_space<hbm>> -> memref<10240x128xf32, #tpu.memory_space<hbm>>
      tpu.wait_indirect_dma semaphore(%arg15 : memref<!tpu.dma_semaphore, #tpu.memory_space<semaphore_mem>>) src(%dma_wait3A_125 : memref<10240x128xf32, #tpu.memory_space<hbm>>) dst(%dma_wait3A_119 : memref<128x128xf32, #tpu.memory_space<vmem>>)
      %dma_wait3A_126 = arith.constant 0 : i32
      %dma_wait3A_127 = tpu.memref_slice %arg4[%add3A, %add3A_92, %dma_wait3A_126] : memref<32x80x128xi32, #tpu.memory_space<hbm>> -> memref<1x1x128xi32, #tpu.memory_space<hbm>>
      %dma_wait3A_128 = tpu.memref_squeeze %dma_wait3A_127 : memref<1x1x128xi32, #tpu.memory_space<hbm>> -> memref<128xi32, #tpu.memory_space<hbm>>
      %dma_wait3A_129 = arith.constant 0 : i32
      %dma_wait3A_130 = tpu.memref_slice %arg4[%add3A, %add3A_92, %dma_wait3A_129] : memref<32x80x128xi32, #tpu.memory_space<hbm>> -> memref<1x1x128xi32, #tpu.memory_space<hbm>>
      %dma_wait3A_131 = tpu.memref_squeeze %dma_wait3A_130 : memref<1x1x128xi32, #tpu.memory_space<hbm>> -> memref<128xi32, #tpu.memory_space<hbm>>
      tpu.wait_dma2 semaphore(%arg19 : memref<!tpu.dma_semaphore, #tpu.memory_space<semaphore_mem>>) src(%dma_wait3A_131 : memref<128xi32, #tpu.memory_space<hbm>>) dst(%arg9 : memref<128xi32, #tpu.memory_space<vmem>>)
      %dma_start3A_132 = arith.constant 1 : i32
      %dma_start3A_133 = arith.constant 0 : i32
      %dma_start3A_134 = arith.constant 0 : i32
      %dma_start3A_135 = tpu.memref_slice %arg12[%dma_start3A_132, %dma_start3A_133, %dma_start3A_134] : memref<2x128x128xf32, #tpu.memory_space<vmem>> -> memref<1x128x128xf32, #tpu.memory_space<vmem>>
      %dma_start3A_136 = tpu.memref_squeeze %dma_start3A_135 : memref<1x128x128xf32, #tpu.memory_space<vmem>> -> memref<128x128xf32, #tpu.memory_space<vmem>>
      %dma_start3A_137 = arith.constant 0 : i32
      %dma_start3A_138 = arith.constant 0 : i32
      %dma_start3A_139 = tpu.memref_slice %arg13[%dma_start3A_137, %dma_start3A_138] : memref<10240x128xf32, #tpu.memory_space<vmem_shared>> -> memref<10240x128xf32, #tpu.memory_space<vmem_shared>>
      tpu.enqueue_indirect_dma source(%dma_start3A_136 : memref<128x128xf32, #tpu.memory_space<vmem>>) target(%dma_start3A_139 : memref<10240x128xf32, #tpu.memory_space<vmem_shared>>) offsets(%arg9 : memref<128xi32, #tpu.memory_space<vmem>>) semaphore(%arg17 : memref<!tpu.dma_semaphore, #tpu.memory_space<semaphore_mem>>) {add = true}
      %mul3A_140 = arith.constant 4 : i32
      %mul3A_141 = arith.muli %add3A_44, %mul3A_140 : i32
      %add3A_142 = arith.constant 2 : i32
      %add3A_143 = arith.addi %mul3A_141, %add3A_142 : i32
      %dma_wait3A_144 = arith.constant 1 : i32
      %dma_wait3A_145 = arith.constant 0 : i32
      %dma_wait3A_146 = arith.constant 0 : i32
      %dma_wait3A_147 = tpu.memref_slice %arg12[%dma_wait3A_144, %dma_wait3A_145, %dma_wait3A_146] : memref<2x128x128xf32, #tpu.memory_space<vmem>> -> memref<1x128x128xf32, #tpu.memory_space<vmem>>
      %dma_wait3A_148 = tpu.memref_squeeze %dma_wait3A_147 : memref<1x128x128xf32, #tpu.memory_space<vmem>> -> memref<128x128xf32, #tpu.memory_space<vmem>>
      %dma_wait3A_149 = arith.constant 0 : i32
      %dma_wait3A_150 = arith.constant 0 : i32
      %dma_wait3A_151 = tpu.memref_slice %arg13[%dma_wait3A_149, %dma_wait3A_150] : memref<10240x128xf32, #tpu.memory_space<vmem_shared>> -> memref<10240x128xf32, #tpu.memory_space<vmem_shared>>
      tpu.wait_indirect_dma semaphore(%arg17 : memref<!tpu.dma_semaphore, #tpu.memory_space<semaphore_mem>>) src(%dma_wait3A_148 : memref<128x128xf32, #tpu.memory_space<vmem>>) dst(%dma_wait3A_151 : memref<10240x128xf32, #tpu.memory_space<vmem_shared>>)
      %add3A_152 = arith.constant 1 : i32
      %add3A_153 = arith.addi %add3A_143, %add3A_152 : i32
      %lt3A_154 = arith.constant 80 : i32
      %lt3A_155 = arith.cmpi slt, %add3A_153, %lt3A_154 : i32
      %convert_element_type3A_156 = arith.extui %lt3A_155 : i1 to i32
      %cond3A_157 = arith.constant 0 : i32
      %cond3A_158 = arith.cmpi ne, %convert_element_type3A_156, %cond3A_157 : i32
      scf.if %cond3A_158 {
        %add3A_242 = arith.constant 1 : i32
        %add3A_243 = arith.addi %add3A_143, %add3A_242 : i32
        %dma_start3A_244 = arith.constant 1 : i32
        %dma_start3A_245 = arith.constant 0 : i32
        %dma_start3A_246 = arith.constant 0 : i32
        %dma_start3A_247 = tpu.memref_slice %arg12[%dma_start3A_244, %dma_start3A_245, %dma_start3A_246] : memref<2x128x128xf32, #tpu.memory_space<vmem>> -> memref<1x128x128xf32, #tpu.memory_space<vmem>>
        %dma_start3A_248 = tpu.memref_squeeze %dma_start3A_247 : memref<1x128x128xf32, #tpu.memory_space<vmem>> -> memref<128x128xf32, #tpu.memory_space<vmem>>
        %dma_start3A_249 = arith.constant 0 : i32
        %dma_start3A_250 = tpu.memref_slice %arg7[%add3A_243, %dma_start3A_249] : memref<80x128xi32, #tpu.memory_space<vmem>> -> memref<1x128xi32, #tpu.memory_space<vmem>>
        %dma_start3A_251 = tpu.memref_squeeze %dma_start3A_250 : memref<1x128xi32, #tpu.memory_space<vmem>> -> memref<128xi32, #tpu.memory_space<vmem>>
        %dma_start3A_252 = arith.constant 0 : i32
        %dma_start3A_253 = arith.constant 0 : i32
        %dma_start3A_254 = tpu.memref_slice %arg2[%dma_start3A_252, %dma_start3A_253] : memref<10240x128xf32, #tpu.memory_space<hbm>> -> memref<10240x128xf32, #tpu.memory_space<hbm>>
        tpu.enqueue_indirect_dma source(%dma_start3A_254 : memref<10240x128xf32, #tpu.memory_space<hbm>>) target(%dma_start3A_248 : memref<128x128xf32, #tpu.memory_space<vmem>>) offsets(%dma_start3A_251 : memref<128xi32, #tpu.memory_space<vmem>>) semaphore(%arg15 : memref<!tpu.dma_semaphore, #tpu.memory_space<semaphore_mem>>)
      } else {
      }
      %add3A_159 = arith.constant 2 : i32
      %add3A_160 = arith.addi %add3A_143, %add3A_159 : i32
      %lt3A_161 = arith.constant 80 : i32
      %lt3A_162 = arith.cmpi slt, %add3A_160, %lt3A_161 : i32
      %convert_element_type3A_163 = arith.extui %lt3A_162 : i1 to i32
      %cond3A_164 = arith.constant 0 : i32
      %cond3A_165 = arith.cmpi ne, %convert_element_type3A_163, %cond3A_164 : i32
      scf.if %cond3A_165 {
        %add3A_242 = arith.constant 2 : i32
        %add3A_243 = arith.addi %add3A_143, %add3A_242 : i32
        %dma_start3A_244 = arith.constant 0 : i32
        %dma_start3A_245 = tpu.memref_slice %arg4[%add3A, %add3A_243, %dma_start3A_244] : memref<32x80x128xi32, #tpu.memory_space<hbm>> -> memref<1x1x128xi32, #tpu.memory_space<hbm>>
        %dma_start3A_246 = tpu.memref_squeeze %dma_start3A_245 : memref<1x1x128xi32, #tpu.memory_space<hbm>> -> memref<128xi32, #tpu.memory_space<hbm>>
        %dma_start3A_247 = arith.constant 0 : i32
        %dma_start3A_248 = tpu.memref_slice %arg4[%add3A, %add3A_243, %dma_start3A_247] : memref<32x80x128xi32, #tpu.memory_space<hbm>> -> memref<1x1x128xi32, #tpu.memory_space<hbm>>
        %dma_start3A_249 = tpu.memref_squeeze %dma_start3A_248 : memref<1x1x128xi32, #tpu.memory_space<hbm>> -> memref<128xi32, #tpu.memory_space<hbm>>
        tpu.enqueue_dma source(%dma_start3A_249 : memref<128xi32, #tpu.memory_space<hbm>>) target(%arg8 : memref<128xi32, #tpu.memory_space<vmem>>) target_semaphore(%arg18 : memref<!tpu.dma_semaphore, #tpu.memory_space<semaphore_mem>>)
      } else {
      }
      %dma_wait3A_166 = arith.constant 0 : i32
      %dma_wait3A_167 = arith.constant 0 : i32
      %dma_wait3A_168 = arith.constant 0 : i32
      %dma_wait3A_169 = tpu.memref_slice %arg12[%dma_wait3A_166, %dma_wait3A_167, %dma_wait3A_168] : memref<2x128x128xf32, #tpu.memory_space<vmem>> -> memref<1x128x128xf32, #tpu.memory_space<vmem>>
      %dma_wait3A_170 = tpu.memref_squeeze %dma_wait3A_169 : memref<1x128x128xf32, #tpu.memory_space<vmem>> -> memref<128x128xf32, #tpu.memory_space<vmem>>
      %dma_wait3A_171 = arith.constant 0 : i32
      %dma_wait3A_172 = tpu.memref_slice %arg7[%add3A_143, %dma_wait3A_171] : memref<80x128xi32, #tpu.memory_space<vmem>> -> memref<1x128xi32, #tpu.memory_space<vmem>>
      %dma_wait3A_173 = tpu.memref_squeeze %dma_wait3A_172 : memref<1x128xi32, #tpu.memory_space<vmem>> -> memref<128xi32, #tpu.memory_space<vmem>>
      %dma_wait3A_174 = arith.constant 0 : i32
      %dma_wait3A_175 = arith.constant 0 : i32
      %dma_wait3A_176 = tpu.memref_slice %arg2[%dma_wait3A_174, %dma_wait3A_175] : memref<10240x128xf32, #tpu.memory_space<hbm>> -> memref<10240x128xf32, #tpu.memory_space<hbm>>
      tpu.wait_indirect_dma semaphore(%arg14 : memref<!tpu.dma_semaphore, #tpu.memory_space<semaphore_mem>>) src(%dma_wait3A_176 : memref<10240x128xf32, #tpu.memory_space<hbm>>) dst(%dma_wait3A_170 : memref<128x128xf32, #tpu.memory_space<vmem>>)
      %dma_wait3A_177 = arith.constant 0 : i32
      %dma_wait3A_178 = tpu.memref_slice %arg4[%add3A, %add3A_143, %dma_wait3A_177] : memref<32x80x128xi32, #tpu.memory_space<hbm>> -> memref<1x1x128xi32, #tpu.memory_space<hbm>>
      %dma_wait3A_179 = tpu.memref_squeeze %dma_wait3A_178 : memref<1x1x128xi32, #tpu.memory_space<hbm>> -> memref<128xi32, #tpu.memory_space<hbm>>
      %dma_wait3A_180 = arith.constant 0 : i32
      %dma_wait3A_181 = tpu.memref_slice %arg4[%add3A, %add3A_143, %dma_wait3A_180] : memref<32x80x128xi32, #tpu.memory_space<hbm>> -> memref<1x1x128xi32, #tpu.memory_space<hbm>>
      %dma_wait3A_182 = tpu.memref_squeeze %dma_wait3A_181 : memref<1x1x128xi32, #tpu.memory_space<hbm>> -> memref<128xi32, #tpu.memory_space<hbm>>
      tpu.wait_dma2 semaphore(%arg20 : memref<!tpu.dma_semaphore, #tpu.memory_space<semaphore_mem>>) src(%dma_wait3A_182 : memref<128xi32, #tpu.memory_space<hbm>>) dst(%arg10 : memref<128xi32, #tpu.memory_space<vmem>>)
      %dma_start3A_183 = arith.constant 0 : i32
      %dma_start3A_184 = arith.constant 0 : i32
      %dma_start3A_185 = arith.constant 0 : i32
      %dma_start3A_186 = tpu.memref_slice %arg12[%dma_start3A_183, %dma_start3A_184, %dma_start3A_185] : memref<2x128x128xf32, #tpu.memory_space<vmem>> -> memref<1x128x128xf32, #tpu.memory_space<vmem>>
      %dma_start3A_187 = tpu.memref_squeeze %dma_start3A_186 : memref<1x128x128xf32, #tpu.memory_space<vmem>> -> memref<128x128xf32, #tpu.memory_space<vmem>>
      %dma_start3A_188 = arith.constant 0 : i32
      %dma_start3A_189 = arith.constant 0 : i32
      %dma_start3A_190 = tpu.memref_slice %arg13[%dma_start3A_188, %dma_start3A_189] : memref<10240x128xf32, #tpu.memory_space<vmem_shared>> -> memref<10240x128xf32, #tpu.memory_space<vmem_shared>>
      tpu.enqueue_indirect_dma source(%dma_start3A_187 : memref<128x128xf32, #tpu.memory_space<vmem>>) target(%dma_start3A_190 : memref<10240x128xf32, #tpu.memory_space<vmem_shared>>) offsets(%arg10 : memref<128xi32, #tpu.memory_space<vmem>>) semaphore(%arg16 : memref<!tpu.dma_semaphore, #tpu.memory_space<semaphore_mem>>) {add = true}
      %mul3A_191 = arith.constant 4 : i32
      %mul3A_192 = arith.muli %add3A_44, %mul3A_191 : i32
      %add3A_193 = arith.constant 3 : i32
      %add3A_194 = arith.addi %mul3A_192, %add3A_193 : i32
      %dma_wait3A_195 = arith.constant 0 : i32
      %dma_wait3A_196 = arith.constant 0 : i32
      %dma_wait3A_197 = arith.constant 0 : i32
      %dma_wait3A_198 = tpu.memref_slice %arg12[%dma_wait3A_195, %dma_wait3A_196, %dma_wait3A_197] : memref<2x128x128xf32, #tpu.memory_space<vmem>> -> memref<1x128x128xf32, #tpu.memory_space<vmem>>
      %dma_wait3A_199 = tpu.memref_squeeze %dma_wait3A_198 : memref<1x128x128xf32, #tpu.memory_space<vmem>> -> memref<128x128xf32, #tpu.memory_space<vmem>>
      %dma_wait3A_200 = arith.constant 0 : i32
      %dma_wait3A_201 = arith.constant 0 : i32
      %dma_wait3A_202 = tpu.memref_slice %arg13[%dma_wait3A_200, %dma_wait3A_201] : memref<10240x128xf32, #tpu.memory_space<vmem_shared>> -> memref<10240x128xf32, #tpu.memory_space<vmem_shared>>
      tpu.wait_indirect_dma semaphore(%arg16 : memref<!tpu.dma_semaphore, #tpu.memory_space<semaphore_mem>>) src(%dma_wait3A_199 : memref<128x128xf32, #tpu.memory_space<vmem>>) dst(%dma_wait3A_202 : memref<10240x128xf32, #tpu.memory_space<vmem_shared>>)
      %add3A_203 = arith.constant 1 : i32
      %add3A_204 = arith.addi %add3A_194, %add3A_203 : i32
      %lt3A_205 = arith.constant 80 : i32
      %lt3A_206 = arith.cmpi slt, %add3A_204, %lt3A_205 : i32
      %convert_element_type3A_207 = arith.extui %lt3A_206 : i1 to i32
      %cond3A_208 = arith.constant 0 : i32
      %cond3A_209 = arith.cmpi ne, %convert_element_type3A_207, %cond3A_208 : i32
      scf.if %cond3A_209 {
        %add3A_242 = arith.constant 1 : i32
        %add3A_243 = arith.addi %add3A_194, %add3A_242 : i32
        %dma_start3A_244 = arith.constant 0 : i32
        %dma_start3A_245 = arith.constant 0 : i32
        %dma_start3A_246 = arith.constant 0 : i32
        %dma_start3A_247 = tpu.memref_slice %arg12[%dma_start3A_244, %dma_start3A_245, %dma_start3A_246] : memref<2x128x128xf32, #tpu.memory_space<vmem>> -> memref<1x128x128xf32, #tpu.memory_space<vmem>>
        %dma_start3A_248 = tpu.memref_squeeze %dma_start3A_247 : memref<1x128x128xf32, #tpu.memory_space<vmem>> -> memref<128x128xf32, #tpu.memory_space<vmem>>
        %dma_start3A_249 = arith.constant 0 : i32
        %dma_start3A_250 = tpu.memref_slice %arg7[%add3A_243, %dma_start3A_249] : memref<80x128xi32, #tpu.memory_space<vmem>> -> memref<1x128xi32, #tpu.memory_space<vmem>>
        %dma_start3A_251 = tpu.memref_squeeze %dma_start3A_250 : memref<1x128xi32, #tpu.memory_space<vmem>> -> memref<128xi32, #tpu.memory_space<vmem>>
        %dma_start3A_252 = arith.constant 0 : i32
        %dma_start3A_253 = arith.constant 0 : i32
        %dma_start3A_254 = tpu.memref_slice %arg2[%dma_start3A_252, %dma_start3A_253] : memref<10240x128xf32, #tpu.memory_space<hbm>> -> memref<10240x128xf32, #tpu.memory_space<hbm>>
        tpu.enqueue_indirect_dma source(%dma_start3A_254 : memref<10240x128xf32, #tpu.memory_space<hbm>>) target(%dma_start3A_248 : memref<128x128xf32, #tpu.memory_space<vmem>>) offsets(%dma_start3A_251 : memref<128xi32, #tpu.memory_space<vmem>>) semaphore(%arg14 : memref<!tpu.dma_semaphore, #tpu.memory_space<semaphore_mem>>)
      } else {
      }
      %add3A_210 = arith.constant 2 : i32
      %add3A_211 = arith.addi %add3A_194, %add3A_210 : i32
      %lt3A_212 = arith.constant 80 : i32
      %lt3A_213 = arith.cmpi slt, %add3A_211, %lt3A_212 : i32
      %convert_element_type3A_214 = arith.extui %lt3A_213 : i1 to i32
      %cond3A_215 = arith.constant 0 : i32
      %cond3A_216 = arith.cmpi ne, %convert_element_type3A_214, %cond3A_215 : i32
      scf.if %cond3A_216 {
        %add3A_242 = arith.constant 2 : i32
        %add3A_243 = arith.addi %add3A_194, %add3A_242 : i32
        %dma_start3A_244 = arith.constant 0 : i32
        %dma_start3A_245 = tpu.memref_slice %arg4[%add3A, %add3A_243, %dma_start3A_244] : memref<32x80x128xi32, #tpu.memory_space<hbm>> -> memref<1x1x128xi32, #tpu.memory_space<hbm>>
        %dma_start3A_246 = tpu.memref_squeeze %dma_start3A_245 : memref<1x1x128xi32, #tpu.memory_space<hbm>> -> memref<128xi32, #tpu.memory_space<hbm>>
        %dma_start3A_247 = arith.constant 0 : i32
        %dma_start3A_248 = tpu.memref_slice %arg4[%add3A, %add3A_243, %dma_start3A_247] : memref<32x80x128xi32, #tpu.memory_space<hbm>> -> memref<1x1x128xi32, #tpu.memory_space<hbm>>
        %dma_start3A_249 = tpu.memref_squeeze %dma_start3A_248 : memref<1x1x128xi32, #tpu.memory_space<hbm>> -> memref<128xi32, #tpu.memory_space<hbm>>
        tpu.enqueue_dma source(%dma_start3A_249 : memref<128xi32, #tpu.memory_space<hbm>>) target(%arg9 : memref<128xi32, #tpu.memory_space<vmem>>) target_semaphore(%arg19 : memref<!tpu.dma_semaphore, #tpu.memory_space<semaphore_mem>>)
      } else {
      }
      %dma_wait3A_217 = arith.constant 1 : i32
      %dma_wait3A_218 = arith.constant 0 : i32
      %dma_wait3A_219 = arith.constant 0 : i32
      %dma_wait3A_220 = tpu.memref_slice %arg12[%dma_wait3A_217, %dma_wait3A_218, %dma_wait3A_219] : memref<2x128x128xf32, #tpu.memory_space<vmem>> -> memref<1x128x128xf32, #tpu.memory_space<vmem>>
      %dma_wait3A_221 = tpu.memref_squeeze %dma_wait3A_220 : memref<1x128x128xf32, #tpu.memory_space<vmem>> -> memref<128x128xf32, #tpu.memory_space<vmem>>
      %dma_wait3A_222 = arith.constant 0 : i32
      %dma_wait3A_223 = tpu.memref_slice %arg7[%add3A_194, %dma_wait3A_222] : memref<80x128xi32, #tpu.memory_space<vmem>> -> memref<1x128xi32, #tpu.memory_space<vmem>>
      %dma_wait3A_224 = tpu.memref_squeeze %dma_wait3A_223 : memref<1x128xi32, #tpu.memory_space<vmem>> -> memref<128xi32, #tpu.memory_space<vmem>>
      %dma_wait3A_225 = arith.constant 0 : i32
      %dma_wait3A_226 = arith.constant 0 : i32
      %dma_wait3A_227 = tpu.memref_slice %arg2[%dma_wait3A_225, %dma_wait3A_226] : memref<10240x128xf32, #tpu.memory_space<hbm>> -> memref<10240x128xf32, #tpu.memory_space<hbm>>
      tpu.wait_indirect_dma semaphore(%arg15 : memref<!tpu.dma_semaphore, #tpu.memory_space<semaphore_mem>>) src(%dma_wait3A_227 : memref<10240x128xf32, #tpu.memory_space<hbm>>) dst(%dma_wait3A_221 : memref<128x128xf32, #tpu.memory_space<vmem>>)
      %dma_wait3A_228 = arith.constant 0 : i32
      %dma_wait3A_229 = tpu.memref_slice %arg4[%add3A, %add3A_194, %dma_wait3A_228] : memref<32x80x128xi32, #tpu.memory_space<hbm>> -> memref<1x1x128xi32, #tpu.memory_space<hbm>>
      %dma_wait3A_230 = tpu.memref_squeeze %dma_wait3A_229 : memref<1x1x128xi32, #tpu.memory_space<hbm>> -> memref<128xi32, #tpu.memory_space<hbm>>
      %dma_wait3A_231 = arith.constant 0 : i32
      %dma_wait3A_232 = tpu.memref_slice %arg4[%add3A, %add3A_194, %dma_wait3A_231] : memref<32x80x128xi32, #tpu.memory_space<hbm>> -> memref<1x1x128xi32, #tpu.memory_space<hbm>>
      %dma_wait3A_233 = tpu.memref_squeeze %dma_wait3A_232 : memref<1x1x128xi32, #tpu.memory_space<hbm>> -> memref<128xi32, #tpu.memory_space<hbm>>
      tpu.wait_dma2 semaphore(%arg21 : memref<!tpu.dma_semaphore, #tpu.memory_space<semaphore_mem>>) src(%dma_wait3A_233 : memref<128xi32, #tpu.memory_space<hbm>>) dst(%arg11 : memref<128xi32, #tpu.memory_space<vmem>>)
      %dma_start3A_234 = arith.constant 1 : i32
      %dma_start3A_235 = arith.constant 0 : i32
      %dma_start3A_236 = arith.constant 0 : i32
      %dma_start3A_237 = tpu.memref_slice %arg12[%dma_start3A_234, %dma_start3A_235, %dma_start3A_236] : memref<2x128x128xf32, #tpu.memory_space<vmem>> -> memref<1x128x128xf32, #tpu.memory_space<vmem>>
      %dma_start3A_238 = tpu.memref_squeeze %dma_start3A_237 : memref<1x128x128xf32, #tpu.memory_space<vmem>> -> memref<128x128xf32, #tpu.memory_space<vmem>>
      %dma_start3A_239 = arith.constant 0 : i32
      %dma_start3A_240 = arith.constant 0 : i32
      %dma_start3A_241 = tpu.memref_slice %arg13[%dma_start3A_239, %dma_start3A_240] : memref<10240x128xf32, #tpu.memory_space<vmem_shared>> -> memref<10240x128xf32, #tpu.memory_space<vmem_shared>>
      tpu.enqueue_indirect_dma source(%dma_start3A_238 : memref<128x128xf32, #tpu.memory_space<vmem>>) target(%dma_start3A_241 : memref<10240x128xf32, #tpu.memory_space<vmem_shared>>) offsets(%arg11 : memref<128xi32, #tpu.memory_space<vmem>>) semaphore(%arg17 : memref<!tpu.dma_semaphore, #tpu.memory_space<semaphore_mem>>) {add = true}
    }
    %scan3A_31 = arith.constant 20 : i32
    %dma_wait3A = arith.constant 1 : i32
    %dma_wait3A_32 = arith.constant 0 : i32
    %dma_wait3A_33 = arith.constant 0 : i32
    %dma_wait3A_34 = tpu.memref_slice %arg12[%dma_wait3A, %dma_wait3A_32, %dma_wait3A_33] : memref<2x128x128xf32, #tpu.memory_space<vmem>> -> memref<1x128x128xf32, #tpu.memory_space<vmem>>
    %dma_wait3A_35 = tpu.memref_squeeze %dma_wait3A_34 : memref<1x128x128xf32, #tpu.memory_space<vmem>> -> memref<128x128xf32, #tpu.memory_space<vmem>>
    %dma_wait3A_36 = arith.constant 0 : i32
    %dma_wait3A_37 = arith.constant 0 : i32
    %dma_wait3A_38 = tpu.memref_slice %arg13[%dma_wait3A_36, %dma_wait3A_37] : memref<10240x128xf32, #tpu.memory_space<vmem_shared>> -> memref<10240x128xf32, #tpu.memory_space<vmem_shared>>
    tpu.wait_indirect_dma semaphore(%arg17 : memref<!tpu.dma_semaphore, #tpu.memory_space<semaphore_mem>>) src(%dma_wait3A_35 : memref<128x128xf32, #tpu.memory_space<vmem>>) dst(%dma_wait3A_38 : memref<10240x128xf32, #tpu.memory_space<vmem_shared>>)
    %barrier3A_39 = arith.constant 0 : index
    tpu.barrier barrier_id(%barrier3A_39)
    "tpu.region"() ({
      %run_scoped3A = tpu.sem_alloc : memref<!tpu.dma_semaphore, #tpu.memory_space<semaphore_mem>>
      %dma_start3A_40 = arith.constant 0 : i32
      %dma_start3A_41 = tpu.memref_slice %arg6[%arg0, %mul3A_2, %dma_start3A_40] : memref<2x10240x128xf32, #tpu.memory_space<hbm>> -> memref<1x640x128xf32, #tpu.memory_space<hbm>>
      %dma_start3A_42 = tpu.memref_squeeze %dma_start3A_41 : memref<1x640x128xf32, #tpu.memory_space<hbm>> -> memref<640x128xf32, #tpu.memory_space<hbm>>
      %dma_start3A_43 = arith.constant 0 : i32
      %dma_start3A_44 = tpu.memref_slice %arg13[%mul3A_2, %dma_start3A_43] : memref<10240x128xf32, #tpu.memory_space<vmem_shared>> -> memref<640x128xf32, #tpu.memory_space<vmem_shared>>
      tpu.enqueue_dma source(%dma_start3A_44 : memref<640x128xf32, #tpu.memory_space<vmem_shared>>) target(%dma_start3A_42 : memref<640x128xf32, #tpu.memory_space<hbm>>) target_semaphore(%run_scoped3A : memref<!tpu.dma_semaphore, #tpu.memory_space<semaphore_mem>>)
      %dma_wait3A_45 = arith.constant 0 : i32
      %dma_wait3A_46 = tpu.memref_slice %arg6[%arg0, %mul3A_2, %dma_wait3A_45] : memref<2x10240x128xf32, #tpu.memory_space<hbm>> -> memref<1x640x128xf32, #tpu.memory_space<hbm>>
      %dma_wait3A_47 = tpu.memref_squeeze %dma_wait3A_46 : memref<1x640x128xf32, #tpu.memory_space<hbm>> -> memref<640x128xf32, #tpu.memory_space<hbm>>
      %dma_wait3A_48 = arith.constant 0 : i32
      %dma_wait3A_49 = tpu.memref_slice %arg13[%mul3A_2, %dma_wait3A_48] : memref<10240x128xf32, #tpu.memory_space<vmem_shared>> -> memref<640x128xf32, #tpu.memory_space<vmem_shared>>
      tpu.wait_dma2 semaphore(%run_scoped3A : memref<!tpu.dma_semaphore, #tpu.memory_space<semaphore_mem>>) src(%dma_wait3A_49 : memref<640x128xf32, #tpu.memory_space<vmem_shared>>) dst(%dma_wait3A_47 : memref<640x128xf32, #tpu.memory_space<hbm>>)
      tpu.yield
    }) : () -> ()
    return
  }
}

#map = affine_map<(d0, d1) -> (0, 0, 0)>
#map1 = affine_map<(d0, d1) -> (0, 0)>
module attributes {stable_mosaic.version = 14 : i64} {
  func.func @k(%arg0: i32, %arg1: i32, %arg2: memref<32x80x128xi32, #tpu.memory_space<hbm>>, %arg3: memref<128x128xf32, #tpu.memory_space<hbm>>, %arg4: memref<10240x128xf32, #tpu.memory_space<hbm>>, %arg5: memref<2x10240x128xf32, #tpu.memory_space<hbm>>, %arg6: memref<80x128xi32, #tpu.memory_space<vmem>>, %arg7: memref<128x128xf32, #tpu.memory_space<vmem>>, %arg8: memref<10240x128xf32, #tpu.memory_space<vmem_shared>>, %arg9: memref<!tpu.dma_semaphore, #tpu.memory_space<semaphore_mem>>, %arg10: memref<!tpu.dma_semaphore, #tpu.memory_space<semaphore_mem>>) attributes {dimension_semantics = [#tpu.dimension_semantics<core_parallel>, #tpu.dimension_semantics<subcore_parallel>], iteration_bounds = array<i64: 2, 16>, scalar_prefetch = 0 : i64, scratch_operands = 5 : i64, tpu.core_type = #tpu.core_type<sc_vector_subcore>, window_params = [{transform_indices = #map}, {transform_indices = #map1}, {transform_indices = #map1}, {transform_indices = #map}]} {
    %mul3A = arith.constant 16 : i32
    %mul3A_0 = arith.muli %arg0, %mul3A : i32
    %add3A = arith.addi %mul3A_0, %arg1 : i32
    %mul3A_1 = arith.constant 640 : i32
    %mul3A_2 = arith.muli %arg1, %mul3A_1 : i32
    "tpu.region"() ({
      %run_scoped3A = tpu.sem_alloc : memref<!tpu.dma_semaphore, #tpu.memory_space<semaphore_mem>>
      %dma_start3A_34 = arith.constant 0 : i32
      %dma_start3A_35 = tpu.memref_slice %arg8[%mul3A_2, %dma_start3A_34] : memref<10240x128xf32, #tpu.memory_space<vmem_shared>> -> memref<640x128xf32, #tpu.memory_space<vmem_shared>>
      %dma_start3A_36 = arith.constant 0 : i32
      %dma_start3A_37 = tpu.memref_slice %arg4[%mul3A_2, %dma_start3A_36] : memref<10240x128xf32, #tpu.memory_space<hbm>> -> memref<640x128xf32, #tpu.memory_space<hbm>>
      tpu.enqueue_dma source(%dma_start3A_37 : memref<640x128xf32, #tpu.memory_space<hbm>>) target(%dma_start3A_35 : memref<640x128xf32, #tpu.memory_space<vmem_shared>>) target_semaphore(%run_scoped3A : memref<!tpu.dma_semaphore, #tpu.memory_space<semaphore_mem>>)
      %dma_wait3A_38 = arith.constant 0 : i32
      %dma_wait3A_39 = tpu.memref_slice %arg8[%mul3A_2, %dma_wait3A_38] : memref<10240x128xf32, #tpu.memory_space<vmem_shared>> -> memref<640x128xf32, #tpu.memory_space<vmem_shared>>
      %dma_wait3A_40 = arith.constant 0 : i32
      %dma_wait3A_41 = tpu.memref_slice %arg4[%mul3A_2, %dma_wait3A_40] : memref<10240x128xf32, #tpu.memory_space<hbm>> -> memref<640x128xf32, #tpu.memory_space<hbm>>
      tpu.wait_dma2 semaphore(%run_scoped3A : memref<!tpu.dma_semaphore, #tpu.memory_space<semaphore_mem>>) src(%dma_wait3A_41 : memref<640x128xf32, #tpu.memory_space<hbm>>) dst(%dma_wait3A_39 : memref<640x128xf32, #tpu.memory_space<vmem_shared>>)
      tpu.yield
    }) : () -> ()
    "tpu.region"() ({
      %run_scoped3A = tpu.sem_alloc : memref<!tpu.dma_semaphore, #tpu.memory_space<semaphore_mem>>
      tpu.enqueue_dma source(%arg3 : memref<128x128xf32, #tpu.memory_space<hbm>>) target(%arg7 : memref<128x128xf32, #tpu.memory_space<vmem>>) target_semaphore(%run_scoped3A : memref<!tpu.dma_semaphore, #tpu.memory_space<semaphore_mem>>)
      tpu.wait_dma2 semaphore(%run_scoped3A : memref<!tpu.dma_semaphore, #tpu.memory_space<semaphore_mem>>) src(%arg3 : memref<128x128xf32, #tpu.memory_space<hbm>>) dst(%arg7 : memref<128x128xf32, #tpu.memory_space<vmem>>)
      tpu.yield
    }) : () -> ()
    "tpu.region"() ({
      %run_scoped3A = tpu.sem_alloc : memref<!tpu.dma_semaphore, #tpu.memory_space<semaphore_mem>>
      %dma_start3A_34 = arith.constant 0 : i32
      %dma_start3A_35 = arith.constant 0 : i32
      %dma_start3A_36 = tpu.memref_slice %arg2[%add3A, %dma_start3A_34, %dma_start3A_35] : memref<32x80x128xi32, #tpu.memory_space<hbm>> -> memref<1x80x128xi32, #tpu.memory_space<hbm>>
      %dma_start3A_37 = tpu.memref_squeeze %dma_start3A_36 : memref<1x80x128xi32, #tpu.memory_space<hbm>> -> memref<80x128xi32, #tpu.memory_space<hbm>>
      %dma_start3A_38 = arith.constant 0 : i32
      %dma_start3A_39 = arith.constant 0 : i32
      %dma_start3A_40 = tpu.memref_slice %arg2[%add3A, %dma_start3A_38, %dma_start3A_39] : memref<32x80x128xi32, #tpu.memory_space<hbm>> -> memref<1x80x128xi32, #tpu.memory_space<hbm>>
      %dma_start3A_41 = tpu.memref_squeeze %dma_start3A_40 : memref<1x80x128xi32, #tpu.memory_space<hbm>> -> memref<80x128xi32, #tpu.memory_space<hbm>>
      tpu.enqueue_dma source(%dma_start3A_41 : memref<80x128xi32, #tpu.memory_space<hbm>>) target(%arg6 : memref<80x128xi32, #tpu.memory_space<vmem>>) target_semaphore(%run_scoped3A : memref<!tpu.dma_semaphore, #tpu.memory_space<semaphore_mem>>)
      %dma_wait3A_42 = arith.constant 0 : i32
      %dma_wait3A_43 = arith.constant 0 : i32
      %dma_wait3A_44 = tpu.memref_slice %arg2[%add3A, %dma_wait3A_42, %dma_wait3A_43] : memref<32x80x128xi32, #tpu.memory_space<hbm>> -> memref<1x80x128xi32, #tpu.memory_space<hbm>>
      %dma_wait3A_45 = tpu.memref_squeeze %dma_wait3A_44 : memref<1x80x128xi32, #tpu.memory_space<hbm>> -> memref<80x128xi32, #tpu.memory_space<hbm>>
      %dma_wait3A_46 = arith.constant 0 : i32
      %dma_wait3A_47 = arith.constant 0 : i32
      %dma_wait3A_48 = tpu.memref_slice %arg2[%add3A, %dma_wait3A_46, %dma_wait3A_47] : memref<32x80x128xi32, #tpu.memory_space<hbm>> -> memref<1x80x128xi32, #tpu.memory_space<hbm>>
      %dma_wait3A_49 = tpu.memref_squeeze %dma_wait3A_48 : memref<1x80x128xi32, #tpu.memory_space<hbm>> -> memref<80x128xi32, #tpu.memory_space<hbm>>
      tpu.wait_dma2 semaphore(%run_scoped3A : memref<!tpu.dma_semaphore, #tpu.memory_space<semaphore_mem>>) src(%dma_wait3A_49 : memref<80x128xi32, #tpu.memory_space<hbm>>) dst(%arg6 : memref<80x128xi32, #tpu.memory_space<vmem>>)
      tpu.yield
    }) : () -> ()
    %barrier3A = arith.constant 0 : index
    tpu.barrier barrier_id(%barrier3A)
    %dma_start3A = arith.constant 0 : i32
    %dma_start3A_3 = arith.constant 0 : i32
    %dma_start3A_4 = tpu.memref_slice %arg6[%dma_start3A, %dma_start3A_3] : memref<80x128xi32, #tpu.memory_space<vmem>> -> memref<1x128xi32, #tpu.memory_space<vmem>>
    %dma_start3A_5 = tpu.memref_squeeze %dma_start3A_4 : memref<1x128xi32, #tpu.memory_space<vmem>> -> memref<128xi32, #tpu.memory_space<vmem>>
    %dma_start3A_6 = arith.constant 0 : i32
    %dma_start3A_7 = arith.constant 0 : i32
    %dma_start3A_8 = tpu.memref_slice %arg8[%dma_start3A_6, %dma_start3A_7] : memref<10240x128xf32, #tpu.memory_space<vmem_shared>> -> memref<10240x128xf32, #tpu.memory_space<vmem_shared>>
    tpu.enqueue_indirect_dma source(%arg7 : memref<128x128xf32, #tpu.memory_space<vmem>>) target(%dma_start3A_8 : memref<10240x128xf32, #tpu.memory_space<vmem_shared>>) offsets(%dma_start3A_5 : memref<128xi32, #tpu.memory_space<vmem>>) semaphore(%arg9 : memref<!tpu.dma_semaphore, #tpu.memory_space<semaphore_mem>>) {add = true}
    %dma_start3A_9 = arith.constant 1 : i32
    %dma_start3A_10 = arith.constant 0 : i32
    %dma_start3A_11 = tpu.memref_slice %arg6[%dma_start3A_9, %dma_start3A_10] : memref<80x128xi32, #tpu.memory_space<vmem>> -> memref<1x128xi32, #tpu.memory_space<vmem>>
    %dma_start3A_12 = tpu.memref_squeeze %dma_start3A_11 : memref<1x128xi32, #tpu.memory_space<vmem>> -> memref<128xi32, #tpu.memory_space<vmem>>
    %dma_start3A_13 = arith.constant 0 : i32
    %dma_start3A_14 = arith.constant 0 : i32
    %dma_start3A_15 = tpu.memref_slice %arg8[%dma_start3A_13, %dma_start3A_14] : memref<10240x128xf32, #tpu.memory_space<vmem_shared>> -> memref<10240x128xf32, #tpu.memory_space<vmem_shared>>
    tpu.enqueue_indirect_dma source(%arg7 : memref<128x128xf32, #tpu.memory_space<vmem>>) target(%dma_start3A_15 : memref<10240x128xf32, #tpu.memory_space<vmem_shared>>) offsets(%dma_start3A_12 : memref<128xi32, #tpu.memory_space<vmem>>) semaphore(%arg10 : memref<!tpu.dma_semaphore, #tpu.memory_space<semaphore_mem>>) {add = true}
    %scan3A = arith.constant 0 : i32
    %scan3A_16 = arith.constant 39 : i32
    %scan3A_17 = arith.addi %scan3A, %scan3A_16 : i32
    %scan3A_18 = arith.constant 1 : i32
    scf.for %scan3A_34 = %scan3A to %scan3A_17 step %scan3A_18  : i32 {
      %mul3A_35 = arith.constant 1 : i32
      %mul3A_36 = arith.muli %scan3A_34, %mul3A_35 : i32
      %add3A_37 = arith.constant 1 : i32
      %add3A_38 = arith.addi %add3A_37, %mul3A_36 : i32
      %mul3A_39 = arith.constant 2 : i32
      %mul3A_40 = arith.muli %mul3A_39, %add3A_38 : i32
      %add3A_41 = arith.constant 0 : i32
      %add3A_42 = arith.addi %mul3A_40, %add3A_41 : i32
      %sub3A = arith.constant 2 : i32
      %sub3A_43 = arith.subi %add3A_42, %sub3A : i32
      %dma_wait3A_44 = arith.constant 0 : i32
      %dma_wait3A_45 = tpu.memref_slice %arg6[%sub3A_43, %dma_wait3A_44] : memref<80x128xi32, #tpu.memory_space<vmem>> -> memref<1x128xi32, #tpu.memory_space<vmem>>
      %dma_wait3A_46 = tpu.memref_squeeze %dma_wait3A_45 : memref<1x128xi32, #tpu.memory_space<vmem>> -> memref<128xi32, #tpu.memory_space<vmem>>
      %dma_wait3A_47 = arith.constant 0 : i32
      %dma_wait3A_48 = arith.constant 0 : i32
      %dma_wait3A_49 = tpu.memref_slice %arg8[%dma_wait3A_47, %dma_wait3A_48] : memref<10240x128xf32, #tpu.memory_space<vmem_shared>> -> memref<10240x128xf32, #tpu.memory_space<vmem_shared>>
      tpu.wait_indirect_dma semaphore(%arg9 : memref<!tpu.dma_semaphore, #tpu.memory_space<semaphore_mem>>) src(%arg7 : memref<128x128xf32, #tpu.memory_space<vmem>>) dst(%dma_wait3A_49 : memref<10240x128xf32, #tpu.memory_space<vmem_shared>>)
      %dma_start3A_50 = arith.constant 0 : i32
      %dma_start3A_51 = tpu.memref_slice %arg6[%add3A_42, %dma_start3A_50] : memref<80x128xi32, #tpu.memory_space<vmem>> -> memref<1x128xi32, #tpu.memory_space<vmem>>
      %dma_start3A_52 = tpu.memref_squeeze %dma_start3A_51 : memref<1x128xi32, #tpu.memory_space<vmem>> -> memref<128xi32, #tpu.memory_space<vmem>>
      %dma_start3A_53 = arith.constant 0 : i32
      %dma_start3A_54 = arith.constant 0 : i32
      %dma_start3A_55 = tpu.memref_slice %arg8[%dma_start3A_53, %dma_start3A_54] : memref<10240x128xf32, #tpu.memory_space<vmem_shared>> -> memref<10240x128xf32, #tpu.memory_space<vmem_shared>>
      tpu.enqueue_indirect_dma source(%arg7 : memref<128x128xf32, #tpu.memory_space<vmem>>) target(%dma_start3A_55 : memref<10240x128xf32, #tpu.memory_space<vmem_shared>>) offsets(%dma_start3A_52 : memref<128xi32, #tpu.memory_space<vmem>>) semaphore(%arg9 : memref<!tpu.dma_semaphore, #tpu.memory_space<semaphore_mem>>) {add = true}
      %mul3A_56 = arith.constant 2 : i32
      %mul3A_57 = arith.muli %mul3A_56, %add3A_38 : i32
      %add3A_58 = arith.constant 1 : i32
      %add3A_59 = arith.addi %mul3A_57, %add3A_58 : i32
      %sub3A_60 = arith.constant 2 : i32
      %sub3A_61 = arith.subi %add3A_59, %sub3A_60 : i32
      %dma_wait3A_62 = arith.constant 0 : i32
      %dma_wait3A_63 = tpu.memref_slice %arg6[%sub3A_61, %dma_wait3A_62] : memref<80x128xi32, #tpu.memory_space<vmem>> -> memref<1x128xi32, #tpu.memory_space<vmem>>
      %dma_wait3A_64 = tpu.memref_squeeze %dma_wait3A_63 : memref<1x128xi32, #tpu.memory_space<vmem>> -> memref<128xi32, #tpu.memory_space<vmem>>
      %dma_wait3A_65 = arith.constant 0 : i32
      %dma_wait3A_66 = arith.constant 0 : i32
      %dma_wait3A_67 = tpu.memref_slice %arg8[%dma_wait3A_65, %dma_wait3A_66] : memref<10240x128xf32, #tpu.memory_space<vmem_shared>> -> memref<10240x128xf32, #tpu.memory_space<vmem_shared>>
      tpu.wait_indirect_dma semaphore(%arg10 : memref<!tpu.dma_semaphore, #tpu.memory_space<semaphore_mem>>) src(%arg7 : memref<128x128xf32, #tpu.memory_space<vmem>>) dst(%dma_wait3A_67 : memref<10240x128xf32, #tpu.memory_space<vmem_shared>>)
      %dma_start3A_68 = arith.constant 0 : i32
      %dma_start3A_69 = tpu.memref_slice %arg6[%add3A_59, %dma_start3A_68] : memref<80x128xi32, #tpu.memory_space<vmem>> -> memref<1x128xi32, #tpu.memory_space<vmem>>
      %dma_start3A_70 = tpu.memref_squeeze %dma_start3A_69 : memref<1x128xi32, #tpu.memory_space<vmem>> -> memref<128xi32, #tpu.memory_space<vmem>>
      %dma_start3A_71 = arith.constant 0 : i32
      %dma_start3A_72 = arith.constant 0 : i32
      %dma_start3A_73 = tpu.memref_slice %arg8[%dma_start3A_71, %dma_start3A_72] : memref<10240x128xf32, #tpu.memory_space<vmem_shared>> -> memref<10240x128xf32, #tpu.memory_space<vmem_shared>>
      tpu.enqueue_indirect_dma source(%arg7 : memref<128x128xf32, #tpu.memory_space<vmem>>) target(%dma_start3A_73 : memref<10240x128xf32, #tpu.memory_space<vmem_shared>>) offsets(%dma_start3A_70 : memref<128xi32, #tpu.memory_space<vmem>>) semaphore(%arg10 : memref<!tpu.dma_semaphore, #tpu.memory_space<semaphore_mem>>) {add = true}
    }
    %scan3A_19 = arith.constant 39 : i32
    %dma_wait3A = arith.constant 78 : i32
    %dma_wait3A_20 = arith.constant 0 : i32
    %dma_wait3A_21 = tpu.memref_slice %arg6[%dma_wait3A, %dma_wait3A_20] : memref<80x128xi32, #tpu.memory_space<vmem>> -> memref<1x128xi32, #tpu.memory_space<vmem>>
    %dma_wait3A_22 = tpu.memref_squeeze %dma_wait3A_21 : memref<1x128xi32, #tpu.memory_space<vmem>> -> memref<128xi32, #tpu.memory_space<vmem>>
    %dma_wait3A_23 = arith.constant 0 : i32
    %dma_wait3A_24 = arith.constant 0 : i32
    %dma_wait3A_25 = tpu.memref_slice %arg8[%dma_wait3A_23, %dma_wait3A_24] : memref<10240x128xf32, #tpu.memory_space<vmem_shared>> -> memref<10240x128xf32, #tpu.memory_space<vmem_shared>>
    tpu.wait_indirect_dma semaphore(%arg9 : memref<!tpu.dma_semaphore, #tpu.memory_space<semaphore_mem>>) src(%arg7 : memref<128x128xf32, #tpu.memory_space<vmem>>) dst(%dma_wait3A_25 : memref<10240x128xf32, #tpu.memory_space<vmem_shared>>)
    %dma_wait3A_26 = arith.constant 79 : i32
    %dma_wait3A_27 = arith.constant 0 : i32
    %dma_wait3A_28 = tpu.memref_slice %arg6[%dma_wait3A_26, %dma_wait3A_27] : memref<80x128xi32, #tpu.memory_space<vmem>> -> memref<1x128xi32, #tpu.memory_space<vmem>>
    %dma_wait3A_29 = tpu.memref_squeeze %dma_wait3A_28 : memref<1x128xi32, #tpu.memory_space<vmem>> -> memref<128xi32, #tpu.memory_space<vmem>>
    %dma_wait3A_30 = arith.constant 0 : i32
    %dma_wait3A_31 = arith.constant 0 : i32
    %dma_wait3A_32 = tpu.memref_slice %arg8[%dma_wait3A_30, %dma_wait3A_31] : memref<10240x128xf32, #tpu.memory_space<vmem_shared>> -> memref<10240x128xf32, #tpu.memory_space<vmem_shared>>
    tpu.wait_indirect_dma semaphore(%arg10 : memref<!tpu.dma_semaphore, #tpu.memory_space<semaphore_mem>>) src(%arg7 : memref<128x128xf32, #tpu.memory_space<vmem>>) dst(%dma_wait3A_32 : memref<10240x128xf32, #tpu.memory_space<vmem_shared>>)
    %barrier3A_33 = arith.constant 0 : index
    tpu.barrier barrier_id(%barrier3A_33)
    "tpu.region"() ({
      %run_scoped3A = tpu.sem_alloc : memref<!tpu.dma_semaphore, #tpu.memory_space<semaphore_mem>>
      %dma_start3A_34 = arith.constant 0 : i32
      %dma_start3A_35 = tpu.memref_slice %arg5[%arg0, %mul3A_2, %dma_start3A_34] : memref<2x10240x128xf32, #tpu.memory_space<hbm>> -> memref<1x640x128xf32, #tpu.memory_space<hbm>>
      %dma_start3A_36 = tpu.memref_squeeze %dma_start3A_35 : memref<1x640x128xf32, #tpu.memory_space<hbm>> -> memref<640x128xf32, #tpu.memory_space<hbm>>
      %dma_start3A_37 = arith.constant 0 : i32
      %dma_start3A_38 = tpu.memref_slice %arg8[%mul3A_2, %dma_start3A_37] : memref<10240x128xf32, #tpu.memory_space<vmem_shared>> -> memref<640x128xf32, #tpu.memory_space<vmem_shared>>
      tpu.enqueue_dma source(%dma_start3A_38 : memref<640x128xf32, #tpu.memory_space<vmem_shared>>) target(%dma_start3A_36 : memref<640x128xf32, #tpu.memory_space<hbm>>) target_semaphore(%run_scoped3A : memref<!tpu.dma_semaphore, #tpu.memory_space<semaphore_mem>>)
      %dma_wait3A_39 = arith.constant 0 : i32
      %dma_wait3A_40 = tpu.memref_slice %arg5[%arg0, %mul3A_2, %dma_wait3A_39] : memref<2x10240x128xf32, #tpu.memory_space<hbm>> -> memref<1x640x128xf32, #tpu.memory_space<hbm>>
      %dma_wait3A_41 = tpu.memref_squeeze %dma_wait3A_40 : memref<1x640x128xf32, #tpu.memory_space<hbm>> -> memref<640x128xf32, #tpu.memory_space<hbm>>
      %dma_wait3A_42 = arith.constant 0 : i32
      %dma_wait3A_43 = tpu.memref_slice %arg8[%mul3A_2, %dma_wait3A_42] : memref<10240x128xf32, #tpu.memory_space<vmem_shared>> -> memref<640x128xf32, #tpu.memory_space<vmem_shared>>
      tpu.wait_dma2 semaphore(%run_scoped3A : memref<!tpu.dma_semaphore, #tpu.memory_space<semaphore_mem>>) src(%dma_wait3A_43 : memref<640x128xf32, #tpu.memory_space<vmem_shared>>) dst(%dma_wait3A_41 : memref<640x128xf32, #tpu.memory_space<hbm>>)
      tpu.yield
    }) : () -> ()
    return
  }
}

#map = affine_map<(d0, d1) -> (0, 0)>
#map1 = affine_map<(d0, d1) -> (0, 0, 0)>
module attributes {stable_mosaic.version = 14 : i64} {
  func.func @k(%arg0: i32, %arg1: i32, %arg2: memref<10240x128xf32, #tpu.memory_space<hbm>>, %arg3: memref<32x80x128xi32, #tpu.memory_space<hbm>>, %arg4: memref<32x80x128xi32, #tpu.memory_space<hbm>>, %arg5: memref<10240x128xf32, #tpu.memory_space<hbm>>, %arg6: memref<2x10240x128xf32, #tpu.memory_space<hbm>>, %arg7: memref<80x128xi32, #tpu.memory_space<vmem>>, %arg8: memref<128xi32, #tpu.memory_space<vmem>>, %arg9: memref<128xi32, #tpu.memory_space<vmem>>, %arg10: memref<128xi32, #tpu.memory_space<vmem>>, %arg11: memref<128xi32, #tpu.memory_space<vmem>>, %arg12: memref<2x128x128xf32, #tpu.memory_space<vmem>>, %arg13: memref<10240x128xf32, #tpu.memory_space<vmem_shared>>, %arg14: memref<!tpu.dma_semaphore, #tpu.memory_space<semaphore_mem>>, %arg15: memref<!tpu.dma_semaphore, #tpu.memory_space<semaphore_mem>>, %arg16: memref<!tpu.dma_semaphore, #tpu.memory_space<semaphore_mem>>, %arg17: memref<!tpu.dma_semaphore, #tpu.memory_space<semaphore_mem>>, %arg18: memref<!tpu.dma_semaphore, #tpu.memory_space<semaphore_mem>>, %arg19: memref<!tpu.dma_semaphore, #tpu.memory_space<semaphore_mem>>, %arg20: memref<!tpu.dma_semaphore, #tpu.memory_space<semaphore_mem>>, %arg21: memref<!tpu.dma_semaphore, #tpu.memory_space<semaphore_mem>>) attributes {dimension_semantics = [#tpu.dimension_semantics<core_parallel>, #tpu.dimension_semantics<subcore_parallel>], iteration_bounds = array<i64: 2, 16>, scalar_prefetch = 0 : i64, scratch_operands = 15 : i64, tpu.core_type = #tpu.core_type<sc_vector_subcore>, window_params = [{transform_indices = #map}, {transform_indices = #map1}, {transform_indices = #map1}, {transform_indices = #map}, {transform_indices = #map1}]} {
    %mul3A = arith.constant 16 : i32
    %mul3A_0 = arith.muli %arg0, %mul3A : i32
    %add3A = arith.addi %mul3A_0, %arg1 : i32
    %mul3A_1 = arith.constant 640 : i32
    %mul3A_2 = arith.muli %arg1, %mul3A_1 : i32
    "tpu.region"() ({
      %run_scoped3A = tpu.sem_alloc : memref<!tpu.dma_semaphore, #tpu.memory_space<semaphore_mem>>
      %dma_start3A_40 = arith.constant 0 : i32
      %dma_start3A_41 = tpu.memref_slice %arg13[%mul3A_2, %dma_start3A_40] : memref<10240x128xf32, #tpu.memory_space<vmem_shared>> -> memref<640x128xf32, #tpu.memory_space<vmem_shared>>
      %dma_start3A_42 = arith.constant 0 : i32
      %dma_start3A_43 = tpu.memref_slice %arg5[%mul3A_2, %dma_start3A_42] : memref<10240x128xf32, #tpu.memory_space<hbm>> -> memref<640x128xf32, #tpu.memory_space<hbm>>
      tpu.enqueue_dma source(%dma_start3A_43 : memref<640x128xf32, #tpu.memory_space<hbm>>) target(%dma_start3A_41 : memref<640x128xf32, #tpu.memory_space<vmem_shared>>) target_semaphore(%run_scoped3A : memref<!tpu.dma_semaphore, #tpu.memory_space<semaphore_mem>>)
      %dma_wait3A_44 = arith.constant 0 : i32
      %dma_wait3A_45 = tpu.memref_slice %arg13[%mul3A_2, %dma_wait3A_44] : memref<10240x128xf32, #tpu.memory_space<vmem_shared>> -> memref<640x128xf32, #tpu.memory_space<vmem_shared>>
      %dma_wait3A_46 = arith.constant 0 : i32
      %dma_wait3A_47 = tpu.memref_slice %arg5[%mul3A_2, %dma_wait3A_46] : memref<10240x128xf32, #tpu.memory_space<hbm>> -> memref<640x128xf32, #tpu.memory_space<hbm>>
      tpu.wait_dma2 semaphore(%run_scoped3A : memref<!tpu.dma_semaphore, #tpu.memory_space<semaphore_mem>>) src(%dma_wait3A_47 : memref<640x128xf32, #tpu.memory_space<hbm>>) dst(%dma_wait3A_45 : memref<640x128xf32, #tpu.memory_space<vmem_shared>>)
      tpu.yield
    }) : () -> ()
    "tpu.region"() ({
      %run_scoped3A = tpu.sem_alloc : memref<!tpu.dma_semaphore, #tpu.memory_space<semaphore_mem>>
      %dma_start3A_40 = arith.constant 0 : i32
      %dma_start3A_41 = arith.constant 0 : i32
      %dma_start3A_42 = tpu.memref_slice %arg3[%add3A, %dma_start3A_40, %dma_start3A_41] : memref<32x80x128xi32, #tpu.memory_space<hbm>> -> memref<1x80x128xi32, #tpu.memory_space<hbm>>
      %dma_start3A_43 = tpu.memref_squeeze %dma_start3A_42 : memref<1x80x128xi32, #tpu.memory_space<hbm>> -> memref<80x128xi32, #tpu.memory_space<hbm>>
      %dma_start3A_44 = arith.constant 0 : i32
      %dma_start3A_45 = arith.constant 0 : i32
      %dma_start3A_46 = tpu.memref_slice %arg3[%add3A, %dma_start3A_44, %dma_start3A_45] : memref<32x80x128xi32, #tpu.memory_space<hbm>> -> memref<1x80x128xi32, #tpu.memory_space<hbm>>
      %dma_start3A_47 = tpu.memref_squeeze %dma_start3A_46 : memref<1x80x128xi32, #tpu.memory_space<hbm>> -> memref<80x128xi32, #tpu.memory_space<hbm>>
      tpu.enqueue_dma source(%dma_start3A_47 : memref<80x128xi32, #tpu.memory_space<hbm>>) target(%arg7 : memref<80x128xi32, #tpu.memory_space<vmem>>) target_semaphore(%run_scoped3A : memref<!tpu.dma_semaphore, #tpu.memory_space<semaphore_mem>>)
      %dma_wait3A_48 = arith.constant 0 : i32
      %dma_wait3A_49 = arith.constant 0 : i32
      %dma_wait3A_50 = tpu.memref_slice %arg3[%add3A, %dma_wait3A_48, %dma_wait3A_49] : memref<32x80x128xi32, #tpu.memory_space<hbm>> -> memref<1x80x128xi32, #tpu.memory_space<hbm>>
      %dma_wait3A_51 = tpu.memref_squeeze %dma_wait3A_50 : memref<1x80x128xi32, #tpu.memory_space<hbm>> -> memref<80x128xi32, #tpu.memory_space<hbm>>
      %dma_wait3A_52 = arith.constant 0 : i32
      %dma_wait3A_53 = arith.constant 0 : i32
      %dma_wait3A_54 = tpu.memref_slice %arg3[%add3A, %dma_wait3A_52, %dma_wait3A_53] : memref<32x80x128xi32, #tpu.memory_space<hbm>> -> memref<1x80x128xi32, #tpu.memory_space<hbm>>
      %dma_wait3A_55 = tpu.memref_squeeze %dma_wait3A_54 : memref<1x80x128xi32, #tpu.memory_space<hbm>> -> memref<80x128xi32, #tpu.memory_space<hbm>>
      tpu.wait_dma2 semaphore(%run_scoped3A : memref<!tpu.dma_semaphore, #tpu.memory_space<semaphore_mem>>) src(%dma_wait3A_55 : memref<80x128xi32, #tpu.memory_space<hbm>>) dst(%arg7 : memref<80x128xi32, #tpu.memory_space<vmem>>)
      tpu.yield
    }) : () -> ()
    %barrier3A = arith.constant 0 : index
    tpu.barrier barrier_id(%barrier3A)
    %dma_start3A = arith.constant 0 : i32
    %dma_start3A_3 = arith.constant 0 : i32
    %dma_start3A_4 = arith.constant 0 : i32
    %dma_start3A_5 = arith.constant 0 : i32
    %dma_start3A_6 = tpu.memref_slice %arg12[%dma_start3A_3, %dma_start3A_4, %dma_start3A_5] : memref<2x128x128xf32, #tpu.memory_space<vmem>> -> memref<1x128x128xf32, #tpu.memory_space<vmem>>
    %dma_start3A_7 = tpu.memref_squeeze %dma_start3A_6 : memref<1x128x128xf32, #tpu.memory_space<vmem>> -> memref<128x128xf32, #tpu.memory_space<vmem>>
    %dma_start3A_8 = arith.constant 0 : i32
    %dma_start3A_9 = tpu.memref_slice %arg7[%dma_start3A, %dma_start3A_8] : memref<80x128xi32, #tpu.memory_space<vmem>> -> memref<1x128xi32, #tpu.memory_space<vmem>>
    %dma_start3A_10 = tpu.memref_squeeze %dma_start3A_9 : memref<1x128xi32, #tpu.memory_space<vmem>> -> memref<128xi32, #tpu.memory_space<vmem>>
    %dma_start3A_11 = arith.constant 0 : i32
    %dma_start3A_12 = arith.constant 0 : i32
    %dma_start3A_13 = tpu.memref_slice %arg2[%dma_start3A_11, %dma_start3A_12] : memref<10240x128xf32, #tpu.memory_space<hbm>> -> memref<10240x128xf32, #tpu.memory_space<hbm>>
    tpu.enqueue_indirect_dma source(%dma_start3A_13 : memref<10240x128xf32, #tpu.memory_space<hbm>>) target(%dma_start3A_7 : memref<128x128xf32, #tpu.memory_space<vmem>>) offsets(%dma_start3A_10 : memref<128xi32, #tpu.memory_space<vmem>>) semaphore(%arg14 : memref<!tpu.dma_semaphore, #tpu.memory_space<semaphore_mem>>)
    %dma_start3A_14 = arith.constant 0 : i32
    %dma_start3A_15 = arith.constant 0 : i32
    %dma_start3A_16 = tpu.memref_slice %arg4[%add3A, %dma_start3A_14, %dma_start3A_15] : memref<32x80x128xi32, #tpu.memory_space<hbm>> -> memref<1x1x128xi32, #tpu.memory_space<hbm>>
    %dma_start3A_17 = tpu.memref_squeeze %dma_start3A_16 : memref<1x1x128xi32, #tpu.memory_space<hbm>> -> memref<128xi32, #tpu.memory_space<hbm>>
    %dma_start3A_18 = arith.constant 0 : i32
    %dma_start3A_19 = tpu.memref_slice %arg4[%add3A, %dma_start3A_14, %dma_start3A_18] : memref<32x80x128xi32, #tpu.memory_space<hbm>> -> memref<1x1x128xi32, #tpu.memory_space<hbm>>
    %dma_start3A_20 = tpu.memref_squeeze %dma_start3A_19 : memref<1x1x128xi32, #tpu.memory_space<hbm>> -> memref<128xi32, #tpu.memory_space<hbm>>
    tpu.enqueue_dma source(%dma_start3A_20 : memref<128xi32, #tpu.memory_space<hbm>>) target(%arg8 : memref<128xi32, #tpu.memory_space<vmem>>) target_semaphore(%arg18 : memref<!tpu.dma_semaphore, #tpu.memory_space<semaphore_mem>>)
    %dma_start3A_21 = arith.constant 1 : i32
    %dma_start3A_22 = arith.constant 0 : i32
    %dma_start3A_23 = tpu.memref_slice %arg4[%add3A, %dma_start3A_21, %dma_start3A_22] : memref<32x80x128xi32, #tpu.memory_space<hbm>> -> memref<1x1x128xi32, #tpu.memory_space<hbm>>
    %dma_start3A_24 = tpu.memref_squeeze %dma_start3A_23 : memref<1x1x128xi32, #tpu.memory_space<hbm>> -> memref<128xi32, #tpu.memory_space<hbm>>
    %dma_start3A_25 = arith.constant 0 : i32
    %dma_start3A_26 = tpu.memref_slice %arg4[%add3A, %dma_start3A_21, %dma_start3A_25] : memref<32x80x128xi32, #tpu.memory_space<hbm>> -> memref<1x1x128xi32, #tpu.memory_space<hbm>>
    %dma_start3A_27 = tpu.memref_squeeze %dma_start3A_26 : memref<1x1x128xi32, #tpu.memory_space<hbm>> -> memref<128xi32, #tpu.memory_space<hbm>>
    tpu.enqueue_dma source(%dma_start3A_27 : memref<128xi32, #tpu.memory_space<hbm>>) target(%arg9 : memref<128xi32, #tpu.memory_space<vmem>>) target_semaphore(%arg19 : memref<!tpu.dma_semaphore, #tpu.memory_space<semaphore_mem>>)
    %scan3A = arith.constant 0 : i32
    %scan3A_28 = arith.constant 20 : i32
    %scan3A_29 = arith.addi %scan3A, %scan3A_28 : i32
    %scan3A_30 = arith.constant 1 : i32
    scf.for %scan3A_40 = %scan3A to %scan3A_29 step %scan3A_30  : i32 {
      %mul3A_41 = arith.constant 1 : i32
      %mul3A_42 = arith.muli %scan3A_40, %mul3A_41 : i32
      %add3A_43 = arith.constant 0 : i32
      %add3A_44 = arith.addi %add3A_43, %mul3A_42 : i32
      %mul3A_45 = arith.constant 4 : i32
      %mul3A_46 = arith.muli %add3A_44, %mul3A_45 : i32
      %add3A_47 = arith.constant 0 : i32
      %add3A_48 = arith.addi %mul3A_46, %add3A_47 : i32
      %ge3A = arith.constant 1 : i32
      %ge3A_49 = arith.cmpi sge, %add3A_44, %ge3A : i32
      %convert_element_type3A = arith.extui %ge3A_49 : i1 to i32
      %cond3A = arith.constant 0 : i32
      %cond3A_50 = arith.cmpi ne, %convert_element_type3A, %cond3A : i32
      scf.if %cond3A_50 {
        %dma_wait3A_242 = arith.constant 1 : i32
        %dma_wait3A_243 = arith.constant 0 : i32
        %dma_wait3A_244 = arith.constant 0 : i32
        %dma_wait3A_245 = tpu.memref_slice %arg12[%dma_wait3A_242, %dma_wait3A_243, %dma_wait3A_244] : memref<2x128x128xf32, #tpu.memory_space<vmem>> -> memref<1x128x128xf32, #tpu.memory_space<vmem>>
        %dma_wait3A_246 = tpu.memref_squeeze %dma_wait3A_245 : memref<1x128x128xf32, #tpu.memory_space<vmem>> -> memref<128x128xf32, #tpu.memory_space<vmem>>
        %dma_wait3A_247 = arith.constant 0 : i32
        %dma_wait3A_248 = arith.constant 0 : i32
        %dma_wait3A_249 = tpu.memref_slice %arg13[%dma_wait3A_247, %dma_wait3A_248] : memref<10240x128xf32, #tpu.memory_space<vmem_shared>> -> memref<10240x128xf32, #tpu.memory_space<vmem_shared>>
        tpu.wait_indirect_dma semaphore(%arg17 : memref<!tpu.dma_semaphore, #tpu.memory_space<semaphore_mem>>) src(%dma_wait3A_246 : memref<128x128xf32, #tpu.memory_space<vmem>>) dst(%dma_wait3A_249 : memref<10240x128xf32, #tpu.memory_space<vmem_shared>>)
      } else {
      }
      %add3A_51 = arith.constant 1 : i32
      %add3A_52 = arith.addi %add3A_48, %add3A_51 : i32
      %lt3A = arith.constant 80 : i32
      %lt3A_53 = arith.cmpi slt, %add3A_52, %lt3A : i32
      %convert_element_type3A_54 = arith.extui %lt3A_53 : i1 to i32
      %cond3A_55 = arith.constant 0 : i32
      %cond3A_56 = arith.cmpi ne, %convert_element_type3A_54, %cond3A_55 : i32
      scf.if %cond3A_56 {
        %add3A_242 = arith.constant 1 : i32
        %add3A_243 = arith.addi %add3A_48, %add3A_242 : i32
        %dma_start3A_244 = arith.constant 1 : i32
        %dma_start3A_245 = arith.constant 0 : i32
        %dma_start3A_246 = arith.constant 0 : i32
        %dma_start3A_247 = tpu.memref_slice %arg12[%dma_start3A_244, %dma_start3A_245, %dma_start3A_246] : memref<2x128x128xf32, #tpu.memory_space<vmem>> -> memref<1x128x128xf32, #tpu.memory_space<vmem>>
        %dma_start3A_248 = tpu.memref_squeeze %dma_start3A_247 : memref<1x128x128xf32, #tpu.memory_space<vmem>> -> memref<128x128xf32, #tpu.memory_space<vmem>>
        %dma_start3A_249 = arith.constant 0 : i32
        %dma_start3A_250 = tpu.memref_slice %arg7[%add3A_243, %dma_start3A_249] : memref<80x128xi32, #tpu.memory_space<vmem>> -> memref<1x128xi32, #tpu.memory_space<vmem>>
        %dma_start3A_251 = tpu.memref_squeeze %dma_start3A_250 : memref<1x128xi32, #tpu.memory_space<vmem>> -> memref<128xi32, #tpu.memory_space<vmem>>
        %dma_start3A_252 = arith.constant 0 : i32
        %dma_start3A_253 = arith.constant 0 : i32
        %dma_start3A_254 = tpu.memref_slice %arg2[%dma_start3A_252, %dma_start3A_253] : memref<10240x128xf32, #tpu.memory_space<hbm>> -> memref<10240x128xf32, #tpu.memory_space<hbm>>
        tpu.enqueue_indirect_dma source(%dma_start3A_254 : memref<10240x128xf32, #tpu.memory_space<hbm>>) target(%dma_start3A_248 : memref<128x128xf32, #tpu.memory_space<vmem>>) offsets(%dma_start3A_251 : memref<128xi32, #tpu.memory_space<vmem>>) semaphore(%arg15 : memref<!tpu.dma_semaphore, #tpu.memory_space<semaphore_mem>>)
      } else {
      }
      %add3A_57 = arith.constant 2 : i32
      %add3A_58 = arith.addi %add3A_48, %add3A_57 : i32
      %lt3A_59 = arith.constant 80 : i32
      %lt3A_60 = arith.cmpi slt, %add3A_58, %lt3A_59 : i32
      %convert_element_type3A_61 = arith.extui %lt3A_60 : i1 to i32
      %cond3A_62 = arith.constant 0 : i32
      %cond3A_63 = arith.cmpi ne, %convert_element_type3A_61, %cond3A_62 : i32
      scf.if %cond3A_63 {
        %add3A_242 = arith.constant 2 : i32
        %add3A_243 = arith.addi %add3A_48, %add3A_242 : i32
        %dma_start3A_244 = arith.constant 0 : i32
        %dma_start3A_245 = tpu.memref_slice %arg4[%add3A, %add3A_243, %dma_start3A_244] : memref<32x80x128xi32, #tpu.memory_space<hbm>> -> memref<1x1x128xi32, #tpu.memory_space<hbm>>
        %dma_start3A_246 = tpu.memref_squeeze %dma_start3A_245 : memref<1x1x128xi32, #tpu.memory_space<hbm>> -> memref<128xi32, #tpu.memory_space<hbm>>
        %dma_start3A_247 = arith.constant 0 : i32
        %dma_start3A_248 = tpu.memref_slice %arg4[%add3A, %add3A_243, %dma_start3A_247] : memref<32x80x128xi32, #tpu.memory_space<hbm>> -> memref<1x1x128xi32, #tpu.memory_space<hbm>>
        %dma_start3A_249 = tpu.memref_squeeze %dma_start3A_248 : memref<1x1x128xi32, #tpu.memory_space<hbm>> -> memref<128xi32, #tpu.memory_space<hbm>>
        tpu.enqueue_dma source(%dma_start3A_249 : memref<128xi32, #tpu.memory_space<hbm>>) target(%arg10 : memref<128xi32, #tpu.memory_space<vmem>>) target_semaphore(%arg20 : memref<!tpu.dma_semaphore, #tpu.memory_space<semaphore_mem>>)
      } else {
      }
      %dma_wait3A_64 = arith.constant 0 : i32
      %dma_wait3A_65 = arith.constant 0 : i32
      %dma_wait3A_66 = arith.constant 0 : i32
      %dma_wait3A_67 = tpu.memref_slice %arg12[%dma_wait3A_64, %dma_wait3A_65, %dma_wait3A_66] : memref<2x128x128xf32, #tpu.memory_space<vmem>> -> memref<1x128x128xf32, #tpu.memory_space<vmem>>
      %dma_wait3A_68 = tpu.memref_squeeze %dma_wait3A_67 : memref<1x128x128xf32, #tpu.memory_space<vmem>> -> memref<128x128xf32, #tpu.memory_space<vmem>>
      %dma_wait3A_69 = arith.constant 0 : i32
      %dma_wait3A_70 = tpu.memref_slice %arg7[%add3A_48, %dma_wait3A_69] : memref<80x128xi32, #tpu.memory_space<vmem>> -> memref<1x128xi32, #tpu.memory_space<vmem>>
      %dma_wait3A_71 = tpu.memref_squeeze %dma_wait3A_70 : memref<1x128xi32, #tpu.memory_space<vmem>> -> memref<128xi32, #tpu.memory_space<vmem>>
      %dma_wait3A_72 = arith.constant 0 : i32
      %dma_wait3A_73 = arith.constant 0 : i32
      %dma_wait3A_74 = tpu.memref_slice %arg2[%dma_wait3A_72, %dma_wait3A_73] : memref<10240x128xf32, #tpu.memory_space<hbm>> -> memref<10240x128xf32, #tpu.memory_space<hbm>>
      tpu.wait_indirect_dma semaphore(%arg14 : memref<!tpu.dma_semaphore, #tpu.memory_space<semaphore_mem>>) src(%dma_wait3A_74 : memref<10240x128xf32, #tpu.memory_space<hbm>>) dst(%dma_wait3A_68 : memref<128x128xf32, #tpu.memory_space<vmem>>)
      %dma_wait3A_75 = arith.constant 0 : i32
      %dma_wait3A_76 = tpu.memref_slice %arg4[%add3A, %add3A_48, %dma_wait3A_75] : memref<32x80x128xi32, #tpu.memory_space<hbm>> -> memref<1x1x128xi32, #tpu.memory_space<hbm>>
      %dma_wait3A_77 = tpu.memref_squeeze %dma_wait3A_76 : memref<1x1x128xi32, #tpu.memory_space<hbm>> -> memref<128xi32, #tpu.memory_space<hbm>>
      %dma_wait3A_78 = arith.constant 0 : i32
      %dma_wait3A_79 = tpu.memref_slice %arg4[%add3A, %add3A_48, %dma_wait3A_78] : memref<32x80x128xi32, #tpu.memory_space<hbm>> -> memref<1x1x128xi32, #tpu.memory_space<hbm>>
      %dma_wait3A_80 = tpu.memref_squeeze %dma_wait3A_79 : memref<1x1x128xi32, #tpu.memory_space<hbm>> -> memref<128xi32, #tpu.memory_space<hbm>>
      tpu.wait_dma2 semaphore(%arg18 : memref<!tpu.dma_semaphore, #tpu.memory_space<semaphore_mem>>) src(%dma_wait3A_80 : memref<128xi32, #tpu.memory_space<hbm>>) dst(%arg8 : memref<128xi32, #tpu.memory_space<vmem>>)
      %dma_start3A_81 = arith.constant 0 : i32
      %dma_start3A_82 = arith.constant 0 : i32
      %dma_start3A_83 = arith.constant 0 : i32
      %dma_start3A_84 = tpu.memref_slice %arg12[%dma_start3A_81, %dma_start3A_82, %dma_start3A_83] : memref<2x128x128xf32, #tpu.memory_space<vmem>> -> memref<1x128x128xf32, #tpu.memory_space<vmem>>
      %dma_start3A_85 = tpu.memref_squeeze %dma_start3A_84 : memref<1x128x128xf32, #tpu.memory_space<vmem>> -> memref<128x128xf32, #tpu.memory_space<vmem>>
      %dma_start3A_86 = arith.constant 0 : i32
      %dma_start3A_87 = arith.constant 0 : i32
      %dma_start3A_88 = tpu.memref_slice %arg13[%dma_start3A_86, %dma_start3A_87] : memref<10240x128xf32, #tpu.memory_space<vmem_shared>> -> memref<10240x128xf32, #tpu.memory_space<vmem_shared>>
      tpu.enqueue_indirect_dma source(%dma_start3A_85 : memref<128x128xf32, #tpu.memory_space<vmem>>) target(%dma_start3A_88 : memref<10240x128xf32, #tpu.memory_space<vmem_shared>>) offsets(%arg8 : memref<128xi32, #tpu.memory_space<vmem>>) semaphore(%arg16 : memref<!tpu.dma_semaphore, #tpu.memory_space<semaphore_mem>>) {add = true}
      %mul3A_89 = arith.constant 4 : i32
      %mul3A_90 = arith.muli %add3A_44, %mul3A_89 : i32
      %add3A_91 = arith.constant 1 : i32
      %add3A_92 = arith.addi %mul3A_90, %add3A_91 : i32
      %dma_wait3A_93 = arith.constant 0 : i32
      %dma_wait3A_94 = arith.constant 0 : i32
      %dma_wait3A_95 = arith.constant 0 : i32
      %dma_wait3A_96 = tpu.memref_slice %arg12[%dma_wait3A_93, %dma_wait3A_94, %dma_wait3A_95] : memref<2x128x128xf32, #tpu.memory_space<vmem>> -> memref<1x128x128xf32, #tpu.memory_space<vmem>>
      %dma_wait3A_97 = tpu.memref_squeeze %dma_wait3A_96 : memref<1x128x128xf32, #tpu.memory_space<vmem>> -> memref<128x128xf32, #tpu.memory_space<vmem>>
      %dma_wait3A_98 = arith.constant 0 : i32
      %dma_wait3A_99 = arith.constant 0 : i32
      %dma_wait3A_100 = tpu.memref_slice %arg13[%dma_wait3A_98, %dma_wait3A_99] : memref<10240x128xf32, #tpu.memory_space<vmem_shared>> -> memref<10240x128xf32, #tpu.memory_space<vmem_shared>>
      tpu.wait_indirect_dma semaphore(%arg16 : memref<!tpu.dma_semaphore, #tpu.memory_space<semaphore_mem>>) src(%dma_wait3A_97 : memref<128x128xf32, #tpu.memory_space<vmem>>) dst(%dma_wait3A_100 : memref<10240x128xf32, #tpu.memory_space<vmem_shared>>)
      %add3A_101 = arith.constant 1 : i32
      %add3A_102 = arith.addi %add3A_92, %add3A_101 : i32
      %lt3A_103 = arith.constant 80 : i32
      %lt3A_104 = arith.cmpi slt, %add3A_102, %lt3A_103 : i32
      %convert_element_type3A_105 = arith.extui %lt3A_104 : i1 to i32
      %cond3A_106 = arith.constant 0 : i32
      %cond3A_107 = arith.cmpi ne, %convert_element_type3A_105, %cond3A_106 : i32
      scf.if %cond3A_107 {
        %add3A_242 = arith.constant 1 : i32
        %add3A_243 = arith.addi %add3A_92, %add3A_242 : i32
        %dma_start3A_244 = arith.constant 0 : i32
        %dma_start3A_245 = arith.constant 0 : i32
        %dma_start3A_246 = arith.constant 0 : i32
        %dma_start3A_247 = tpu.memref_slice %arg12[%dma_start3A_244, %dma_start3A_245, %dma_start3A_246] : memref<2x128x128xf32, #tpu.memory_space<vmem>> -> memref<1x128x128xf32, #tpu.memory_space<vmem>>
        %dma_start3A_248 = tpu.memref_squeeze %dma_start3A_247 : memref<1x128x128xf32, #tpu.memory_space<vmem>> -> memref<128x128xf32, #tpu.memory_space<vmem>>
        %dma_start3A_249 = arith.constant 0 : i32
        %dma_start3A_250 = tpu.memref_slice %arg7[%add3A_243, %dma_start3A_249] : memref<80x128xi32, #tpu.memory_space<vmem>> -> memref<1x128xi32, #tpu.memory_space<vmem>>
        %dma_start3A_251 = tpu.memref_squeeze %dma_start3A_250 : memref<1x128xi32, #tpu.memory_space<vmem>> -> memref<128xi32, #tpu.memory_space<vmem>>
        %dma_start3A_252 = arith.constant 0 : i32
        %dma_start3A_253 = arith.constant 0 : i32
        %dma_start3A_254 = tpu.memref_slice %arg2[%dma_start3A_252, %dma_start3A_253] : memref<10240x128xf32, #tpu.memory_space<hbm>> -> memref<10240x128xf32, #tpu.memory_space<hbm>>
        tpu.enqueue_indirect_dma source(%dma_start3A_254 : memref<10240x128xf32, #tpu.memory_space<hbm>>) target(%dma_start3A_248 : memref<128x128xf32, #tpu.memory_space<vmem>>) offsets(%dma_start3A_251 : memref<128xi32, #tpu.memory_space<vmem>>) semaphore(%arg14 : memref<!tpu.dma_semaphore, #tpu.memory_space<semaphore_mem>>)
      } else {
      }
      %add3A_108 = arith.constant 2 : i32
      %add3A_109 = arith.addi %add3A_92, %add3A_108 : i32
      %lt3A_110 = arith.constant 80 : i32
      %lt3A_111 = arith.cmpi slt, %add3A_109, %lt3A_110 : i32
      %convert_element_type3A_112 = arith.extui %lt3A_111 : i1 to i32
      %cond3A_113 = arith.constant 0 : i32
      %cond3A_114 = arith.cmpi ne, %convert_element_type3A_112, %cond3A_113 : i32
      scf.if %cond3A_114 {
        %add3A_242 = arith.constant 2 : i32
        %add3A_243 = arith.addi %add3A_92, %add3A_242 : i32
        %dma_start3A_244 = arith.constant 0 : i32
        %dma_start3A_245 = tpu.memref_slice %arg4[%add3A, %add3A_243, %dma_start3A_244] : memref<32x80x128xi32, #tpu.memory_space<hbm>> -> memref<1x1x128xi32, #tpu.memory_space<hbm>>
        %dma_start3A_246 = tpu.memref_squeeze %dma_start3A_245 : memref<1x1x128xi32, #tpu.memory_space<hbm>> -> memref<128xi32, #tpu.memory_space<hbm>>
        %dma_start3A_247 = arith.constant 0 : i32
        %dma_start3A_248 = tpu.memref_slice %arg4[%add3A, %add3A_243, %dma_start3A_247] : memref<32x80x128xi32, #tpu.memory_space<hbm>> -> memref<1x1x128xi32, #tpu.memory_space<hbm>>
        %dma_start3A_249 = tpu.memref_squeeze %dma_start3A_248 : memref<1x1x128xi32, #tpu.memory_space<hbm>> -> memref<128xi32, #tpu.memory_space<hbm>>
        tpu.enqueue_dma source(%dma_start3A_249 : memref<128xi32, #tpu.memory_space<hbm>>) target(%arg11 : memref<128xi32, #tpu.memory_space<vmem>>) target_semaphore(%arg21 : memref<!tpu.dma_semaphore, #tpu.memory_space<semaphore_mem>>)
      } else {
      }
      %dma_wait3A_115 = arith.constant 1 : i32
      %dma_wait3A_116 = arith.constant 0 : i32
      %dma_wait3A_117 = arith.constant 0 : i32
      %dma_wait3A_118 = tpu.memref_slice %arg12[%dma_wait3A_115, %dma_wait3A_116, %dma_wait3A_117] : memref<2x128x128xf32, #tpu.memory_space<vmem>> -> memref<1x128x128xf32, #tpu.memory_space<vmem>>
      %dma_wait3A_119 = tpu.memref_squeeze %dma_wait3A_118 : memref<1x128x128xf32, #tpu.memory_space<vmem>> -> memref<128x128xf32, #tpu.memory_space<vmem>>
      %dma_wait3A_120 = arith.constant 0 : i32
      %dma_wait3A_121 = tpu.memref_slice %arg7[%add3A_92, %dma_wait3A_120] : memref<80x128xi32, #tpu.memory_space<vmem>> -> memref<1x128xi32, #tpu.memory_space<vmem>>
      %dma_wait3A_122 = tpu.memref_squeeze %dma_wait3A_121 : memref<1x128xi32, #tpu.memory_space<vmem>> -> memref<128xi32, #tpu.memory_space<vmem>>
      %dma_wait3A_123 = arith.constant 0 : i32
      %dma_wait3A_124 = arith.constant 0 : i32
      %dma_wait3A_125 = tpu.memref_slice %arg2[%dma_wait3A_123, %dma_wait3A_124] : memref<10240x128xf32, #tpu.memory_space<hbm>> -> memref<10240x128xf32, #tpu.memory_space<hbm>>
      tpu.wait_indirect_dma semaphore(%arg15 : memref<!tpu.dma_semaphore, #tpu.memory_space<semaphore_mem>>) src(%dma_wait3A_125 : memref<10240x128xf32, #tpu.memory_space<hbm>>) dst(%dma_wait3A_119 : memref<128x128xf32, #tpu.memory_space<vmem>>)
      %dma_wait3A_126 = arith.constant 0 : i32
      %dma_wait3A_127 = tpu.memref_slice %arg4[%add3A, %add3A_92, %dma_wait3A_126] : memref<32x80x128xi32, #tpu.memory_space<hbm>> -> memref<1x1x128xi32, #tpu.memory_space<hbm>>
      %dma_wait3A_128 = tpu.memref_squeeze %dma_wait3A_127 : memref<1x1x128xi32, #tpu.memory_space<hbm>> -> memref<128xi32, #tpu.memory_space<hbm>>
      %dma_wait3A_129 = arith.constant 0 : i32
      %dma_wait3A_130 = tpu.memref_slice %arg4[%add3A, %add3A_92, %dma_wait3A_129] : memref<32x80x128xi32, #tpu.memory_space<hbm>> -> memref<1x1x128xi32, #tpu.memory_space<hbm>>
      %dma_wait3A_131 = tpu.memref_squeeze %dma_wait3A_130 : memref<1x1x128xi32, #tpu.memory_space<hbm>> -> memref<128xi32, #tpu.memory_space<hbm>>
      tpu.wait_dma2 semaphore(%arg19 : memref<!tpu.dma_semaphore, #tpu.memory_space<semaphore_mem>>) src(%dma_wait3A_131 : memref<128xi32, #tpu.memory_space<hbm>>) dst(%arg9 : memref<128xi32, #tpu.memory_space<vmem>>)
      %dma_start3A_132 = arith.constant 1 : i32
      %dma_start3A_133 = arith.constant 0 : i32
      %dma_start3A_134 = arith.constant 0 : i32
      %dma_start3A_135 = tpu.memref_slice %arg12[%dma_start3A_132, %dma_start3A_133, %dma_start3A_134] : memref<2x128x128xf32, #tpu.memory_space<vmem>> -> memref<1x128x128xf32, #tpu.memory_space<vmem>>
      %dma_start3A_136 = tpu.memref_squeeze %dma_start3A_135 : memref<1x128x128xf32, #tpu.memory_space<vmem>> -> memref<128x128xf32, #tpu.memory_space<vmem>>
      %dma_start3A_137 = arith.constant 0 : i32
      %dma_start3A_138 = arith.constant 0 : i32
      %dma_start3A_139 = tpu.memref_slice %arg13[%dma_start3A_137, %dma_start3A_138] : memref<10240x128xf32, #tpu.memory_space<vmem_shared>> -> memref<10240x128xf32, #tpu.memory_space<vmem_shared>>
      tpu.enqueue_indirect_dma source(%dma_start3A_136 : memref<128x128xf32, #tpu.memory_space<vmem>>) target(%dma_start3A_139 : memref<10240x128xf32, #tpu.memory_space<vmem_shared>>) offsets(%arg9 : memref<128xi32, #tpu.memory_space<vmem>>) semaphore(%arg17 : memref<!tpu.dma_semaphore, #tpu.memory_space<semaphore_mem>>) {add = true}
      %mul3A_140 = arith.constant 4 : i32
      %mul3A_141 = arith.muli %add3A_44, %mul3A_140 : i32
      %add3A_142 = arith.constant 2 : i32
      %add3A_143 = arith.addi %mul3A_141, %add3A_142 : i32
      %dma_wait3A_144 = arith.constant 1 : i32
      %dma_wait3A_145 = arith.constant 0 : i32
      %dma_wait3A_146 = arith.constant 0 : i32
      %dma_wait3A_147 = tpu.memref_slice %arg12[%dma_wait3A_144, %dma_wait3A_145, %dma_wait3A_146] : memref<2x128x128xf32, #tpu.memory_space<vmem>> -> memref<1x128x128xf32, #tpu.memory_space<vmem>>
      %dma_wait3A_148 = tpu.memref_squeeze %dma_wait3A_147 : memref<1x128x128xf32, #tpu.memory_space<vmem>> -> memref<128x128xf32, #tpu.memory_space<vmem>>
      %dma_wait3A_149 = arith.constant 0 : i32
      %dma_wait3A_150 = arith.constant 0 : i32
      %dma_wait3A_151 = tpu.memref_slice %arg13[%dma_wait3A_149, %dma_wait3A_150] : memref<10240x128xf32, #tpu.memory_space<vmem_shared>> -> memref<10240x128xf32, #tpu.memory_space<vmem_shared>>
      tpu.wait_indirect_dma semaphore(%arg17 : memref<!tpu.dma_semaphore, #tpu.memory_space<semaphore_mem>>) src(%dma_wait3A_148 : memref<128x128xf32, #tpu.memory_space<vmem>>) dst(%dma_wait3A_151 : memref<10240x128xf32, #tpu.memory_space<vmem_shared>>)
      %add3A_152 = arith.constant 1 : i32
      %add3A_153 = arith.addi %add3A_143, %add3A_152 : i32
      %lt3A_154 = arith.constant 80 : i32
      %lt3A_155 = arith.cmpi slt, %add3A_153, %lt3A_154 : i32
      %convert_element_type3A_156 = arith.extui %lt3A_155 : i1 to i32
      %cond3A_157 = arith.constant 0 : i32
      %cond3A_158 = arith.cmpi ne, %convert_element_type3A_156, %cond3A_157 : i32
      scf.if %cond3A_158 {
        %add3A_242 = arith.constant 1 : i32
        %add3A_243 = arith.addi %add3A_143, %add3A_242 : i32
        %dma_start3A_244 = arith.constant 1 : i32
        %dma_start3A_245 = arith.constant 0 : i32
        %dma_start3A_246 = arith.constant 0 : i32
        %dma_start3A_247 = tpu.memref_slice %arg12[%dma_start3A_244, %dma_start3A_245, %dma_start3A_246] : memref<2x128x128xf32, #tpu.memory_space<vmem>> -> memref<1x128x128xf32, #tpu.memory_space<vmem>>
        %dma_start3A_248 = tpu.memref_squeeze %dma_start3A_247 : memref<1x128x128xf32, #tpu.memory_space<vmem>> -> memref<128x128xf32, #tpu.memory_space<vmem>>
        %dma_start3A_249 = arith.constant 0 : i32
        %dma_start3A_250 = tpu.memref_slice %arg7[%add3A_243, %dma_start3A_249] : memref<80x128xi32, #tpu.memory_space<vmem>> -> memref<1x128xi32, #tpu.memory_space<vmem>>
        %dma_start3A_251 = tpu.memref_squeeze %dma_start3A_250 : memref<1x128xi32, #tpu.memory_space<vmem>> -> memref<128xi32, #tpu.memory_space<vmem>>
        %dma_start3A_252 = arith.constant 0 : i32
        %dma_start3A_253 = arith.constant 0 : i32
        %dma_start3A_254 = tpu.memref_slice %arg2[%dma_start3A_252, %dma_start3A_253] : memref<10240x128xf32, #tpu.memory_space<hbm>> -> memref<10240x128xf32, #tpu.memory_space<hbm>>
        tpu.enqueue_indirect_dma source(%dma_start3A_254 : memref<10240x128xf32, #tpu.memory_space<hbm>>) target(%dma_start3A_248 : memref<128x128xf32, #tpu.memory_space<vmem>>) offsets(%dma_start3A_251 : memref<128xi32, #tpu.memory_space<vmem>>) semaphore(%arg15 : memref<!tpu.dma_semaphore, #tpu.memory_space<semaphore_mem>>)
      } else {
      }
      %add3A_159 = arith.constant 2 : i32
      %add3A_160 = arith.addi %add3A_143, %add3A_159 : i32
      %lt3A_161 = arith.constant 80 : i32
      %lt3A_162 = arith.cmpi slt, %add3A_160, %lt3A_161 : i32
      %convert_element_type3A_163 = arith.extui %lt3A_162 : i1 to i32
      %cond3A_164 = arith.constant 0 : i32
      %cond3A_165 = arith.cmpi ne, %convert_element_type3A_163, %cond3A_164 : i32
      scf.if %cond3A_165 {
        %add3A_242 = arith.constant 2 : i32
        %add3A_243 = arith.addi %add3A_143, %add3A_242 : i32
        %dma_start3A_244 = arith.constant 0 : i32
        %dma_start3A_245 = tpu.memref_slice %arg4[%add3A, %add3A_243, %dma_start3A_244] : memref<32x80x128xi32, #tpu.memory_space<hbm>> -> memref<1x1x128xi32, #tpu.memory_space<hbm>>
        %dma_start3A_246 = tpu.memref_squeeze %dma_start3A_245 : memref<1x1x128xi32, #tpu.memory_space<hbm>> -> memref<128xi32, #tpu.memory_space<hbm>>
        %dma_start3A_247 = arith.constant 0 : i32
        %dma_start3A_248 = tpu.memref_slice %arg4[%add3A, %add3A_243, %dma_start3A_247] : memref<32x80x128xi32, #tpu.memory_space<hbm>> -> memref<1x1x128xi32, #tpu.memory_space<hbm>>
        %dma_start3A_249 = tpu.memref_squeeze %dma_start3A_248 : memref<1x1x128xi32, #tpu.memory_space<hbm>> -> memref<128xi32, #tpu.memory_space<hbm>>
        tpu.enqueue_dma source(%dma_start3A_249 : memref<128xi32, #tpu.memory_space<hbm>>) target(%arg8 : memref<128xi32, #tpu.memory_space<vmem>>) target_semaphore(%arg18 : memref<!tpu.dma_semaphore, #tpu.memory_space<semaphore_mem>>)
      } else {
      }
      %dma_wait3A_166 = arith.constant 0 : i32
      %dma_wait3A_167 = arith.constant 0 : i32
      %dma_wait3A_168 = arith.constant 0 : i32
      %dma_wait3A_169 = tpu.memref_slice %arg12[%dma_wait3A_166, %dma_wait3A_167, %dma_wait3A_168] : memref<2x128x128xf32, #tpu.memory_space<vmem>> -> memref<1x128x128xf32, #tpu.memory_space<vmem>>
      %dma_wait3A_170 = tpu.memref_squeeze %dma_wait3A_169 : memref<1x128x128xf32, #tpu.memory_space<vmem>> -> memref<128x128xf32, #tpu.memory_space<vmem>>
      %dma_wait3A_171 = arith.constant 0 : i32
      %dma_wait3A_172 = tpu.memref_slice %arg7[%add3A_143, %dma_wait3A_171] : memref<80x128xi32, #tpu.memory_space<vmem>> -> memref<1x128xi32, #tpu.memory_space<vmem>>
      %dma_wait3A_173 = tpu.memref_squeeze %dma_wait3A_172 : memref<1x128xi32, #tpu.memory_space<vmem>> -> memref<128xi32, #tpu.memory_space<vmem>>
      %dma_wait3A_174 = arith.constant 0 : i32
      %dma_wait3A_175 = arith.constant 0 : i32
      %dma_wait3A_176 = tpu.memref_slice %arg2[%dma_wait3A_174, %dma_wait3A_175] : memref<10240x128xf32, #tpu.memory_space<hbm>> -> memref<10240x128xf32, #tpu.memory_space<hbm>>
      tpu.wait_indirect_dma semaphore(%arg14 : memref<!tpu.dma_semaphore, #tpu.memory_space<semaphore_mem>>) src(%dma_wait3A_176 : memref<10240x128xf32, #tpu.memory_space<hbm>>) dst(%dma_wait3A_170 : memref<128x128xf32, #tpu.memory_space<vmem>>)
      %dma_wait3A_177 = arith.constant 0 : i32
      %dma_wait3A_178 = tpu.memref_slice %arg4[%add3A, %add3A_143, %dma_wait3A_177] : memref<32x80x128xi32, #tpu.memory_space<hbm>> -> memref<1x1x128xi32, #tpu.memory_space<hbm>>
      %dma_wait3A_179 = tpu.memref_squeeze %dma_wait3A_178 : memref<1x1x128xi32, #tpu.memory_space<hbm>> -> memref<128xi32, #tpu.memory_space<hbm>>
      %dma_wait3A_180 = arith.constant 0 : i32
      %dma_wait3A_181 = tpu.memref_slice %arg4[%add3A, %add3A_143, %dma_wait3A_180] : memref<32x80x128xi32, #tpu.memory_space<hbm>> -> memref<1x1x128xi32, #tpu.memory_space<hbm>>
      %dma_wait3A_182 = tpu.memref_squeeze %dma_wait3A_181 : memref<1x1x128xi32, #tpu.memory_space<hbm>> -> memref<128xi32, #tpu.memory_space<hbm>>
      tpu.wait_dma2 semaphore(%arg20 : memref<!tpu.dma_semaphore, #tpu.memory_space<semaphore_mem>>) src(%dma_wait3A_182 : memref<128xi32, #tpu.memory_space<hbm>>) dst(%arg10 : memref<128xi32, #tpu.memory_space<vmem>>)
      %dma_start3A_183 = arith.constant 0 : i32
      %dma_start3A_184 = arith.constant 0 : i32
      %dma_start3A_185 = arith.constant 0 : i32
      %dma_start3A_186 = tpu.memref_slice %arg12[%dma_start3A_183, %dma_start3A_184, %dma_start3A_185] : memref<2x128x128xf32, #tpu.memory_space<vmem>> -> memref<1x128x128xf32, #tpu.memory_space<vmem>>
      %dma_start3A_187 = tpu.memref_squeeze %dma_start3A_186 : memref<1x128x128xf32, #tpu.memory_space<vmem>> -> memref<128x128xf32, #tpu.memory_space<vmem>>
      %dma_start3A_188 = arith.constant 0 : i32
      %dma_start3A_189 = arith.constant 0 : i32
      %dma_start3A_190 = tpu.memref_slice %arg13[%dma_start3A_188, %dma_start3A_189] : memref<10240x128xf32, #tpu.memory_space<vmem_shared>> -> memref<10240x128xf32, #tpu.memory_space<vmem_shared>>
      tpu.enqueue_indirect_dma source(%dma_start3A_187 : memref<128x128xf32, #tpu.memory_space<vmem>>) target(%dma_start3A_190 : memref<10240x128xf32, #tpu.memory_space<vmem_shared>>) offsets(%arg10 : memref<128xi32, #tpu.memory_space<vmem>>) semaphore(%arg16 : memref<!tpu.dma_semaphore, #tpu.memory_space<semaphore_mem>>) {add = true}
      %mul3A_191 = arith.constant 4 : i32
      %mul3A_192 = arith.muli %add3A_44, %mul3A_191 : i32
      %add3A_193 = arith.constant 3 : i32
      %add3A_194 = arith.addi %mul3A_192, %add3A_193 : i32
      %dma_wait3A_195 = arith.constant 0 : i32
      %dma_wait3A_196 = arith.constant 0 : i32
      %dma_wait3A_197 = arith.constant 0 : i32
      %dma_wait3A_198 = tpu.memref_slice %arg12[%dma_wait3A_195, %dma_wait3A_196, %dma_wait3A_197] : memref<2x128x128xf32, #tpu.memory_space<vmem>> -> memref<1x128x128xf32, #tpu.memory_space<vmem>>
      %dma_wait3A_199 = tpu.memref_squeeze %dma_wait3A_198 : memref<1x128x128xf32, #tpu.memory_space<vmem>> -> memref<128x128xf32, #tpu.memory_space<vmem>>
      %dma_wait3A_200 = arith.constant 0 : i32
      %dma_wait3A_201 = arith.constant 0 : i32
      %dma_wait3A_202 = tpu.memref_slice %arg13[%dma_wait3A_200, %dma_wait3A_201] : memref<10240x128xf32, #tpu.memory_space<vmem_shared>> -> memref<10240x128xf32, #tpu.memory_space<vmem_shared>>
      tpu.wait_indirect_dma semaphore(%arg16 : memref<!tpu.dma_semaphore, #tpu.memory_space<semaphore_mem>>) src(%dma_wait3A_199 : memref<128x128xf32, #tpu.memory_space<vmem>>) dst(%dma_wait3A_202 : memref<10240x128xf32, #tpu.memory_space<vmem_shared>>)
      %add3A_203 = arith.constant 1 : i32
      %add3A_204 = arith.addi %add3A_194, %add3A_203 : i32
      %lt3A_205 = arith.constant 80 : i32
      %lt3A_206 = arith.cmpi slt, %add3A_204, %lt3A_205 : i32
      %convert_element_type3A_207 = arith.extui %lt3A_206 : i1 to i32
      %cond3A_208 = arith.constant 0 : i32
      %cond3A_209 = arith.cmpi ne, %convert_element_type3A_207, %cond3A_208 : i32
      scf.if %cond3A_209 {
        %add3A_242 = arith.constant 1 : i32
        %add3A_243 = arith.addi %add3A_194, %add3A_242 : i32
        %dma_start3A_244 = arith.constant 0 : i32
        %dma_start3A_245 = arith.constant 0 : i32
        %dma_start3A_246 = arith.constant 0 : i32
        %dma_start3A_247 = tpu.memref_slice %arg12[%dma_start3A_244, %dma_start3A_245, %dma_start3A_246] : memref<2x128x128xf32, #tpu.memory_space<vmem>> -> memref<1x128x128xf32, #tpu.memory_space<vmem>>
        %dma_start3A_248 = tpu.memref_squeeze %dma_start3A_247 : memref<1x128x128xf32, #tpu.memory_space<vmem>> -> memref<128x128xf32, #tpu.memory_space<vmem>>
        %dma_start3A_249 = arith.constant 0 : i32
        %dma_start3A_250 = tpu.memref_slice %arg7[%add3A_243, %dma_start3A_249] : memref<80x128xi32, #tpu.memory_space<vmem>> -> memref<1x128xi32, #tpu.memory_space<vmem>>
        %dma_start3A_251 = tpu.memref_squeeze %dma_start3A_250 : memref<1x128xi32, #tpu.memory_space<vmem>> -> memref<128xi32, #tpu.memory_space<vmem>>
        %dma_start3A_252 = arith.constant 0 : i32
        %dma_start3A_253 = arith.constant 0 : i32
        %dma_start3A_254 = tpu.memref_slice %arg2[%dma_start3A_252, %dma_start3A_253] : memref<10240x128xf32, #tpu.memory_space<hbm>> -> memref<10240x128xf32, #tpu.memory_space<hbm>>
        tpu.enqueue_indirect_dma source(%dma_start3A_254 : memref<10240x128xf32, #tpu.memory_space<hbm>>) target(%dma_start3A_248 : memref<128x128xf32, #tpu.memory_space<vmem>>) offsets(%dma_start3A_251 : memref<128xi32, #tpu.memory_space<vmem>>) semaphore(%arg14 : memref<!tpu.dma_semaphore, #tpu.memory_space<semaphore_mem>>)
      } else {
      }
      %add3A_210 = arith.constant 2 : i32
      %add3A_211 = arith.addi %add3A_194, %add3A_210 : i32
      %lt3A_212 = arith.constant 80 : i32
      %lt3A_213 = arith.cmpi slt, %add3A_211, %lt3A_212 : i32
      %convert_element_type3A_214 = arith.extui %lt3A_213 : i1 to i32
      %cond3A_215 = arith.constant 0 : i32
      %cond3A_216 = arith.cmpi ne, %convert_element_type3A_214, %cond3A_215 : i32
      scf.if %cond3A_216 {
        %add3A_242 = arith.constant 2 : i32
        %add3A_243 = arith.addi %add3A_194, %add3A_242 : i32
        %dma_start3A_244 = arith.constant 0 : i32
        %dma_start3A_245 = tpu.memref_slice %arg4[%add3A, %add3A_243, %dma_start3A_244] : memref<32x80x128xi32, #tpu.memory_space<hbm>> -> memref<1x1x128xi32, #tpu.memory_space<hbm>>
        %dma_start3A_246 = tpu.memref_squeeze %dma_start3A_245 : memref<1x1x128xi32, #tpu.memory_space<hbm>> -> memref<128xi32, #tpu.memory_space<hbm>>
        %dma_start3A_247 = arith.constant 0 : i32
        %dma_start3A_248 = tpu.memref_slice %arg4[%add3A, %add3A_243, %dma_start3A_247] : memref<32x80x128xi32, #tpu.memory_space<hbm>> -> memref<1x1x128xi32, #tpu.memory_space<hbm>>
        %dma_start3A_249 = tpu.memref_squeeze %dma_start3A_248 : memref<1x1x128xi32, #tpu.memory_space<hbm>> -> memref<128xi32, #tpu.memory_space<hbm>>
        tpu.enqueue_dma source(%dma_start3A_249 : memref<128xi32, #tpu.memory_space<hbm>>) target(%arg9 : memref<128xi32, #tpu.memory_space<vmem>>) target_semaphore(%arg19 : memref<!tpu.dma_semaphore, #tpu.memory_space<semaphore_mem>>)
      } else {
      }
      %dma_wait3A_217 = arith.constant 1 : i32
      %dma_wait3A_218 = arith.constant 0 : i32
      %dma_wait3A_219 = arith.constant 0 : i32
      %dma_wait3A_220 = tpu.memref_slice %arg12[%dma_wait3A_217, %dma_wait3A_218, %dma_wait3A_219] : memref<2x128x128xf32, #tpu.memory_space<vmem>> -> memref<1x128x128xf32, #tpu.memory_space<vmem>>
      %dma_wait3A_221 = tpu.memref_squeeze %dma_wait3A_220 : memref<1x128x128xf32, #tpu.memory_space<vmem>> -> memref<128x128xf32, #tpu.memory_space<vmem>>
      %dma_wait3A_222 = arith.constant 0 : i32
      %dma_wait3A_223 = tpu.memref_slice %arg7[%add3A_194, %dma_wait3A_222] : memref<80x128xi32, #tpu.memory_space<vmem>> -> memref<1x128xi32, #tpu.memory_space<vmem>>
      %dma_wait3A_224 = tpu.memref_squeeze %dma_wait3A_223 : memref<1x128xi32, #tpu.memory_space<vmem>> -> memref<128xi32, #tpu.memory_space<vmem>>
      %dma_wait3A_225 = arith.constant 0 : i32
      %dma_wait3A_226 = arith.constant 0 : i32
      %dma_wait3A_227 = tpu.memref_slice %arg2[%dma_wait3A_225, %dma_wait3A_226] : memref<10240x128xf32, #tpu.memory_space<hbm>> -> memref<10240x128xf32, #tpu.memory_space<hbm>>
      tpu.wait_indirect_dma semaphore(%arg15 : memref<!tpu.dma_semaphore, #tpu.memory_space<semaphore_mem>>) src(%dma_wait3A_227 : memref<10240x128xf32, #tpu.memory_space<hbm>>) dst(%dma_wait3A_221 : memref<128x128xf32, #tpu.memory_space<vmem>>)
      %dma_wait3A_228 = arith.constant 0 : i32
      %dma_wait3A_229 = tpu.memref_slice %arg4[%add3A, %add3A_194, %dma_wait3A_228] : memref<32x80x128xi32, #tpu.memory_space<hbm>> -> memref<1x1x128xi32, #tpu.memory_space<hbm>>
      %dma_wait3A_230 = tpu.memref_squeeze %dma_wait3A_229 : memref<1x1x128xi32, #tpu.memory_space<hbm>> -> memref<128xi32, #tpu.memory_space<hbm>>
      %dma_wait3A_231 = arith.constant 0 : i32
      %dma_wait3A_232 = tpu.memref_slice %arg4[%add3A, %add3A_194, %dma_wait3A_231] : memref<32x80x128xi32, #tpu.memory_space<hbm>> -> memref<1x1x128xi32, #tpu.memory_space<hbm>>
      %dma_wait3A_233 = tpu.memref_squeeze %dma_wait3A_232 : memref<1x1x128xi32, #tpu.memory_space<hbm>> -> memref<128xi32, #tpu.memory_space<hbm>>
      tpu.wait_dma2 semaphore(%arg21 : memref<!tpu.dma_semaphore, #tpu.memory_space<semaphore_mem>>) src(%dma_wait3A_233 : memref<128xi32, #tpu.memory_space<hbm>>) dst(%arg11 : memref<128xi32, #tpu.memory_space<vmem>>)
      %dma_start3A_234 = arith.constant 1 : i32
      %dma_start3A_235 = arith.constant 0 : i32
      %dma_start3A_236 = arith.constant 0 : i32
      %dma_start3A_237 = tpu.memref_slice %arg12[%dma_start3A_234, %dma_start3A_235, %dma_start3A_236] : memref<2x128x128xf32, #tpu.memory_space<vmem>> -> memref<1x128x128xf32, #tpu.memory_space<vmem>>
      %dma_start3A_238 = tpu.memref_squeeze %dma_start3A_237 : memref<1x128x128xf32, #tpu.memory_space<vmem>> -> memref<128x128xf32, #tpu.memory_space<vmem>>
      %dma_start3A_239 = arith.constant 0 : i32
      %dma_start3A_240 = arith.constant 0 : i32
      %dma_start3A_241 = tpu.memref_slice %arg13[%dma_start3A_239, %dma_start3A_240] : memref<10240x128xf32, #tpu.memory_space<vmem_shared>> -> memref<10240x128xf32, #tpu.memory_space<vmem_shared>>
      tpu.enqueue_indirect_dma source(%dma_start3A_238 : memref<128x128xf32, #tpu.memory_space<vmem>>) target(%dma_start3A_241 : memref<10240x128xf32, #tpu.memory_space<vmem_shared>>) offsets(%arg11 : memref<128xi32, #tpu.memory_space<vmem>>) semaphore(%arg17 : memref<!tpu.dma_semaphore, #tpu.memory_space<semaphore_mem>>) {add = true}
    }
    %scan3A_31 = arith.constant 20 : i32
    %dma_wait3A = arith.constant 1 : i32
    %dma_wait3A_32 = arith.constant 0 : i32
    %dma_wait3A_33 = arith.constant 0 : i32
    %dma_wait3A_34 = tpu.memref_slice %arg12[%dma_wait3A, %dma_wait3A_32, %dma_wait3A_33] : memref<2x128x128xf32, #tpu.memory_space<vmem>> -> memref<1x128x128xf32, #tpu.memory_space<vmem>>
    %dma_wait3A_35 = tpu.memref_squeeze %dma_wait3A_34 : memref<1x128x128xf32, #tpu.memory_space<vmem>> -> memref<128x128xf32, #tpu.memory_space<vmem>>
    %dma_wait3A_36 = arith.constant 0 : i32
    %dma_wait3A_37 = arith.constant 0 : i32
    %dma_wait3A_38 = tpu.memref_slice %arg13[%dma_wait3A_36, %dma_wait3A_37] : memref<10240x128xf32, #tpu.memory_space<vmem_shared>> -> memref<10240x128xf32, #tpu.memory_space<vmem_shared>>
    tpu.wait_indirect_dma semaphore(%arg17 : memref<!tpu.dma_semaphore, #tpu.memory_space<semaphore_mem>>) src(%dma_wait3A_35 : memref<128x128xf32, #tpu.memory_space<vmem>>) dst(%dma_wait3A_38 : memref<10240x128xf32, #tpu.memory_space<vmem_shared>>)
    %barrier3A_39 = arith.constant 0 : index
    tpu.barrier barrier_id(%barrier3A_39)
    "tpu.region"() ({
      %run_scoped3A = tpu.sem_alloc : memref<!tpu.dma_semaphore, #tpu.memory_space<semaphore_mem>>
      %dma_start3A_40 = arith.constant 0 : i32
      %dma_start3A_41 = tpu.memref_slice %arg6[%arg0, %mul3A_2, %dma_start3A_40] : memref<2x10240x128xf32, #tpu.memory_space<hbm>> -> memref<1x640x128xf32, #tpu.memory_space<hbm>>
      %dma_start3A_42 = tpu.memref_squeeze %dma_start3A_41 : memref<1x640x128xf32, #tpu.memory_space<hbm>> -> memref<640x128xf32, #tpu.memory_space<hbm>>
      %dma_start3A_43 = arith.constant 0 : i32
      %dma_start3A_44 = tpu.memref_slice %arg13[%mul3A_2, %dma_start3A_43] : memref<10240x128xf32, #tpu.memory_space<vmem_shared>> -> memref<640x128xf32, #tpu.memory_space<vmem_shared>>
      tpu.enqueue_dma source(%dma_start3A_44 : memref<640x128xf32, #tpu.memory_space<vmem_shared>>) target(%dma_start3A_42 : memref<640x128xf32, #tpu.memory_space<hbm>>) target_semaphore(%run_scoped3A : memref<!tpu.dma_semaphore, #tpu.memory_space<semaphore_mem>>)
      %dma_wait3A_45 = arith.constant 0 : i32
      %dma_wait3A_46 = tpu.memref_slice %arg6[%arg0, %mul3A_2, %dma_wait3A_45] : memref<2x10240x128xf32, #tpu.memory_space<hbm>> -> memref<1x640x128xf32, #tpu.memory_space<hbm>>
      %dma_wait3A_47 = tpu.memref_squeeze %dma_wait3A_46 : memref<1x640x128xf32, #tpu.memory_space<hbm>> -> memref<640x128xf32, #tpu.memory_space<hbm>>
      %dma_wait3A_48 = arith.constant 0 : i32
      %dma_wait3A_49 = tpu.memref_slice %arg13[%mul3A_2, %dma_wait3A_48] : memref<10240x128xf32, #tpu.memory_space<vmem_shared>> -> memref<640x128xf32, #tpu.memory_space<vmem_shared>>
      tpu.wait_dma2 semaphore(%run_scoped3A : memref<!tpu.dma_semaphore, #tpu.memory_space<semaphore_mem>>) src(%dma_wait3A_49 : memref<640x128xf32, #tpu.memory_space<vmem_shared>>) dst(%dma_wait3A_47 : memref<640x128xf32, #tpu.memory_space<hbm>>)
      tpu.yield
    }) : () -> ()
    return
  }
}

module attributes {stable_mosaic.version = 14 : i64} {
  func.func @body(%arg0: i32, %arg1: memref<1024x128xf32, #tpu.memory_space<vmem>>, %arg2: memref<128x128xf32, #tpu.memory_space<vmem>>, %arg3: memref<128x128xf32, #tpu.memory_space<vmem>>, %arg4: memref<1x128xf32, #tpu.memory_space<vmem>>, %arg5: memref<2x1024x128xf32, #tpu.memory_space<vmem>>, %arg6: memref<1024x128xf32, #tpu.memory_space<vmem>>, %arg7: memref<1024x128xf32, #tpu.memory_space<vmem>>, %arg8: memref<1024x1xf32, #tpu.memory_space<vmem>>) attributes {dimension_semantics = [#tpu.dimension_semantics<arbitrary>], iteration_bounds = array<i64: 10>, scalar_prefetch = 0 : i64, scratch_operands = 0 : i64, tpu.core_type = #tpu.core_type<tc>, window_params = [{transform_indices = @transform_0, window_bounds = array<i64: 1024, 128>}, {pipeline_mode = #tpu.pipeline_mode<synchronous>, transform_indices = @transform_1, window_bounds = array<i64: 128, 128>}, {pipeline_mode = #tpu.pipeline_mode<synchronous>, transform_indices = @transform_2, window_bounds = array<i64: 128, 128>}, {pipeline_mode = #tpu.pipeline_mode<synchronous>, transform_indices = @transform_3, window_bounds = array<i64: 1, 128>}, {transform_indices = @transform_4, window_bounds = array<i64: 2, 1024, 128>}, {transform_indices = @transform_5, window_bounds = array<i64: 1024, 128>}, {transform_indices = @transform_6, window_bounds = array<i64: 1024, 128>}, {transform_indices = @transform_7, window_bounds = array<i64: 1024, 1>}]} {
    %get3A = arith.constant 0 : index
    %get3A_0 = arith.constant 0 : index
    %get3A_1 = arith.constant 0 : index
    %get3A_2 = vector.load %arg5[%get3A, %get3A_0, %get3A_1] : memref<2x1024x128xf32, #tpu.memory_space<vmem>>, vector<1x1024x128xf32>
    %get3A_3 = vector.shape_cast %get3A_2 : vector<1x1024x128xf32> to vector<1024x128xf32>
    %slice3A = vector.extract_strided_slice %get3A_3 {offsets = [0, 0], sizes = [1024, 1], strides = [1, 1]} : vector<1024x128xf32> to vector<1024x1xf32>
    %get3A_4 = arith.constant 1 : index
    %get3A_5 = arith.constant 0 : index
    %get3A_6 = arith.constant 0 : index
    %get3A_7 = vector.load %arg5[%get3A_4, %get3A_5, %get3A_6] : memref<2x1024x128xf32, #tpu.memory_space<vmem>>, vector<1x1024x128xf32>
    %get3A_8 = vector.shape_cast %get3A_7 : vector<1x1024x128xf32> to vector<1024x128xf32>
    %slice3A_9 = vector.extract_strided_slice %get3A_8 {offsets = [0, 0], sizes = [1024, 1], strides = [1, 1]} : vector<1024x128xf32> to vector<1024x1xf32>
    %add3A = arith.addf %slice3A, %slice3A_9 : vector<1024x1xf32>
    %add3A_10 = arith.constant 1.000000e+00 : f32
    %add3A_11 = vector.broadcast %add3A_10 : f32 to vector<1024x1xf32>
    %add3A_12 = arith.addf %add3A, %add3A_11 : vector<1024x1xf32>
    %mul3A = arith.constant 1024 : i32
    %mul3A_13 = arith.muli %arg0, %mul3A : i32
    %iota3A = tpu.iota {dimensions = array<i32: 0>} : vector<1024x1xi32>
    %add3A_14 = vector.broadcast %mul3A_13 : i32 to vector<1024x1xi32>
    %add3A_15 = arith.addi %add3A_14, %iota3A : vector<1024x1xi32>
    %lt3A = arith.constant 10000 : i32
    %lt3A_16 = vector.broadcast %lt3A : i32 to vector<1024x1xi32>
    %lt3A_17 = arith.cmpi slt, %add3A_15, %lt3A_16 : vector<1024x1xi32>
    %rsqrt3A = math.rsqrt %add3A_12 : vector<1024x1xf32>
    %jit3A = arith.constant 0.000000e+00 : f32
    %broadcast_in_dim3A = vector.broadcast %jit3A : f32 to vector<1024x1xf32>
    %select_n3A = arith.select %lt3A_17, %rsqrt3A, %broadcast_in_dim3A : vector<1024x1xi1>, vector<1024x1xf32>
    %swap3A = arith.constant 0 : index
    %swap3A_18 = arith.constant 0 : index
    %swap3A_19 = vector.load %arg8[%swap3A, %swap3A_18] : memref<1024x1xf32, #tpu.memory_space<vmem>>, vector<1024x1xf32>
    tpu.vector_store %arg8[%swap3A, %swap3A_18], %select_n3A {strides = array<i32>} : memref<1024x1xf32, #tpu.memory_space<vmem>>, vector<1024x1xf32>,
    %get3A_20 = arith.constant 0 : index
    %get3A_21 = arith.constant 0 : index
    %get3A_22 = vector.load %arg1[%get3A_20, %get3A_21] : memref<1024x128xf32, #tpu.memory_space<vmem>>, vector<1024x128xf32>
    %get3A_23 = arith.constant 0 : index
    %get3A_24 = arith.constant 0 : index
    %get3A_25 = vector.load %arg2[%get3A_23, %get3A_24] : memref<128x128xf32, #tpu.memory_space<vmem>>, vector<128x128xf32>
    %dot_general3A = arith.constant dense<0.000000e+00> : vector<1024x128xf32>
    %dot_general3A_26 = tpu.matmul %get3A_22, %get3A_25, %dot_general3A {dimension_numbers = #tpu.dot_dimension_numbers<[1], [0], [0], [1], [0, 0, 1, 1], [], []>, transpose_lhs_hint = false} : vector<1024x128xf32>, vector<128x128xf32>, vector<1024x128xf32> -> vector<1024x128xf32>
    %mul3A_27 = vector.broadcast %select_n3A : vector<1024x1xf32> to vector<1024x128xf32>
    %mul3A_28 = arith.mulf %dot_general3A_26, %mul3A_27 : vector<1024x128xf32>
    %swap3A_29 = arith.constant 0 : index
    %swap3A_30 = arith.constant 0 : index
    %swap3A_31 = vector.load %arg6[%swap3A_29, %swap3A_30] : memref<1024x128xf32, #tpu.memory_space<vmem>>, vector<1024x128xf32>
    tpu.vector_store %arg6[%swap3A_29, %swap3A_30], %mul3A_28 {strides = array<i32>} : memref<1024x128xf32, #tpu.memory_space<vmem>>, vector<1024x128xf32>,
    %get3A_32 = arith.constant 0 : index
    %get3A_33 = arith.constant 0 : index
    %get3A_34 = vector.load %arg3[%get3A_32, %get3A_33] : memref<128x128xf32, #tpu.memory_space<vmem>>, vector<128x128xf32>
    %dot_general3A_35 = arith.constant dense<0.000000e+00> : vector<1024x128xf32>
    %dot_general3A_36 = tpu.matmul %get3A_22, %get3A_34, %dot_general3A_35 {dimension_numbers = #tpu.dot_dimension_numbers<[1], [0], [0], [1], [0, 0, 1, 1], [], []>, transpose_lhs_hint = false} : vector<1024x128xf32>, vector<128x128xf32>, vector<1024x128xf32> -> vector<1024x128xf32>
    %get3A_37 = arith.constant 0 : index
    %get3A_38 = arith.constant 0 : index
    %get3A_39 = vector.load %arg4[%get3A_37, %get3A_38] : memref<1x128xf32, #tpu.memory_space<vmem>>, vector<1x128xf32>
    %add3A_40 = vector.broadcast %get3A_39 : vector<1x128xf32> to vector<1024x128xf32>
    %add3A_41 = arith.addf %dot_general3A_36, %add3A_40 : vector<1024x128xf32>
    %swap3A_42 = arith.constant 0 : index
    %swap3A_43 = arith.constant 0 : index
    %swap3A_44 = vector.load %arg7[%swap3A_42, %swap3A_43] : memref<1024x128xf32, #tpu.memory_space<vmem>>, vector<1024x128xf32>
    tpu.vector_store %arg7[%swap3A_42, %swap3A_43], %add3A_41 {strides = array<i32>} : memref<1024x128xf32, #tpu.memory_space<vmem>>, vector<1024x128xf32>,
    return
  }
  func.func @transform_0(%arg0: i32) -> (i32, i32) {
    %c0_i32 = arith.constant 0 : i32
    %c0_i32_0 = arith.constant 0 : i32
    return %arg0, %c0_i32 : i32, i32
  }
  func.func @transform_1(%arg0: i32) -> (i32, i32) {
    %c0_i32 = arith.constant 0 : i32
    %c0_i32_0 = arith.constant 0 : i32
    %c0_i32_1 = arith.constant 0 : i32
    return %c0_i32, %c0_i32_0 : i32, i32
  }
  func.func @transform_2(%arg0: i32) -> (i32, i32) {
    %c0_i32 = arith.constant 0 : i32
    %c0_i32_0 = arith.constant 0 : i32
    %c0_i32_1 = arith.constant 0 : i32
    return %c0_i32, %c0_i32_0 : i32, i32
  }
  func.func @transform_3(%arg0: i32) -> (i32, i32) {
    %c0_i32 = arith.constant 0 : i32
    %c0_i32_0 = arith.constant 0 : i32
    %c0_i32_1 = arith.constant 0 : i32
    return %c0_i32, %c0_i32_0 : i32, i32
  }
  func.func @transform_4(%arg0: i32) -> (i32, i32, i32) {
    %c0_i32 = arith.constant 0 : i32
    %c0_i32_0 = arith.constant 0 : i32
    %c0_i32_1 = arith.constant 0 : i32
    return %c0_i32, %arg0, %c0_i32_0 : i32, i32, i32
  }
  func.func @transform_5(%arg0: i32) -> (i32, i32) {
    %c0_i32 = arith.constant 0 : i32
    %c0_i32_0 = arith.constant 0 : i32
    return %arg0, %c0_i32 : i32, i32
  }
  func.func @transform_6(%arg0: i32) -> (i32, i32) {
    %c0_i32 = arith.constant 0 : i32
    %c0_i32_0 = arith.constant 0 : i32
    return %arg0, %c0_i32 : i32, i32
  }
  func.func @transform_7(%arg0: i32) -> (i32, i32) {
    %c0_i32 = arith.constant 0 : i32
    %c0_i32_0 = arith.constant 0 : i32
    return %arg0, %c0_i32 : i32, i32
  }
}

module attributes {stable_mosaic.version = 14 : i64} {
  func.func @body(%arg0: i32, %arg1: memref<2x1024x128xf32, #tpu.memory_space<vmem>>, %arg2: memref<1024x128xf32, #tpu.memory_space<vmem>>, %arg3: memref<1024x128xf32, #tpu.memory_space<vmem>>, %arg4: memref<1x128xf32, #tpu.memory_space<vmem>>, %arg5: memref<1024x1xf32, #tpu.memory_space<vmem>>, %arg6: memref<128x128xf32, #tpu.memory_space<vmem>>, %arg7: memref<128x128xf32, #tpu.memory_space<vmem>>, %arg8: memref<1x128xf32, #tpu.memory_space<vmem>>, %arg9: memref<1024x128xf32, #tpu.memory_space<vmem>>, %arg10: memref<1024x128xf32, #tpu.memory_space<vmem>>) attributes {dimension_semantics = [#tpu.dimension_semantics<arbitrary>], iteration_bounds = array<i64: 10>, scalar_prefetch = 0 : i64, scratch_operands = 0 : i64, tpu.core_type = #tpu.core_type<tc>, window_params = [{transform_indices = @transform_0, window_bounds = array<i64: 2, 1024, 128>}, {transform_indices = @transform_1, window_bounds = array<i64: 1024, 128>}, {transform_indices = @transform_2, window_bounds = array<i64: 1024, 128>}, {pipeline_mode = #tpu.pipeline_mode<synchronous>, transform_indices = @transform_3, window_bounds = array<i64: 1, 128>}, {transform_indices = @transform_4, window_bounds = array<i64: 1024, 1>}, {pipeline_mode = #tpu.pipeline_mode<synchronous>, transform_indices = @transform_5, window_bounds = array<i64: 128, 128>}, {pipeline_mode = #tpu.pipeline_mode<synchronous>, transform_indices = @transform_6, window_bounds = array<i64: 128, 128>}, {pipeline_mode = #tpu.pipeline_mode<synchronous>, transform_indices = @transform_7, window_bounds = array<i64: 1, 128>}, {transform_indices = @transform_8, window_bounds = array<i64: 1024, 128>}, {transform_indices = @transform_9, window_bounds = array<i64: 1024, 128>}]} {
    %get3A = arith.constant 0 : index
    %get3A_0 = arith.constant 0 : index
    %get3A_1 = vector.load %arg5[%get3A, %get3A_0] : memref<1024x1xf32, #tpu.memory_space<vmem>>, vector<1024x1xf32>
    %get3A_2 = arith.constant 0 : index
    %get3A_3 = arith.constant 0 : index
    %get3A_4 = arith.constant 0 : index
    %get3A_5 = vector.load %arg1[%get3A_2, %get3A_3, %get3A_4] : memref<2x1024x128xf32, #tpu.memory_space<vmem>>, vector<1x1024x128xf32>
    %get3A_6 = vector.shape_cast %get3A_5 : vector<1x1024x128xf32> to vector<1024x128xf32>
    %get3A_7 = arith.constant 1 : index
    %get3A_8 = arith.constant 0 : index
    %get3A_9 = arith.constant 0 : index
    %get3A_10 = vector.load %arg1[%get3A_7, %get3A_8, %get3A_9] : memref<2x1024x128xf32, #tpu.memory_space<vmem>>, vector<1x1024x128xf32>
    %get3A_11 = vector.shape_cast %get3A_10 : vector<1x1024x128xf32> to vector<1024x128xf32>
    %add3A = arith.addf %get3A_6, %get3A_11 : vector<1024x128xf32>
    %get3A_12 = arith.constant 0 : index
    %get3A_13 = arith.constant 0 : index
    %get3A_14 = vector.load %arg2[%get3A_12, %get3A_13] : memref<1024x128xf32, #tpu.memory_space<vmem>>, vector<1024x128xf32>
    %add3A_15 = arith.addf %add3A, %get3A_14 : vector<1024x128xf32>
    %mul3A = vector.broadcast %get3A_1 : vector<1024x1xf32> to vector<1024x128xf32>
    %mul3A_16 = arith.mulf %add3A_15, %mul3A : vector<1024x128xf32>
    %get3A_17 = arith.constant 0 : index
    %get3A_18 = arith.constant 0 : index
    %get3A_19 = vector.load %arg4[%get3A_17, %get3A_18] : memref<1x128xf32, #tpu.memory_space<vmem>>, vector<1x128xf32>
    %add3A_20 = vector.broadcast %get3A_19 : vector<1x128xf32> to vector<1024x128xf32>
    %add3A_21 = arith.addf %mul3A_16, %add3A_20 : vector<1024x128xf32>
    %get3A_22 = arith.constant 0 : index
    %get3A_23 = arith.constant 0 : index
    %get3A_24 = vector.load %arg3[%get3A_22, %get3A_23] : memref<1024x128xf32, #tpu.memory_space<vmem>>, vector<1024x128xf32>
    %add3A_25 = arith.addf %add3A_21, %get3A_24 : vector<1024x128xf32>
    %gt3A = arith.constant 0.000000e+00 : f32
    %gt3A_26 = vector.broadcast %gt3A : f32 to vector<1024x128xf32>
    %gt3A_27 = arith.cmpf ogt, %add3A_25, %gt3A_26 : vector<1024x128xf32>
    %mul3A_28 = arith.constant 0.00999999977 : f32
    %mul3A_29 = vector.broadcast %mul3A_28 : f32 to vector<1024x128xf32>
    %mul3A_30 = arith.mulf %mul3A_29, %add3A_25 : vector<1024x128xf32>
    %select_n3A = arith.select %gt3A_27, %add3A_25, %mul3A_30 : vector<1024x128xi1>, vector<1024x128xf32>
    %get3A_31 = arith.constant 0 : index
    %get3A_32 = arith.constant 0 : index
    %get3A_33 = vector.load %arg6[%get3A_31, %get3A_32] : memref<128x128xf32, #tpu.memory_space<vmem>>, vector<128x128xf32>
    %dot_general3A = arith.constant dense<0.000000e+00> : vector<1024x128xf32>
    %dot_general3A_34 = tpu.matmul %select_n3A, %get3A_33, %dot_general3A {dimension_numbers = #tpu.dot_dimension_numbers<[1], [0], [0], [1], [0, 0, 1, 1], [], []>, transpose_lhs_hint = false} : vector<1024x128xf32>, vector<128x128xf32>, vector<1024x128xf32> -> vector<1024x128xf32>
    %mul3A_35 = vector.broadcast %get3A_1 : vector<1024x1xf32> to vector<1024x128xf32>
    %mul3A_36 = arith.mulf %dot_general3A_34, %mul3A_35 : vector<1024x128xf32>
    %swap3A = arith.constant 0 : index
    %swap3A_37 = arith.constant 0 : index
    %swap3A_38 = vector.load %arg9[%swap3A, %swap3A_37] : memref<1024x128xf32, #tpu.memory_space<vmem>>, vector<1024x128xf32>
    tpu.vector_store %arg9[%swap3A, %swap3A_37], %mul3A_36 {strides = array<i32>} : memref<1024x128xf32, #tpu.memory_space<vmem>>, vector<1024x128xf32>,
    %get3A_39 = arith.constant 0 : index
    %get3A_40 = arith.constant 0 : index
    %get3A_41 = vector.load %arg7[%get3A_39, %get3A_40] : memref<128x128xf32, #tpu.memory_space<vmem>>, vector<128x128xf32>
    %dot_general3A_42 = arith.constant dense<0.000000e+00> : vector<1024x128xf32>
    %dot_general3A_43 = tpu.matmul %select_n3A, %get3A_41, %dot_general3A_42 {dimension_numbers = #tpu.dot_dimension_numbers<[1], [0], [0], [1], [0, 0, 1, 1], [], []>, transpose_lhs_hint = false} : vector<1024x128xf32>, vector<128x128xf32>, vector<1024x128xf32> -> vector<1024x128xf32>
    %get3A_44 = arith.constant 0 : index
    %get3A_45 = arith.constant 0 : index
    %get3A_46 = vector.load %arg8[%get3A_44, %get3A_45] : memref<1x128xf32, #tpu.memory_space<vmem>>, vector<1x128xf32>
    %add3A_47 = vector.broadcast %get3A_46 : vector<1x128xf32> to vector<1024x128xf32>
    %add3A_48 = arith.addf %dot_general3A_43, %add3A_47 : vector<1024x128xf32>
    %swap3A_49 = arith.constant 0 : index
    %swap3A_50 = arith.constant 0 : index
    %swap3A_51 = vector.load %arg10[%swap3A_49, %swap3A_50] : memref<1024x128xf32, #tpu.memory_space<vmem>>, vector<1024x128xf32>
    tpu.vector_store %arg10[%swap3A_49, %swap3A_50], %add3A_48 {strides = array<i32>} : memref<1024x128xf32, #tpu.memory_space<vmem>>, vector<1024x128xf32>,
    return
  }
  func.func @transform_0(%arg0: i32) -> (i32, i32, i32) {
    %c0_i32 = arith.constant 0 : i32
    %c0_i32_0 = arith.constant 0 : i32
    %c0_i32_1 = arith.constant 0 : i32
    return %c0_i32, %arg0, %c0_i32_0 : i32, i32, i32
  }
  func.func @transform_1(%arg0: i32) -> (i32, i32) {
    %c0_i32 = arith.constant 0 : i32
    %c0_i32_0 = arith.constant 0 : i32
    return %arg0, %c0_i32 : i32, i32
  }
  func.func @transform_2(%arg0: i32) -> (i32, i32) {
    %c0_i32 = arith.constant 0 : i32
    %c0_i32_0 = arith.constant 0 : i32
    return %arg0, %c0_i32 : i32, i32
  }
  func.func @transform_3(%arg0: i32) -> (i32, i32) {
    %c0_i32 = arith.constant 0 : i32
    %c0_i32_0 = arith.constant 0 : i32
    %c0_i32_1 = arith.constant 0 : i32
    return %c0_i32, %c0_i32_0 : i32, i32
  }
  func.func @transform_4(%arg0: i32) -> (i32, i32) {
    %c0_i32 = arith.constant 0 : i32
    %c0_i32_0 = arith.constant 0 : i32
    return %arg0, %c0_i32 : i32, i32
  }
  func.func @transform_5(%arg0: i32) -> (i32, i32) {
    %c0_i32 = arith.constant 0 : i32
    %c0_i32_0 = arith.constant 0 : i32
    %c0_i32_1 = arith.constant 0 : i32
    return %c0_i32, %c0_i32_0 : i32, i32
  }
  func.func @transform_6(%arg0: i32) -> (i32, i32) {
    %c0_i32 = arith.constant 0 : i32
    %c0_i32_0 = arith.constant 0 : i32
    %c0_i32_1 = arith.constant 0 : i32
    return %c0_i32, %c0_i32_0 : i32, i32
  }
  func.func @transform_7(%arg0: i32) -> (i32, i32) {
    %c0_i32 = arith.constant 0 : i32
    %c0_i32_0 = arith.constant 0 : i32
    %c0_i32_1 = arith.constant 0 : i32
    return %c0_i32, %c0_i32_0 : i32, i32
  }
  func.func @transform_8(%arg0: i32) -> (i32, i32) {
    %c0_i32 = arith.constant 0 : i32
    %c0_i32_0 = arith.constant 0 : i32
    return %arg0, %c0_i32 : i32, i32
  }
  func.func @transform_9(%arg0: i32) -> (i32, i32) {
    %c0_i32 = arith.constant 0 : i32
    %c0_i32_0 = arith.constant 0 : i32
    return %arg0, %c0_i32 : i32, i32
  }
}

module attributes {stable_mosaic.version = 14 : i64} {
  func.func @body(%arg0: i32, %arg1: memref<2x1024x128xf32, #tpu.memory_space<vmem>>, %arg2: memref<1024x128xf32, #tpu.memory_space<vmem>>, %arg3: memref<1024x128xf32, #tpu.memory_space<vmem>>, %arg4: memref<1x128xf32, #tpu.memory_space<vmem>>, %arg5: memref<1024x1xf32, #tpu.memory_space<vmem>>, %arg6: memref<128x64xf32, #tpu.memory_space<vmem>>, %arg7: memref<1x64xf32, #tpu.memory_space<vmem>>, %arg8: memref<1024x128xf32, #tpu.memory_space<vmem>>, %arg9: memref<1024x64xf32, #tpu.memory_space<vmem>>) attributes {dimension_semantics = [#tpu.dimension_semantics<arbitrary>], iteration_bounds = array<i64: 10>, scalar_prefetch = 0 : i64, scratch_operands = 0 : i64, tpu.core_type = #tpu.core_type<tc>, window_params = [{transform_indices = @transform_0, window_bounds = array<i64: 2, 1024, 128>}, {transform_indices = @transform_1, window_bounds = array<i64: 1024, 128>}, {transform_indices = @transform_2, window_bounds = array<i64: 1024, 128>}, {pipeline_mode = #tpu.pipeline_mode<synchronous>, transform_indices = @transform_3, window_bounds = array<i64: 1, 128>}, {transform_indices = @transform_4, window_bounds = array<i64: 1024, 1>}, {pipeline_mode = #tpu.pipeline_mode<synchronous>, transform_indices = @transform_5, window_bounds = array<i64: 128, 64>}, {pipeline_mode = #tpu.pipeline_mode<synchronous>, transform_indices = @transform_6, window_bounds = array<i64: 1, 64>}, {transform_indices = @transform_7, window_bounds = array<i64: 1024, 128>}, {transform_indices = @transform_8, window_bounds = array<i64: 1024, 64>}]} {
    %get3A = arith.constant 0 : index
    %get3A_0 = arith.constant 0 : index
    %get3A_1 = vector.load %arg5[%get3A, %get3A_0] : memref<1024x1xf32, #tpu.memory_space<vmem>>, vector<1024x1xf32>
    %get3A_2 = arith.constant 0 : index
    %get3A_3 = arith.constant 0 : index
    %get3A_4 = arith.constant 0 : index
    %get3A_5 = vector.load %arg1[%get3A_2, %get3A_3, %get3A_4] : memref<2x1024x128xf32, #tpu.memory_space<vmem>>, vector<1x1024x128xf32>
    %get3A_6 = vector.shape_cast %get3A_5 : vector<1x1024x128xf32> to vector<1024x128xf32>
    %get3A_7 = arith.constant 1 : index
    %get3A_8 = arith.constant 0 : index
    %get3A_9 = arith.constant 0 : index
    %get3A_10 = vector.load %arg1[%get3A_7, %get3A_8, %get3A_9] : memref<2x1024x128xf32, #tpu.memory_space<vmem>>, vector<1x1024x128xf32>
    %get3A_11 = vector.shape_cast %get3A_10 : vector<1x1024x128xf32> to vector<1024x128xf32>
    %add3A = arith.addf %get3A_6, %get3A_11 : vector<1024x128xf32>
    %get3A_12 = arith.constant 0 : index
    %get3A_13 = arith.constant 0 : index
    %get3A_14 = vector.load %arg2[%get3A_12, %get3A_13] : memref<1024x128xf32, #tpu.memory_space<vmem>>, vector<1024x128xf32>
    %add3A_15 = arith.addf %add3A, %get3A_14 : vector<1024x128xf32>
    %mul3A = vector.broadcast %get3A_1 : vector<1024x1xf32> to vector<1024x128xf32>
    %mul3A_16 = arith.mulf %add3A_15, %mul3A : vector<1024x128xf32>
    %get3A_17 = arith.constant 0 : index
    %get3A_18 = arith.constant 0 : index
    %get3A_19 = vector.load %arg4[%get3A_17, %get3A_18] : memref<1x128xf32, #tpu.memory_space<vmem>>, vector<1x128xf32>
    %add3A_20 = vector.broadcast %get3A_19 : vector<1x128xf32> to vector<1024x128xf32>
    %add3A_21 = arith.addf %mul3A_16, %add3A_20 : vector<1024x128xf32>
    %get3A_22 = arith.constant 0 : index
    %get3A_23 = arith.constant 0 : index
    %get3A_24 = vector.load %arg3[%get3A_22, %get3A_23] : memref<1024x128xf32, #tpu.memory_space<vmem>>, vector<1024x128xf32>
    %add3A_25 = arith.addf %add3A_21, %get3A_24 : vector<1024x128xf32>
    %gt3A = arith.constant 0.000000e+00 : f32
    %gt3A_26 = vector.broadcast %gt3A : f32 to vector<1024x128xf32>
    %gt3A_27 = arith.cmpf ogt, %add3A_25, %gt3A_26 : vector<1024x128xf32>
    %mul3A_28 = arith.constant 0.00999999977 : f32
    %mul3A_29 = vector.broadcast %mul3A_28 : f32 to vector<1024x128xf32>
    %mul3A_30 = arith.mulf %mul3A_29, %add3A_25 : vector<1024x128xf32>
    %select_n3A = arith.select %gt3A_27, %add3A_25, %mul3A_30 : vector<1024x128xi1>, vector<1024x128xf32>
    %swap3A = arith.constant 0 : index
    %swap3A_31 = arith.constant 0 : index
    %swap3A_32 = vector.load %arg8[%swap3A, %swap3A_31] : memref<1024x128xf32, #tpu.memory_space<vmem>>, vector<1024x128xf32>
    tpu.vector_store %arg8[%swap3A, %swap3A_31], %select_n3A {strides = array<i32>} : memref<1024x128xf32, #tpu.memory_space<vmem>>, vector<1024x128xf32>,
    %get3A_33 = arith.constant 0 : index
    %get3A_34 = arith.constant 0 : index
    %get3A_35 = vector.load %arg6[%get3A_33, %get3A_34] : memref<128x64xf32, #tpu.memory_space<vmem>>, vector<128x64xf32>
    %dot_general3A = arith.constant dense<0.000000e+00> : vector<1024x64xf32>
    %dot_general3A_36 = tpu.matmul %select_n3A, %get3A_35, %dot_general3A {dimension_numbers = #tpu.dot_dimension_numbers<[1], [0], [0], [1], [0, 0, 1, 1], [], []>, transpose_lhs_hint = false} : vector<1024x128xf32>, vector<128x64xf32>, vector<1024x64xf32> -> vector<1024x64xf32>
    %get3A_37 = arith.constant 0 : index
    %get3A_38 = arith.constant 0 : index
    %get3A_39 = vector.load %arg7[%get3A_37, %get3A_38] : memref<1x64xf32, #tpu.memory_space<vmem>>, vector<1x64xf32>
    %add3A_40 = vector.broadcast %get3A_39 : vector<1x64xf32> to vector<1024x64xf32>
    %add3A_41 = arith.addf %dot_general3A_36, %add3A_40 : vector<1024x64xf32>
    %swap3A_42 = arith.constant 0 : index
    %swap3A_43 = arith.constant 0 : index
    %swap3A_44 = vector.load %arg9[%swap3A_42, %swap3A_43] : memref<1024x64xf32, #tpu.memory_space<vmem>>, vector<1024x64xf32>
    tpu.vector_store %arg9[%swap3A_42, %swap3A_43], %add3A_41 {strides = array<i32>} : memref<1024x64xf32, #tpu.memory_space<vmem>>, vector<1024x64xf32>,
    return
  }
  func.func @transform_0(%arg0: i32) -> (i32, i32, i32) {
    %c0_i32 = arith.constant 0 : i32
    %c0_i32_0 = arith.constant 0 : i32
    %c0_i32_1 = arith.constant 0 : i32
    return %c0_i32, %arg0, %c0_i32_0 : i32, i32, i32
  }
  func.func @transform_1(%arg0: i32) -> (i32, i32) {
    %c0_i32 = arith.constant 0 : i32
    %c0_i32_0 = arith.constant 0 : i32
    return %arg0, %c0_i32 : i32, i32
  }
  func.func @transform_2(%arg0: i32) -> (i32, i32) {
    %c0_i32 = arith.constant 0 : i32
    %c0_i32_0 = arith.constant 0 : i32
    return %arg0, %c0_i32 : i32, i32
  }
  func.func @transform_3(%arg0: i32) -> (i32, i32) {
    %c0_i32 = arith.constant 0 : i32
    %c0_i32_0 = arith.constant 0 : i32
    %c0_i32_1 = arith.constant 0 : i32
    return %c0_i32, %c0_i32_0 : i32, i32
  }
  func.func @transform_4(%arg0: i32) -> (i32, i32) {
    %c0_i32 = arith.constant 0 : i32
    %c0_i32_0 = arith.constant 0 : i32
    return %arg0, %c0_i32 : i32, i32
  }
  func.func @transform_5(%arg0: i32) -> (i32, i32) {
    %c0_i32 = arith.constant 0 : i32
    %c0_i32_0 = arith.constant 0 : i32
    %c0_i32_1 = arith.constant 0 : i32
    return %c0_i32, %c0_i32_0 : i32, i32
  }
  func.func @transform_6(%arg0: i32) -> (i32, i32) {
    %c0_i32 = arith.constant 0 : i32
    %c0_i32_0 = arith.constant 0 : i32
    %c0_i32_1 = arith.constant 0 : i32
    return %c0_i32, %c0_i32_0 : i32, i32
  }
  func.func @transform_7(%arg0: i32) -> (i32, i32) {
    %c0_i32 = arith.constant 0 : i32
    %c0_i32_0 = arith.constant 0 : i32
    return %arg0, %c0_i32 : i32, i32
  }
  func.func @transform_8(%arg0: i32) -> (i32, i32) {
    %c0_i32 = arith.constant 0 : i32
    %c0_i32_0 = arith.constant 0 : i32
    return %arg0, %c0_i32 : i32, i32
  }
}

</mosaic_0001>

<sc_bundles>
// kernel: kernel.10.cloned.1.call-start
scs
__scs_entry_jumppad:
0x0: {  	(pc) =	sbr.rel $0x88, $3  }
0x1: {  	(tag) =	ssettag $0x0;
	lr =	simm.s32 $0x1  }
0x2: {  	[smem:$0x3F91] =	sst lr;
	_ =	strace $0xD0000000  }
0x3: {  	_ = 	snop  }
0x4: {  	_ = 	snop  }
0x5: {  	_ = 	snop  }
0x6: {  	_ = 	snop  }
0x7: {  	_ = 	snop  }
__scs_overlays_trampoline_lowered:
0x8: {  	[smem:$0x3FA0] =	sst s0  }
0x9: {  	[smem:$0x3FA1] =	sst s1  }
0xa: {  	[smem:$0x3FA2] =	sst s2  }
0xb: {  	[smem:$0x3FA3] =	sst s3  }
0xc: {  	[smem:$0x3FA4] =	sst s4  }
0xd: {  	[smem:$0x3FA5] =	sst s5  }
0xe: {  	[smem:$0x3FA6] =	sst s6  }
0xf: {  	[smem:$0x3FA7] =	sst s7  }
0x10: {  	[smem:$0x3FA8] =	sst s8  }
0x11: {  	[smem:$0x3FA9] =	sst s9;
	s0 =	simm.s32 @!p0 $0x0  }
0x12: {  	s1 =	sld [smem:$0x3F8F];
	s0 =	simm.s32 @p0 $0x1  }
0x13: {  	[smem:$0x3FAA] =	sst s0;
	s0 =	simm.s32 @!p1 $0x0  }
0x14: {  	s2 =	sld [smem:$0x3F8E];
	s0 =	simm.s32 @p1 $0x1  }
0x15: {  	[smem:$0x3FAB] =	sst s0;
	s0 =	simm.s32 @!p2 $0x0  }
0x16: {  	s3 =	sld [smem:$0x3FDB];
	s0 =	simm.s32 @p2 $0x1  }
0x17: {  	s4 =	simm.s32 $0x1BF5;
	[smem:$0x3FAD] =	sst s0  }
0x18: {  	s0 =	sld [smem:$0x3F90];
	_ =	swait.ge [sflag:s4], $0x0  }
0x19: {  	s7 =	sld [smem:$0x3F91]  }
0x1a: {  	s8 =	sadd.s32 $0xFFFFE003, lr  }
0x1b: {  	s9 =	sadd.s32 $0xFFFFFEF7, lr;
	s5 =	simm.s32 $0xFFFFFFFF;
	p2 =	slt.u32 s8, $0xFFFFF086  }
0x1c: {  	p1 =	slt.u32 s9, $0xF7A;
	s5 =	simm.s32 @!p2 $0x0  }
0x1d: {  	s5 =	simm.s32 @p1 $0x1;
	p0 =	seq.s32 s7, s2  }
0x1e: {  	s7 =	smul.u32 @!p0 $0xF7A, s2;
	p2 =	seq.s32 @!p0 s5, $0x0  }
0x1f: {  	s9 =	smul.u32 $0xF7A, s1;
	s8 =	simm.s32 @!p0 $0x1BF5;
	p2 =	por !p2, p0  }
0x20: {  	[sflag:s8] =	ssyncset.s32 @!p0 $0xFFFFF086;
	s6 =	sadd.s32 @!p0 s3, s7;
	s7 =	simm.s32 @!p0 $0x108  }
0x21: {  	s3 =	sadd.s32 s3, s9;
	s6 =	sadd.s32 @!p0 $0x88, s6;
	s7 =	simm.s32 @p2 $0x1082  }
0x22: {  	[simem:s7], [sflag:s8] =	dma.local @!p0 [hbm:s6], $0xF7A  }
0x23: {  	s9 =	sor.u32 $0xD0000000, s2;
	s6 =	simm.s32 $0x108;
	_ =	swait.ge @!p0 [sflag:s8], $0x0  }
0x24: {  	s3 =	sadd.s32 $0x88, s3;
	s6 =	simm.s32 @!p1 $0x1082;
	[sflag:s4] =	ssyncset.s32 $0xFFFFF086  }
0x25: {  	[simem:s6], [sflag:s4] =	dma.local [hbm:s3], $0xF7A  }
0x26: {  	[smem:$0x3F91] =	sst s1;
	(tag) =	ssettag s2;
	_ =	strace s9  }
0x27: {  	s1 =	sld [smem:$0x3FA1]  }
0x28: {  	s2 =	sld [smem:$0x3FA2]  }
0x29: {  	s4 =	sld [smem:$0x3FA4]  }
0x2a: {  	p0 =	seq.s32 s5, $0x0;
	s5 =	sld [smem:$0x3FA5]  }
0x2b: {  	s6 =	sld [smem:$0x3FA6]  }
0x2c: {  	s7 =	sld [smem:$0x3FA7]  }
0x2d: {  	s3 =	simm.s32 $0x108;
	s8 =	sld [smem:$0x3FA8]  }
0x2e: {  	s3 =	simm.s32 @!p0 $0x1082;
	s9 =	sld [smem:$0x3FA9]  }
0x2f: {  	lr =	sadd.s32 s0, s3;
	s0 =	sld [smem:$0x3FA0]  }
0x30: {  	s3 =	sld [smem:$0x3FA3]  }
0x31: {  	[smem:$0x3FAC] =	sst s10  }
0x32: {  	s10 =	sld [smem:$0x3FAA];
	_ =	sdelay $0x3  }
0x33: {  	p0 =	seq.s32 s10, $0x1;
	s10 =	sld [smem:$0x3FAC];
	_ =	sdelay $0x3  }
0x34: {  	[smem:$0x3FAC] =	sst s10  }
0x35: {  	s10 =	sld [smem:$0x3FAB];
	_ =	sdelay $0x3  }
0x36: {  	p1 =	seq.s32 s10, $0x1;
	s10 =	sld [smem:$0x3FAC];
	_ =	sdelay $0x3  }
0x37: {  	[smem:$0x3FAC] =	sst s10  }
0x38: {  	s10 =	sld [smem:$0x3FAD]  }
0x39: {  	_ = 	snop;
	(pc) =	sbr.ind lr, $3  }
0x3a: {  	_ = 	snop  }
0x3b: {  	_ = 	snop  }
0x3c: {  	p2 =	seq.s32 s10, $0x1;
	s10 =	sld [smem:$0x3FAC]  }
0x3d: {  	_ =	shalt  }
0x3e: {  	_ =	shalt  }
0x3f: {  	_ =	shalt  }
0x40: {  	_ =	shalt  }
0x41: {  	_ =	shalt  }
0x42: {  	_ =	shalt  }
0x43: {  	_ =	shalt  }
0x44: {  	_ =	shalt  }
0x45: {  	_ =	shalt  }
0x46: {  	_ =	shalt  }
0x47: {  	_ =	shalt  }
0x48: {  	_ =	shalt  }
0x49: {  	_ =	shalt  }
0x4a: {  	_ =	shalt  }
0x4b: {  	_ =	shalt  }
0x4c: {  	_ =	shalt  }
0x4d: {  	_ =	shalt  }
0x4e: {  	_ =	shalt  }
0x4f: {  	_ =	shalt  }
0x50: {  	_ =	shalt  }
0x51: {  	_ =	shalt  }
0x52: {  	_ =	shalt  }
0x53: {  	_ =	shalt  }
0x54: {  	_ =	shalt  }
0x55: {  	_ =	shalt  }
0x56: {  	_ =	shalt  }
0x57: {  	_ =	shalt  }
0x58: {  	_ =	shalt  }
0x59: {  	_ =	shalt  }
0x5a: {  	_ =	shalt  }
0x5b: {  	_ =	shalt  }
0x5c: {  	_ =	shalt  }
0x5d: {  	_ =	shalt  }
0x5e: {  	_ =	shalt  }
0x5f: {  	_ =	shalt  }
0x60: {  	_ =	shalt  }
0x61: {  	_ =	shalt  }
0x62: {  	_ =	shalt  }
0x63: {  	_ =	shalt  }
0x64: {  	_ =	shalt  }
0x65: {  	_ =	shalt  }
0x66: {  	_ =	shalt  }
0x67: {  	_ =	shalt  }
0x68: {  	_ =	shalt  }
0x69: {  	_ =	shalt  }
0x6a: {  	_ =	shalt  }
0x6b: {  	_ =	shalt  }
0x6c: {  	_ =	shalt  }
0x6d: {  	_ =	shalt  }
0x6e: {  	_ =	shalt  }
0x6f: {  	_ =	shalt  }
0x70: {  	_ =	shalt  }
0x71: {  	_ =	shalt  }
0x72: {  	_ =	shalt  }
0x73: {  	_ =	shalt  }
0x74: {  	_ =	shalt  }
0x75: {  	_ =	shalt  }
0x76: {  	_ =	shalt  }
0x77: {  	_ =	shalt  }
0x78: {  	_ =	shalt  }
0x79: {  	_ =	shalt  }
0x7a: {  	_ =	shalt  }
0x7b: {  	_ =	shalt  }
0x7c: {  	_ =	shalt  }
0x7d: {  	_ =	shalt  }
0x7e: {  	_ =	shalt  }
0x7f: {  	_ =	shalt  }
0x80: {  	_ =	shalt  }
0x81: {  	_ =	shalt  }
0x82: {  	_ =	shalt  }
0x83: {  	_ =	shalt  }
0x84: {  	_ =	shalt  }
0x85: {  	_ =	shalt  }
0x86: {  	_ =	shalt  }
0x87: {  	_ =	shalt  }
.Lfunc_end0:
.L_simem_size_0:
called_computation_lowered:
.L_overlay_start_0:
0x88: {  	s2 =	sld [smem:$0x3FD9]  }
0x89: {  	s3 =	sld [smem:$0x3FFE];
	_ =	sdelay $0x1  }
0x8a: {  	s1 =	srdreg.scid  }
0x8b: {  	s0 =	sand.u32 $0x1, s1  }
0x8c: {  	s14 =	sshll.u32 s0, $0xA;
	s2 =	sadd.s32 s3, s2  }
0x8d: {  	s2 =	sadd.s32 s2, s14  }
0x8e: {  	[smem:$0x3FB8] =	sst s2  }
0x8f: {  	_ = 	snop  }
0x90: {  	s2 =	sld [smem:$0x3FD0];
	_ =	sdelay $0x2  }
0x91: {  	s15 =	simm.s32 $0xA;
	s4 =	simm.s32 $0x10  }
0x92: {  	[smem:s4], [sflag:s15] =	dma.local [hbm:s2], $0x1  }
0x93: {  	_ =	swait.eq [sflag:s15], $0x1  }
0x94: {  	[sflag:s15] =	ssyncset.done $0x0  }
0x95: {  	[sflag:s15] =	ssyncadd.s32 $0xFFFFFFFF  }
0x96: {  	s16 =	sld [smem:$0x10];
	(tm) =	ssettm $0x1  }
0x97: {  	s17 =	sld [smem:$0x3FFB];
	_ =	sdelay $0x3  }
0x98: {  	_ =	strace s17  }
0x99: {  	s3 =	sld [smem:$0x3FFC];
	_ =	sdelay $0x3  }
0x9a: {  	_ =	strace s3  }
0x9b: {  	s3 =	sld [smem:$0x3FFD];
	_ =	sdelay $0x3  }
0x9c: {  	_ =	strace s3  }
0x9d: {  	_ =	strace $0x8FFFFFFF  }
0x9e: {  	s18 =	sld [smem:$0x3FDB];
	_ =	sdelay $0x1  }
0x9f: {  	s19 =	simm.s32 $_scs_section_size  }
0xa0: {  	s5 =	simm.s32 $_size__tile_overlayer_lowered;
	s6 =	simm.s32 $_tile_overlayer_lowered  }
0xa1: {  	s22 =	simm.s32 $0x1BFF;
	s21 =	sshll.u32 s6, $0x1;
	s3 =	sadd.s32 s19, s18  }
0xa2: {  	s7 =	simm.s32 $0x0;
	s20 =	sshll.u32 s5, $0x1;
	s5 =	sadd.s32 s21, s3  }
0xa3: {  	[timem:s7], [sflag:s22] =	dma.local [hbm:s5], s20  }
0xa4: {  	_ =	swait.ge [sflag:s22], s20  }
0xa5: {  	s4 =	ssub.s32 $0x0, s20;
	[sflag:s22] =	ssyncset.done $0x0  }
0xa6: {  	[sflag:s22] =	ssyncadd.s32 s4;
	_ =	sdelay $0x1  }
0xa7: {  	s23 =	simm.s32 $0x1B8B  }
0xa8: {  	_ =	swait.ge [sflag:s23], $0x1  }
0xa9: {  	[sflag:s23] =	ssyncset.done $0x0  }
0xaa: {  	s25 =	simm.s32 $0x1B8E;
	s24 =	sld [smem:$0x3FFE];
	[sflag:s23] =	ssyncadd.s32 $0xFFFFFFFF  }
0xab: {  	s26 =	simm.s32 $execute0_lowered;
	[smem:$0x3FD2] =	sst s25  }
0xac: {  	s5 =	sshll.u32 s26, $0x1;
	_ =	strace $0x80000046;
	[dreg:$0x1] =	wrdreg $0xFFFFFFFF  }
0xad: {  	s28 =	simm.s32 $_size_execute0_lowered;
	s3 =	sadd.s32 s3, s5;
	[dreg:$0x0] =	wrdreg $0x0  }
0xae: {  	s5 =	sshll.u32 s28, $0x1;
	[dreg:$0x2] =	wrdreg s3  }
0xaf: {  	[dreg:$0x3] =	wrdreg s5  }
0xb0: {  	[dreg:$0x4] =	wrdreg $0xC0  }
0xb1: {  	_ =	task [dreg:s7], $0x5FFFF  }
0xb2: {  	[dreg:$0x1] =	wrdreg $0xFFFFFFFF  }
0xb3: {  	[dreg:$0x0] =	wrdreg $0x60  }
0xb4: {  	[dreg:$0x2] =	wrdreg s16  }
0xb5: {  	[dreg:$0x3] =	wrdreg s24  }
0xb6: {  	[dreg:$0x4] =	wrdreg $0x68000  }
0xb7: {  	[dreg:$0x5] =	wrdreg $0x9  }
0xb8: {  	_ =	task.clear_ibuf [dreg:s7], $0x6FFFF;
	_ =	strace $0x90000046  }
0xb9: {  	s29 =	simm.s32 $0x9;
	_ =	strace $0x80000048  }
0xba: {  	_ =	swait.ge [sflag:s29], $0x1  }
0xbb: {  	[sflag:s29] =	ssyncadd.s32 $0xFFFFFFFF  }
0xbc: {  	_ =	strace $0x90000048  }
0xbd: {  	_ =	sfence  }
0xbe: {  	s30 =	sld [smem:$0x0];
	_ =	sdelay $0x2  }
0xbf: {  	s31 =	sshll.u32 s1, $0xD;
	s1 =	sshrl.u32 s1, $0x2  }
0xc0: {  	s3 =	sand.u32 $0x4000, s31;
	s1 =	sadd.s32 s1, s30  }
0xc1: {  	s0 =	sor.u32 s3, s0;
	s1 =	sshll.u32 s1, $0x11  }
0xc2: {  	s0 =	sor.u32 s1, s0  }
0xc3: {  	s0 =	sadd.s32 $0x8F2B, s0  }
0xc4: {  	[sflag:s0] =	ssyncadd.remote.s32 $0x1  }
0xc5: {  	_ =	sfence.sel $0xFFFF  }
0xc6: {  	[dreg:$0x0] =	wrdreg $0xFFFFFFFF;
	(pc) =	sbr.abs _section_cstart, $3  }
0xc7: {  	[dreg:$0x1] =	wrdreg $0xFFFFFFFF  }
0xc8: {  	_ =	task.clear_ibuf [dreg:s7], $0x2FFFF;
	_ =	strace $0x9FFFFFFF  }
0xc9: {  	(tm) =	ssettm $0x7FFFFFFF  }
tec
execute0_lowered:
.L_overlay_start_1:
0x0: {  	(tag) =	ssettag $0x1  }
0x1: {  	s7 =	rddreg [dreg:$0x0]  }
0x2: {  	s5 =	rddreg [dreg:$0x1]  }
0x3: {  	s2 =	rddreg [dreg:$0x2]  }
0x4: {  	s0 =	rddreg [dreg:$0x3]  }
0x5: {  	s1 =	stileid.u32;
	s4 =	srdreg.scid;
	s3 =	simm.s32 $0x0  }
0x6: {  	s15 =	simm.s32 $0x2;
	s16 =	simm.s32 $0x0;
	s6 =	smul.u32 $0x14000, s1  }
0x7: {  	s8 =	sand.u32 $0x1, s4;
	[smem:$0x7FF] =	sst s3;
	s28 =	smul.u32 $0x50000, s1  }
0x8: {  	s4 =	sadd.s32 $0x2C400, s5;
	s31 =	sshll.u32 s1, $0x6;
	s9 =	smul.u32 $0x140000, s8  }
0x9: {  	_ =	strace $0x80000047;
	s11 =	sshll.u32 s8, $0x4;
	s29 =	ssub.s32 $0x2, s8  }
0xa: {  	s10 =	sshrl.u32 s6, $0x3;
	s30 =	sor.u32 s1, s11;
	s8 =	sshrl.u32 s29, $0x1  }
0xb: {  	s10 =	sadd.s32 s10, s5;
	s6 =	sadd.s32 s6, s9;
	s9 =	sshrl.u32 s28, $0x2  }
0xc: {  	s11 =	smul.u32 $0x500, s30;
	s13 =	ssub.s32 s29, s8;
	s6 =	sshrl.u32 s6, $0x3  }
0xd: {  	s14 =	sadd.s32 s9, s2;
	s9 =	smax.u32 s13, $0x1;
	s13 =	simm.s32 $0x80  }
0xe: {  	s12 =	sadd.s32 s6, s5;
	s5 =	sadd.s32 $0x4400, s10;
	s6 =	sor.u32 $0x1C03, s31  }
0xf: {  	s7 =	sadd.s32 s7, s11;
	s10 =	sshrl.u32 s14, $0x3;
	s11 =	simm.s32 $0x3  }
0x10: {  	s14 =	simm.s32 $0x1;
	s8 =	sadd.s32 $0x2CC00, s12;
	s12 =	simm.s32 $0x2800  }
.LBB2_1:
0x11: {  	[spmem:s10], [sflag:s6] =	dma.local [hbm:s5], $0x2800  }
0x12: {  	_ =	swait.ge [sflag:s11], $0x2800  }
0x13: {  	[sflag:s11] =	ssyncset.done $0x0  }
0x14: {  	[sflag:s11] =	ssyncadd.s32 $0xFFFFD800  }
0x15: {  	[tilespmem:s12], [sflag:$0x3] =	stream.linear.gather [hbm4b:s4+s3], $0x4000, $0x38;
	[tilespmem:$0x1A800] =	vst v63  }
0x16: {  	_ =	swait.ge [sflag:s11], $0x4000  }
0x17: {  	[sflag:s11] =	ssyncset.done $0x0  }
0x18: {  	[sflag:s11] =	ssyncadd.s32 $0xFFFFC000  }
0x19: {  	[tilespmem:s3], [sflag:$0x3] =	stream.linear.gather [hbm4b:s7+s3], $0x2800, $0x38;
	[tilespmem:$0x1A800] =	vst v63  }
0x1a: {  	_ =	swait.ge [sflag:s11], $0x2800  }
0x1b: {  	[sflag:s11] =	ssyncset.done $0x0  }
0x1c: {  	[sflag:s11] =	ssyncadd.s32 $0xFFFFD800  }
0x1d: {  	[bflag:$0x0] =	sbarrier.arrive $0xFFFF  }
0x1e: {  	[spmem:s2] =	stream.indirect.scatter.add.f32 [tilespmem:s12], [sflag:$0x1], $0x80, s3, s13, $0xb8;
	[tilespmem:$0x1A800] =	vst v63  }
0x1f: {  	_ = 	snop  }
0x20: {  	[spmem:s2] =	stream.indirect.scatter.add.f32 [tilespmem:s12], [sflag:$0x2], $0x80, s13, s13, $0xb8;
	[tilespmem:$0x1A800] =	vst v63  }
0x21: {  	_ =	swait.ge [sflag:s14], $0x4000  }
0x22: {  	[sflag:s14] =	ssyncset.done $0x0  }
0x23: {  	s17 =	simm.s32 $0x100;
	[sflag:s14] =	ssyncadd.s32 $0xFFFFC000  }
0x24: {  	[spmem:s2] =	stream.indirect.scatter.add.f32 [tilespmem:s12], [sflag:$0x1], $0x80, s17, s13, $0xb8;
	[tilespmem:$0x1A800] =	vst v63  }
0x25: {  	_ =	swait.ge [sflag:s15], $0x4000  }
0x26: {  	[sflag:s15] =	ssyncset.done $0x0  }
0x27: {  	s18 =	simm.s32 $0x180;
	s17 =	simm.s32 $0xFFFF6800;
	[sflag:s15] =	ssyncadd.s32 $0xFFFFC000  }
.LBB2_2:
0x28: {  	[spmem:s2] =	stream.indirect.scatter.add.f32 [tilespmem:s12], [sflag:$0x2], $0x80, s18, s13, $0xb8;
	[tilespmem:$0x1A800] =	vst v63  }
0x29: {  	s18 =	smov.u32 s17  }
0x2a: {  	p0 =	sne.s32 s17, $0xFFFFFC00;
	s17 =	sadd.s32 $0x400, s17;
	_ =	swait.ge [sflag:s14], $0x4000  }
0x2b: {  	s18 =	sshra.s32 s18, $0x2;
	[sflag:s14] =	ssyncset.done $0x0  }
.Ltmp0:
0x2c: {  	s19 =	sadd.s32 $0x2800, s18;
	[sflag:s14] =	ssyncadd.s32 $0xFFFFC000;
	(pc) =	sbr.rel @p0 .LBB2_2-.Ltmp0, $4  }
0x2d: {  	[spmem:s2] =	stream.indirect.scatter.add.f32 [tilespmem:s12], [sflag:$0x1], $0x80, s19, s13, $0xb8;
	[tilespmem:$0x1A800] =	vst v63  }
0x2e: {  	_ =	swait.ge [sflag:s15], $0x4000  }
0x2f: {  	[sflag:s15] =	ssyncset.done $0x0  }
0x30: {  	s18 =	sadd.s32 $0x2880, s18;
	[sflag:s15] =	ssyncadd.s32 $0xFFFFC000  }
0x31: {  	[spmem:s2] =	stream.indirect.scatter.add.f32 [tilespmem:s12], [sflag:$0x2], $0x80, s18, s13, $0xb8;
	[tilespmem:$0x1A800] =	vst v63  }
0x32: {  	_ =	swait.ge [sflag:s14], $0x4000  }
0x33: {  	[sflag:s14] =	ssyncset.done $0x0  }
0x34: {  	[sflag:s14] =	ssyncadd.s32 $0xFFFFC000  }
0x35: {  	_ =	swait.ge [sflag:s15], $0x4000  }
0x36: {  	s16 =	sadd.s32 $0x1, s16;
	[sflag:s15] =	ssyncset.done $0x0  }
0x37: {  	p0 =	sne.s32 s16, s9;
	[sflag:s15] =	ssyncadd.s32 $0xFFFFC000  }
.Ltmp1:
0x38: {  	[bflag:$0x0] =	sbarrier.arrive $0xFFFF;
	(pc) =	sbr.rel @p0 .LBB2_1-.Ltmp1, $4  }
0x39: {  	[hbm:s8], [sflag:s6] =	dma.local [spmem:s10], $0x2800  }
0x3a: {  	_ =	swait.ge [sflag:s11], $0x2800  }
0x3b: {  	[sflag:s11] =	ssyncset.done $0x0  }
0x3c: {  	[sflag:s11] =	ssyncadd.s32 $0xFFFFD800  }
0x3d: {  	_ =	sfence.sel $0x180000  }
0x3e: {  	[bflag:$0x0] =	sbarrier.arrive $0xFFFF  }
0x3f: {  	p0 =	sne.s32 s1, $0x0;
	_ =	strace $0x90000047  }
0x40: {  	s0 =	sadd.s32 @!p0 $0x100000, s0;
	[bflag:$0x2] =	sbarrier.arrive $0xFFFF  }
0x41: {  	[sflag:s0] =	ssyncadd.tile.s32 @!p0 $0x1;
	_ =	shalt  }
.Lfunc_end2:
_tile_overlayer_lowered:
.L_overlay_start_2:
0x42: {  	(tag) =	ssettag $0x2  }
0x43: {  	s0 =	rddreg [dreg:$0x0];
	s2 =	stileid.u32  }
0x44: {  	s1 =	rddreg [dreg:$0x1];
	p0 =	sne.s32 s2, $0x0  }
0x45: {  	s3 =	rddreg [dreg:$0x2];
	[bflag:$0x3] =	sbarrier.arrive $0xFFFF;
	s2 =	simm.s32 @!p0 $0x1C03  }
0x46: {  	[timem:s3], [sflag:s2] =	dma.local @!p0 [hbm:s0], s1  }
0x47: {  	s0 =	simm.s32 @!p0 $0x3  }
0x48: {  	_ =	swait.ge @!p0 [sflag:s0], s1  }
0x49: {  	s1 =	ssub.s32 @!p0 $0x0, s1;
	[sflag:s0] =	ssyncset.done @!p0 $0x0  }
0x4a: {  	[sflag:s0] =	ssyncadd.s32 @!p0 s1  }
0x4b: {  	[bflag:$0x3] =	sbarrier.arrive $0xFFFF  }
0x4c: {  	_ =	shalt  }

// kernel: kernel.13.cloned.1.call-start
scs
__scs_entry_jumppad:
0x0: {  	(pc) =	sbr.rel $0x88, $3  }
0x1: {  	(tag) =	ssettag $0x0;
	lr =	simm.s32 $0x1  }
0x2: {  	[smem:$0x3F91] =	sst lr;
	_ =	strace $0xD0000000  }
0x3: {  	_ = 	snop  }
0x4: {  	_ = 	snop  }
0x5: {  	_ = 	snop  }
0x6: {  	_ = 	snop  }
0x7: {  	_ = 	snop  }
__scs_overlays_trampoline_lowered:
0x8: {  	[smem:$0x3FA0] =	sst s0  }
0x9: {  	[smem:$0x3FA1] =	sst s1  }
0xa: {  	[smem:$0x3FA2] =	sst s2  }
0xb: {  	[smem:$0x3FA3] =	sst s3  }
0xc: {  	[smem:$0x3FA4] =	sst s4  }
0xd: {  	[smem:$0x3FA5] =	sst s5  }
0xe: {  	[smem:$0x3FA6] =	sst s6  }
0xf: {  	[smem:$0x3FA7] =	sst s7  }
0x10: {  	[smem:$0x3FA8] =	sst s8  }
0x11: {  	[smem:$0x3FA9] =	sst s9;
	s0 =	simm.s32 @!p0 $0x0  }
0x12: {  	s1 =	sld [smem:$0x3F8F];
	s0 =	simm.s32 @p0 $0x1  }
0x13: {  	[smem:$0x3FAA] =	sst s0;
	s0 =	simm.s32 @!p1 $0x0  }
0x14: {  	s2 =	sld [smem:$0x3F8E];
	s0 =	simm.s32 @p1 $0x1  }
0x15: {  	[smem:$0x3FAB] =	sst s0;
	s0 =	simm.s32 @!p2 $0x0  }
0x16: {  	s3 =	sld [smem:$0x3FDB];
	s0 =	simm.s32 @p2 $0x1  }
0x17: {  	s4 =	simm.s32 $0x1BF5;
	[smem:$0x3FAD] =	sst s0  }
0x18: {  	s0 =	sld [smem:$0x3F90];
	_ =	swait.ge [sflag:s4], $0x0  }
0x19: {  	s7 =	sld [smem:$0x3F91]  }
0x1a: {  	s8 =	sadd.s32 $0xFFFFE003, lr  }
0x1b: {  	s9 =	sadd.s32 $0xFFFFFEF7, lr;
	s5 =	simm.s32 $0xFFFFFFFF;
	p2 =	slt.u32 s8, $0xFFFFF086  }
0x1c: {  	p1 =	slt.u32 s9, $0xF7A;
	s5 =	simm.s32 @!p2 $0x0  }
0x1d: {  	s5 =	simm.s32 @p1 $0x1;
	p0 =	seq.s32 s7, s2  }
0x1e: {  	s7 =	smul.u32 @!p0 $0xF7A, s2;
	p2 =	seq.s32 @!p0 s5, $0x0  }
0x1f: {  	s9 =	smul.u32 $0xF7A, s1;
	s8 =	simm.s32 @!p0 $0x1BF5;
	p2 =	por !p2, p0  }
0x20: {  	[sflag:s8] =	ssyncset.s32 @!p0 $0xFFFFF086;
	s6 =	sadd.s32 @!p0 s3, s7;
	s7 =	simm.s32 @!p0 $0x108  }
0x21: {  	s3 =	sadd.s32 s3, s9;
	s6 =	sadd.s32 @!p0 $0x88, s6;
	s7 =	simm.s32 @p2 $0x1082  }
0x22: {  	[simem:s7], [sflag:s8] =	dma.local @!p0 [hbm:s6], $0xF7A  }
0x23: {  	s9 =	sor.u32 $0xD0000000, s2;
	s6 =	simm.s32 $0x108;
	_ =	swait.ge @!p0 [sflag:s8], $0x0  }
0x24: {  	s3 =	sadd.s32 $0x88, s3;
	s6 =	simm.s32 @!p1 $0x1082;
	[sflag:s4] =	ssyncset.s32 $0xFFFFF086  }
0x25: {  	[simem:s6], [sflag:s4] =	dma.local [hbm:s3], $0xF7A  }
0x26: {  	[smem:$0x3F91] =	sst s1;
	(tag) =	ssettag s2;
	_ =	strace s9  }
0x27: {  	s1 =	sld [smem:$0x3FA1]  }
0x28: {  	s2 =	sld [smem:$0x3FA2]  }
0x29: {  	s4 =	sld [smem:$0x3FA4]  }
0x2a: {  	p0 =	seq.s32 s5, $0x0;
	s5 =	sld [smem:$0x3FA5]  }
0x2b: {  	s6 =	sld [smem:$0x3FA6]  }
0x2c: {  	s7 =	sld [smem:$0x3FA7]  }
0x2d: {  	s3 =	simm.s32 $0x108;
	s8 =	sld [smem:$0x3FA8]  }
0x2e: {  	s3 =	simm.s32 @!p0 $0x1082;
	s9 =	sld [smem:$0x3FA9]  }
0x2f: {  	lr =	sadd.s32 s0, s3;
	s0 =	sld [smem:$0x3FA0]  }
0x30: {  	s3 =	sld [smem:$0x3FA3]  }
0x31: {  	[smem:$0x3FAC] =	sst s10  }
0x32: {  	s10 =	sld [smem:$0x3FAA];
	_ =	sdelay $0x3  }
0x33: {  	p0 =	seq.s32 s10, $0x1;
	s10 =	sld [smem:$0x3FAC];
	_ =	sdelay $0x3  }
0x34: {  	[smem:$0x3FAC] =	sst s10  }
0x35: {  	s10 =	sld [smem:$0x3FAB];
	_ =	sdelay $0x3  }
0x36: {  	p1 =	seq.s32 s10, $0x1;
	s10 =	sld [smem:$0x3FAC];
	_ =	sdelay $0x3  }
0x37: {  	[smem:$0x3FAC] =	sst s10  }
0x38: {  	s10 =	sld [smem:$0x3FAD]  }
0x39: {  	_ = 	snop;
	(pc) =	sbr.ind lr, $3  }
0x3a: {  	_ = 	snop  }
0x3b: {  	_ = 	snop  }
0x3c: {  	p2 =	seq.s32 s10, $0x1;
	s10 =	sld [smem:$0x3FAC]  }
0x3d: {  	_ =	shalt  }
0x3e: {  	_ =	shalt  }
0x3f: {  	_ =	shalt  }
0x40: {  	_ =	shalt  }
0x41: {  	_ =	shalt  }
0x42: {  	_ =	shalt  }
0x43: {  	_ =	shalt  }
0x44: {  	_ =	shalt  }
0x45: {  	_ =	shalt  }
0x46: {  	_ =	shalt  }
0x47: {  	_ =	shalt  }
0x48: {  	_ =	shalt  }
0x49: {  	_ =	shalt  }
0x4a: {  	_ =	shalt  }
0x4b: {  	_ =	shalt  }
0x4c: {  	_ =	shalt  }
0x4d: {  	_ =	shalt  }
0x4e: {  	_ =	shalt  }
0x4f: {  	_ =	shalt  }
0x50: {  	_ =	shalt  }
0x51: {  	_ =	shalt  }
0x52: {  	_ =	shalt  }
0x53: {  	_ =	shalt  }
0x54: {  	_ =	shalt  }
0x55: {  	_ =	shalt  }
0x56: {  	_ =	shalt  }
0x57: {  	_ =	shalt  }
0x58: {  	_ =	shalt  }
0x59: {  	_ =	shalt  }
0x5a: {  	_ =	shalt  }
0x5b: {  	_ =	shalt  }
0x5c: {  	_ =	shalt  }
0x5d: {  	_ =	shalt  }
0x5e: {  	_ =	shalt  }
0x5f: {  	_ =	shalt  }
0x60: {  	_ =	shalt  }
0x61: {  	_ =	shalt  }
0x62: {  	_ =	shalt  }
0x63: {  	_ =	shalt  }
0x64: {  	_ =	shalt  }
0x65: {  	_ =	shalt  }
0x66: {  	_ =	shalt  }
0x67: {  	_ =	shalt  }
0x68: {  	_ =	shalt  }
0x69: {  	_ =	shalt  }
0x6a: {  	_ =	shalt  }
0x6b: {  	_ =	shalt  }
0x6c: {  	_ =	shalt  }
0x6d: {  	_ =	shalt  }
0x6e: {  	_ =	shalt  }
0x6f: {  	_ =	shalt  }
0x70: {  	_ =	shalt  }
0x71: {  	_ =	shalt  }
0x72: {  	_ =	shalt  }
0x73: {  	_ =	shalt  }
0x74: {  	_ =	shalt  }
0x75: {  	_ =	shalt  }
0x76: {  	_ =	shalt  }
0x77: {  	_ =	shalt  }
0x78: {  	_ =	shalt  }
0x79: {  	_ =	shalt  }
0x7a: {  	_ =	shalt  }
0x7b: {  	_ =	shalt  }
0x7c: {  	_ =	shalt  }
0x7d: {  	_ =	shalt  }
0x7e: {  	_ =	shalt  }
0x7f: {  	_ =	shalt  }
0x80: {  	_ =	shalt  }
0x81: {  	_ =	shalt  }
0x82: {  	_ =	shalt  }
0x83: {  	_ =	shalt  }
0x84: {  	_ =	shalt  }
0x85: {  	_ =	shalt  }
0x86: {  	_ =	shalt  }
0x87: {  	_ =	shalt  }
.Lfunc_end0:
.L_simem_size_0:
called_computation.1_lowered:
.L_overlay_start_0:
0x88: {  	s2 =	sld [smem:$0x3FD9]  }
0x89: {  	s3 =	sld [smem:$0x3FFE];
	_ =	sdelay $0x1  }
0x8a: {  	s1 =	srdreg.scid  }
0x8b: {  	s0 =	sand.u32 $0x1, s1  }
0x8c: {  	s14 =	sshll.u32 s0, $0xA;
	s2 =	sadd.s32 s3, s2  }
0x8d: {  	s2 =	sadd.s32 s2, s14  }
0x8e: {  	[smem:$0x3FB8] =	sst s2  }
0x8f: {  	_ = 	snop  }
0x90: {  	s2 =	sld [smem:$0x3FD0];
	_ =	sdelay $0x2  }
0x91: {  	s15 =	simm.s32 $0xA;
	s4 =	simm.s32 $0x10  }
0x92: {  	[smem:s4], [sflag:s15] =	dma.local [hbm:s2], $0x1  }
0x93: {  	_ =	swait.eq [sflag:s15], $0x1  }
0x94: {  	[sflag:s15] =	ssyncset.done $0x0  }
0x95: {  	s16 =	sld [smem:$0x10];
	[sflag:s15] =	ssyncadd.s32 $0xFFFFFFFF  }
0x96: {  	s17 =	sld [smem:$0x11];
	(tm) =	ssettm $0x1  }
0x97: {  	s18 =	sld [smem:$0x3FFB];
	_ =	sdelay $0x3  }
0x98: {  	_ =	strace s18  }
0x99: {  	s4 =	sld [smem:$0x3FFC];
	_ =	sdelay $0x3  }
0x9a: {  	_ =	strace s4  }
0x9b: {  	s4 =	sld [smem:$0x3FFD];
	_ =	sdelay $0x3  }
0x9c: {  	_ =	strace s4  }
0x9d: {  	_ =	strace $0x8FFFFFFF  }
0x9e: {  	s19 =	sld [smem:$0x3FDB];
	_ =	sdelay $0x1  }
0x9f: {  	s5 =	simm.s32 $_scs_section_size  }
0xa0: {  	s6 =	simm.s32 $_size__tile_overlayer_lowered;
	s7 =	simm.s32 $_tile_overlayer_lowered  }
0xa1: {  	s22 =	simm.s32 $0x1BFF;
	s21 =	sshll.u32 s7, $0x1;
	s4 =	sadd.s32 s5, s19  }
0xa2: {  	s8 =	simm.s32 $0x0;
	s20 =	sshll.u32 s6, $0x1;
	s6 =	sadd.s32 s21, s4  }
0xa3: {  	[timem:s8], [sflag:s22] =	dma.local [hbm:s6], s20  }
0xa4: {  	_ =	swait.ge [sflag:s22], s20  }
0xa5: {  	s5 =	ssub.s32 $0x0, s20;
	[sflag:s22] =	ssyncset.done $0x0  }
0xa6: {  	[sflag:s22] =	ssyncadd.s32 s5;
	_ =	sdelay $0x1  }
0xa7: {  	s23 =	simm.s32 $0x1B8B  }
0xa8: {  	_ =	swait.ge [sflag:s23], $0x1  }
0xa9: {  	[sflag:s23] =	ssyncset.done $0x0  }
0xaa: {  	s25 =	simm.s32 $0x1B8E;
	s24 =	sld [smem:$0x3FFE];
	[sflag:s23] =	ssyncadd.s32 $0xFFFFFFFF  }
0xab: {  	s26 =	simm.s32 $execute0_lowered;
	[smem:$0x3FD2] =	sst s25  }
0xac: {  	s6 =	sshll.u32 s26, $0x1;
	_ =	strace $0x80000049;
	[dreg:$0x1] =	wrdreg $0xFFFFFFFF  }
0xad: {  	s28 =	simm.s32 $_size_execute0_lowered;
	s4 =	sadd.s32 s4, s6;
	[dreg:$0x0] =	wrdreg $0x0  }
0xae: {  	s6 =	sshll.u32 s28, $0x1;
	[dreg:$0x2] =	wrdreg s4  }
0xaf: {  	[dreg:$0x3] =	wrdreg s6  }
0xb0: {  	[dreg:$0x4] =	wrdreg $0xC0  }
0xb1: {  	_ =	task [dreg:s8], $0x5FFFF  }
0xb2: {  	[dreg:$0x1] =	wrdreg $0xFFFFFFFF  }
0xb3: {  	[dreg:$0x0] =	wrdreg $0x60  }
0xb4: {  	[dreg:$0x2] =	wrdreg s24  }
0xb5: {  	[dreg:$0x3] =	wrdreg s17  }
0xb6: {  	[dreg:$0x4] =	wrdreg s16  }
0xb7: {  	[dreg:$0x5] =	wrdreg $0xAA000  }
0xb8: {  	[dreg:$0x6] =	wrdreg $0x9  }
0xb9: {  	_ =	task.clear_ibuf [dreg:s8], $0x7FFFF;
	_ =	strace $0x90000049  }
0xba: {  	s29 =	simm.s32 $0x9;
	_ =	strace $0x8000004B  }
0xbb: {  	_ =	swait.ge [sflag:s29], $0x1  }
0xbc: {  	[sflag:s29] =	ssyncadd.s32 $0xFFFFFFFF  }
0xbd: {  	_ =	strace $0x9000004B  }
0xbe: {  	_ =	sfence  }
0xbf: {  	s30 =	sld [smem:$0x0];
	_ =	sdelay $0x2  }
0xc0: {  	s31 =	sshll.u32 s1, $0xD;
	s1 =	sshrl.u32 s1, $0x2  }
0xc1: {  	s3 =	sand.u32 $0x4000, s31;
	s1 =	sadd.s32 s1, s30  }
0xc2: {  	s0 =	sor.u32 s3, s0;
	s1 =	sshll.u32 s1, $0x11  }
0xc3: {  	s0 =	sor.u32 s1, s0  }
0xc4: {  	s0 =	sadd.s32 $0x8F2B, s0  }
0xc5: {  	[sflag:s0] =	ssyncadd.remote.s32 $0x1  }
0xc6: {  	_ =	sfence.sel $0xFFFF  }
0xc7: {  	[dreg:$0x0] =	wrdreg $0xFFFFFFFF;
	(pc) =	sbr.abs _section_cstart, $3  }
0xc8: {  	[dreg:$0x1] =	wrdreg $0xFFFFFFFF  }
0xc9: {  	_ =	task.clear_ibuf [dreg:s8], $0x2FFFF;
	_ =	strace $0x9FFFFFFF  }
0xca: {  	(tm) =	ssettm $0x7FFFFFFF  }
0xcb: {  	_ =	shalt  }
tec
execute0_lowered:
.L_overlay_start_1:
0x0: {  	(tag) =	ssettag $0x1  }
0x1: {  	s0 =	rddreg [dreg:$0x0]  }
0x2: {  	s1 =	rddreg [dreg:$0x1]  }
0x3: {  	s2 =	rddreg [dreg:$0x2]  }
0x4: {  	s3 =	rddreg [dreg:$0x3]  }
0x5: {  	s12 =	stileid.u32;
	s5 =	srdreg.scid;
	s4 =	simm.s32 $0x0  }
0x6: {  	s15 =	simm.s32 $0x9;
	s16 =	simm.s32 $0x80;
	s17 =	simm.s32 $0x2A00  }
0x7: {  	s18 =	simm.s32 $0x2800;
	s31 =	simm.s32 $0x2900;
	s19 =	simm.s32 $0x2880  }
0x8: {  	s28 =	simm.s32 $0x4;
	s29 =	simm.s32 $0x8;
	s30 =	simm.s32 $0x0  }
0x9: {  	s6 =	smul.u32 $0x14000, s12;
	s7 =	sand.u32 $0x1, s5;
	[smem:$0x7FF] =	sst s4  }
0xa: {  	s5 =	sadd.s32 $0x2C400, s0;
	s20 =	smul.u32 $0x50000, s12;
	s23 =	sshll.u32 s12, $0x6  }
0xb: {  	s9 =	smul.u32 $0x140000, s7;
	_ =	strace $0x8000004A;
	s10 =	sshll.u32 s7, $0x4  }
0xc: {  	s7 =	ssub.s32 $0x2, s7;
	[dreg:$0x5] =	wrdreg s31;
	s8 =	sshrl.u32 s6, $0x3  }
0xd: {  	s21 =	sor.u32 s12, s10;
	s22 =	sshrl.u32 s7, $0x1;
	s8 =	sadd.s32 s8, s0  }
0xe: {  	s6 =	sadd.s32 s6, s9;
	s9 =	sshrl.u32 s20, $0x2;
	s7 =	ssub.s32 s7, s22  }
0xf: {  	s20 =	simm.s32 $0x6A00;
	s22 =	simm.s32 $0x5;
	s11 =	sshrl.u32 s6, $0x3  }
0x10: {  	s6 =	smul.u32 $0x2800, s21;
	s9 =	sadd.s32 s9, s3;
	s8 =	sadd.s32 $0x4400, s8  }
0x11: {  	s26 =	smax.u32 s7, $0x1;
	s0 =	sadd.s32 s11, s0;
	[dreg:$0x6] =	wrdreg s8  }
0x12: {  	[dreg:$0xb] =	wrdreg s26;
	s24 =	sshrl.u32 s6, $0x3;
	s0 =	sadd.s32 $0x7C400, s0  }
0x13: {  	s21 =	simm.s32 $0x1;
	s1 =	sadd.s32 s1, s24;
	[dreg:$0xa] =	wrdreg s0  }
0x14: {  	s8 =	sor.u32 $0x1C09, s23;
	s25 =	sadd.s32 s2, s24;
	[dreg:$0x7] =	wrdreg s1  }
0x15: {  	s23 =	simm.s32 $0x3;
	[dreg:$0x8] =	wrdreg s25;
	s1 =	sadd.s32 $0x10, s25  }
0x16: {  	s26 =	simm.s32 $0x6;
	[dreg:$0x9] =	wrdreg s1;
	s1 =	sshrl.u32 s9, $0x3  }
0x17: {  	s24 =	simm.s32 $0x2980;
	s25 =	simm.s32 $0x2;
	[dreg:$0xc] =	wrdreg s1  }
.LBB2_1:
0x18: {  	s0 =	rddreg [dreg:$0x6]  }
0x19: {  	[spmem:s1], [sflag:s8] =	dma.local [hbm:s0], $0x2800  }
0x1a: {  	_ =	swait.ge [sflag:s15], $0x2800  }
0x1b: {  	[sflag:s15] =	ssyncset.done $0x0  }
0x1c: {  	s1 =	rddreg [dreg:$0x7];
	[sflag:s15] =	ssyncadd.s32 $0xFFFFD800  }
0x1d: {  	[tilespmem:s4], [sflag:$0x9] =	stream.linear.gather [hbm4b:s1+s4], $0x2800, $0x38;
	[tilespmem:$0x1EA00] =	vst v63  }
0x1e: {  	_ =	swait.ge [sflag:s15], $0x2800  }
0x1f: {  	[sflag:s15] =	ssyncset.done $0x0  }
0x20: {  	s14 =	smov.u32 s8;
	[sflag:s15] =	ssyncadd.s32 $0xFFFFD800  }
0x21: {  	p0 =	por $0x1, $0x1;
	s9 =	simm.s32 $0x0;
	[bflag:$0x0] =	sbarrier.arrive $0xFFFF  }
0x22: {  	[tilespmem:s17], [sflag:$0x1] =	stream.indirect.gather [hbm4b:s5+s16], $0x80, s4, s16, $0xb8;
	[tilespmem:$0x1EA00] =	vst v63  }
0x23: {  	s10 =	simm.s32 $0x100;
	p0 =	por p0, p0;
	s7 =	rddreg [dreg:$0x8]  }
0x24: {  	[tilespmem:s18], [sflag:$0x5] =	stream.linear.gather [hbm4b:s7+s4], $0x80, $0x38;
	[tilespmem:$0x1EA00] =	vst v63  }
0x25: {  	s0 =	sand.u32 $0x3C00, s9;
	s8 =	rddreg [dreg:$0x9];
	s7 =	simm.s32 @!p0 $0x4  }
0x26: {  	[tilespmem:s19], [sflag:$0x6] =	stream.linear.gather [hbm4b:s8+s4], $0x80, $0x38;
	[tilespmem:$0x1EA00] =	vst v63  }
0x27: {  	s0 =	sadd.s32 s6, s0;
	s1 =	sand.u32 $0x300, s10;
	_ =	swait.ge @!p0 [sflag:s7], $0x4000  }
0x28: {  	s1 =	sor.u32 s0, s1;
	[sflag:s7] =	ssyncset.done @!p0 $0x0  }
0x29: {  	s9 =	simm.s32 $0x80;
	s1 =	sshrl.u32 s1, $0x3;
	[sflag:s7] =	ssyncadd.s32 @!p0 $0xFFFFC000  }
0x2a: {  	[tilespmem:s20], [sflag:$0x2] =	stream.indirect.gather [hbm4b:s5+s16], $0x80, s9, s16, $0xb8;
	[tilespmem:$0x1EA00] =	vst v63  }
0x2b: {  	s1 =	sadd.s32 s2, s1;
	s10 =	rddreg [dreg:$0x5]  }
0x2c: {  	[tilespmem:s10], [sflag:$0x7] =	stream.linear.gather [hbm4b:s1+s4], $0x80, $0x38;
	[tilespmem:$0x1EA00] =	vst v63  }
0x2d: {  	_ =	swait.ge [sflag:s21], $0x4000  }
0x2e: {  	[sflag:s21] =	ssyncset.done $0x0  }
0x2f: {  	[sflag:s21] =	ssyncadd.s32 $0xFFFFC000  }
0x30: {  	_ =	swait.ge [sflag:s22], $0x80  }
0x31: {  	[sflag:s22] =	ssyncset.done $0x0  }
0x32: {  	s11 =	simm.s32 $0x180;
	[sflag:s22] =	ssyncadd.s32 $0xFFFFFF80  }
0x33: {  	[spmem:s3] =	stream.indirect.scatter.add.f32 [tilespmem:s17], [sflag:$0x3], $0x80, s18, s16, $0xb8;
	[tilespmem:$0x1EA00] =	vst v63  }
0x34: {  	s1 =	sand.u32 $0x380, s11;
	_ =	swait.ge [sflag:s23], $0x4000  }
0x35: {  	s0 =	sor.u32 s0, s1;
	[sflag:s23] =	ssyncset.done $0x0  }
0x36: {  	s12 =	simm.s32 $0x100;
	s0 =	sshrl.u32 s0, $0x3;
	[sflag:s23] =	ssyncadd.s32 $0xFFFFC000  }
0x37: {  	[tilespmem:s17], [sflag:$0x1] =	stream.indirect.gather [hbm4b:s5+s16], $0x80, s12, s16, $0xb8;
	[tilespmem:$0x1EA00] =	vst v63  }
0x38: {  	s0 =	sadd.s32 s2, s0  }
0x39: {  	[tilespmem:s24], [sflag:$0x8] =	stream.linear.gather [hbm4b:s0+s4], $0x80, $0x38;
	[tilespmem:$0x1EA00] =	vst v63  }
0x3a: {  	_ =	swait.ge [sflag:s25], $0x4000  }
0x3b: {  	[sflag:s25] =	ssyncset.done $0x0  }
0x3c: {  	[sflag:s25] =	ssyncadd.s32 $0xFFFFC000  }
0x3d: {  	p0 =	por $0x1, $0x1;
	_ =	swait.ge [sflag:s26], $0x80  }
0x3e: {  	s0 =	simm.s32 @p0 $0x200;
	[sflag:s26] =	ssyncset.done $0x0  }
0x3f: {  	s1 =	sand.u32 @p0 $0x7C00, s0;
	[sflag:s26] =	ssyncadd.s32 $0xFFFFFF80  }
0x40: {  	[spmem:s3] =	stream.indirect.scatter.add.f32 [tilespmem:s20], [sflag:$0x4], $0x80, s19, s16, $0xb8;
	[tilespmem:$0x1EA00] =	vst v63  }
0x41: {  	s0 =	sand.u32 @p0 $0x200, s0;
	s1 =	sadd.s32 @p0 s6, s1;
	_ =	swait.ge [sflag:s28], $0x4000  }
0x42: {  	s13 =	simm.s32 $0x180;
	s0 =	sor.u32 @p0 s0, s1;
	[sflag:s28] =	ssyncset.done $0x0  }
0x43: {  	s7 =	simm.s32 @p0 $0x0;
	s0 =	sshrl.u32 @p0 s0, $0x3;
	[sflag:s28] =	ssyncadd.s32 $0xFFFFC000  }
0x44: {  	[tilespmem:s20], [sflag:$0x2] =	stream.indirect.gather [hbm4b:s5+s16], $0x80, s13, s16, $0xb8;
	[tilespmem:$0x1EA00] =	vst v63  }
0x45: {  	s9 =	simm.s32 @p0 $0x2800;
	s1 =	simm.s32 @p0 $0x1;
	s0 =	sadd.s32 @p0 s2, s0  }
0x46: {  	[tilespmem:s9], [sflag:$0x5] =	stream.linear.gather @p0 [hbm4b:s0+s7], $0x80, $0x38;
	[tilespmem:$0x1EA00] =	vst v63  }
0x47: {  	_ =	swait.ge @p0 [sflag:s1], $0x4000  }
0x48: {  	[sflag:s1] =	ssyncset.done @p0 $0x0  }
0x49: {  	[sflag:s1] =	ssyncadd.s32 @p0 $0xFFFFC000;
	s1 =	simm.s32 @p0 $0x7  }
0x4a: {  	s10 =	simm.s32 @p0 $0x2A00;
	s11 =	simm.s32 @p0 $0x3;
	_ =	swait.ge @p0 [sflag:s1], $0x80  }
0x4b: {  	s12 =	simm.s32 @p0 $0x2900;
	s0 =	simm.s32 $0x280;
	[sflag:s1] =	ssyncset.done @p0 $0x0  }
0x4c: {  	s9 =	sand.u32 @p0 $0x7C00, s0;
	[sflag:s1] =	ssyncadd.s32 @p0 $0xFFFFFF80;
	s1 =	simm.s32 @p0 $0x80  }
0x4d: {  	[spmem:s3] =	stream.indirect.scatter.add.f32 @p0 [tilespmem:s10], [sflag:$0x3], $0x80, s12, s1, $0xb8;
	[tilespmem:$0x1EA00] =	vst v63  }
0x4e: {  	s0 =	sand.u32 @p0 $0x280, s0;
	s9 =	sadd.s32 @p0 s6, s9;
	_ =	swait.ge @p0 [sflag:s11], $0x4000  }
0x4f: {  	s0 =	sor.u32 @p0 s0, s9;
	[sflag:s11] =	ssyncset.done @p0 $0x0  }
0x50: {  	s9 =	simm.s32 $0x200;
	s0 =	sshrl.u32 @p0 s0, $0x3;
	[sflag:s11] =	ssyncadd.s32 @p0 $0xFFFFC000  }
0x51: {  	[tilespmem:s10], [sflag:$0x1] =	stream.indirect.gather @p0 [hbm4b:s5+s1], $0x80, s9, s1, $0xb8;
	[tilespmem:$0x1EA00] =	vst v63  }
0x52: {  	s0 =	sadd.s32 @p0 s2, s0;
	s1 =	simm.s32 @p0 $0x2880;
	s9 =	simm.s32 @!p0 $0x1  }
0x53: {  	[tilespmem:s1], [sflag:$0x6] =	stream.linear.gather @p0 [hbm4b:s0+s7], $0x80, $0x38;
	[tilespmem:$0x1EA00] =	vst v63  }
0x54: {  	_ =	swait.ge @!p0 [sflag:s9], $0x4000  }
0x55: {  	[sflag:s9] =	ssyncset.done @!p0 $0x0  }
0x56: {  	s0 =	simm.s32 @!p0 $0x7;
	[sflag:s9] =	ssyncadd.s32 @!p0 $0xFFFFC000  }
0x57: {  	_ =	swait.ge @!p0 [sflag:s0], $0x80  }
0x58: {  	s1 =	simm.s32 @!p0 $0x2A00;
	s7 =	simm.s32 @!p0 $0x3;
	[sflag:s0] =	ssyncset.done @!p0 $0x0  }
0x59: {  	s9 =	simm.s32 @!p0 $0x2900;
	[sflag:s0] =	ssyncadd.s32 @!p0 $0xFFFFFF80;
	s0 =	simm.s32 @!p0 $0x80  }
0x5a: {  	[spmem:s3] =	stream.indirect.scatter.add.f32 @!p0 [tilespmem:s1], [sflag:$0x3], $0x80, s9, s0, $0xb8;
	[tilespmem:$0x1EA00] =	vst v63  }
0x5b: {  	_ =	swait.ge @!p0 [sflag:s7], $0x4000  }
0x5c: {  	[sflag:s7] =	ssyncset.done @!p0 $0x0  }
0x5d: {  	p1 =	por $0x0, $0x0;
	s31 =	simm.s32 $0x400;
	[sflag:s7] =	ssyncadd.s32 @!p0 $0xFFFFC000  }
0x5e: {  	s12 =	simm.s32 $0x380;
	s11 =	simm.s32 $0x300;
	_ =	swait.ge [sflag:s25], $0x4000  }
0x5f: {  	s10 =	simm.s32 $0x200;
	s1 =	simm.s32 $0x480;
	[sflag:s25] =	ssyncset.done $0x0  }
0x60: {  	s0 =	simm.s32 $0x680;
	p0 =	por p1, p1;
	[sflag:s25] =	ssyncadd.s32 $0xFFFFC000  }
0x61: {  	s9 =	simm.s32 $0x280;
	s13 =	simm.s32 @!p0 $0x4;
	_ =	swait.ge [sflag:s29], $0x80  }
.LBB2_2:
0x62: {  	[sflag:s29] =	ssyncset.done $0x0  }
0x63: {  	s10 =	sand.u32 $0x3C00, s10;
	[sflag:s29] =	ssyncadd.s32 $0xFFFFFF80  }
0x64: {  	[spmem:s3] =	stream.indirect.scatter.add.f32 [tilespmem:s20], [sflag:$0x4], $0x80, s24, s16, $0xb8;
	[tilespmem:$0x1EA00] =	vst v63  }
0x65: {  	s11 =	sand.u32 $0x300, s11;
	s10 =	sadd.s32 s6, s10;
	_ =	swait.ge @!p0 [sflag:s13], $0x4000  }
0x66: {  	s11 =	sor.u32 s10, s11;
	[sflag:s13] =	ssyncset.done @!p0 $0x0  }
0x67: {  	s11 =	sshrl.u32 s11, $0x3;
	[sflag:s13] =	ssyncadd.s32 @!p0 $0xFFFFC000  }
0x68: {  	[tilespmem:s20], [sflag:$0x2] =	stream.indirect.gather [hbm4b:s5+s16], $0x80, s9, s16, $0xb8;
	[tilespmem:$0x1EA00] =	vst v63  }
0x69: {  	s8 =	rddreg [dreg:$0x5];
	s13 =	sadd.s32 s2, s11  }
0x6a: {  	[tilespmem:s8], [sflag:$0x7] =	stream.linear.gather [hbm4b:s13+s4], $0x80, $0x38;
	[tilespmem:$0x1EA00] =	vst v63  }
0x6b: {  	_ =	swait.ge [sflag:s21], $0x4000  }
0x6c: {  	[sflag:s21] =	ssyncset.done $0x0  }
0x6d: {  	[sflag:s21] =	ssyncadd.s32 $0xFFFFC000  }
0x6e: {  	_ =	swait.ge [sflag:s22], $0x80  }
0x6f: {  	[sflag:s22] =	ssyncset.done $0x0  }
0x70: {  	[sflag:s22] =	ssyncadd.s32 $0xFFFFFF80  }
0x71: {  	[spmem:s3] =	stream.indirect.scatter.add.f32 [tilespmem:s17], [sflag:$0x3], $0x80, s18, s16, $0xb8;
	[tilespmem:$0x1EA00] =	vst v63  }
0x72: {  	s12 =	sand.u32 $0x380, s12;
	_ =	swait.ge [sflag:s23], $0x4000  }
0x73: {  	s10 =	sor.u32 s10, s12;
	[sflag:s23] =	ssyncset.done $0x0  }
0x74: {  	s10 =	sshrl.u32 s10, $0x3;
	s11 =	sadd.s32 $0xFFFFFF00, s31;
	[sflag:s23] =	ssyncadd.s32 $0xFFFFC000  }
0x75: {  	[tilespmem:s17], [sflag:$0x1] =	stream.indirect.gather [hbm4b:s5+s16], $0x80, s11, s16, $0xb8;
	[tilespmem:$0x1EA00] =	vst v63  }
0x76: {  	s12 =	sadd.s32 s2, s10  }
0x77: {  	[tilespmem:s24], [sflag:$0x8] =	stream.linear.gather [hbm4b:s12+s4], $0x80, $0x38;
	[tilespmem:$0x1EA00] =	vst v63  }
0x78: {  	_ =	swait.ge [sflag:s25], $0x4000  }
0x79: {  	p2 =	seq.s32 s0, $0x280;
	[sflag:s25] =	ssyncset.done $0x0  }
0x7a: {  	p0 =	por p2, p2;
	p2 =	sne.s32 s1, $0x2880;
	[sflag:s25] =	ssyncadd.s32 $0xFFFFC000  }
0x7b: {  	s9 =	sadd.s32 @p2 $0xFFFFFF80, s1;
	s10 =	sand.u32 @p2 $0x7C00, s1;
	_ =	swait.ge [sflag:s26], $0x80  }
0x7c: {  	s1 =	sand.u32 @p2 $0x280, s1;
	s10 =	sadd.s32 @p2 s6, s10;
	[sflag:s26] =	ssyncset.done $0x0  }
0x7d: {  	s13 =	sadd.s32 $0xFFFFFF80, s31;
	s11 =	sand.u32 @p2 $0x7C00, s9;
	[sflag:s26] =	ssyncadd.s32 $0xFFFFFF80  }
0x7e: {  	[spmem:s3] =	stream.indirect.scatter.add.f32 [tilespmem:s20], [sflag:$0x4], $0x80, s19, s16, $0xb8;
	[tilespmem:$0x1EA00] =	vst v63  }
0x7f: {  	s9 =	sand.u32 @p2 $0x200, s9;
	s11 =	sadd.s32 @p2 s6, s11;
	_ =	swait.ge [sflag:s28], $0x4000  }
0x80: {  	s1 =	sor.u32 @p2 s1, s10;
	s9 =	sor.u32 @p2 s9, s11;
	[sflag:s28] =	ssyncset.done $0x0  }
0x81: {  	s10 =	simm.s32 @p2 $0x0;
	s8 =	sshrl.u32 @p2 s9, $0x3;
	[sflag:s28] =	ssyncadd.s32 $0xFFFFC000  }
0x82: {  	[tilespmem:s20], [sflag:$0x2] =	stream.indirect.gather [hbm4b:s5+s16], $0x80, s13, s16, $0xb8;
	[tilespmem:$0x1EA00] =	vst v63  }
0x83: {  	s11 =	simm.s32 @p2 $0x2800;
	s9 =	simm.s32 @p2 $0x1;
	s8 =	sadd.s32 @p2 s2, s8  }
0x84: {  	[tilespmem:s11], [sflag:$0x5] =	stream.linear.gather @p2 [hbm4b:s8+s10], $0x80, $0x38;
	[tilespmem:$0x1EA00] =	vst v63  }
0x85: {  	_ =	swait.ge @p2 [sflag:s9], $0x4000  }
0x86: {  	s7 =	smov.u32 s0;
	s8 =	sshrl.u32 @p2 s1, $0x3;
	[sflag:s9] =	ssyncset.done @p2 $0x0  }
0x87: {  	s1 =	smov.u32 s7;
	s7 =	simm.s32 @p2 $0x7;
	[sflag:s9] =	ssyncadd.s32 @p2 $0xFFFFC000  }
0x88: {  	_ =	swait.ge @p2 [sflag:s7], $0x80  }
0x89: {  	s12 =	simm.s32 @p2 $0x2900;
	s11 =	simm.s32 @p2 $0x3;
	[sflag:s7] =	ssyncset.done @p2 $0x0  }
0x8a: {  	s9 =	simm.s32 @p2 $0x2A00;
	[sflag:s7] =	ssyncadd.s32 @p2 $0xFFFFFF80;
	s7 =	simm.s32 @p2 $0x80  }
0x8b: {  	[spmem:s3] =	stream.indirect.scatter.add.f32 @p2 [tilespmem:s9], [sflag:$0x3], $0x80, s12, s7, $0xb8;
	[tilespmem:$0x1EA00] =	vst v63  }
0x8c: {  	_ =	swait.ge @p2 [sflag:s11], $0x4000  }
0x8d: {  	[sflag:s11] =	ssyncset.done @p2 $0x0  }
0x8e: {  	[sflag:s11] =	ssyncadd.s32 @p2 $0xFFFFC000  }
0x8f: {  	[tilespmem:s9], [sflag:$0x1] =	stream.indirect.gather @p2 [hbm4b:s5+s7], $0x80, s31, s7, $0xb8;
	[tilespmem:$0x1EA00] =	vst v63  }
0x90: {  	s7 =	sadd.s32 @p2 s2, s8;
	s8 =	simm.s32 @p2 $0x2880;
	s9 =	simm.s32 @!p2 $0x1  }
0x91: {  	[tilespmem:s8], [sflag:$0x6] =	stream.linear.gather @p2 [hbm4b:s7+s10], $0x80, $0x38;
	[tilespmem:$0x1EA00] =	vst v63  }
0x92: {  	_ =	swait.ge @!p2 [sflag:s9], $0x4000  }
0x93: {  	[sflag:s9] =	ssyncset.done @!p2 $0x0  }
0x94: {  	s7 =	simm.s32 @!p2 $0x7;
	[sflag:s9] =	ssyncadd.s32 @!p2 $0xFFFFC000  }
0x95: {  	_ =	swait.ge @!p2 [sflag:s7], $0x80  }
0x96: {  	s8 =	simm.s32 @!p2 $0x2A00;
	s10 =	simm.s32 @!p2 $0x2900;
	[sflag:s7] =	ssyncset.done @!p2 $0x0  }
0x97: {  	s9 =	simm.s32 @!p2 $0x3;
	[sflag:s7] =	ssyncadd.s32 @!p2 $0xFFFFFF80;
	s7 =	simm.s32 @!p2 $0x80  }
0x98: {  	[spmem:s3] =	stream.indirect.scatter.add.f32 @!p2 [tilespmem:s8], [sflag:$0x3], $0x80, s10, s7, $0xb8;
	[tilespmem:$0x1EA00] =	vst v63  }
0x99: {  	s0 =	sadd.s32 $0x200, s0;
	_ =	swait.ge @!p2 [sflag:s9], $0x4000  }
0x9a: {  	p1 =	sne.s32 s0, $0x2A80;
	[sflag:s9] =	ssyncset.done @!p2 $0x0  }
.Ltmp0:
0x9b: {  	[sflag:s9] =	ssyncadd.s32 @!p2 $0xFFFFC000;
	(pc) =	sbr.rel @p1 .LBB2_2-.Ltmp0, $4  }
0x9c: {  	_ =	swait.ge [sflag:s25], $0x4000  }
0x9d: {  	s13 =	simm.s32 @!p0 $0x4;
	s12 =	sadd.s32 $0xFFFFFF00, s1;
	[sflag:s25] =	ssyncset.done $0x0  }
0x9e: {  	s11 =	sadd.s32 $0xFFFFFE80, s1;
	s31 =	sadd.s32 $0x200, s31;
	[sflag:s25] =	ssyncadd.s32 $0xFFFFC000  }
0x9f: {  	s10 =	sadd.s32 $0xFFFFFD80, s1;
	s9 =	sadd.s32 $0xFFFFFE80, s31;
	_ =	swait.ge [sflag:s29], $0x80  }
0xa0: {  	[sflag:s29] =	ssyncset.done $0x0  }
0xa1: {  	s0 =	sand.u32 $0x3C00, s10;
	[sflag:s29] =	ssyncadd.s32 $0xFFFFFF80  }
0xa2: {  	[spmem:s3] =	stream.indirect.scatter.add.f32 [tilespmem:s20], [sflag:$0x4], $0x80, s24, s16, $0xb8;
	[tilespmem:$0x1EA00] =	vst v63  }
0xa3: {  	s7 =	sand.u32 $0x300, s11;
	s0 =	sadd.s32 s6, s0;
	_ =	swait.ge @!p0 [sflag:s13], $0x4000  }
0xa4: {  	s7 =	sor.u32 s0, s7;
	[sflag:s13] =	ssyncset.done @!p0 $0x0  }
0xa5: {  	s7 =	sshrl.u32 s7, $0x3;
	[sflag:s13] =	ssyncadd.s32 @!p0 $0xFFFFC000  }
0xa6: {  	[tilespmem:s20], [sflag:$0x2] =	stream.indirect.gather [hbm4b:s5+s16], $0x80, s9, s16, $0xb8;
	[tilespmem:$0x1EA00] =	vst v63  }
0xa7: {  	s8 =	rddreg [dreg:$0x5];
	s7 =	sadd.s32 s2, s7  }
0xa8: {  	[tilespmem:s8], [sflag:$0x7] =	stream.linear.gather [hbm4b:s7+s4], $0x80, $0x38;
	[tilespmem:$0x1EA00] =	vst v63  }
0xa9: {  	_ =	swait.ge [sflag:s21], $0x4000  }
0xaa: {  	[sflag:s21] =	ssyncset.done $0x0  }
0xab: {  	[sflag:s21] =	ssyncadd.s32 $0xFFFFC000  }
0xac: {  	_ =	swait.ge [sflag:s22], $0x80  }
0xad: {  	[sflag:s22] =	ssyncset.done $0x0  }
0xae: {  	[sflag:s22] =	ssyncadd.s32 $0xFFFFFF80  }
0xaf: {  	[spmem:s3] =	stream.indirect.scatter.add.f32 [tilespmem:s17], [sflag:$0x3], $0x80, s18, s16, $0xb8;
	[tilespmem:$0x1EA00] =	vst v63  }
0xb0: {  	s10 =	sand.u32 $0x380, s12;
	_ =	swait.ge [sflag:s23], $0x4000  }
0xb1: {  	s0 =	sor.u32 s0, s10;
	[sflag:s23] =	ssyncset.done $0x0  }
0xb2: {  	s11 =	sadd.s32 $0xFFFFFF00, s31;
	s0 =	sshrl.u32 s0, $0x3;
	[sflag:s23] =	ssyncadd.s32 $0xFFFFC000  }
0xb3: {  	[tilespmem:s17], [sflag:$0x1] =	stream.indirect.gather [hbm4b:s5+s16], $0x80, s11, s16, $0xb8;
	[tilespmem:$0x1EA00] =	vst v63  }
0xb4: {  	s0 =	sadd.s32 s2, s0  }
0xb5: {  	[tilespmem:s24], [sflag:$0x8] =	stream.linear.gather [hbm4b:s0+s4], $0x80, $0x38;
	[tilespmem:$0x1EA00] =	vst v63  }
0xb6: {  	_ =	swait.ge [sflag:s25], $0x4000  }
0xb7: {  	[sflag:s25] =	ssyncset.done $0x0  }
0xb8: {  	[sflag:s25] =	ssyncadd.s32 $0xFFFFC000  }
0xb9: {  	p0 =	sne.s32 s1, $0x2880;
	_ =	swait.ge [sflag:s26], $0x80  }
0xba: {  	s0 =	sadd.s32 @p0 $0xFFFFFF80, s1;
	[sflag:s26] =	ssyncset.done $0x0  }
0xbb: {  	s7 =	sand.u32 @p0 $0x7C00, s0;
	[sflag:s26] =	ssyncadd.s32 $0xFFFFFF80  }
0xbc: {  	[spmem:s3] =	stream.indirect.scatter.add.f32 [tilespmem:s20], [sflag:$0x4], $0x80, s19, s16, $0xb8;
	[tilespmem:$0x1EA00] =	vst v63  }
0xbd: {  	s0 =	sand.u32 @p0 $0x200, s0;
	s7 =	sadd.s32 @p0 s6, s7;
	_ =	swait.ge [sflag:s28], $0x4000  }
0xbe: {  	s12 =	sadd.s32 $0xFFFFFF80, s31;
	s0 =	sor.u32 @p0 s0, s7;
	[sflag:s28] =	ssyncset.done $0x0  }
0xbf: {  	s9 =	simm.s32 @p0 $0x2800;
	s0 =	sshrl.u32 @p0 s0, $0x3;
	[sflag:s28] =	ssyncadd.s32 $0xFFFFC000  }
0xc0: {  	[tilespmem:s20], [sflag:$0x2] =	stream.indirect.gather [hbm4b:s5+s16], $0x80, s12, s16, $0xb8;
	[tilespmem:$0x1EA00] =	vst v63  }
0xc1: {  	s8 =	simm.s32 @p0 $0x0;
	s7 =	simm.s32 @p0 $0x1;
	s0 =	sadd.s32 @p0 s2, s0  }
0xc2: {  	[tilespmem:s9], [sflag:$0x5] =	stream.linear.gather @p0 [hbm4b:s0+s8], $0x80, $0x38;
	[tilespmem:$0x1EA00] =	vst v63  }
0xc3: {  	_ =	swait.ge @p0 [sflag:s7], $0x4000  }
0xc4: {  	[sflag:s7] =	ssyncset.done @p0 $0x0  }
0xc5: {  	s0 =	simm.s32 @p0 $0x7;
	[sflag:s7] =	ssyncadd.s32 @p0 $0xFFFFC000  }
0xc6: {  	_ =	swait.ge @p0 [sflag:s0], $0x80  }
0xc7: {  	s9 =	simm.s32 @p0 $0x2900;
	[sflag:s0] =	ssyncset.done @p0 $0x0  }
0xc8: {  	s7 =	simm.s32 @p0 $0x2A00;
	[sflag:s0] =	ssyncadd.s32 @p0 $0xFFFFFF80;
	s0 =	simm.s32 @p0 $0x80  }
0xc9: {  	[spmem:s3] =	stream.indirect.scatter.add.f32 @p0 [tilespmem:s7], [sflag:$0x3], $0x80, s9, s0, $0xb8;
	[tilespmem:$0x1EA00] =	vst v63  }
0xca: {  	s9 =	simm.s32 @p0 $0x3  }
0xcb: {  	_ =	swait.ge @p0 [sflag:s9], $0x4000  }
0xcc: {  	[sflag:s9] =	ssyncset.done @p0 $0x0  }
0xcd: {  	[sflag:s9] =	ssyncadd.s32 @p0 $0xFFFFC000  }
0xce: {  	[tilespmem:s7], [sflag:$0x1] =	stream.indirect.gather @p0 [hbm4b:s5+s0], $0x80, s31, s0, $0xb8;
	[tilespmem:$0x1EA00] =	vst v63  }
0xcf: {  	s0 =	sand.u32 @p0 $0x7C00, s1  }
0xd0: {  	s1 =	sand.u32 @p0 $0x280, s1;
	s0 =	sadd.s32 @p0 s6, s0  }
0xd1: {  	s0 =	sor.u32 @p0 s1, s0  }
0xd2: {  	s0 =	sshrl.u32 @p0 s0, $0x3  }
0xd3: {  	s1 =	simm.s32 @p0 $0x2880;
	s0 =	sadd.s32 @p0 s2, s0  }
0xd4: {  	[tilespmem:s1], [sflag:$0x6] =	stream.linear.gather @p0 [hbm4b:s0+s8], $0x80, $0x38;
	[tilespmem:$0x1EA00] =	vst v63  }
0xd5: {  	s0 =	simm.s32 @!p0 $0x1  }
0xd6: {  	_ =	swait.ge @!p0 [sflag:s0], $0x4000  }
0xd7: {  	[sflag:s0] =	ssyncset.done @!p0 $0x0  }
0xd8: {  	[sflag:s0] =	ssyncadd.s32 @!p0 $0xFFFFC000;
	s0 =	simm.s32 @!p0 $0x7  }
0xd9: {  	_ =	swait.ge @!p0 [sflag:s0], $0x80  }
0xda: {  	s7 =	simm.s32 @!p0 $0x2900;
	[sflag:s0] =	ssyncset.done @!p0 $0x0  }
0xdb: {  	s1 =	simm.s32 @!p0 $0x2A00;
	[sflag:s0] =	ssyncadd.s32 @!p0 $0xFFFFFF80;
	s0 =	simm.s32 @!p0 $0x80  }
0xdc: {  	[spmem:s3] =	stream.indirect.scatter.add.f32 @!p0 [tilespmem:s1], [sflag:$0x3], $0x80, s7, s0, $0xb8;
	[tilespmem:$0x1EA00] =	vst v63  }
0xdd: {  	s0 =	simm.s32 @!p0 $0x3  }
0xde: {  	_ =	swait.ge @!p0 [sflag:s0], $0x4000  }
0xdf: {  	[sflag:s0] =	ssyncset.done @!p0 $0x0  }
0xe0: {  	[sflag:s0] =	ssyncadd.s32 @!p0 $0xFFFFC000  }
0xe1: {  	_ =	swait.ge [sflag:s25], $0x4000  }
0xe2: {  	[sflag:s25] =	ssyncset.done $0x0  }
0xe3: {  	[sflag:s25] =	ssyncadd.s32 $0xFFFFC000  }
0xe4: {  	_ =	swait.ge [sflag:s29], $0x80  }
0xe5: {  	[sflag:s29] =	ssyncset.done $0x0  }
0xe6: {  	[sflag:s29] =	ssyncadd.s32 $0xFFFFFF80  }
0xe7: {  	[spmem:s3] =	stream.indirect.scatter.add.f32 [tilespmem:s20], [sflag:$0x4], $0x80, s24, s16, $0xb8;
	[tilespmem:$0x1EA00] =	vst v63  }
0xe8: {  	_ =	swait.ge [sflag:s28], $0x4000  }
0xe9: {  	[sflag:s28] =	ssyncset.done $0x0  }
0xea: {  	[sflag:s28] =	ssyncadd.s32 $0xFFFFC000  }
0xeb: {  	[bflag:$0x0] =	sbarrier.arrive $0xFFFF  }
0xec: {  	s13 =	rddreg [dreg:$0xa]  }
0xed: {  	s1 =	rddreg [dreg:$0xc]  }
0xee: {  	[hbm:s13], [sflag:s14] =	dma.local [spmem:s1], $0x2800  }
0xef: {  	_ =	swait.ge [sflag:s15], $0x2800  }
0xf0: {  	s30 =	sadd.s32 $0x1, s30;
	s31 =	rddreg [dreg:$0xb]  }
0xf1: {  	p0 =	sne.s32 s30, s31  }
.Ltmp1:
0xf2: {  	_ = 	snop;
	(pc) =	sbr.rel @p0 .LBB2_1-.Ltmp1, $3  }
0xf3: {  	_ =	sdelay $0x1  }
0xf4: {  	[sflag:s15] =	ssyncset.done $0x0  }
0xf5: {  	s8 =	smov.u32 s14;
	[sflag:s15] =	ssyncadd.s32 $0xFFFFD800  }
0xf6: {  	_ =	sfence.sel $0x180000  }
0xf7: {  	[bflag:$0x0] =	sbarrier.arrive $0xFFFF  }
0xf8: {  	_ =	strace $0x9000004A  }
0xf9: {  	s0 =	stileid.u32;
	[bflag:$0x2] =	sbarrier.arrive $0xFFFF  }
0xfa: {  	p0 =	sne.s32 s0, $0x0;
	s0 =	rddreg [dreg:$0x4]  }
0xfb: {  	s0 =	sadd.s32 @!p0 $0x100000, s0  }
0xfc: {  	[sflag:s0] =	ssyncadd.tile.s32 @!p0 $0x1;
	_ =	shalt  }
.Lfunc_end2:
_tile_overlayer_lowered:
.L_overlay_start_2:
0xfd: {  	(tag) =	ssettag $0x2  }
0xfe: {  	s0 =	rddreg [dreg:$0x0];
	s2 =	stileid.u32  }
0xff: {  	s1 =	rddreg [dreg:$0x1];
	p0 =	sne.s32 s2, $0x0  }
0x100: {  	s3 =	rddreg [dreg:$0x2];
	[bflag:$0x3] =	sbarrier.arrive $0xFFFF;
	s2 =	simm.s32 @!p0 $0x1C09  }
0x101: {  	[timem:s3], [sflag:s2] =	dma.local @!p0 [hbm:s0], s1  }
0x102: {  	s0 =	simm.s32 @!p0 $0x9  }
0x103: {  	_ =	swait.ge @!p0 [sflag:s0], s1  }
0x104: {  	s1 =	ssub.s32 @!p0 $0x0, s1;
	[sflag:s0] =	ssyncset.done @!p0 $0x0  }
0x105: {  	[sflag:s0] =	ssyncadd.s32 @!p0 s1  }
0x106: {  	[bflag:$0x3] =	sbarrier.arrive $0xFFFF  }
0x107: {  	_ =	shalt  }

// kernel: kernel.16.cloned.1.call-start
scs
__scs_entry_jumppad:
0x0: {  	(pc) =	sbr.rel $0x88, $3  }
0x1: {  	(tag) =	ssettag $0x0;
	lr =	simm.s32 $0x1  }
0x2: {  	[smem:$0x3F91] =	sst lr;
	_ =	strace $0xD0000000  }
0x3: {  	_ = 	snop  }
0x4: {  	_ = 	snop  }
0x5: {  	_ = 	snop  }
0x6: {  	_ = 	snop  }
0x7: {  	_ = 	snop  }
__scs_overlays_trampoline_lowered:
0x8: {  	[smem:$0x3FA0] =	sst s0  }
0x9: {  	[smem:$0x3FA1] =	sst s1  }
0xa: {  	[smem:$0x3FA2] =	sst s2  }
0xb: {  	[smem:$0x3FA3] =	sst s3  }
0xc: {  	[smem:$0x3FA4] =	sst s4  }
0xd: {  	[smem:$0x3FA5] =	sst s5  }
0xe: {  	[smem:$0x3FA6] =	sst s6  }
0xf: {  	[smem:$0x3FA7] =	sst s7  }
0x10: {  	[smem:$0x3FA8] =	sst s8  }
0x11: {  	[smem:$0x3FA9] =	sst s9;
	s0 =	simm.s32 @!p0 $0x0  }
0x12: {  	s1 =	sld [smem:$0x3F8F];
	s0 =	simm.s32 @p0 $0x1  }
0x13: {  	[smem:$0x3FAA] =	sst s0;
	s0 =	simm.s32 @!p1 $0x0  }
0x14: {  	s2 =	sld [smem:$0x3F8E];
	s0 =	simm.s32 @p1 $0x1  }
0x15: {  	[smem:$0x3FAB] =	sst s0;
	s0 =	simm.s32 @!p2 $0x0  }
0x16: {  	s3 =	sld [smem:$0x3FDB];
	s0 =	simm.s32 @p2 $0x1  }
0x17: {  	s4 =	simm.s32 $0x1BF5;
	[smem:$0x3FAD] =	sst s0  }
0x18: {  	s0 =	sld [smem:$0x3F90];
	_ =	swait.ge [sflag:s4], $0x0  }
0x19: {  	s7 =	sld [smem:$0x3F91]  }
0x1a: {  	s8 =	sadd.s32 $0xFFFFE003, lr  }
0x1b: {  	s9 =	sadd.s32 $0xFFFFFEF7, lr;
	s5 =	simm.s32 $0xFFFFFFFF;
	p2 =	slt.u32 s8, $0xFFFFF086  }
0x1c: {  	p1 =	slt.u32 s9, $0xF7A;
	s5 =	simm.s32 @!p2 $0x0  }
0x1d: {  	s5 =	simm.s32 @p1 $0x1;
	p0 =	seq.s32 s7, s2  }
0x1e: {  	s7 =	smul.u32 @!p0 $0xF7A, s2;
	p2 =	seq.s32 @!p0 s5, $0x0  }
0x1f: {  	s9 =	smul.u32 $0xF7A, s1;
	s8 =	simm.s32 @!p0 $0x1BF5;
	p2 =	por !p2, p0  }
0x20: {  	[sflag:s8] =	ssyncset.s32 @!p0 $0xFFFFF086;
	s6 =	sadd.s32 @!p0 s3, s7;
	s7 =	simm.s32 @!p0 $0x108  }
0x21: {  	s3 =	sadd.s32 s3, s9;
	s6 =	sadd.s32 @!p0 $0x88, s6;
	s7 =	simm.s32 @p2 $0x1082  }
0x22: {  	[simem:s7], [sflag:s8] =	dma.local @!p0 [hbm:s6], $0xF7A  }
0x23: {  	s9 =	sor.u32 $0xD0000000, s2;
	s6 =	simm.s32 $0x108;
	_ =	swait.ge @!p0 [sflag:s8], $0x0  }
0x24: {  	s3 =	sadd.s32 $0x88, s3;
	s6 =	simm.s32 @!p1 $0x1082;
	[sflag:s4] =	ssyncset.s32 $0xFFFFF086  }
0x25: {  	[simem:s6], [sflag:s4] =	dma.local [hbm:s3], $0xF7A  }
0x26: {  	[smem:$0x3F91] =	sst s1;
	(tag) =	ssettag s2;
	_ =	strace s9  }
0x27: {  	s1 =	sld [smem:$0x3FA1]  }
0x28: {  	s2 =	sld [smem:$0x3FA2]  }
0x29: {  	s4 =	sld [smem:$0x3FA4]  }
0x2a: {  	p0 =	seq.s32 s5, $0x0;
	s5 =	sld [smem:$0x3FA5]  }
0x2b: {  	s6 =	sld [smem:$0x3FA6]  }
0x2c: {  	s7 =	sld [smem:$0x3FA7]  }
0x2d: {  	s3 =	simm.s32 $0x108;
	s8 =	sld [smem:$0x3FA8]  }
0x2e: {  	s3 =	simm.s32 @!p0 $0x1082;
	s9 =	sld [smem:$0x3FA9]  }
0x2f: {  	lr =	sadd.s32 s0, s3;
	s0 =	sld [smem:$0x3FA0]  }
0x30: {  	s3 =	sld [smem:$0x3FA3]  }
0x31: {  	[smem:$0x3FAC] =	sst s10  }
0x32: {  	s10 =	sld [smem:$0x3FAA];
	_ =	sdelay $0x3  }
0x33: {  	p0 =	seq.s32 s10, $0x1;
	s10 =	sld [smem:$0x3FAC];
	_ =	sdelay $0x3  }
0x34: {  	[smem:$0x3FAC] =	sst s10  }
0x35: {  	s10 =	sld [smem:$0x3FAB];
	_ =	sdelay $0x3  }
0x36: {  	p1 =	seq.s32 s10, $0x1;
	s10 =	sld [smem:$0x3FAC];
	_ =	sdelay $0x3  }
0x37: {  	[smem:$0x3FAC] =	sst s10  }
0x38: {  	s10 =	sld [smem:$0x3FAD]  }
0x39: {  	_ = 	snop;
	(pc) =	sbr.ind lr, $3  }
0x3a: {  	_ = 	snop  }
0x3b: {  	_ = 	snop  }
0x3c: {  	p2 =	seq.s32 s10, $0x1;
	s10 =	sld [smem:$0x3FAC]  }
0x3d: {  	_ =	shalt  }
0x3e: {  	_ =	shalt  }
0x3f: {  	_ =	shalt  }
0x40: {  	_ =	shalt  }
0x41: {  	_ =	shalt  }
0x42: {  	_ =	shalt  }
0x43: {  	_ =	shalt  }
0x44: {  	_ =	shalt  }
0x45: {  	_ =	shalt  }
0x46: {  	_ =	shalt  }
0x47: {  	_ =	shalt  }
0x48: {  	_ =	shalt  }
0x49: {  	_ =	shalt  }
0x4a: {  	_ =	shalt  }
0x4b: {  	_ =	shalt  }
0x4c: {  	_ =	shalt  }
0x4d: {  	_ =	shalt  }
0x4e: {  	_ =	shalt  }
0x4f: {  	_ =	shalt  }
0x50: {  	_ =	shalt  }
0x51: {  	_ =	shalt  }
0x52: {  	_ =	shalt  }
0x53: {  	_ =	shalt  }
0x54: {  	_ =	shalt  }
0x55: {  	_ =	shalt  }
0x56: {  	_ =	shalt  }
0x57: {  	_ =	shalt  }
0x58: {  	_ =	shalt  }
0x59: {  	_ =	shalt  }
0x5a: {  	_ =	shalt  }
0x5b: {  	_ =	shalt  }
0x5c: {  	_ =	shalt  }
0x5d: {  	_ =	shalt  }
0x5e: {  	_ =	shalt  }
0x5f: {  	_ =	shalt  }
0x60: {  	_ =	shalt  }
0x61: {  	_ =	shalt  }
0x62: {  	_ =	shalt  }
0x63: {  	_ =	shalt  }
0x64: {  	_ =	shalt  }
0x65: {  	_ =	shalt  }
0x66: {  	_ =	shalt  }
0x67: {  	_ =	shalt  }
0x68: {  	_ =	shalt  }
0x69: {  	_ =	shalt  }
0x6a: {  	_ =	shalt  }
0x6b: {  	_ =	shalt  }
0x6c: {  	_ =	shalt  }
0x6d: {  	_ =	shalt  }
0x6e: {  	_ =	shalt  }
0x6f: {  	_ =	shalt  }
0x70: {  	_ =	shalt  }
0x71: {  	_ =	shalt  }
0x72: {  	_ =	shalt  }
0x73: {  	_ =	shalt  }
0x74: {  	_ =	shalt  }
0x75: {  	_ =	shalt  }
0x76: {  	_ =	shalt  }
0x77: {  	_ =	shalt  }
0x78: {  	_ =	shalt  }
0x79: {  	_ =	shalt  }
0x7a: {  	_ =	shalt  }
0x7b: {  	_ =	shalt  }
0x7c: {  	_ =	shalt  }
0x7d: {  	_ =	shalt  }
0x7e: {  	_ =	shalt  }
0x7f: {  	_ =	shalt  }
0x80: {  	_ =	shalt  }
0x81: {  	_ =	shalt  }
0x82: {  	_ =	shalt  }
0x83: {  	_ =	shalt  }
0x84: {  	_ =	shalt  }
0x85: {  	_ =	shalt  }
0x86: {  	_ =	shalt  }
0x87: {  	_ =	shalt  }
.Lfunc_end0:
.L_simem_size_0:
called_computation.2_lowered:
.L_overlay_start_0:
0x88: {  	s2 =	sld [smem:$0x3FD9]  }
0x89: {  	s3 =	sld [smem:$0x3FFE];
	_ =	sdelay $0x1  }
0x8a: {  	s1 =	srdreg.scid  }
0x8b: {  	s0 =	sand.u32 $0x1, s1  }
0x8c: {  	s14 =	sshll.u32 s0, $0xA;
	s2 =	sadd.s32 s3, s2  }
0x8d: {  	s2 =	sadd.s32 s2, s14  }
0x8e: {  	[smem:$0x3FB8] =	sst s2  }
0x8f: {  	_ = 	snop  }
0x90: {  	s2 =	sld [smem:$0x3FD0];
	_ =	sdelay $0x2  }
0x91: {  	s15 =	simm.s32 $0xA;
	s4 =	simm.s32 $0x10  }
0x92: {  	[smem:s4], [sflag:s15] =	dma.local [hbm:s2], $0x1  }
0x93: {  	_ =	swait.eq [sflag:s15], $0x1  }
0x94: {  	[sflag:s15] =	ssyncset.done $0x0  }
0x95: {  	s16 =	sld [smem:$0x10];
	[sflag:s15] =	ssyncadd.s32 $0xFFFFFFFF  }
0x96: {  	s17 =	sld [smem:$0x11];
	(tm) =	ssettm $0x1  }
0x97: {  	s18 =	sld [smem:$0x3FFB];
	_ =	sdelay $0x3  }
0x98: {  	_ =	strace s18  }
0x99: {  	s4 =	sld [smem:$0x3FFC];
	_ =	sdelay $0x3  }
0x9a: {  	_ =	strace s4  }
0x9b: {  	s4 =	sld [smem:$0x3FFD];
	_ =	sdelay $0x3  }
0x9c: {  	_ =	strace s4  }
0x9d: {  	_ =	strace $0x8FFFFFFF  }
0x9e: {  	s19 =	sld [smem:$0x3FDB];
	_ =	sdelay $0x1  }
0x9f: {  	s5 =	simm.s32 $_scs_section_size  }
0xa0: {  	s6 =	simm.s32 $_size__tile_overlayer_lowered;
	s7 =	simm.s32 $_tile_overlayer_lowered  }
0xa1: {  	s22 =	simm.s32 $0x1BFF;
	s21 =	sshll.u32 s7, $0x1;
	s4 =	sadd.s32 s5, s19  }
0xa2: {  	s8 =	simm.s32 $0x0;
	s20 =	sshll.u32 s6, $0x1;
	s6 =	sadd.s32 s21, s4  }
0xa3: {  	[timem:s8], [sflag:s22] =	dma.local [hbm:s6], s20  }
0xa4: {  	_ =	swait.ge [sflag:s22], s20  }
0xa5: {  	s5 =	ssub.s32 $0x0, s20;
	[sflag:s22] =	ssyncset.done $0x0  }
0xa6: {  	[sflag:s22] =	ssyncadd.s32 s5;
	_ =	sdelay $0x1  }
0xa7: {  	s23 =	simm.s32 $0x1B8B  }
0xa8: {  	_ =	swait.ge [sflag:s23], $0x1  }
0xa9: {  	[sflag:s23] =	ssyncset.done $0x0  }
0xaa: {  	s25 =	simm.s32 $0x1B8E;
	s24 =	sld [smem:$0x3FFE];
	[sflag:s23] =	ssyncadd.s32 $0xFFFFFFFF  }
0xab: {  	s26 =	simm.s32 $execute0_lowered;
	[smem:$0x3FD2] =	sst s25  }
0xac: {  	s6 =	sshll.u32 s26, $0x1;
	_ =	strace $0x8000004C;
	[dreg:$0x1] =	wrdreg $0xFFFFFFFF  }
0xad: {  	s28 =	simm.s32 $_size_execute0_lowered;
	s4 =	sadd.s32 s4, s6;
	[dreg:$0x0] =	wrdreg $0x0  }
0xae: {  	s6 =	sshll.u32 s28, $0x1;
	[dreg:$0x2] =	wrdreg s4  }
0xaf: {  	[dreg:$0x3] =	wrdreg s6  }
0xb0: {  	[dreg:$0x4] =	wrdreg $0xC0  }
0xb1: {  	_ =	task [dreg:s8], $0x5FFFF  }
0xb2: {  	[dreg:$0x1] =	wrdreg $0xFFFFFFFF  }
0xb3: {  	[dreg:$0x0] =	wrdreg $0x60  }
0xb4: {  	[dreg:$0x2] =	wrdreg s24  }
0xb5: {  	[dreg:$0x3] =	wrdreg s17  }
0xb6: {  	[dreg:$0x4] =	wrdreg s16  }
0xb7: {  	[dreg:$0x5] =	wrdreg $0xAA000  }
0xb8: {  	[dreg:$0x6] =	wrdreg $0x9  }
0xb9: {  	_ =	task.clear_ibuf [dreg:s8], $0x7FFFF;
	_ =	strace $0x9000004C  }
0xba: {  	s29 =	simm.s32 $0x9;
	_ =	strace $0x8000004E  }
0xbb: {  	_ =	swait.ge [sflag:s29], $0x1  }
0xbc: {  	[sflag:s29] =	ssyncadd.s32 $0xFFFFFFFF  }
0xbd: {  	_ =	strace $0x9000004E  }
0xbe: {  	_ =	sfence  }
0xbf: {  	s30 =	sld [smem:$0x0];
	_ =	sdelay $0x2  }
0xc0: {  	s31 =	sshll.u32 s1, $0xD;
	s1 =	sshrl.u32 s1, $0x2  }
0xc1: {  	s3 =	sand.u32 $0x4000, s31;
	s1 =	sadd.s32 s1, s30  }
0xc2: {  	s0 =	sor.u32 s3, s0;
	s1 =	sshll.u32 s1, $0x11  }
0xc3: {  	s0 =	sor.u32 s1, s0  }
0xc4: {  	s0 =	sadd.s32 $0x8F2B, s0  }
0xc5: {  	[sflag:s0] =	ssyncadd.remote.s32 $0x1  }
0xc6: {  	_ =	sfence.sel $0xFFFF  }
0xc7: {  	[dreg:$0x0] =	wrdreg $0xFFFFFFFF;
	(pc) =	sbr.abs _section_cstart, $3  }
0xc8: {  	[dreg:$0x1] =	wrdreg $0xFFFFFFFF  }
0xc9: {  	_ =	task.clear_ibuf [dreg:s8], $0x2FFFF;
	_ =	strace $0x9FFFFFFF  }
0xca: {  	(tm) =	ssettm $0x7FFFFFFF  }
0xcb: {  	_ =	shalt  }
tec
execute0_lowered:
.L_overlay_start_1:
0x0: {  	(tag) =	ssettag $0x1  }
0x1: {  	s0 =	rddreg [dreg:$0x0]  }
0x2: {  	s1 =	rddreg [dreg:$0x1]  }
0x3: {  	s2 =	rddreg [dreg:$0x2]  }
0x4: {  	s3 =	rddreg [dreg:$0x3]  }
0x5: {  	s12 =	stileid.u32;
	s5 =	srdreg.scid;
	s4 =	simm.s32 $0x0  }
0x6: {  	s15 =	simm.s32 $0x9;
	s16 =	simm.s32 $0x80;
	s17 =	simm.s32 $0x2A00  }
0x7: {  	s18 =	simm.s32 $0x2800;
	s31 =	simm.s32 $0x2900;
	s19 =	simm.s32 $0x2880  }
0x8: {  	s28 =	simm.s32 $0x4;
	s29 =	simm.s32 $0x8;
	s30 =	simm.s32 $0x0  }
0x9: {  	s6 =	smul.u32 $0x14000, s12;
	s7 =	sand.u32 $0x1, s5;
	[smem:$0x7FF] =	sst s4  }
0xa: {  	s5 =	sadd.s32 $0x2C400, s0;
	s20 =	smul.u32 $0x50000, s12;
	s23 =	sshll.u32 s12, $0x6  }
0xb: {  	s9 =	smul.u32 $0x140000, s7;
	_ =	strace $0x8000004D;
	s10 =	sshll.u32 s7, $0x4  }
0xc: {  	s7 =	ssub.s32 $0x2, s7;
	[dreg:$0x5] =	wrdreg s31;
	s8 =	sshrl.u32 s6, $0x3  }
0xd: {  	s21 =	sor.u32 s12, s10;
	s22 =	sshrl.u32 s7, $0x1;
	s8 =	sadd.s32 s8, s0  }
0xe: {  	s6 =	sadd.s32 s6, s9;
	s9 =	sshrl.u32 s20, $0x2;
	s7 =	ssub.s32 s7, s22  }
0xf: {  	s20 =	simm.s32 $0x6A00;
	s22 =	simm.s32 $0x5;
	s11 =	sshrl.u32 s6, $0x3  }
0x10: {  	s6 =	smul.u32 $0x2800, s21;
	s9 =	sadd.s32 s9, s3;
	s8 =	sadd.s32 $0x4400, s8  }
0x11: {  	s26 =	smax.u32 s7, $0x1;
	s0 =	sadd.s32 s11, s0;
	[dreg:$0x6] =	wrdreg s8  }
0x12: {  	[dreg:$0xb] =	wrdreg s26;
	s24 =	sshrl.u32 s6, $0x3;
	s0 =	sadd.s32 $0x7C400, s0  }
0x13: {  	s21 =	simm.s32 $0x1;
	s1 =	sadd.s32 s1, s24;
	[dreg:$0xa] =	wrdreg s0  }
0x14: {  	s8 =	sor.u32 $0x1C09, s23;
	s25 =	sadd.s32 s2, s24;
	[dreg:$0x7] =	wrdreg s1  }
0x15: {  	s23 =	simm.s32 $0x3;
	[dreg:$0x8] =	wrdreg s25;
	s1 =	sadd.s32 $0x10, s25  }
0x16: {  	s26 =	simm.s32 $0x6;
	[dreg:$0x9] =	wrdreg s1;
	s1 =	sshrl.u32 s9, $0x3  }
0x17: {  	s24 =	simm.s32 $0x2980;
	s25 =	simm.s32 $0x2;
	[dreg:$0xc] =	wrdreg s1  }
.LBB2_1:
0x18: {  	s0 =	rddreg [dreg:$0x6]  }
0x19: {  	[spmem:s1], [sflag:s8] =	dma.local [hbm:s0], $0x2800  }
0x1a: {  	_ =	swait.ge [sflag:s15], $0x2800  }
0x1b: {  	[sflag:s15] =	ssyncset.done $0x0  }
0x1c: {  	s1 =	rddreg [dreg:$0x7];
	[sflag:s15] =	ssyncadd.s32 $0xFFFFD800  }
0x1d: {  	[tilespmem:s4], [sflag:$0x9] =	stream.linear.gather [hbm4b:s1+s4], $0x2800, $0x38;
	[tilespmem:$0x1EA00] =	vst v63  }
0x1e: {  	_ =	swait.ge [sflag:s15], $0x2800  }
0x1f: {  	[sflag:s15] =	ssyncset.done $0x0  }
0x20: {  	s14 =	smov.u32 s8;
	[sflag:s15] =	ssyncadd.s32 $0xFFFFD800  }
0x21: {  	p0 =	por $0x1, $0x1;
	s9 =	simm.s32 $0x0;
	[bflag:$0x0] =	sbarrier.arrive $0xFFFF  }
0x22: {  	[tilespmem:s17], [sflag:$0x1] =	stream.indirect.gather [hbm4b:s5+s16], $0x80, s4, s16, $0xb8;
	[tilespmem:$0x1EA00] =	vst v63  }
0x23: {  	s10 =	simm.s32 $0x100;
	p0 =	por p0, p0;
	s7 =	rddreg [dreg:$0x8]  }
0x24: {  	[tilespmem:s18], [sflag:$0x5] =	stream.linear.gather [hbm4b:s7+s4], $0x80, $0x38;
	[tilespmem:$0x1EA00] =	vst v63  }
0x25: {  	s0 =	sand.u32 $0x3C00, s9;
	s8 =	rddreg [dreg:$0x9];
	s7 =	simm.s32 @!p0 $0x4  }
0x26: {  	[tilespmem:s19], [sflag:$0x6] =	stream.linear.gather [hbm4b:s8+s4], $0x80, $0x38;
	[tilespmem:$0x1EA00] =	vst v63  }
0x27: {  	s0 =	sadd.s32 s6, s0;
	s1 =	sand.u32 $0x300, s10;
	_ =	swait.ge @!p0 [sflag:s7], $0x4000  }
0x28: {  	s1 =	sor.u32 s0, s1;
	[sflag:s7] =	ssyncset.done @!p0 $0x0  }
0x29: {  	s9 =	simm.s32 $0x80;
	s1 =	sshrl.u32 s1, $0x3;
	[sflag:s7] =	ssyncadd.s32 @!p0 $0xFFFFC000  }
0x2a: {  	[tilespmem:s20], [sflag:$0x2] =	stream.indirect.gather [hbm4b:s5+s16], $0x80, s9, s16, $0xb8;
	[tilespmem:$0x1EA00] =	vst v63  }
0x2b: {  	s1 =	sadd.s32 s2, s1;
	s10 =	rddreg [dreg:$0x5]  }
0x2c: {  	[tilespmem:s10], [sflag:$0x7] =	stream.linear.gather [hbm4b:s1+s4], $0x80, $0x38;
	[tilespmem:$0x1EA00] =	vst v63  }
0x2d: {  	_ =	swait.ge [sflag:s21], $0x4000  }
0x2e: {  	[sflag:s21] =	ssyncset.done $0x0  }
0x2f: {  	[sflag:s21] =	ssyncadd.s32 $0xFFFFC000  }
0x30: {  	_ =	swait.ge [sflag:s22], $0x80  }
0x31: {  	[sflag:s22] =	ssyncset.done $0x0  }
0x32: {  	s11 =	simm.s32 $0x180;
	[sflag:s22] =	ssyncadd.s32 $0xFFFFFF80  }
0x33: {  	[spmem:s3] =	stream.indirect.scatter.add.f32 [tilespmem:s17], [sflag:$0x3], $0x80, s18, s16, $0xb8;
	[tilespmem:$0x1EA00] =	vst v63  }
0x34: {  	s1 =	sand.u32 $0x380, s11;
	_ =	swait.ge [sflag:s23], $0x4000  }
0x35: {  	s0 =	sor.u32 s0, s1;
	[sflag:s23] =	ssyncset.done $0x0  }
0x36: {  	s12 =	simm.s32 $0x100;
	s0 =	sshrl.u32 s0, $0x3;
	[sflag:s23] =	ssyncadd.s32 $0xFFFFC000  }
0x37: {  	[tilespmem:s17], [sflag:$0x1] =	stream.indirect.gather [hbm4b:s5+s16], $0x80, s12, s16, $0xb8;
	[tilespmem:$0x1EA00] =	vst v63  }
0x38: {  	s0 =	sadd.s32 s2, s0  }
0x39: {  	[tilespmem:s24], [sflag:$0x8] =	stream.linear.gather [hbm4b:s0+s4], $0x80, $0x38;
	[tilespmem:$0x1EA00] =	vst v63  }
0x3a: {  	_ =	swait.ge [sflag:s25], $0x4000  }
0x3b: {  	[sflag:s25] =	ssyncset.done $0x0  }
0x3c: {  	[sflag:s25] =	ssyncadd.s32 $0xFFFFC000  }
0x3d: {  	p0 =	por $0x1, $0x1;
	_ =	swait.ge [sflag:s26], $0x80  }
0x3e: {  	s0 =	simm.s32 @p0 $0x200;
	[sflag:s26] =	ssyncset.done $0x0  }
0x3f: {  	s1 =	sand.u32 @p0 $0x7C00, s0;
	[sflag:s26] =	ssyncadd.s32 $0xFFFFFF80  }
0x40: {  	[spmem:s3] =	stream.indirect.scatter.add.f32 [tilespmem:s20], [sflag:$0x4], $0x80, s19, s16, $0xb8;
	[tilespmem:$0x1EA00] =	vst v63  }
0x41: {  	s0 =	sand.u32 @p0 $0x200, s0;
	s1 =	sadd.s32 @p0 s6, s1;
	_ =	swait.ge [sflag:s28], $0x4000  }
0x42: {  	s13 =	simm.s32 $0x180;
	s0 =	sor.u32 @p0 s0, s1;
	[sflag:s28] =	ssyncset.done $0x0  }
0x43: {  	s7 =	simm.s32 @p0 $0x0;
	s0 =	sshrl.u32 @p0 s0, $0x3;
	[sflag:s28] =	ssyncadd.s32 $0xFFFFC000  }
0x44: {  	[tilespmem:s20], [sflag:$0x2] =	stream.indirect.gather [hbm4b:s5+s16], $0x80, s13, s16, $0xb8;
	[tilespmem:$0x1EA00] =	vst v63  }
0x45: {  	s9 =	simm.s32 @p0 $0x2800;
	s1 =	simm.s32 @p0 $0x1;
	s0 =	sadd.s32 @p0 s2, s0  }
0x46: {  	[tilespmem:s9], [sflag:$0x5] =	stream.linear.gather @p0 [hbm4b:s0+s7], $0x80, $0x38;
	[tilespmem:$0x1EA00] =	vst v63  }
0x47: {  	_ =	swait.ge @p0 [sflag:s1], $0x4000  }
0x48: {  	[sflag:s1] =	ssyncset.done @p0 $0x0  }
0x49: {  	[sflag:s1] =	ssyncadd.s32 @p0 $0xFFFFC000;
	s1 =	simm.s32 @p0 $0x7  }
0x4a: {  	s10 =	simm.s32 @p0 $0x2A00;
	s11 =	simm.s32 @p0 $0x3;
	_ =	swait.ge @p0 [sflag:s1], $0x80  }
0x4b: {  	s12 =	simm.s32 @p0 $0x2900;
	s0 =	simm.s32 $0x280;
	[sflag:s1] =	ssyncset.done @p0 $0x0  }
0x4c: {  	s9 =	sand.u32 @p0 $0x7C00, s0;
	[sflag:s1] =	ssyncadd.s32 @p0 $0xFFFFFF80;
	s1 =	simm.s32 @p0 $0x80  }
0x4d: {  	[spmem:s3] =	stream.indirect.scatter.add.f32 @p0 [tilespmem:s10], [sflag:$0x3], $0x80, s12, s1, $0xb8;
	[tilespmem:$0x1EA00] =	vst v63  }
0x4e: {  	s0 =	sand.u32 @p0 $0x280, s0;
	s9 =	sadd.s32 @p0 s6, s9;
	_ =	swait.ge @p0 [sflag:s11], $0x4000  }
0x4f: {  	s0 =	sor.u32 @p0 s0, s9;
	[sflag:s11] =	ssyncset.done @p0 $0x0  }
0x50: {  	s9 =	simm.s32 $0x200;
	s0 =	sshrl.u32 @p0 s0, $0x3;
	[sflag:s11] =	ssyncadd.s32 @p0 $0xFFFFC000  }
0x51: {  	[tilespmem:s10], [sflag:$0x1] =	stream.indirect.gather @p0 [hbm4b:s5+s1], $0x80, s9, s1, $0xb8;
	[tilespmem:$0x1EA00] =	vst v63  }
0x52: {  	s0 =	sadd.s32 @p0 s2, s0;
	s1 =	simm.s32 @p0 $0x2880;
	s9 =	simm.s32 @!p0 $0x1  }
0x53: {  	[tilespmem:s1], [sflag:$0x6] =	stream.linear.gather @p0 [hbm4b:s0+s7], $0x80, $0x38;
	[tilespmem:$0x1EA00] =	vst v63  }
0x54: {  	_ =	swait.ge @!p0 [sflag:s9], $0x4000  }
0x55: {  	[sflag:s9] =	ssyncset.done @!p0 $0x0  }
0x56: {  	s0 =	simm.s32 @!p0 $0x7;
	[sflag:s9] =	ssyncadd.s32 @!p0 $0xFFFFC000  }
0x57: {  	_ =	swait.ge @!p0 [sflag:s0], $0x80  }
0x58: {  	s1 =	simm.s32 @!p0 $0x2A00;
	s7 =	simm.s32 @!p0 $0x3;
	[sflag:s0] =	ssyncset.done @!p0 $0x0  }
0x59: {  	s9 =	simm.s32 @!p0 $0x2900;
	[sflag:s0] =	ssyncadd.s32 @!p0 $0xFFFFFF80;
	s0 =	simm.s32 @!p0 $0x80  }
0x5a: {  	[spmem:s3] =	stream.indirect.scatter.add.f32 @!p0 [tilespmem:s1], [sflag:$0x3], $0x80, s9, s0, $0xb8;
	[tilespmem:$0x1EA00] =	vst v63  }
0x5b: {  	_ =	swait.ge @!p0 [sflag:s7], $0x4000  }
0x5c: {  	[sflag:s7] =	ssyncset.done @!p0 $0x0  }
0x5d: {  	p1 =	por $0x0, $0x0;
	s31 =	simm.s32 $0x400;
	[sflag:s7] =	ssyncadd.s32 @!p0 $0xFFFFC000  }
0x5e: {  	s12 =	simm.s32 $0x380;
	s11 =	simm.s32 $0x300;
	_ =	swait.ge [sflag:s25], $0x4000  }
0x5f: {  	s10 =	simm.s32 $0x200;
	s1 =	simm.s32 $0x480;
	[sflag:s25] =	ssyncset.done $0x0  }
0x60: {  	s0 =	simm.s32 $0x680;
	p0 =	por p1, p1;
	[sflag:s25] =	ssyncadd.s32 $0xFFFFC000  }
0x61: {  	s9 =	simm.s32 $0x280;
	s13 =	simm.s32 @!p0 $0x4;
	_ =	swait.ge [sflag:s29], $0x80  }
.LBB2_2:
0x62: {  	[sflag:s29] =	ssyncset.done $0x0  }
0x63: {  	s10 =	sand.u32 $0x3C00, s10;
	[sflag:s29] =	ssyncadd.s32 $0xFFFFFF80  }
0x64: {  	[spmem:s3] =	stream.indirect.scatter.add.f32 [tilespmem:s20], [sflag:$0x4], $0x80, s24, s16, $0xb8;
	[tilespmem:$0x1EA00] =	vst v63  }
0x65: {  	s11 =	sand.u32 $0x300, s11;
	s10 =	sadd.s32 s6, s10;
	_ =	swait.ge @!p0 [sflag:s13], $0x4000  }
0x66: {  	s11 =	sor.u32 s10, s11;
	[sflag:s13] =	ssyncset.done @!p0 $0x0  }
0x67: {  	s11 =	sshrl.u32 s11, $0x3;
	[sflag:s13] =	ssyncadd.s32 @!p0 $0xFFFFC000  }
0x68: {  	[tilespmem:s20], [sflag:$0x2] =	stream.indirect.gather [hbm4b:s5+s16], $0x80, s9, s16, $0xb8;
	[tilespmem:$0x1EA00] =	vst v63  }
0x69: {  	s8 =	rddreg [dreg:$0x5];
	s13 =	sadd.s32 s2, s11  }
0x6a: {  	[tilespmem:s8], [sflag:$0x7] =	stream.linear.gather [hbm4b:s13+s4], $0x80, $0x38;
	[tilespmem:$0x1EA00] =	vst v63  }
0x6b: {  	_ =	swait.ge [sflag:s21], $0x4000  }
0x6c: {  	[sflag:s21] =	ssyncset.done $0x0  }
0x6d: {  	[sflag:s21] =	ssyncadd.s32 $0xFFFFC000  }
0x6e: {  	_ =	swait.ge [sflag:s22], $0x80  }
0x6f: {  	[sflag:s22] =	ssyncset.done $0x0  }
0x70: {  	[sflag:s22] =	ssyncadd.s32 $0xFFFFFF80  }
0x71: {  	[spmem:s3] =	stream.indirect.scatter.add.f32 [tilespmem:s17], [sflag:$0x3], $0x80, s18, s16, $0xb8;
	[tilespmem:$0x1EA00] =	vst v63  }
0x72: {  	s12 =	sand.u32 $0x380, s12;
	_ =	swait.ge [sflag:s23], $0x4000  }
0x73: {  	s10 =	sor.u32 s10, s12;
	[sflag:s23] =	ssyncset.done $0x0  }
0x74: {  	s10 =	sshrl.u32 s10, $0x3;
	s11 =	sadd.s32 $0xFFFFFF00, s31;
	[sflag:s23] =	ssyncadd.s32 $0xFFFFC000  }
0x75: {  	[tilespmem:s17], [sflag:$0x1] =	stream.indirect.gather [hbm4b:s5+s16], $0x80, s11, s16, $0xb8;
	[tilespmem:$0x1EA00] =	vst v63  }
0x76: {  	s12 =	sadd.s32 s2, s10  }
0x77: {  	[tilespmem:s24], [sflag:$0x8] =	stream.linear.gather [hbm4b:s12+s4], $0x80, $0x38;
	[tilespmem:$0x1EA00] =	vst v63  }
0x78: {  	_ =	swait.ge [sflag:s25], $0x4000  }
0x79: {  	p2 =	seq.s32 s0, $0x280;
	[sflag:s25] =	ssyncset.done $0x0  }
0x7a: {  	p0 =	por p2, p2;
	p2 =	sne.s32 s1, $0x2880;
	[sflag:s25] =	ssyncadd.s32 $0xFFFFC000  }
0x7b: {  	s9 =	sadd.s32 @p2 $0xFFFFFF80, s1;
	s10 =	sand.u32 @p2 $0x7C00, s1;
	_ =	swait.ge [sflag:s26], $0x80  }
0x7c: {  	s1 =	sand.u32 @p2 $0x280, s1;
	s10 =	sadd.s32 @p2 s6, s10;
	[sflag:s26] =	ssyncset.done $0x0  }
0x7d: {  	s13 =	sadd.s32 $0xFFFFFF80, s31;
	s11 =	sand.u32 @p2 $0x7C00, s9;
	[sflag:s26] =	ssyncadd.s32 $0xFFFFFF80  }
0x7e: {  	[spmem:s3] =	stream.indirect.scatter.add.f32 [tilespmem:s20], [sflag:$0x4], $0x80, s19, s16, $0xb8;
	[tilespmem:$0x1EA00] =	vst v63  }
0x7f: {  	s9 =	sand.u32 @p2 $0x200, s9;
	s11 =	sadd.s32 @p2 s6, s11;
	_ =	swait.ge [sflag:s28], $0x4000  }
0x80: {  	s1 =	sor.u32 @p2 s1, s10;
	s9 =	sor.u32 @p2 s9, s11;
	[sflag:s28] =	ssyncset.done $0x0  }
0x81: {  	s10 =	simm.s32 @p2 $0x0;
	s8 =	sshrl.u32 @p2 s9, $0x3;
	[sflag:s28] =	ssyncadd.s32 $0xFFFFC000  }
0x82: {  	[tilespmem:s20], [sflag:$0x2] =	stream.indirect.gather [hbm4b:s5+s16], $0x80, s13, s16, $0xb8;
	[tilespmem:$0x1EA00] =	vst v63  }
0x83: {  	s11 =	simm.s32 @p2 $0x2800;
	s9 =	simm.s32 @p2 $0x1;
	s8 =	sadd.s32 @p2 s2, s8  }
0x84: {  	[tilespmem:s11], [sflag:$0x5] =	stream.linear.gather @p2 [hbm4b:s8+s10], $0x80, $0x38;
	[tilespmem:$0x1EA00] =	vst v63  }
0x85: {  	_ =	swait.ge @p2 [sflag:s9], $0x4000  }
0x86: {  	s7 =	smov.u32 s0;
	s8 =	sshrl.u32 @p2 s1, $0x3;
	[sflag:s9] =	ssyncset.done @p2 $0x0  }
0x87: {  	s1 =	smov.u32 s7;
	s7 =	simm.s32 @p2 $0x7;
	[sflag:s9] =	ssyncadd.s32 @p2 $0xFFFFC000  }
0x88: {  	_ =	swait.ge @p2 [sflag:s7], $0x80  }
0x89: {  	s12 =	simm.s32 @p2 $0x2900;
	s11 =	simm.s32 @p2 $0x3;
	[sflag:s7] =	ssyncset.done @p2 $0x0  }
0x8a: {  	s9 =	simm.s32 @p2 $0x2A00;
	[sflag:s7] =	ssyncadd.s32 @p2 $0xFFFFFF80;
	s7 =	simm.s32 @p2 $0x80  }
0x8b: {  	[spmem:s3] =	stream.indirect.scatter.add.f32 @p2 [tilespmem:s9], [sflag:$0x3], $0x80, s12, s7, $0xb8;
	[tilespmem:$0x1EA00] =	vst v63  }
0x8c: {  	_ =	swait.ge @p2 [sflag:s11], $0x4000  }
0x8d: {  	[sflag:s11] =	ssyncset.done @p2 $0x0  }
0x8e: {  	[sflag:s11] =	ssyncadd.s32 @p2 $0xFFFFC000  }
0x8f: {  	[tilespmem:s9], [sflag:$0x1] =	stream.indirect.gather @p2 [hbm4b:s5+s7], $0x80, s31, s7, $0xb8;
	[tilespmem:$0x1EA00] =	vst v63  }
0x90: {  	s7 =	sadd.s32 @p2 s2, s8;
	s8 =	simm.s32 @p2 $0x2880;
	s9 =	simm.s32 @!p2 $0x1  }
0x91: {  	[tilespmem:s8], [sflag:$0x6] =	stream.linear.gather @p2 [hbm4b:s7+s10], $0x80, $0x38;
	[tilespmem:$0x1EA00] =	vst v63  }
0x92: {  	_ =	swait.ge @!p2 [sflag:s9], $0x4000  }
0x93: {  	[sflag:s9] =	ssyncset.done @!p2 $0x0  }
0x94: {  	s7 =	simm.s32 @!p2 $0x7;
	[sflag:s9] =	ssyncadd.s32 @!p2 $0xFFFFC000  }
0x95: {  	_ =	swait.ge @!p2 [sflag:s7], $0x80  }
0x96: {  	s8 =	simm.s32 @!p2 $0x2A00;
	s10 =	simm.s32 @!p2 $0x2900;
	[sflag:s7] =	ssyncset.done @!p2 $0x0  }
0x97: {  	s9 =	simm.s32 @!p2 $0x3;
	[sflag:s7] =	ssyncadd.s32 @!p2 $0xFFFFFF80;
	s7 =	simm.s32 @!p2 $0x80  }
0x98: {  	[spmem:s3] =	stream.indirect.scatter.add.f32 @!p2 [tilespmem:s8], [sflag:$0x3], $0x80, s10, s7, $0xb8;
	[tilespmem:$0x1EA00] =	vst v63  }
0x99: {  	s0 =	sadd.s32 $0x200, s0;
	_ =	swait.ge @!p2 [sflag:s9], $0x4000  }
0x9a: {  	p1 =	sne.s32 s0, $0x2A80;
	[sflag:s9] =	ssyncset.done @!p2 $0x0  }
.Ltmp0:
0x9b: {  	[sflag:s9] =	ssyncadd.s32 @!p2 $0xFFFFC000;
	(pc) =	sbr.rel @p1 .LBB2_2-.Ltmp0, $4  }
0x9c: {  	_ =	swait.ge [sflag:s25], $0x4000  }
0x9d: {  	s13 =	simm.s32 @!p0 $0x4;
	s12 =	sadd.s32 $0xFFFFFF00, s1;
	[sflag:s25] =	ssyncset.done $0x0  }
0x9e: {  	s11 =	sadd.s32 $0xFFFFFE80, s1;
	s31 =	sadd.s32 $0x200, s31;
	[sflag:s25] =	ssyncadd.s32 $0xFFFFC000  }
0x9f: {  	s10 =	sadd.s32 $0xFFFFFD80, s1;
	s9 =	sadd.s32 $0xFFFFFE80, s31;
	_ =	swait.ge [sflag:s29], $0x80  }
0xa0: {  	[sflag:s29] =	ssyncset.done $0x0  }
0xa1: {  	s0 =	sand.u32 $0x3C00, s10;
	[sflag:s29] =	ssyncadd.s32 $0xFFFFFF80  }
0xa2: {  	[spmem:s3] =	stream.indirect.scatter.add.f32 [tilespmem:s20], [sflag:$0x4], $0x80, s24, s16, $0xb8;
	[tilespmem:$0x1EA00] =	vst v63  }
0xa3: {  	s7 =	sand.u32 $0x300, s11;
	s0 =	sadd.s32 s6, s0;
	_ =	swait.ge @!p0 [sflag:s13], $0x4000  }
0xa4: {  	s7 =	sor.u32 s0, s7;
	[sflag:s13] =	ssyncset.done @!p0 $0x0  }
0xa5: {  	s7 =	sshrl.u32 s7, $0x3;
	[sflag:s13] =	ssyncadd.s32 @!p0 $0xFFFFC000  }
0xa6: {  	[tilespmem:s20], [sflag:$0x2] =	stream.indirect.gather [hbm4b:s5+s16], $0x80, s9, s16, $0xb8;
	[tilespmem:$0x1EA00] =	vst v63  }
0xa7: {  	s8 =	rddreg [dreg:$0x5];
	s7 =	sadd.s32 s2, s7  }
0xa8: {  	[tilespmem:s8], [sflag:$0x7] =	stream.linear.gather [hbm4b:s7+s4], $0x80, $0x38;
	[tilespmem:$0x1EA00] =	vst v63  }
0xa9: {  	_ =	swait.ge [sflag:s21], $0x4000  }
0xaa: {  	[sflag:s21] =	ssyncset.done $0x0  }
0xab: {  	[sflag:s21] =	ssyncadd.s32 $0xFFFFC000  }
0xac: {  	_ =	swait.ge [sflag:s22], $0x80  }
0xad: {  	[sflag:s22] =	ssyncset.done $0x0  }
0xae: {  	[sflag:s22] =	ssyncadd.s32 $0xFFFFFF80  }
0xaf: {  	[spmem:s3] =	stream.indirect.scatter.add.f32 [tilespmem:s17], [sflag:$0x3], $0x80, s18, s16, $0xb8;
	[tilespmem:$0x1EA00] =	vst v63  }
0xb0: {  	s10 =	sand.u32 $0x380, s12;
	_ =	swait.ge [sflag:s23], $0x4000  }
0xb1: {  	s0 =	sor.u32 s0, s10;
	[sflag:s23] =	ssyncset.done $0x0  }
0xb2: {  	s11 =	sadd.s32 $0xFFFFFF00, s31;
	s0 =	sshrl.u32 s0, $0x3;
	[sflag:s23] =	ssyncadd.s32 $0xFFFFC000  }
0xb3: {  	[tilespmem:s17], [sflag:$0x1] =	stream.indirect.gather [hbm4b:s5+s16], $0x80, s11, s16, $0xb8;
	[tilespmem:$0x1EA00] =	vst v63  }
0xb4: {  	s0 =	sadd.s32 s2, s0  }
0xb5: {  	[tilespmem:s24], [sflag:$0x8] =	stream.linear.gather [hbm4b:s0+s4], $0x80, $0x38;
	[tilespmem:$0x1EA00] =	vst v63  }
0xb6: {  	_ =	swait.ge [sflag:s25], $0x4000  }
0xb7: {  	[sflag:s25] =	ssyncset.done $0x0  }
0xb8: {  	[sflag:s25] =	ssyncadd.s32 $0xFFFFC000  }
0xb9: {  	p0 =	sne.s32 s1, $0x2880;
	_ =	swait.ge [sflag:s26], $0x80  }
0xba: {  	s0 =	sadd.s32 @p0 $0xFFFFFF80, s1;
	[sflag:s26] =	ssyncset.done $0x0  }
0xbb: {  	s7 =	sand.u32 @p0 $0x7C00, s0;
	[sflag:s26] =	ssyncadd.s32 $0xFFFFFF80  }
0xbc: {  	[spmem:s3] =	stream.indirect.scatter.add.f32 [tilespmem:s20], [sflag:$0x4], $0x80, s19, s16, $0xb8;
	[tilespmem:$0x1EA00] =	vst v63  }
0xbd: {  	s0 =	sand.u32 @p0 $0x200, s0;
	s7 =	sadd.s32 @p0 s6, s7;
	_ =	swait.ge [sflag:s28], $0x4000  }
0xbe: {  	s12 =	sadd.s32 $0xFFFFFF80, s31;
	s0 =	sor.u32 @p0 s0, s7;
	[sflag:s28] =	ssyncset.done $0x0  }
0xbf: {  	s9 =	simm.s32 @p0 $0x2800;
	s0 =	sshrl.u32 @p0 s0, $0x3;
	[sflag:s28] =	ssyncadd.s32 $0xFFFFC000  }
0xc0: {  	[tilespmem:s20], [sflag:$0x2] =	stream.indirect.gather [hbm4b:s5+s16], $0x80, s12, s16, $0xb8;
	[tilespmem:$0x1EA00] =	vst v63  }
0xc1: {  	s8 =	simm.s32 @p0 $0x0;
	s7 =	simm.s32 @p0 $0x1;
	s0 =	sadd.s32 @p0 s2, s0  }
0xc2: {  	[tilespmem:s9], [sflag:$0x5] =	stream.linear.gather @p0 [hbm4b:s0+s8], $0x80, $0x38;
	[tilespmem:$0x1EA00] =	vst v63  }
0xc3: {  	_ =	swait.ge @p0 [sflag:s7], $0x4000  }
0xc4: {  	[sflag:s7] =	ssyncset.done @p0 $0x0  }
0xc5: {  	s0 =	simm.s32 @p0 $0x7;
	[sflag:s7] =	ssyncadd.s32 @p0 $0xFFFFC000  }
0xc6: {  	_ =	swait.ge @p0 [sflag:s0], $0x80  }
0xc7: {  	s9 =	simm.s32 @p0 $0x2900;
	[sflag:s0] =	ssyncset.done @p0 $0x0  }
0xc8: {  	s7 =	simm.s32 @p0 $0x2A00;
	[sflag:s0] =	ssyncadd.s32 @p0 $0xFFFFFF80;
	s0 =	simm.s32 @p0 $0x80  }
0xc9: {  	[spmem:s3] =	stream.indirect.scatter.add.f32 @p0 [tilespmem:s7], [sflag:$0x3], $0x80, s9, s0, $0xb8;
	[tilespmem:$0x1EA00] =	vst v63  }
0xca: {  	s9 =	simm.s32 @p0 $0x3  }
0xcb: {  	_ =	swait.ge @p0 [sflag:s9], $0x4000  }
0xcc: {  	[sflag:s9] =	ssyncset.done @p0 $0x0  }
0xcd: {  	[sflag:s9] =	ssyncadd.s32 @p0 $0xFFFFC000  }
0xce: {  	[tilespmem:s7], [sflag:$0x1] =	stream.indirect.gather @p0 [hbm4b:s5+s0], $0x80, s31, s0, $0xb8;
	[tilespmem:$0x1EA00] =	vst v63  }
0xcf: {  	s0 =	sand.u32 @p0 $0x7C00, s1  }
0xd0: {  	s1 =	sand.u32 @p0 $0x280, s1;
	s0 =	sadd.s32 @p0 s6, s0  }
0xd1: {  	s0 =	sor.u32 @p0 s1, s0  }
0xd2: {  	s0 =	sshrl.u32 @p0 s0, $0x3  }
0xd3: {  	s1 =	simm.s32 @p0 $0x2880;
	s0 =	sadd.s32 @p0 s2, s0  }
0xd4: {  	[tilespmem:s1], [sflag:$0x6] =	stream.linear.gather @p0 [hbm4b:s0+s8], $0x80, $0x38;
	[tilespmem:$0x1EA00] =	vst v63  }
0xd5: {  	s0 =	simm.s32 @!p0 $0x1  }
0xd6: {  	_ =	swait.ge @!p0 [sflag:s0], $0x4000  }
0xd7: {  	[sflag:s0] =	ssyncset.done @!p0 $0x0  }
0xd8: {  	[sflag:s0] =	ssyncadd.s32 @!p0 $0xFFFFC000;
	s0 =	simm.s32 @!p0 $0x7  }
0xd9: {  	_ =	swait.ge @!p0 [sflag:s0], $0x80  }
0xda: {  	s7 =	simm.s32 @!p0 $0x2900;
	[sflag:s0] =	ssyncset.done @!p0 $0x0  }
0xdb: {  	s1 =	simm.s32 @!p0 $0x2A00;
	[sflag:s0] =	ssyncadd.s32 @!p0 $0xFFFFFF80;
	s0 =	simm.s32 @!p0 $0x80  }
0xdc: {  	[spmem:s3] =	stream.indirect.scatter.add.f32 @!p0 [tilespmem:s1], [sflag:$0x3], $0x80, s7, s0, $0xb8;
	[tilespmem:$0x1EA00] =	vst v63  }
0xdd: {  	s0 =	simm.s32 @!p0 $0x3  }
0xde: {  	_ =	swait.ge @!p0 [sflag:s0], $0x4000  }
0xdf: {  	[sflag:s0] =	ssyncset.done @!p0 $0x0  }
0xe0: {  	[sflag:s0] =	ssyncadd.s32 @!p0 $0xFFFFC000  }
0xe1: {  	_ =	swait.ge [sflag:s25], $0x4000  }
0xe2: {  	[sflag:s25] =	ssyncset.done $0x0  }
0xe3: {  	[sflag:s25] =	ssyncadd.s32 $0xFFFFC000  }
0xe4: {  	_ =	swait.ge [sflag:s29], $0x80  }
0xe5: {  	[sflag:s29] =	ssyncset.done $0x0  }
0xe6: {  	[sflag:s29] =	ssyncadd.s32 $0xFFFFFF80  }
0xe7: {  	[spmem:s3] =	stream.indirect.scatter.add.f32 [tilespmem:s20], [sflag:$0x4], $0x80, s24, s16, $0xb8;
	[tilespmem:$0x1EA00] =	vst v63  }
0xe8: {  	_ =	swait.ge [sflag:s28], $0x4000  }
0xe9: {  	[sflag:s28] =	ssyncset.done $0x0  }
0xea: {  	[sflag:s28] =	ssyncadd.s32 $0xFFFFC000  }
0xeb: {  	[bflag:$0x0] =	sbarrier.arrive $0xFFFF  }
0xec: {  	s13 =	rddreg [dreg:$0xa]  }
0xed: {  	s1 =	rddreg [dreg:$0xc]  }
0xee: {  	[hbm:s13], [sflag:s14] =	dma.local [spmem:s1], $0x2800  }
0xef: {  	_ =	swait.ge [sflag:s15], $0x2800  }
0xf0: {  	s30 =	sadd.s32 $0x1, s30;
	s31 =	rddreg [dreg:$0xb]  }
0xf1: {  	p0 =	sne.s32 s30, s31  }
.Ltmp1:
0xf2: {  	_ = 	snop;
	(pc) =	sbr.rel @p0 .LBB2_1-.Ltmp1, $3  }
0xf3: {  	_ =	sdelay $0x1  }
0xf4: {  	[sflag:s15] =	ssyncset.done $0x0  }
0xf5: {  	s8 =	smov.u32 s14;
	[sflag:s15] =	ssyncadd.s32 $0xFFFFD800  }
0xf6: {  	_ =	sfence.sel $0x180000  }
0xf7: {  	[bflag:$0x0] =	sbarrier.arrive $0xFFFF  }
0xf8: {  	_ =	strace $0x9000004D  }
0xf9: {  	s0 =	stileid.u32;
	[bflag:$0x2] =	sbarrier.arrive $0xFFFF  }
0xfa: {  	p0 =	sne.s32 s0, $0x0;
	s0 =	rddreg [dreg:$0x4]  }
0xfb: {  	s0 =	sadd.s32 @!p0 $0x100000, s0  }
0xfc: {  	[sflag:s0] =	ssyncadd.tile.s32 @!p0 $0x1;
	_ =	shalt  }
.Lfunc_end2:
_tile_overlayer_lowered:
.L_overlay_start_2:
0xfd: {  	(tag) =	ssettag $0x2  }
0xfe: {  	s0 =	rddreg [dreg:$0x0];
	s2 =	stileid.u32  }
0xff: {  	s1 =	rddreg [dreg:$0x1];
	p0 =	sne.s32 s2, $0x0  }
0x100: {  	s3 =	rddreg [dreg:$0x2];
	[bflag:$0x3] =	sbarrier.arrive $0xFFFF;
	s2 =	simm.s32 @!p0 $0x1C09  }
0x101: {  	[timem:s3], [sflag:s2] =	dma.local @!p0 [hbm:s0], s1  }
0x102: {  	s0 =	simm.s32 @!p0 $0x9  }
0x103: {  	_ =	swait.ge @!p0 [sflag:s0], s1  }
0x104: {  	s1 =	ssub.s32 @!p0 $0x0, s1;
	[sflag:s0] =	ssyncset.done @!p0 $0x0  }
0x105: {  	[sflag:s0] =	ssyncadd.s32 @!p0 s1  }
0x106: {  	[bflag:$0x3] =	sbarrier.arrive $0xFFFF  }
0x107: {  	_ =	shalt  }

// kernel: kernel.19.cloned.1.call-start
scs
__scs_entry_jumppad:
0x0: {  	(pc) =	sbr.rel $0x88, $3  }
0x1: {  	(tag) =	ssettag $0x0;
	lr =	simm.s32 $0x1  }
0x2: {  	[smem:$0x3F91] =	sst lr;
	_ =	strace $0xD0000000  }
0x3: {  	_ = 	snop  }
0x4: {  	_ = 	snop  }
0x5: {  	_ = 	snop  }
0x6: {  	_ = 	snop  }
0x7: {  	_ = 	snop  }
__scs_overlays_trampoline_lowered:
0x8: {  	[smem:$0x3FA0] =	sst s0  }
0x9: {  	[smem:$0x3FA1] =	sst s1  }
0xa: {  	[smem:$0x3FA2] =	sst s2  }
0xb: {  	[smem:$0x3FA3] =	sst s3  }
0xc: {  	[smem:$0x3FA4] =	sst s4  }
0xd: {  	[smem:$0x3FA5] =	sst s5  }
0xe: {  	[smem:$0x3FA6] =	sst s6  }
0xf: {  	[smem:$0x3FA7] =	sst s7  }
0x10: {  	[smem:$0x3FA8] =	sst s8  }
0x11: {  	[smem:$0x3FA9] =	sst s9;
	s0 =	simm.s32 @!p0 $0x0  }
0x12: {  	s1 =	sld [smem:$0x3F8F];
	s0 =	simm.s32 @p0 $0x1  }
0x13: {  	[smem:$0x3FAA] =	sst s0;
	s0 =	simm.s32 @!p1 $0x0  }
0x14: {  	s2 =	sld [smem:$0x3F8E];
	s0 =	simm.s32 @p1 $0x1  }
0x15: {  	[smem:$0x3FAB] =	sst s0;
	s0 =	simm.s32 @!p2 $0x0  }
0x16: {  	s3 =	sld [smem:$0x3FDB];
	s0 =	simm.s32 @p2 $0x1  }
0x17: {  	s4 =	simm.s32 $0x1BF5;
	[smem:$0x3FAD] =	sst s0  }
0x18: {  	s0 =	sld [smem:$0x3F90];
	_ =	swait.ge [sflag:s4], $0x0  }
0x19: {  	s7 =	sld [smem:$0x3F91]  }
0x1a: {  	s8 =	sadd.s32 $0xFFFFE003, lr  }
0x1b: {  	s9 =	sadd.s32 $0xFFFFFEF7, lr;
	s5 =	simm.s32 $0xFFFFFFFF;
	p2 =	slt.u32 s8, $0xFFFFF086  }
0x1c: {  	p1 =	slt.u32 s9, $0xF7A;
	s5 =	simm.s32 @!p2 $0x0  }
0x1d: {  	s5 =	simm.s32 @p1 $0x1;
	p0 =	seq.s32 s7, s2  }
0x1e: {  	s7 =	smul.u32 @!p0 $0xF7A, s2;
	p2 =	seq.s32 @!p0 s5, $0x0  }
0x1f: {  	s9 =	smul.u32 $0xF7A, s1;
	s8 =	simm.s32 @!p0 $0x1BF5;
	p2 =	por !p2, p0  }
0x20: {  	[sflag:s8] =	ssyncset.s32 @!p0 $0xFFFFF086;
	s6 =	sadd.s32 @!p0 s3, s7;
	s7 =	simm.s32 @!p0 $0x108  }
0x21: {  	s3 =	sadd.s32 s3, s9;
	s6 =	sadd.s32 @!p0 $0x88, s6;
	s7 =	simm.s32 @p2 $0x1082  }
0x22: {  	[simem:s7], [sflag:s8] =	dma.local @!p0 [hbm:s6], $0xF7A  }
0x23: {  	s9 =	sor.u32 $0xD0000000, s2;
	s6 =	simm.s32 $0x108;
	_ =	swait.ge @!p0 [sflag:s8], $0x0  }
0x24: {  	s3 =	sadd.s32 $0x88, s3;
	s6 =	simm.s32 @!p1 $0x1082;
	[sflag:s4] =	ssyncset.s32 $0xFFFFF086  }
0x25: {  	[simem:s6], [sflag:s4] =	dma.local [hbm:s3], $0xF7A  }
0x26: {  	[smem:$0x3F91] =	sst s1;
	(tag) =	ssettag s2;
	_ =	strace s9  }
0x27: {  	s1 =	sld [smem:$0x3FA1]  }
0x28: {  	s2 =	sld [smem:$0x3FA2]  }
0x29: {  	s4 =	sld [smem:$0x3FA4]  }
0x2a: {  	p0 =	seq.s32 s5, $0x0;
	s5 =	sld [smem:$0x3FA5]  }
0x2b: {  	s6 =	sld [smem:$0x3FA6]  }
0x2c: {  	s7 =	sld [smem:$0x3FA7]  }
0x2d: {  	s3 =	simm.s32 $0x108;
	s8 =	sld [smem:$0x3FA8]  }
0x2e: {  	s3 =	simm.s32 @!p0 $0x1082;
	s9 =	sld [smem:$0x3FA9]  }
0x2f: {  	lr =	sadd.s32 s0, s3;
	s0 =	sld [smem:$0x3FA0]  }
0x30: {  	s3 =	sld [smem:$0x3FA3]  }
0x31: {  	[smem:$0x3FAC] =	sst s10  }
0x32: {  	s10 =	sld [smem:$0x3FAA];
	_ =	sdelay $0x3  }
0x33: {  	p0 =	seq.s32 s10, $0x1;
	s10 =	sld [smem:$0x3FAC];
	_ =	sdelay $0x3  }
0x34: {  	[smem:$0x3FAC] =	sst s10  }
0x35: {  	s10 =	sld [smem:$0x3FAB];
	_ =	sdelay $0x3  }
0x36: {  	p1 =	seq.s32 s10, $0x1;
	s10 =	sld [smem:$0x3FAC];
	_ =	sdelay $0x3  }
0x37: {  	[smem:$0x3FAC] =	sst s10  }
0x38: {  	s10 =	sld [smem:$0x3FAD]  }
0x39: {  	_ = 	snop;
	(pc) =	sbr.ind lr, $3  }
0x3a: {  	_ = 	snop  }
0x3b: {  	_ = 	snop  }
0x3c: {  	p2 =	seq.s32 s10, $0x1;
	s10 =	sld [smem:$0x3FAC]  }
0x3d: {  	_ =	shalt  }
0x3e: {  	_ =	shalt  }
0x3f: {  	_ =	shalt  }
0x40: {  	_ =	shalt  }
0x41: {  	_ =	shalt  }
0x42: {  	_ =	shalt  }
0x43: {  	_ =	shalt  }
0x44: {  	_ =	shalt  }
0x45: {  	_ =	shalt  }
0x46: {  	_ =	shalt  }
0x47: {  	_ =	shalt  }
0x48: {  	_ =	shalt  }
0x49: {  	_ =	shalt  }
0x4a: {  	_ =	shalt  }
0x4b: {  	_ =	shalt  }
0x4c: {  	_ =	shalt  }
0x4d: {  	_ =	shalt  }
0x4e: {  	_ =	shalt  }
0x4f: {  	_ =	shalt  }
0x50: {  	_ =	shalt  }
0x51: {  	_ =	shalt  }
0x52: {  	_ =	shalt  }
0x53: {  	_ =	shalt  }
0x54: {  	_ =	shalt  }
0x55: {  	_ =	shalt  }
0x56: {  	_ =	shalt  }
0x57: {  	_ =	shalt  }
0x58: {  	_ =	shalt  }
0x59: {  	_ =	shalt  }
0x5a: {  	_ =	shalt  }
0x5b: {  	_ =	shalt  }
0x5c: {  	_ =	shalt  }
0x5d: {  	_ =	shalt  }
0x5e: {  	_ =	shalt  }
0x5f: {  	_ =	shalt  }
0x60: {  	_ =	shalt  }
0x61: {  	_ =	shalt  }
0x62: {  	_ =	shalt  }
0x63: {  	_ =	shalt  }
0x64: {  	_ =	shalt  }
0x65: {  	_ =	shalt  }
0x66: {  	_ =	shalt  }
0x67: {  	_ =	shalt  }
0x68: {  	_ =	shalt  }
0x69: {  	_ =	shalt  }
0x6a: {  	_ =	shalt  }
0x6b: {  	_ =	shalt  }
0x6c: {  	_ =	shalt  }
0x6d: {  	_ =	shalt  }
0x6e: {  	_ =	shalt  }
0x6f: {  	_ =	shalt  }
0x70: {  	_ =	shalt  }
0x71: {  	_ =	shalt  }
0x72: {  	_ =	shalt  }
0x73: {  	_ =	shalt  }
0x74: {  	_ =	shalt  }
0x75: {  	_ =	shalt  }
0x76: {  	_ =	shalt  }
0x77: {  	_ =	shalt  }
0x78: {  	_ =	shalt  }
0x79: {  	_ =	shalt  }
0x7a: {  	_ =	shalt  }
0x7b: {  	_ =	shalt  }
0x7c: {  	_ =	shalt  }
0x7d: {  	_ =	shalt  }
0x7e: {  	_ =	shalt  }
0x7f: {  	_ =	shalt  }
0x80: {  	_ =	shalt  }
0x81: {  	_ =	shalt  }
0x82: {  	_ =	shalt  }
0x83: {  	_ =	shalt  }
0x84: {  	_ =	shalt  }
0x85: {  	_ =	shalt  }
0x86: {  	_ =	shalt  }
0x87: {  	_ =	shalt  }
.Lfunc_end0:
.L_simem_size_0:
called_computation.3_lowered:
.L_overlay_start_0:
0x88: {  	s2 =	sld [smem:$0x3FD9]  }
0x89: {  	s3 =	sld [smem:$0x3FFE];
	_ =	sdelay $0x1  }
0x8a: {  	s1 =	srdreg.scid  }
0x8b: {  	s0 =	sand.u32 $0x1, s1  }
0x8c: {  	s14 =	sshll.u32 s0, $0xA;
	s2 =	sadd.s32 s3, s2  }
0x8d: {  	s2 =	sadd.s32 s2, s14  }
0x8e: {  	[smem:$0x3FB8] =	sst s2  }
0x8f: {  	_ = 	snop  }
0x90: {  	s2 =	sld [smem:$0x3FD0];
	_ =	sdelay $0x2  }
0x91: {  	s15 =	simm.s32 $0xA;
	s4 =	simm.s32 $0x10  }
0x92: {  	[smem:s4], [sflag:s15] =	dma.local [hbm:s2], $0x1  }
0x93: {  	_ =	swait.eq [sflag:s15], $0x1  }
0x94: {  	[sflag:s15] =	ssyncset.done $0x0  }
0x95: {  	s16 =	sld [smem:$0x10];
	[sflag:s15] =	ssyncadd.s32 $0xFFFFFFFF  }
0x96: {  	s17 =	sld [smem:$0x11];
	(tm) =	ssettm $0x1  }
0x97: {  	s18 =	sld [smem:$0x3FFB];
	_ =	sdelay $0x3  }
0x98: {  	_ =	strace s18  }
0x99: {  	s4 =	sld [smem:$0x3FFC];
	_ =	sdelay $0x3  }
0x9a: {  	_ =	strace s4  }
0x9b: {  	s4 =	sld [smem:$0x3FFD];
	_ =	sdelay $0x3  }
0x9c: {  	_ =	strace s4  }
0x9d: {  	_ =	strace $0x8FFFFFFF  }
0x9e: {  	s19 =	sld [smem:$0x3FDB];
	_ =	sdelay $0x1  }
0x9f: {  	s5 =	simm.s32 $_scs_section_size  }
0xa0: {  	s6 =	simm.s32 $_size__tile_overlayer_lowered;
	s7 =	simm.s32 $_tile_overlayer_lowered  }
0xa1: {  	s22 =	simm.s32 $0x1BFF;
	s21 =	sshll.u32 s7, $0x1;
	s4 =	sadd.s32 s5, s19  }
0xa2: {  	s8 =	simm.s32 $0x0;
	s20 =	sshll.u32 s6, $0x1;
	s6 =	sadd.s32 s21, s4  }
0xa3: {  	[timem:s8], [sflag:s22] =	dma.local [hbm:s6], s20  }
0xa4: {  	_ =	swait.ge [sflag:s22], s20  }
0xa5: {  	s5 =	ssub.s32 $0x0, s20;
	[sflag:s22] =	ssyncset.done $0x0  }
0xa6: {  	[sflag:s22] =	ssyncadd.s32 s5;
	_ =	sdelay $0x1  }
0xa7: {  	s23 =	simm.s32 $0x1B8B  }
0xa8: {  	_ =	swait.ge [sflag:s23], $0x1  }
0xa9: {  	[sflag:s23] =	ssyncset.done $0x0  }
0xaa: {  	s25 =	simm.s32 $0x1B8E;
	s24 =	sld [smem:$0x3FFE];
	[sflag:s23] =	ssyncadd.s32 $0xFFFFFFFF  }
0xab: {  	s26 =	simm.s32 $execute0_lowered;
	[smem:$0x3FD2] =	sst s25  }
0xac: {  	s6 =	sshll.u32 s26, $0x1;
	_ =	strace $0x8000004F;
	[dreg:$0x1] =	wrdreg $0xFFFFFFFF  }
0xad: {  	s28 =	simm.s32 $_size_execute0_lowered;
	s4 =	sadd.s32 s4, s6;
	[dreg:$0x0] =	wrdreg $0x0  }
0xae: {  	s6 =	sshll.u32 s28, $0x1;
	[dreg:$0x2] =	wrdreg s4  }
0xaf: {  	[dreg:$0x3] =	wrdreg s6  }
0xb0: {  	[dreg:$0x4] =	wrdreg $0xC0  }
0xb1: {  	_ =	task [dreg:s8], $0x5FFFF  }
0xb2: {  	[dreg:$0x1] =	wrdreg $0xFFFFFFFF  }
0xb3: {  	[dreg:$0x0] =	wrdreg $0x60  }
0xb4: {  	[dreg:$0x2] =	wrdreg s24  }
0xb5: {  	[dreg:$0x3] =	wrdreg s17  }
0xb6: {  	[dreg:$0x4] =	wrdreg s16  }
0xb7: {  	[dreg:$0x5] =	wrdreg $0xAA000  }
0xb8: {  	[dreg:$0x6] =	wrdreg $0x9  }
0xb9: {  	_ =	task.clear_ibuf [dreg:s8], $0x7FFFF;
	_ =	strace $0x9000004F  }
0xba: {  	s29 =	simm.s32 $0x9;
	_ =	strace $0x80000051  }
0xbb: {  	_ =	swait.ge [sflag:s29], $0x1  }
0xbc: {  	[sflag:s29] =	ssyncadd.s32 $0xFFFFFFFF  }
0xbd: {  	_ =	strace $0x90000051  }
0xbe: {  	_ =	sfence  }
0xbf: {  	s30 =	sld [smem:$0x0];
	_ =	sdelay $0x2  }
0xc0: {  	s31 =	sshll.u32 s1, $0xD;
	s1 =	sshrl.u32 s1, $0x2  }
0xc1: {  	s3 =	sand.u32 $0x4000, s31;
	s1 =	sadd.s32 s1, s30  }
0xc2: {  	s0 =	sor.u32 s3, s0;
	s1 =	sshll.u32 s1, $0x11  }
0xc3: {  	s0 =	sor.u32 s1, s0  }
0xc4: {  	s0 =	sadd.s32 $0x8F2B, s0  }
0xc5: {  	[sflag:s0] =	ssyncadd.remote.s32 $0x1  }
0xc6: {  	_ =	sfence.sel $0xFFFF  }
0xc7: {  	[dreg:$0x0] =	wrdreg $0xFFFFFFFF;
	(pc) =	sbr.abs _section_cstart, $3  }
0xc8: {  	[dreg:$0x1] =	wrdreg $0xFFFFFFFF  }
0xc9: {  	_ =	task.clear_ibuf [dreg:s8], $0x2FFFF;
	_ =	strace $0x9FFFFFFF  }
0xca: {  	(tm) =	ssettm $0x7FFFFFFF  }
0xcb: {  	_ =	shalt  }
tec
execute0_lowered:
.L_overlay_start_1:
0x0: {  	(tag) =	ssettag $0x1  }
0x1: {  	s0 =	rddreg [dreg:$0x0]  }
0x2: {  	s1 =	rddreg [dreg:$0x1]  }
0x3: {  	s2 =	rddreg [dreg:$0x2]  }
0x4: {  	s3 =	rddreg [dreg:$0x3]  }
0x5: {  	s12 =	stileid.u32;
	s5 =	srdreg.scid;
	s4 =	simm.s32 $0x0  }
0x6: {  	s15 =	simm.s32 $0x9;
	s16 =	simm.s32 $0x80;
	s17 =	simm.s32 $0x2A00  }
0x7: {  	s18 =	simm.s32 $0x2800;
	s31 =	simm.s32 $0x2900;
	s19 =	simm.s32 $0x2880  }
0x8: {  	s28 =	simm.s32 $0x4;
	s29 =	simm.s32 $0x8;
	s30 =	simm.s32 $0x0  }
0x9: {  	s6 =	smul.u32 $0x14000, s12;
	s7 =	sand.u32 $0x1, s5;
	[smem:$0x7FF] =	sst s4  }
0xa: {  	s5 =	sadd.s32 $0x2C400, s0;
	s20 =	smul.u32 $0x50000, s12;
	s23 =	sshll.u32 s12, $0x6  }
0xb: {  	s9 =	smul.u32 $0x140000, s7;
	_ =	strace $0x80000050;
	s10 =	sshll.u32 s7, $0x4  }
0xc: {  	s7 =	ssub.s32 $0x2, s7;
	[dreg:$0x5] =	wrdreg s31;
	s8 =	sshrl.u32 s6, $0x3  }
0xd: {  	s21 =	sor.u32 s12, s10;
	s22 =	sshrl.u32 s7, $0x1;
	s8 =	sadd.s32 s8, s0  }
0xe: {  	s6 =	sadd.s32 s6, s9;
	s9 =	sshrl.u32 s20, $0x2;
	s7 =	ssub.s32 s7, s22  }
0xf: {  	s20 =	simm.s32 $0x6A00;
	s22 =	simm.s32 $0x5;
	s11 =	sshrl.u32 s6, $0x3  }
0x10: {  	s6 =	smul.u32 $0x2800, s21;
	s9 =	sadd.s32 s9, s3;
	s8 =	sadd.s32 $0x4400, s8  }
0x11: {  	s26 =	smax.u32 s7, $0x1;
	s0 =	sadd.s32 s11, s0;
	[dreg:$0x6] =	wrdreg s8  }
0x12: {  	[dreg:$0xb] =	wrdreg s26;
	s24 =	sshrl.u32 s6, $0x3;
	s0 =	sadd.s32 $0x7C400, s0  }
0x13: {  	s21 =	simm.s32 $0x1;
	s1 =	sadd.s32 s1, s24;
	[dreg:$0xa] =	wrdreg s0  }
0x14: {  	s8 =	sor.u32 $0x1C09, s23;
	s25 =	sadd.s32 s2, s24;
	[dreg:$0x7] =	wrdreg s1  }
0x15: {  	s23 =	simm.s32 $0x3;
	[dreg:$0x8] =	wrdreg s25;
	s1 =	sadd.s32 $0x10, s25  }
0x16: {  	s26 =	simm.s32 $0x6;
	[dreg:$0x9] =	wrdreg s1;
	s1 =	sshrl.u32 s9, $0x3  }
0x17: {  	s24 =	simm.s32 $0x2980;
	s25 =	simm.s32 $0x2;
	[dreg:$0xc] =	wrdreg s1  }
.LBB2_1:
0x18: {  	s0 =	rddreg [dreg:$0x6]  }
0x19: {  	[spmem:s1], [sflag:s8] =	dma.local [hbm:s0], $0x2800  }
0x1a: {  	_ =	swait.ge [sflag:s15], $0x2800  }
0x1b: {  	[sflag:s15] =	ssyncset.done $0x0  }
0x1c: {  	s1 =	rddreg [dreg:$0x7];
	[sflag:s15] =	ssyncadd.s32 $0xFFFFD800  }
0x1d: {  	[tilespmem:s4], [sflag:$0x9] =	stream.linear.gather [hbm4b:s1+s4], $0x2800, $0x38;
	[tilespmem:$0x1EA00] =	vst v63  }
0x1e: {  	_ =	swait.ge [sflag:s15], $0x2800  }
0x1f: {  	[sflag:s15] =	ssyncset.done $0x0  }
0x20: {  	s14 =	smov.u32 s8;
	[sflag:s15] =	ssyncadd.s32 $0xFFFFD800  }
0x21: {  	p0 =	por $0x1, $0x1;
	s9 =	simm.s32 $0x0;
	[bflag:$0x0] =	sbarrier.arrive $0xFFFF  }
0x22: {  	[tilespmem:s17], [sflag:$0x1] =	stream.indirect.gather [hbm4b:s5+s16], $0x80, s4, s16, $0xb8;
	[tilespmem:$0x1EA00] =	vst v63  }
0x23: {  	s10 =	simm.s32 $0x100;
	p0 =	por p0, p0;
	s7 =	rddreg [dreg:$0x8]  }
0x24: {  	[tilespmem:s18], [sflag:$0x5] =	stream.linear.gather [hbm4b:s7+s4], $0x80, $0x38;
	[tilespmem:$0x1EA00] =	vst v63  }
0x25: {  	s0 =	sand.u32 $0x3C00, s9;
	s8 =	rddreg [dreg:$0x9];
	s7 =	simm.s32 @!p0 $0x4  }
0x26: {  	[tilespmem:s19], [sflag:$0x6] =	stream.linear.gather [hbm4b:s8+s4], $0x80, $0x38;
	[tilespmem:$0x1EA00] =	vst v63  }
0x27: {  	s0 =	sadd.s32 s6, s0;
	s1 =	sand.u32 $0x300, s10;
	_ =	swait.ge @!p0 [sflag:s7], $0x4000  }
0x28: {  	s1 =	sor.u32 s0, s1;
	[sflag:s7] =	ssyncset.done @!p0 $0x0  }
0x29: {  	s9 =	simm.s32 $0x80;
	s1 =	sshrl.u32 s1, $0x3;
	[sflag:s7] =	ssyncadd.s32 @!p0 $0xFFFFC000  }
0x2a: {  	[tilespmem:s20], [sflag:$0x2] =	stream.indirect.gather [hbm4b:s5+s16], $0x80, s9, s16, $0xb8;
	[tilespmem:$0x1EA00] =	vst v63  }
0x2b: {  	s1 =	sadd.s32 s2, s1;
	s10 =	rddreg [dreg:$0x5]  }
0x2c: {  	[tilespmem:s10], [sflag:$0x7] =	stream.linear.gather [hbm4b:s1+s4], $0x80, $0x38;
	[tilespmem:$0x1EA00] =	vst v63  }
0x2d: {  	_ =	swait.ge [sflag:s21], $0x4000  }
0x2e: {  	[sflag:s21] =	ssyncset.done $0x0  }
0x2f: {  	[sflag:s21] =	ssyncadd.s32 $0xFFFFC000  }
0x30: {  	_ =	swait.ge [sflag:s22], $0x80  }
0x31: {  	[sflag:s22] =	ssyncset.done $0x0  }
0x32: {  	s11 =	simm.s32 $0x180;
	[sflag:s22] =	ssyncadd.s32 $0xFFFFFF80  }
0x33: {  	[spmem:s3] =	stream.indirect.scatter.add.f32 [tilespmem:s17], [sflag:$0x3], $0x80, s18, s16, $0xb8;
	[tilespmem:$0x1EA00] =	vst v63  }
0x34: {  	s1 =	sand.u32 $0x380, s11;
	_ =	swait.ge [sflag:s23], $0x4000  }
0x35: {  	s0 =	sor.u32 s0, s1;
	[sflag:s23] =	ssyncset.done $0x0  }
0x36: {  	s12 =	simm.s32 $0x100;
	s0 =	sshrl.u32 s0, $0x3;
	[sflag:s23] =	ssyncadd.s32 $0xFFFFC000  }
0x37: {  	[tilespmem:s17], [sflag:$0x1] =	stream.indirect.gather [hbm4b:s5+s16], $0x80, s12, s16, $0xb8;
	[tilespmem:$0x1EA00] =	vst v63  }
0x38: {  	s0 =	sadd.s32 s2, s0  }
0x39: {  	[tilespmem:s24], [sflag:$0x8] =	stream.linear.gather [hbm4b:s0+s4], $0x80, $0x38;
	[tilespmem:$0x1EA00] =	vst v63  }
0x3a: {  	_ =	swait.ge [sflag:s25], $0x4000  }
0x3b: {  	[sflag:s25] =	ssyncset.done $0x0  }
0x3c: {  	[sflag:s25] =	ssyncadd.s32 $0xFFFFC000  }
0x3d: {  	p0 =	por $0x1, $0x1;
	_ =	swait.ge [sflag:s26], $0x80  }
0x3e: {  	s0 =	simm.s32 @p0 $0x200;
	[sflag:s26] =	ssyncset.done $0x0  }
0x3f: {  	s1 =	sand.u32 @p0 $0x7C00, s0;
	[sflag:s26] =	ssyncadd.s32 $0xFFFFFF80  }
0x40: {  	[spmem:s3] =	stream.indirect.scatter.add.f32 [tilespmem:s20], [sflag:$0x4], $0x80, s19, s16, $0xb8;
	[tilespmem:$0x1EA00] =	vst v63  }
0x41: {  	s0 =	sand.u32 @p0 $0x200, s0;
	s1 =	sadd.s32 @p0 s6, s1;
	_ =	swait.ge [sflag:s28], $0x4000  }
0x42: {  	s13 =	simm.s32 $0x180;
	s0 =	sor.u32 @p0 s0, s1;
	[sflag:s28] =	ssyncset.done $0x0  }
0x43: {  	s7 =	simm.s32 @p0 $0x0;
	s0 =	sshrl.u32 @p0 s0, $0x3;
	[sflag:s28] =	ssyncadd.s32 $0xFFFFC000  }
0x44: {  	[tilespmem:s20], [sflag:$0x2] =	stream.indirect.gather [hbm4b:s5+s16], $0x80, s13, s16, $0xb8;
	[tilespmem:$0x1EA00] =	vst v63  }
0x45: {  	s9 =	simm.s32 @p0 $0x2800;
	s1 =	simm.s32 @p0 $0x1;
	s0 =	sadd.s32 @p0 s2, s0  }
0x46: {  	[tilespmem:s9], [sflag:$0x5] =	stream.linear.gather @p0 [hbm4b:s0+s7], $0x80, $0x38;
	[tilespmem:$0x1EA00] =	vst v63  }
0x47: {  	_ =	swait.ge @p0 [sflag:s1], $0x4000  }
0x48: {  	[sflag:s1] =	ssyncset.done @p0 $0x0  }
0x49: {  	[sflag:s1] =	ssyncadd.s32 @p0 $0xFFFFC000;
	s1 =	simm.s32 @p0 $0x7  }
0x4a: {  	s10 =	simm.s32 @p0 $0x2A00;
	s11 =	simm.s32 @p0 $0x3;
	_ =	swait.ge @p0 [sflag:s1], $0x80  }
0x4b: {  	s12 =	simm.s32 @p0 $0x2900;
	s0 =	simm.s32 $0x280;
	[sflag:s1] =	ssyncset.done @p0 $0x0  }
0x4c: {  	s9 =	sand.u32 @p0 $0x7C00, s0;
	[sflag:s1] =	ssyncadd.s32 @p0 $0xFFFFFF80;
	s1 =	simm.s32 @p0 $0x80  }
0x4d: {  	[spmem:s3] =	stream.indirect.scatter.add.f32 @p0 [tilespmem:s10], [sflag:$0x3], $0x80, s12, s1, $0xb8;
	[tilespmem:$0x1EA00] =	vst v63  }
0x4e: {  	s0 =	sand.u32 @p0 $0x280, s0;
	s9 =	sadd.s32 @p0 s6, s9;
	_ =	swait.ge @p0 [sflag:s11], $0x4000  }
0x4f: {  	s0 =	sor.u32 @p0 s0, s9;
	[sflag:s11] =	ssyncset.done @p0 $0x0  }
0x50: {  	s9 =	simm.s32 $0x200;
	s0 =	sshrl.u32 @p0 s0, $0x3;
	[sflag:s11] =	ssyncadd.s32 @p0 $0xFFFFC000  }
0x51: {  	[tilespmem:s10], [sflag:$0x1] =	stream.indirect.gather @p0 [hbm4b:s5+s1], $0x80, s9, s1, $0xb8;
	[tilespmem:$0x1EA00] =	vst v63  }
0x52: {  	s0 =	sadd.s32 @p0 s2, s0;
	s1 =	simm.s32 @p0 $0x2880;
	s9 =	simm.s32 @!p0 $0x1  }
0x53: {  	[tilespmem:s1], [sflag:$0x6] =	stream.linear.gather @p0 [hbm4b:s0+s7], $0x80, $0x38;
	[tilespmem:$0x1EA00] =	vst v63  }
0x54: {  	_ =	swait.ge @!p0 [sflag:s9], $0x4000  }
0x55: {  	[sflag:s9] =	ssyncset.done @!p0 $0x0  }
0x56: {  	s0 =	simm.s32 @!p0 $0x7;
	[sflag:s9] =	ssyncadd.s32 @!p0 $0xFFFFC000  }
0x57: {  	_ =	swait.ge @!p0 [sflag:s0], $0x80  }
0x58: {  	s1 =	simm.s32 @!p0 $0x2A00;
	s7 =	simm.s32 @!p0 $0x3;
	[sflag:s0] =	ssyncset.done @!p0 $0x0  }
0x59: {  	s9 =	simm.s32 @!p0 $0x2900;
	[sflag:s0] =	ssyncadd.s32 @!p0 $0xFFFFFF80;
	s0 =	simm.s32 @!p0 $0x80  }
0x5a: {  	[spmem:s3] =	stream.indirect.scatter.add.f32 @!p0 [tilespmem:s1], [sflag:$0x3], $0x80, s9, s0, $0xb8;
	[tilespmem:$0x1EA00] =	vst v63  }
0x5b: {  	_ =	swait.ge @!p0 [sflag:s7], $0x4000  }
0x5c: {  	[sflag:s7] =	ssyncset.done @!p0 $0x0  }
0x5d: {  	p1 =	por $0x0, $0x0;
	s31 =	simm.s32 $0x400;
	[sflag:s7] =	ssyncadd.s32 @!p0 $0xFFFFC000  }
0x5e: {  	s12 =	simm.s32 $0x380;
	s11 =	simm.s32 $0x300;
	_ =	swait.ge [sflag:s25], $0x4000  }
0x5f: {  	s10 =	simm.s32 $0x200;
	s1 =	simm.s32 $0x480;
	[sflag:s25] =	ssyncset.done $0x0  }
0x60: {  	s0 =	simm.s32 $0x680;
	p0 =	por p1, p1;
	[sflag:s25] =	ssyncadd.s32 $0xFFFFC000  }
0x61: {  	s9 =	simm.s32 $0x280;
	s13 =	simm.s32 @!p0 $0x4;
	_ =	swait.ge [sflag:s29], $0x80  }
.LBB2_2:
0x62: {  	[sflag:s29] =	ssyncset.done $0x0  }
0x63: {  	s10 =	sand.u32 $0x3C00, s10;
	[sflag:s29] =	ssyncadd.s32 $0xFFFFFF80  }
0x64: {  	[spmem:s3] =	stream.indirect.scatter.add.f32 [tilespmem:s20], [sflag:$0x4], $0x80, s24, s16, $0xb8;
	[tilespmem:$0x1EA00] =	vst v63  }
0x65: {  	s11 =	sand.u32 $0x300, s11;
	s10 =	sadd.s32 s6, s10;
	_ =	swait.ge @!p0 [sflag:s13], $0x4000  }
0x66: {  	s11 =	sor.u32 s10, s11;
	[sflag:s13] =	ssyncset.done @!p0 $0x0  }
0x67: {  	s11 =	sshrl.u32 s11, $0x3;
	[sflag:s13] =	ssyncadd.s32 @!p0 $0xFFFFC000  }
0x68: {  	[tilespmem:s20], [sflag:$0x2] =	stream.indirect.gather [hbm4b:s5+s16], $0x80, s9, s16, $0xb8;
	[tilespmem:$0x1EA00] =	vst v63  }
0x69: {  	s8 =	rddreg [dreg:$0x5];
	s13 =	sadd.s32 s2, s11  }
0x6a: {  	[tilespmem:s8], [sflag:$0x7] =	stream.linear.gather [hbm4b:s13+s4], $0x80, $0x38;
	[tilespmem:$0x1EA00] =	vst v63  }
0x6b: {  	_ =	swait.ge [sflag:s21], $0x4000  }
0x6c: {  	[sflag:s21] =	ssyncset.done $0x0  }
0x6d: {  	[sflag:s21] =	ssyncadd.s32 $0xFFFFC000  }
0x6e: {  	_ =	swait.ge [sflag:s22], $0x80  }
0x6f: {  	[sflag:s22] =	ssyncset.done $0x0  }
0x70: {  	[sflag:s22] =	ssyncadd.s32 $0xFFFFFF80  }
0x71: {  	[spmem:s3] =	stream.indirect.scatter.add.f32 [tilespmem:s17], [sflag:$0x3], $0x80, s18, s16, $0xb8;
	[tilespmem:$0x1EA00] =	vst v63  }
0x72: {  	s12 =	sand.u32 $0x380, s12;
	_ =	swait.ge [sflag:s23], $0x4000  }
0x73: {  	s10 =	sor.u32 s10, s12;
	[sflag:s23] =	ssyncset.done $0x0  }
0x74: {  	s10 =	sshrl.u32 s10, $0x3;
	s11 =	sadd.s32 $0xFFFFFF00, s31;
	[sflag:s23] =	ssyncadd.s32 $0xFFFFC000  }
0x75: {  	[tilespmem:s17], [sflag:$0x1] =	stream.indirect.gather [hbm4b:s5+s16], $0x80, s11, s16, $0xb8;
	[tilespmem:$0x1EA00] =	vst v63  }
0x76: {  	s12 =	sadd.s32 s2, s10  }
0x77: {  	[tilespmem:s24], [sflag:$0x8] =	stream.linear.gather [hbm4b:s12+s4], $0x80, $0x38;
	[tilespmem:$0x1EA00] =	vst v63  }
0x78: {  	_ =	swait.ge [sflag:s25], $0x4000  }
0x79: {  	p2 =	seq.s32 s0, $0x280;
	[sflag:s25] =	ssyncset.done $0x0  }
0x7a: {  	p0 =	por p2, p2;
	p2 =	sne.s32 s1, $0x2880;
	[sflag:s25] =	ssyncadd.s32 $0xFFFFC000  }
0x7b: {  	s9 =	sadd.s32 @p2 $0xFFFFFF80, s1;
	s10 =	sand.u32 @p2 $0x7C00, s1;
	_ =	swait.ge [sflag:s26], $0x80  }
0x7c: {  	s1 =	sand.u32 @p2 $0x280, s1;
	s10 =	sadd.s32 @p2 s6, s10;
	[sflag:s26] =	ssyncset.done $0x0  }
0x7d: {  	s13 =	sadd.s32 $0xFFFFFF80, s31;
	s11 =	sand.u32 @p2 $0x7C00, s9;
	[sflag:s26] =	ssyncadd.s32 $0xFFFFFF80  }
0x7e: {  	[spmem:s3] =	stream.indirect.scatter.add.f32 [tilespmem:s20], [sflag:$0x4], $0x80, s19, s16, $0xb8;
	[tilespmem:$0x1EA00] =	vst v63  }
0x7f: {  	s9 =	sand.u32 @p2 $0x200, s9;
	s11 =	sadd.s32 @p2 s6, s11;
	_ =	swait.ge [sflag:s28], $0x4000  }
0x80: {  	s1 =	sor.u32 @p2 s1, s10;
	s9 =	sor.u32 @p2 s9, s11;
	[sflag:s28] =	ssyncset.done $0x0  }
0x81: {  	s10 =	simm.s32 @p2 $0x0;
	s8 =	sshrl.u32 @p2 s9, $0x3;
	[sflag:s28] =	ssyncadd.s32 $0xFFFFC000  }
0x82: {  	[tilespmem:s20], [sflag:$0x2] =	stream.indirect.gather [hbm4b:s5+s16], $0x80, s13, s16, $0xb8;
	[tilespmem:$0x1EA00] =	vst v63  }
0x83: {  	s11 =	simm.s32 @p2 $0x2800;
	s9 =	simm.s32 @p2 $0x1;
	s8 =	sadd.s32 @p2 s2, s8  }
0x84: {  	[tilespmem:s11], [sflag:$0x5] =	stream.linear.gather @p2 [hbm4b:s8+s10], $0x80, $0x38;
	[tilespmem:$0x1EA00] =	vst v63  }
0x85: {  	_ =	swait.ge @p2 [sflag:s9], $0x4000  }
0x86: {  	s7 =	smov.u32 s0;
	s8 =	sshrl.u32 @p2 s1, $0x3;
	[sflag:s9] =	ssyncset.done @p2 $0x0  }
0x87: {  	s1 =	smov.u32 s7;
	s7 =	simm.s32 @p2 $0x7;
	[sflag:s9] =	ssyncadd.s32 @p2 $0xFFFFC000  }
0x88: {  	_ =	swait.ge @p2 [sflag:s7], $0x80  }
0x89: {  	s12 =	simm.s32 @p2 $0x2900;
	s11 =	simm.s32 @p2 $0x3;
	[sflag:s7] =	ssyncset.done @p2 $0x0  }
0x8a: {  	s9 =	simm.s32 @p2 $0x2A00;
	[sflag:s7] =	ssyncadd.s32 @p2 $0xFFFFFF80;
	s7 =	simm.s32 @p2 $0x80  }
0x8b: {  	[spmem:s3] =	stream.indirect.scatter.add.f32 @p2 [tilespmem:s9], [sflag:$0x3], $0x80, s12, s7, $0xb8;
	[tilespmem:$0x1EA00] =	vst v63  }
0x8c: {  	_ =	swait.ge @p2 [sflag:s11], $0x4000  }
0x8d: {  	[sflag:s11] =	ssyncset.done @p2 $0x0  }
0x8e: {  	[sflag:s11] =	ssyncadd.s32 @p2 $0xFFFFC000  }
0x8f: {  	[tilespmem:s9], [sflag:$0x1] =	stream.indirect.gather @p2 [hbm4b:s5+s7], $0x80, s31, s7, $0xb8;
	[tilespmem:$0x1EA00] =	vst v63  }
0x90: {  	s7 =	sadd.s32 @p2 s2, s8;
	s8 =	simm.s32 @p2 $0x2880;
	s9 =	simm.s32 @!p2 $0x1  }
0x91: {  	[tilespmem:s8], [sflag:$0x6] =	stream.linear.gather @p2 [hbm4b:s7+s10], $0x80, $0x38;
	[tilespmem:$0x1EA00] =	vst v63  }
0x92: {  	_ =	swait.ge @!p2 [sflag:s9], $0x4000  }
0x93: {  	[sflag:s9] =	ssyncset.done @!p2 $0x0  }
0x94: {  	s7 =	simm.s32 @!p2 $0x7;
	[sflag:s9] =	ssyncadd.s32 @!p2 $0xFFFFC000  }
0x95: {  	_ =	swait.ge @!p2 [sflag:s7], $0x80  }
0x96: {  	s8 =	simm.s32 @!p2 $0x2A00;
	s10 =	simm.s32 @!p2 $0x2900;
	[sflag:s7] =	ssyncset.done @!p2 $0x0  }
0x97: {  	s9 =	simm.s32 @!p2 $0x3;
	[sflag:s7] =	ssyncadd.s32 @!p2 $0xFFFFFF80;
	s7 =	simm.s32 @!p2 $0x80  }
0x98: {  	[spmem:s3] =	stream.indirect.scatter.add.f32 @!p2 [tilespmem:s8], [sflag:$0x3], $0x80, s10, s7, $0xb8;
	[tilespmem:$0x1EA00] =	vst v63  }
0x99: {  	s0 =	sadd.s32 $0x200, s0;
	_ =	swait.ge @!p2 [sflag:s9], $0x4000  }
0x9a: {  	p1 =	sne.s32 s0, $0x2A80;
	[sflag:s9] =	ssyncset.done @!p2 $0x0  }
.Ltmp0:
0x9b: {  	[sflag:s9] =	ssyncadd.s32 @!p2 $0xFFFFC000;
	(pc) =	sbr.rel @p1 .LBB2_2-.Ltmp0, $4  }
0x9c: {  	_ =	swait.ge [sflag:s25], $0x4000  }
0x9d: {  	s13 =	simm.s32 @!p0 $0x4;
	s12 =	sadd.s32 $0xFFFFFF00, s1;
	[sflag:s25] =	ssyncset.done $0x0  }
0x9e: {  	s11 =	sadd.s32 $0xFFFFFE80, s1;
	s31 =	sadd.s32 $0x200, s31;
	[sflag:s25] =	ssyncadd.s32 $0xFFFFC000  }
0x9f: {  	s10 =	sadd.s32 $0xFFFFFD80, s1;
	s9 =	sadd.s32 $0xFFFFFE80, s31;
	_ =	swait.ge [sflag:s29], $0x80  }
0xa0: {  	[sflag:s29] =	ssyncset.done $0x0  }
0xa1: {  	s0 =	sand.u32 $0x3C00, s10;
	[sflag:s29] =	ssyncadd.s32 $0xFFFFFF80  }
0xa2: {  	[spmem:s3] =	stream.indirect.scatter.add.f32 [tilespmem:s20], [sflag:$0x4], $0x80, s24, s16, $0xb8;
	[tilespmem:$0x1EA00] =	vst v63  }
0xa3: {  	s7 =	sand.u32 $0x300, s11;
	s0 =	sadd.s32 s6, s0;
	_ =	swait.ge @!p0 [sflag:s13], $0x4000  }
0xa4: {  	s7 =	sor.u32 s0, s7;
	[sflag:s13] =	ssyncset.done @!p0 $0x0  }
0xa5: {  	s7 =	sshrl.u32 s7, $0x3;
	[sflag:s13] =	ssyncadd.s32 @!p0 $0xFFFFC000  }
0xa6: {  	[tilespmem:s20], [sflag:$0x2] =	stream.indirect.gather [hbm4b:s5+s16], $0x80, s9, s16, $0xb8;
	[tilespmem:$0x1EA00] =	vst v63  }
0xa7: {  	s8 =	rddreg [dreg:$0x5];
	s7 =	sadd.s32 s2, s7  }
0xa8: {  	[tilespmem:s8], [sflag:$0x7] =	stream.linear.gather [hbm4b:s7+s4], $0x80, $0x38;
	[tilespmem:$0x1EA00] =	vst v63  }
0xa9: {  	_ =	swait.ge [sflag:s21], $0x4000  }
0xaa: {  	[sflag:s21] =	ssyncset.done $0x0  }
0xab: {  	[sflag:s21] =	ssyncadd.s32 $0xFFFFC000  }
0xac: {  	_ =	swait.ge [sflag:s22], $0x80  }
0xad: {  	[sflag:s22] =	ssyncset.done $0x0  }
0xae: {  	[sflag:s22] =	ssyncadd.s32 $0xFFFFFF80  }
0xaf: {  	[spmem:s3] =	stream.indirect.scatter.add.f32 [tilespmem:s17], [sflag:$0x3], $0x80, s18, s16, $0xb8;
	[tilespmem:$0x1EA00] =	vst v63  }
0xb0: {  	s10 =	sand.u32 $0x380, s12;
	_ =	swait.ge [sflag:s23], $0x4000  }
0xb1: {  	s0 =	sor.u32 s0, s10;
	[sflag:s23] =	ssyncset.done $0x0  }
0xb2: {  	s11 =	sadd.s32 $0xFFFFFF00, s31;
	s0 =	sshrl.u32 s0, $0x3;
	[sflag:s23] =	ssyncadd.s32 $0xFFFFC000  }
0xb3: {  	[tilespmem:s17], [sflag:$0x1] =	stream.indirect.gather [hbm4b:s5+s16], $0x80, s11, s16, $0xb8;
	[tilespmem:$0x1EA00] =	vst v63  }
0xb4: {  	s0 =	sadd.s32 s2, s0  }
0xb5: {  	[tilespmem:s24], [sflag:$0x8] =	stream.linear.gather [hbm4b:s0+s4], $0x80, $0x38;
	[tilespmem:$0x1EA00] =	vst v63  }
0xb6: {  	_ =	swait.ge [sflag:s25], $0x4000  }
0xb7: {  	[sflag:s25] =	ssyncset.done $0x0  }
0xb8: {  	[sflag:s25] =	ssyncadd.s32 $0xFFFFC000  }
0xb9: {  	p0 =	sne.s32 s1, $0x2880;
	_ =	swait.ge [sflag:s26], $0x80  }
0xba: {  	s0 =	sadd.s32 @p0 $0xFFFFFF80, s1;
	[sflag:s26] =	ssyncset.done $0x0  }
0xbb: {  	s7 =	sand.u32 @p0 $0x7C00, s0;
	[sflag:s26] =	ssyncadd.s32 $0xFFFFFF80  }
0xbc: {  	[spmem:s3] =	stream.indirect.scatter.add.f32 [tilespmem:s20], [sflag:$0x4], $0x80, s19, s16, $0xb8;
	[tilespmem:$0x1EA00] =	vst v63  }
0xbd: {  	s0 =	sand.u32 @p0 $0x200, s0;
	s7 =	sadd.s32 @p0 s6, s7;
	_ =	swait.ge [sflag:s28], $0x4000  }
0xbe: {  	s12 =	sadd.s32 $0xFFFFFF80, s31;
	s0 =	sor.u32 @p0 s0, s7;
	[sflag:s28] =	ssyncset.done $0x0  }
0xbf: {  	s9 =	simm.s32 @p0 $0x2800;
	s0 =	sshrl.u32 @p0 s0, $0x3;
	[sflag:s28] =	ssyncadd.s32 $0xFFFFC000  }
0xc0: {  	[tilespmem:s20], [sflag:$0x2] =	stream.indirect.gather [hbm4b:s5+s16], $0x80, s12, s16, $0xb8;
	[tilespmem:$0x1EA00] =	vst v63  }
0xc1: {  	s8 =	simm.s32 @p0 $0x0;
	s7 =	simm.s32 @p0 $0x1;
	s0 =	sadd.s32 @p0 s2, s0  }
0xc2: {  	[tilespmem:s9], [sflag:$0x5] =	stream.linear.gather @p0 [hbm4b:s0+s8], $0x80, $0x38;
	[tilespmem:$0x1EA00] =	vst v63  }
0xc3: {  	_ =	swait.ge @p0 [sflag:s7], $0x4000  }
0xc4: {  	[sflag:s7] =	ssyncset.done @p0 $0x0  }
0xc5: {  	s0 =	simm.s32 @p0 $0x7;
	[sflag:s7] =	ssyncadd.s32 @p0 $0xFFFFC000  }
0xc6: {  	_ =	swait.ge @p0 [sflag:s0], $0x80  }
0xc7: {  	s9 =	simm.s32 @p0 $0x2900;
	[sflag:s0] =	ssyncset.done @p0 $0x0  }
0xc8: {  	s7 =	simm.s32 @p0 $0x2A00;
	[sflag:s0] =	ssyncadd.s32 @p0 $0xFFFFFF80;
	s0 =	simm.s32 @p0 $0x80  }
0xc9: {  	[spmem:s3] =	stream.indirect.scatter.add.f32 @p0 [tilespmem:s7], [sflag:$0x3], $0x80, s9, s0, $0xb8;
	[tilespmem:$0x1EA00] =	vst v63  }
0xca: {  	s9 =	simm.s32 @p0 $0x3  }
0xcb: {  	_ =	swait.ge @p0 [sflag:s9], $0x4000  }
0xcc: {  	[sflag:s9] =	ssyncset.done @p0 $0x0  }
0xcd: {  	[sflag:s9] =	ssyncadd.s32 @p0 $0xFFFFC000  }
0xce: {  	[tilespmem:s7], [sflag:$0x1] =	stream.indirect.gather @p0 [hbm4b:s5+s0], $0x80, s31, s0, $0xb8;
	[tilespmem:$0x1EA00] =	vst v63  }
0xcf: {  	s0 =	sand.u32 @p0 $0x7C00, s1  }
0xd0: {  	s1 =	sand.u32 @p0 $0x280, s1;
	s0 =	sadd.s32 @p0 s6, s0  }
0xd1: {  	s0 =	sor.u32 @p0 s1, s0  }
0xd2: {  	s0 =	sshrl.u32 @p0 s0, $0x3  }
0xd3: {  	s1 =	simm.s32 @p0 $0x2880;
	s0 =	sadd.s32 @p0 s2, s0  }
0xd4: {  	[tilespmem:s1], [sflag:$0x6] =	stream.linear.gather @p0 [hbm4b:s0+s8], $0x80, $0x38;
	[tilespmem:$0x1EA00] =	vst v63  }
0xd5: {  	s0 =	simm.s32 @!p0 $0x1  }
0xd6: {  	_ =	swait.ge @!p0 [sflag:s0], $0x4000  }
0xd7: {  	[sflag:s0] =	ssyncset.done @!p0 $0x0  }
0xd8: {  	[sflag:s0] =	ssyncadd.s32 @!p0 $0xFFFFC000;
	s0 =	simm.s32 @!p0 $0x7  }
0xd9: {  	_ =	swait.ge @!p0 [sflag:s0], $0x80  }
0xda: {  	s7 =	simm.s32 @!p0 $0x2900;
	[sflag:s0] =	ssyncset.done @!p0 $0x0  }
0xdb: {  	s1 =	simm.s32 @!p0 $0x2A00;
	[sflag:s0] =	ssyncadd.s32 @!p0 $0xFFFFFF80;
	s0 =	simm.s32 @!p0 $0x80  }
0xdc: {  	[spmem:s3] =	stream.indirect.scatter.add.f32 @!p0 [tilespmem:s1], [sflag:$0x3], $0x80, s7, s0, $0xb8;
	[tilespmem:$0x1EA00] =	vst v63  }
0xdd: {  	s0 =	simm.s32 @!p0 $0x3  }
0xde: {  	_ =	swait.ge @!p0 [sflag:s0], $0x4000  }
0xdf: {  	[sflag:s0] =	ssyncset.done @!p0 $0x0  }
0xe0: {  	[sflag:s0] =	ssyncadd.s32 @!p0 $0xFFFFC000  }
0xe1: {  	_ =	swait.ge [sflag:s25], $0x4000  }
0xe2: {  	[sflag:s25] =	ssyncset.done $0x0  }
0xe3: {  	[sflag:s25] =	ssyncadd.s32 $0xFFFFC000  }
0xe4: {  	_ =	swait.ge [sflag:s29], $0x80  }
0xe5: {  	[sflag:s29] =	ssyncset.done $0x0  }
0xe6: {  	[sflag:s29] =	ssyncadd.s32 $0xFFFFFF80  }
0xe7: {  	[spmem:s3] =	stream.indirect.scatter.add.f32 [tilespmem:s20], [sflag:$0x4], $0x80, s24, s16, $0xb8;
	[tilespmem:$0x1EA00] =	vst v63  }
0xe8: {  	_ =	swait.ge [sflag:s28], $0x4000  }
0xe9: {  	[sflag:s28] =	ssyncset.done $0x0  }
0xea: {  	[sflag:s28] =	ssyncadd.s32 $0xFFFFC000  }
0xeb: {  	[bflag:$0x0] =	sbarrier.arrive $0xFFFF  }
0xec: {  	s13 =	rddreg [dreg:$0xa]  }
0xed: {  	s1 =	rddreg [dreg:$0xc]  }
0xee: {  	[hbm:s13], [sflag:s14] =	dma.local [spmem:s1], $0x2800  }
0xef: {  	_ =	swait.ge [sflag:s15], $0x2800  }
0xf0: {  	s30 =	sadd.s32 $0x1, s30;
	s31 =	rddreg [dreg:$0xb]  }
0xf1: {  	p0 =	sne.s32 s30, s31  }
.Ltmp1:
0xf2: {  	_ = 	snop;
	(pc) =	sbr.rel @p0 .LBB2_1-.Ltmp1, $3  }
0xf3: {  	_ =	sdelay $0x1  }
0xf4: {  	[sflag:s15] =	ssyncset.done $0x0  }
0xf5: {  	s8 =	smov.u32 s14;
	[sflag:s15] =	ssyncadd.s32 $0xFFFFD800  }
0xf6: {  	_ =	sfence.sel $0x180000  }
0xf7: {  	[bflag:$0x0] =	sbarrier.arrive $0xFFFF  }
0xf8: {  	_ =	strace $0x90000050  }
0xf9: {  	s0 =	stileid.u32;
	[bflag:$0x2] =	sbarrier.arrive $0xFFFF  }
0xfa: {  	p0 =	sne.s32 s0, $0x0;
	s0 =	rddreg [dreg:$0x4]  }
0xfb: {  	s0 =	sadd.s32 @!p0 $0x100000, s0  }
0xfc: {  	[sflag:s0] =	ssyncadd.tile.s32 @!p0 $0x1;
	_ =	shalt  }
.Lfunc_end2:
_tile_overlayer_lowered:
.L_overlay_start_2:
0xfd: {  	(tag) =	ssettag $0x2  }
0xfe: {  	s0 =	rddreg [dreg:$0x0];
	s2 =	stileid.u32  }
0xff: {  	s1 =	rddreg [dreg:$0x1];
	p0 =	sne.s32 s2, $0x0  }
0x100: {  	s3 =	rddreg [dreg:$0x2];
	[bflag:$0x3] =	sbarrier.arrive $0xFFFF;
	s2 =	simm.s32 @!p0 $0x1C09  }
0x101: {  	[timem:s3], [sflag:s2] =	dma.local @!p0 [hbm:s0], s1  }
0x102: {  	s0 =	simm.s32 @!p0 $0x9  }
0x103: {  	_ =	swait.ge @!p0 [sflag:s0], s1  }
0x104: {  	s1 =	ssub.s32 @!p0 $0x0, s1;
	[sflag:s0] =	ssyncset.done @!p0 $0x0  }
0x105: {  	[sflag:s0] =	ssyncadd.s32 @!p0 s1  }
0x106: {  	[bflag:$0x3] =	sbarrier.arrive $0xFFFF  }
0x107: {  	_ =	shalt  }

</sc_bundles>
